<compile_context>
chip_gen: v7x
topology: tpu7x:2x2x1
jax: 0.10.2.dev20260603
libtpu: 0.0.44.dev20260713+nightly
codegen_flags: <defaults>
</compile_context>

<pallas_src>
import functools

import jax
import jax.numpy as jnp
from jax import lax
from jax.experimental import pallas as pl
from jax.experimental.pallas import tpu as pltpu
from jax.experimental.pallas import tpu_sc as plsc

NC = 2
NS = 16
NW = NC * NS
K = 128
N_PAD = 10240



def _a_body(x, win, bin_, ws1, bs1, wn1, bn1, m1, m1b, s1):
    h = jnp.maximum(
        jnp.dot(x[...], win[...], preferred_element_type=jnp.float32)
        + bin_[...], 0.0)
    mm = jnp.dot(h, wn1[...], preferred_element_type=jnp.float32)
    m1[...] = mm
    m1b[...] = mm
    s1[...] = (jnp.dot(h, ws1[...], preferred_element_type=jnp.float32)
               + bs1[...] + bn1[...])


def _c_body(s1, p0, p1, d0, d1, ws2, bs2, wn2, bn2, m2, m2b, s2):
    deg = jnp.maximum(d0[...] + d1[...], 1e-12)
    h1 = jnp.maximum(s1[...] + (p0[...] + p1[...]) / deg, 0.0)
    mm = jnp.dot(h1, wn2[...], preferred_element_type=jnp.float32)
    m2[...] = mm
    m2b[...] = mm
    s2[...] = (jnp.dot(h1, ws2[...], preferred_element_type=jnp.float32)
               + bs2[...] + bn2[...])


def _e_body(s2, q0, q1, d0, d1, out):
    deg = jnp.maximum(d0[...] + d1[...], 1e-12)
    out[...] = s2[...] + (q0[...] + q1[...]) / deg


def _full(shape):
    return pl.BlockSpec(shape, lambda i: (0, 0))


def _rows(br, d):
    return pl.BlockSpec((br, d), lambda i: (i, 0))



@functools.cache
def _make_segsum(e_pad, d, with_deg, tc_tiling):
    steps = e_pad // (NW * K)
    per_tile = N_PAD // NS
    mesh = plsc.VectorSubcoreMesh(core_axis_name="c", subcore_axis_name="s",
                                  num_cores=NC, num_subcores=NS)

    out_type = [jax.ShapeDtypeStruct((N_PAD, d), jnp.float32),
                jax.ShapeDtypeStruct((N_PAD, d), jnp.float32)]
    scratch = [pltpu.VMEM((steps, K), jnp.int32),
               pltpu.VMEM((K,), jnp.int32),
               pltpu.VMEM((K,), jnp.int32),
               pltpu.VMEM((K,), jnp.int32),
               pltpu.VMEM((K,), jnp.int32),
               pltpu.VMEM((K, d), jnp.float32),
               pltpu.VMEM((K, d), jnp.float32),
               pltpu.VMEM_SHARED((N_PAD, d), jnp.float32),
               pltpu.SemaphoreType.DMA,
               pltpu.SemaphoreType.DMA]
    if with_deg:
        out_type.append(jax.ShapeDtypeStruct((NC * N_PAD,), jnp.float32))
        scratch.append(pltpu.VMEM((K,), jnp.float32))
        scratch.append(pltpu.VMEM_SHARED((N_PAD,), jnp.float32))

    def body(*refs):
        if with_deg:
            (ma_hbm, mb_hbm, pk_hbm, zrow_hbm, zdeg_hbm, out0_hbm,
             out1_hbm, deg_hbm, pkv, row0, row1, col0, col1, bufa, bufb,
             agg_sh, sema, semb, onesv, deg_sh) = refs
        else:
            (ma_hbm, mb_hbm, pk_hbm, zrow_hbm, out0_hbm, out1_hbm,
             pkv, row0, row1, col0, col1, bufa, bufb, agg_sh,
             sema, semb) = refs
        c = lax.axis_index("c")
        s = lax.axis_index("s")
        wid = c * NS + s
        rows = (row0, row1)
        cols = (col0, col1)
        bufs = (bufa, bufb)
        sems = (sema, semb)

        pltpu.sync_copy(pk_hbm.at[wid], pkv)
        pltpu.sync_copy(zrow_hbm, agg_sh.at[pl.ds(s * per_tile, per_tile)])
        if with_deg:
            pltpu.sync_copy(zdeg_hbm,
                            deg_sh.at[pl.ds(s * per_tile, per_tile)])
            for j in range(K // 16):
                onesv[pl.ds(j * 16, 16)] = jnp.ones((16,), jnp.float32)
        plsc.subcore_barrier()

        def run(m_hbm):
            def start(t, b):
                for j in range(K // 16):
                    v = pkv[t, pl.ds(j * 16, 16)]
                    rows[b][pl.ds(j * 16, 16)] = v & 0xFFFF
                    cols[b][pl.ds(j * 16, 16)] = (
                        lax.shift_right_logical(v, 16))
                pltpu.async_copy(m_hbm.at[cols[b]], bufs[b], sems[b])

            def finish(t, b):
                pltpu.make_async_copy(m_hbm.at[cols[b]], bufs[b],
                                      sems[b]).wait()
                pltpu.sync_copy(bufs[b], agg_sh.at[rows[b]], add=True)
                if with_deg:
                    pltpu.sync_copy(onesv, deg_sh.at[rows[b]], add=True)

            start(0, 0)
            start(1, 1)

            def pair(i, carry):
                t0 = 2 * i
                finish(t0, 0)

                @pl.when(t0 + 2 < steps)
                def _():
                    start(t0 + 2, 0)
                finish(t0 + 1, 1)

                @pl.when(t0 + 3 < steps)
                def _():
                    start(t0 + 3, 1)
                return carry

            lax.fori_loop(0, steps // 2, pair, 0)
            if steps % 2 == 1:
                finish(steps - 1, 0)

        @pl.when(c == 0)
        def _():
            run(ma_hbm)

        @pl.when(c == 1)
        def _():
            run(mb_hbm)
        plsc.subcore_barrier()

        sl = pl.ds(s * per_tile, per_tile)

        @pl.when(c == 0)
        def _():
            pltpu.sync_copy(agg_sh.at[sl], out0_hbm.at[sl])

        @pl.when(c == 1)
        def _():
            pltpu.sync_copy(agg_sh.at[sl], out1_hbm.at[sl])
        if with_deg:
            pltpu.sync_copy(deg_sh.at[sl],
                            deg_hbm.at[pl.ds(c * N_PAD + s * per_tile,
                                             per_tile)])

    params = pltpu.CompilerParams(use_tc_tiling_on_sc=tc_tiling)
    return pl.kernel(body, mesh=mesh, out_type=tuple(out_type),
                     scratch_types=tuple(scratch), compiler_params=params)



def kernel(x, edge_index, W_in, b_in, W_self1, b_self1, W_neigh1, b_neigh1,
           W_self2, b_self2, W_neigh2, b_neigh2, enable_rewire=False):
    n, d_in = x.shape
    d_h = W_in.shape[1]
    d_out = W_self2.shape[1]
    e_total = edge_index.shape[1]
    br = 1000
    grid = (n // br,)

    chunk = NW * K
    steps = -(-e_total // chunk)
    e_pad = steps * chunk
    pad = e_pad - e_total
    pad_rows = n + jnp.arange(pad, dtype=jnp.int32) % (N_PAD - n)
    row_p = jnp.concatenate([edge_index[0], pad_rows])
    col_p = jnp.concatenate([edge_index[1],
                             jnp.zeros((pad,), jnp.int32)])
    pk = (row_p | (col_p << 16)).reshape(steps, NW, K).transpose(1, 0, 2)

    zrow_h = jnp.zeros((N_PAD // NS, d_h), jnp.float32)
    zrow_o = jnp.zeros((N_PAD // NS, d_out), jnp.float32)
    zdeg = jnp.zeros((N_PAD // NS,), jnp.float32)

    b_in2 = b_in.reshape(1, d_h)
    bs1 = b_self1.reshape(1, d_h)
    bn1 = b_neigh1.reshape(1, d_h)
    bs2 = b_self2.reshape(1, d_out)
    bn2 = b_neigh2.reshape(1, d_out)

    m1, m1b, s1 = pl.pallas_call(
        _a_body,
        grid=grid,
        in_specs=[_rows(br, d_in), _full((d_in, d_h)), _full((1, d_h)),
                  _full((d_h, d_h)), _full((1, d_h)),
                  _full((d_h, d_h)), _full((1, d_h))],
        out_specs=[_rows(br, d_h), _rows(br, d_h), _rows(br, d_h)],
        out_shape=[jax.ShapeDtypeStruct((n, d_h), jnp.float32),
                   jax.ShapeDtypeStruct((n, d_h), jnp.float32),
                   jax.ShapeDtypeStruct((n, d_h), jnp.float32)],
    )(x, W_in, b_in2, W_self1, bs1, W_neigh1, bn1)

    segsum1 = _make_segsum(e_pad, d_h, True, True)
    p0, p1, deg = segsum1(m1, m1b, pk, zrow_h, zdeg)
    d0 = deg[:n].reshape(n, 1)
    d1 = deg[N_PAD:N_PAD + n].reshape(n, 1)

    m2, m2b, s2 = pl.pallas_call(
        _c_body,
        grid=grid,
        in_specs=[_rows(br, d_h), _rows(br, d_h), _rows(br, d_h),
                  _rows(br, 1), _rows(br, 1),
                  _full((d_h, d_out)), _full((1, d_out)),
                  _full((d_h, d_out)), _full((1, d_out))],
        out_specs=[_rows(br, d_out), _rows(br, d_out), _rows(br, d_out)],
        out_shape=[jax.ShapeDtypeStruct((n, d_out), jnp.float32),
                   jax.ShapeDtypeStruct((n, d_out), jnp.float32),
                   jax.ShapeDtypeStruct((n, d_out), jnp.float32)],
    )(s1, p0, p1, d0, d1, W_self2, bs2, W_neigh2, bn2)

    segsum2 = _make_segsum(e_pad, d_out, False, False)
    q0, q1 = segsum2(m2, m2b, pk, zrow_o)

    (logits,) = pl.pallas_call(
        _e_body,
        grid=grid,
        in_specs=[_rows(br, d_out), _rows(br, d_out), _rows(br, d_out),
                  _rows(br, 1), _rows(br, 1)],
        out_specs=[_rows(br, d_out)],
        out_shape=[jax.ShapeDtypeStruct((n, d_out), jnp.float32)],
    )(s2, q0, q1, d0, d1)

    return logits

# --- scband reference (transcript-rebuilt; emitter-appended) ---
"""Pipeline reference for scband-simple-node-classifier-55259049230673 (READ-ONLY COPY).

The authoritative reference and input builder live on the scoring server;
editing this copy changes nothing except your own understanding.
"""

import jax, jax.numpy as jnp
import numpy as np

N = 10000
E = 320000
D_IN = 128
D_H = 128
D_OUT = 64


def _linear_init(key, fan_in, fan_out):
    s = 1.0 / np.sqrt(fan_in)
    k1, k2 = jax.random.split(key)
    W = jax.random.uniform(k1, (fan_in, fan_out), minval=-s, maxval=s, dtype=jnp.float32)
    b = jax.random.uniform(k2, (fan_out,), minval=-s, maxval=s, dtype=jnp.float32)
    return W, b


def setup_inputs(seed: int = 0) -> dict:
    key = jax.random.key(seed)
    ks = jax.random.split(key, 8)
    x = jax.random.normal(ks[0], (N, D_IN), dtype=jnp.float32)
    edge_index = jax.random.randint(ks[1], (2, E), 0, N, dtype=jnp.int32)
    W_in, b_in = _linear_init(ks[2], D_IN, D_H)
    W_self1, b_self1 = _linear_init(ks[3], D_H, D_H)
    W_neigh1, b_neigh1 = _linear_init(ks[4], D_H, D_H)
    W_self2, b_self2 = _linear_init(ks[5], D_H, D_OUT)
    W_neigh2, b_neigh2 = _linear_init(ks[6], D_H, D_OUT)
    return {
        "x": x,
        "edge_index": edge_index,
        "W_in": W_in, "b_in": b_in,
        "W_self1": W_self1, "b_self1": b_self1,
        "W_neigh1": W_neigh1, "b_neigh1": b_neigh1,
        "W_self2": W_self2, "b_self2": b_self2,
        "W_neigh2": W_neigh2, "b_neigh2": b_neigh2,
        "enable_rewire": False,
    }


def _wsage(x, edge_index, W_self, b_self, W_neigh, b_neigh):
    # h_i' = W_self h_i + W_neigh * (sum_j w_ij h_j / sum_j w_ij), w_ij = 1
    row = edge_index[0]
    col = edge_index[1]
    ew = jnp.ones((edge_index.shape[1],), dtype=x.dtype)
    msg = x[col] * ew[:, None]
    agg = jax.ops.segment_sum(msg, row, num_segments=x.shape[0])
    denom = jax.ops.segment_sum(ew, row, num_segments=x.shape[0])
    denom = jnp.maximum(denom, 1e-12)[:, None]
    neigh = agg / denom
    return (x @ W_self + b_self) + (neigh @ W_neigh + b_neigh)


def reference(x, edge_index, W_in, b_in, W_self1, b_self1, W_neigh1, b_neigh1,
              W_self2, b_self2, W_neigh2, b_neigh2, enable_rewire=False):
    # SimpleNodeClassifier.forward with backbone='wsage', enable_rewire=False,
    # dropout=0.0 (identity in eval). Returns logits (regs dict is all zeros).
    h = jax.nn.relu(x @ W_in + b_in)
    h1 = jax.nn.relu(_wsage(h, edge_index, W_self1, b_self1, W_neigh1, b_neigh1))
    logits = _wsage(h1, edge_index, W_self2, b_self2, W_neigh2, b_neigh2)
    return logits

if __name__ == "__main__":
    import jax
    _d = setup_inputs()
    print(jax.jit(kernel)(*tuple(_d.values())))

</pallas_src>

<mosaic_0001>
#map = affine_map<(d0, d1) -> (0, 0)>
#map1 = affine_map<(d0, d1) -> (0, 0, 0)>
#map2 = affine_map<(d0, d1) -> (0)>
module attributes {stable_mosaic.version = 14 : i64} {
  func.func @body(%arg0: i32, %arg1: i32, %arg2: memref<10000x128xf32, #tpu.memory_space<hbm>>, %arg3: memref<10000x128xf32, #tpu.memory_space<hbm>>, %arg4: memref<32x79x128xi32, #tpu.memory_space<hbm>>, %arg5: memref<640x128xf32, #tpu.memory_space<hbm>>, %arg6: memref<640xf32, #tpu.memory_space<hbm>>, %arg7: memref<10240x128xf32, #tpu.memory_space<hbm>>, %arg8: memref<10240x128xf32, #tpu.memory_space<hbm>>, %arg9: memref<20480xf32, #tpu.memory_space<hbm>>, %arg10: memref<79x128xi32, #tpu.memory_space<vmem>>, %arg11: memref<128xi32, #tpu.memory_space<vmem>>, %arg12: memref<128xi32, #tpu.memory_space<vmem>>, %arg13: memref<128xi32, #tpu.memory_space<vmem>>, %arg14: memref<128xi32, #tpu.memory_space<vmem>>, %arg15: memref<128x128xf32, #tpu.memory_space<vmem>>, %arg16: memref<128x128xf32, #tpu.memory_space<vmem>>, %arg17: memref<10240x128xf32, #tpu.memory_space<vmem_shared>>, %arg18: memref<!tpu.dma_semaphore, #tpu.memory_space<semaphore_mem>>, %arg19: memref<!tpu.dma_semaphore, #tpu.memory_space<semaphore_mem>>, %arg20: memref<128xf32, #tpu.memory_space<vmem>>, %arg21: memref<10240xf32, #tpu.memory_space<vmem_shared>>) attributes {dimension_semantics = [#tpu.dimension_semantics<core_parallel>, #tpu.dimension_semantics<subcore_parallel>], iteration_bounds = array<i64: 2, 16>, scalar_prefetch = 0 : i64, scratch_operands = 12 : i64, tpu.core_type = #tpu.core_type<sc_vector_subcore>, window_params = [{transform_indices = #map}, {transform_indices = #map}, {transform_indices = #map1}, {transform_indices = #map}, {transform_indices = #map2}, {transform_indices = #map}, {transform_indices = #map}, {transform_indices = #map2}]} {
    %mul3A = arith.constant 16 : i32
    %mul3A_0 = arith.muli %arg0, %mul3A : i32
    %add3A = arith.addi %mul3A_0, %arg1 : i32
    "tpu.region"() ({
      %run_scoped3A = tpu.sem_alloc : memref<!tpu.dma_semaphore, #tpu.memory_space<semaphore_mem>>
      %dma_start3A = arith.constant 0 : i32
      %dma_start3A_76 = arith.constant 0 : i32
      %dma_start3A_77 = tpu.memref_slice %arg4[%add3A, %dma_start3A, %dma_start3A_76] : memref<32x79x128xi32, #tpu.memory_space<hbm>> -> memref<1x79x128xi32, #tpu.memory_space<hbm>>
      %dma_start3A_78 = tpu.memref_squeeze %dma_start3A_77 : memref<1x79x128xi32, #tpu.memory_space<hbm>> -> memref<79x128xi32, #tpu.memory_space<hbm>>
      %dma_start3A_79 = arith.constant 0 : i32
      %dma_start3A_80 = arith.constant 0 : i32
      %dma_start3A_81 = tpu.memref_slice %arg4[%add3A, %dma_start3A_79, %dma_start3A_80] : memref<32x79x128xi32, #tpu.memory_space<hbm>> -> memref<1x79x128xi32, #tpu.memory_space<hbm>>
      %dma_start3A_82 = tpu.memref_squeeze %dma_start3A_81 : memref<1x79x128xi32, #tpu.memory_space<hbm>> -> memref<79x128xi32, #tpu.memory_space<hbm>>
      tpu.enqueue_dma source(%dma_start3A_82 : memref<79x128xi32, #tpu.memory_space<hbm>>) target(%arg10 : memref<79x128xi32, #tpu.memory_space<vmem>>) target_semaphore(%run_scoped3A : memref<!tpu.dma_semaphore, #tpu.memory_space<semaphore_mem>>)
      %dma_wait3A = arith.constant 0 : i32
      %dma_wait3A_83 = arith.constant 0 : i32
      %dma_wait3A_84 = tpu.memref_slice %arg4[%add3A, %dma_wait3A, %dma_wait3A_83] : memref<32x79x128xi32, #tpu.memory_space<hbm>> -> memref<1x79x128xi32, #tpu.memory_space<hbm>>
      %dma_wait3A_85 = tpu.memref_squeeze %dma_wait3A_84 : memref<1x79x128xi32, #tpu.memory_space<hbm>> -> memref<79x128xi32, #tpu.memory_space<hbm>>
      %dma_wait3A_86 = arith.constant 0 : i32
      %dma_wait3A_87 = arith.constant 0 : i32
      %dma_wait3A_88 = tpu.memref_slice %arg4[%add3A, %dma_wait3A_86, %dma_wait3A_87] : memref<32x79x128xi32, #tpu.memory_space<hbm>> -> memref<1x79x128xi32, #tpu.memory_space<hbm>>
      %dma_wait3A_89 = tpu.memref_squeeze %dma_wait3A_88 : memref<1x79x128xi32, #tpu.memory_space<hbm>> -> memref<79x128xi32, #tpu.memory_space<hbm>>
      tpu.wait_dma2 semaphore(%run_scoped3A : memref<!tpu.dma_semaphore, #tpu.memory_space<semaphore_mem>>) src(%dma_wait3A_89 : memref<79x128xi32, #tpu.memory_space<hbm>>) dst(%arg10 : memref<79x128xi32, #tpu.memory_space<vmem>>)
      tpu.yield
    }) : () -> ()
    %mul3A_1 = arith.constant 640 : i32
    %mul3A_2 = arith.muli %arg1, %mul3A_1 : i32
    "tpu.region"() ({
      %run_scoped3A = tpu.sem_alloc : memref<!tpu.dma_semaphore, #tpu.memory_space<semaphore_mem>>
      %dma_start3A = arith.constant 0 : i32
      %dma_start3A_76 = tpu.memref_slice %arg17[%mul3A_2, %dma_start3A] : memref<10240x128xf32, #tpu.memory_space<vmem_shared>> -> memref<640x128xf32, #tpu.memory_space<vmem_shared>>
      tpu.enqueue_dma source(%arg5 : memref<640x128xf32, #tpu.memory_space<hbm>>) target(%dma_start3A_76 : memref<640x128xf32, #tpu.memory_space<vmem_shared>>) target_semaphore(%run_scoped3A : memref<!tpu.dma_semaphore, #tpu.memory_space<semaphore_mem>>)
      %dma_wait3A = arith.constant 0 : i32
      %dma_wait3A_77 = tpu.memref_slice %arg17[%mul3A_2, %dma_wait3A] : memref<10240x128xf32, #tpu.memory_space<vmem_shared>> -> memref<640x128xf32, #tpu.memory_space<vmem_shared>>
      tpu.wait_dma2 semaphore(%run_scoped3A : memref<!tpu.dma_semaphore, #tpu.memory_space<semaphore_mem>>) src(%arg5 : memref<640x128xf32, #tpu.memory_space<hbm>>) dst(%dma_wait3A_77 : memref<640x128xf32, #tpu.memory_space<vmem_shared>>)
      tpu.yield
    }) : () -> ()
    %mul3A_3 = arith.constant 640 : i32
    %mul3A_4 = arith.muli %arg1, %mul3A_3 : i32
    "tpu.region"() ({
      %run_scoped3A = tpu.sem_alloc : memref<!tpu.dma_semaphore, #tpu.memory_space<semaphore_mem>>
      %dma_start3A = tpu.memref_slice %arg21[%mul3A_4] : memref<10240xf32, #tpu.memory_space<vmem_shared>> -> memref<640xf32, #tpu.memory_space<vmem_shared>>
      tpu.enqueue_dma source(%arg6 : memref<640xf32, #tpu.memory_space<hbm>>) target(%dma_start3A : memref<640xf32, #tpu.memory_space<vmem_shared>>) target_semaphore(%run_scoped3A : memref<!tpu.dma_semaphore, #tpu.memory_space<semaphore_mem>>)
      %dma_wait3A = tpu.memref_slice %arg21[%mul3A_4] : memref<10240xf32, #tpu.memory_space<vmem_shared>> -> memref<640xf32, #tpu.memory_space<vmem_shared>>
      tpu.wait_dma2 semaphore(%run_scoped3A : memref<!tpu.dma_semaphore, #tpu.memory_space<semaphore_mem>>) src(%arg6 : memref<640xf32, #tpu.memory_space<hbm>>) dst(%dma_wait3A : memref<640xf32, #tpu.memory_space<vmem_shared>>)
      tpu.yield
    }) : () -> ()
    %broadcast_in_dim3A = arith.constant 1.000000e+00 : f32
    %broadcast_in_dim3A_5 = vector.broadcast %broadcast_in_dim3A : f32 to vector<16xf32>
    %swap3A = arith.constant 0 : index
    %swap3A_6 = tpu.vector_load %arg20[%swap3A] {strides = array<i32>} : memref<128xf32, #tpu.memory_space<vmem>>, vector<16xf32>,
    %swap3A_7 = vector.shape_cast %swap3A_6 : vector<16xf32> to vector<16xf32>
    %swap3A_8 = vector.shape_cast %broadcast_in_dim3A_5 : vector<16xf32> to vector<16xf32>
    tpu.vector_store %arg20[%swap3A], %swap3A_8 {strides = array<i32>} : memref<128xf32, #tpu.memory_space<vmem>>, vector<16xf32>,
    %broadcast_in_dim3A_9 = arith.constant 1.000000e+00 : f32
    %broadcast_in_dim3A_10 = vector.broadcast %broadcast_in_dim3A_9 : f32 to vector<16xf32>
    %swap3A_11 = arith.constant 16 : index
    %swap3A_12 = tpu.vector_load %arg20[%swap3A_11] {strides = array<i32>} : memref<128xf32, #tpu.memory_space<vmem>>, vector<16xf32>,
    %swap3A_13 = vector.shape_cast %swap3A_12 : vector<16xf32> to vector<16xf32>
    %swap3A_14 = vector.shape_cast %broadcast_in_dim3A_10 : vector<16xf32> to vector<16xf32>
    tpu.vector_store %arg20[%swap3A_11], %swap3A_14 {strides = array<i32>} : memref<128xf32, #tpu.memory_space<vmem>>, vector<16xf32>,
    %broadcast_in_dim3A_15 = arith.constant 1.000000e+00 : f32
    %broadcast_in_dim3A_16 = vector.broadcast %broadcast_in_dim3A_15 : f32 to vector<16xf32>
    %swap3A_17 = arith.constant 32 : index
    %swap3A_18 = tpu.vector_load %arg20[%swap3A_17] {strides = array<i32>} : memref<128xf32, #tpu.memory_space<vmem>>, vector<16xf32>,
    %swap3A_19 = vector.shape_cast %swap3A_18 : vector<16xf32> to vector<16xf32>
    %swap3A_20 = vector.shape_cast %broadcast_in_dim3A_16 : vector<16xf32> to vector<16xf32>
    tpu.vector_store %arg20[%swap3A_17], %swap3A_20 {strides = array<i32>} : memref<128xf32, #tpu.memory_space<vmem>>, vector<16xf32>,
    %broadcast_in_dim3A_21 = arith.constant 1.000000e+00 : f32
    %broadcast_in_dim3A_22 = vector.broadcast %broadcast_in_dim3A_21 : f32 to vector<16xf32>
    %swap3A_23 = arith.constant 48 : index
    %swap3A_24 = tpu.vector_load %arg20[%swap3A_23] {strides = array<i32>} : memref<128xf32, #tpu.memory_space<vmem>>, vector<16xf32>,
    %swap3A_25 = vector.shape_cast %swap3A_24 : vector<16xf32> to vector<16xf32>
    %swap3A_26 = vector.shape_cast %broadcast_in_dim3A_22 : vector<16xf32> to vector<16xf32>
    tpu.vector_store %arg20[%swap3A_23], %swap3A_26 {strides = array<i32>} : memref<128xf32, #tpu.memory_space<vmem>>, vector<16xf32>,
    %broadcast_in_dim3A_27 = arith.constant 1.000000e+00 : f32
    %broadcast_in_dim3A_28 = vector.broadcast %broadcast_in_dim3A_27 : f32 to vector<16xf32>
    %swap3A_29 = arith.constant 64 : index
    %swap3A_30 = tpu.vector_load %arg20[%swap3A_29] {strides = array<i32>} : memref<128xf32, #tpu.memory_space<vmem>>, vector<16xf32>,
    %swap3A_31 = vector.shape_cast %swap3A_30 : vector<16xf32> to vector<16xf32>
    %swap3A_32 = vector.shape_cast %broadcast_in_dim3A_28 : vector<16xf32> to vector<16xf32>
    tpu.vector_store %arg20[%swap3A_29], %swap3A_32 {strides = array<i32>} : memref<128xf32, #tpu.memory_space<vmem>>, vector<16xf32>,
    %broadcast_in_dim3A_33 = arith.constant 1.000000e+00 : f32
    %broadcast_in_dim3A_34 = vector.broadcast %broadcast_in_dim3A_33 : f32 to vector<16xf32>
    %swap3A_35 = arith.constant 80 : index
    %swap3A_36 = tpu.vector_load %arg20[%swap3A_35] {strides = array<i32>} : memref<128xf32, #tpu.memory_space<vmem>>, vector<16xf32>,
    %swap3A_37 = vector.shape_cast %swap3A_36 : vector<16xf32> to vector<16xf32>
    %swap3A_38 = vector.shape_cast %broadcast_in_dim3A_34 : vector<16xf32> to vector<16xf32>
    tpu.vector_store %arg20[%swap3A_35], %swap3A_38 {strides = array<i32>} : memref<128xf32, #tpu.memory_space<vmem>>, vector<16xf32>,
    %broadcast_in_dim3A_39 = arith.constant 1.000000e+00 : f32
    %broadcast_in_dim3A_40 = vector.broadcast %broadcast_in_dim3A_39 : f32 to vector<16xf32>
    %swap3A_41 = arith.constant 96 : index
    %swap3A_42 = tpu.vector_load %arg20[%swap3A_41] {strides = array<i32>} : memref<128xf32, #tpu.memory_space<vmem>>, vector<16xf32>,
    %swap3A_43 = vector.shape_cast %swap3A_42 : vector<16xf32> to vector<16xf32>
    %swap3A_44 = vector.shape_cast %broadcast_in_dim3A_40 : vector<16xf32> to vector<16xf32>
    tpu.vector_store %arg20[%swap3A_41], %swap3A_44 {strides = array<i32>} : memref<128xf32, #tpu.memory_space<vmem>>, vector<16xf32>,
    %broadcast_in_dim3A_45 = arith.constant 1.000000e+00 : f32
    %broadcast_in_dim3A_46 = vector.broadcast %broadcast_in_dim3A_45 : f32 to vector<16xf32>
    %swap3A_47 = arith.constant 112 : index
    %swap3A_48 = tpu.vector_load %arg20[%swap3A_47] {strides = array<i32>} : memref<128xf32, #tpu.memory_space<vmem>>, vector<16xf32>,
    %swap3A_49 = vector.shape_cast %swap3A_48 : vector<16xf32> to vector<16xf32>
    %swap3A_50 = vector.shape_cast %broadcast_in_dim3A_46 : vector<16xf32> to vector<16xf32>
    tpu.vector_store %arg20[%swap3A_47], %swap3A_50 {strides = array<i32>} : memref<128xf32, #tpu.memory_space<vmem>>, vector<16xf32>,
    %barrier3A = arith.constant 0 : index
    tpu.barrier barrier_id(%barrier3A)
    %eq3A = arith.constant 0 : i32
    %eq3A_51 = arith.cmpi eq, %arg0, %eq3A : i32
    %convert_element_type3A = arith.extui %eq3A_51 : i1 to i32
    %cond3A = arith.constant 0 : i32
    %cond3A_52 = arith.cmpi ne, %convert_element_type3A, %cond3A : i32
    scf.if %cond3A_52 {
      %get3A = arith.constant 0 : i32
      %get3A_76 = arith.index_cast %get3A : i32 to index
      %get3A_77 = arith.constant 0 : index
      %get3A_78 = tpu.vector_load %arg10[%get3A_76, %get3A_77] {strides = array<i32>} : memref<79x128xi32, #tpu.memory_space<vmem>>, vector<1x16xi32>,
      %get3A_79 = vector.shape_cast %get3A_78 : vector<1x16xi32> to vector<16xi32>
      %and3A = arith.constant 65535 : i32
      %and3A_80 = vector.broadcast %and3A : i32 to vector<16xi32>
      %and3A_81 = arith.andi %get3A_79, %and3A_80 : vector<16xi32>
      %swap3A_82 = arith.constant 0 : index
      %swap3A_83 = tpu.vector_load %arg11[%swap3A_82] {strides = array<i32>} : memref<128xi32, #tpu.memory_space<vmem>>, vector<16xi32>,
      %swap3A_84 = vector.shape_cast %swap3A_83 : vector<16xi32> to vector<16xi32>
      %swap3A_85 = vector.shape_cast %and3A_81 : vector<16xi32> to vector<16xi32>
      tpu.vector_store %arg11[%swap3A_82], %swap3A_85 {strides = array<i32>} : memref<128xi32, #tpu.memory_space<vmem>>, vector<16xi32>,
      %shift_right_logical3A = arith.constant 16 : i32
      %shift_right_logical3A_86 = vector.broadcast %shift_right_logical3A : i32 to vector<16xi32>
      %shift_right_logical3A_87 = arith.shrui %get3A_79, %shift_right_logical3A_86 : vector<16xi32>
      %swap3A_88 = arith.constant 0 : index
      %swap3A_89 = tpu.vector_load %arg13[%swap3A_88] {strides = array<i32>} : memref<128xi32, #tpu.memory_space<vmem>>, vector<16xi32>,
      %swap3A_90 = vector.shape_cast %swap3A_89 : vector<16xi32> to vector<16xi32>
      %swap3A_91 = vector.shape_cast %shift_right_logical3A_87 : vector<16xi32> to vector<16xi32>
      tpu.vector_store %arg13[%swap3A_88], %swap3A_91 {strides = array<i32>} : memref<128xi32, #tpu.memory_space<vmem>>, vector<16xi32>,
      %get3A_92 = arith.constant 0 : i32
      %get3A_93 = arith.index_cast %get3A_92 : i32 to index
      %get3A_94 = arith.constant 16 : index
      %get3A_95 = tpu.vector_load %arg10[%get3A_93, %get3A_94] {strides = array<i32>} : memref<79x128xi32, #tpu.memory_space<vmem>>, vector<1x16xi32>,
      %get3A_96 = vector.shape_cast %get3A_95 : vector<1x16xi32> to vector<16xi32>
      %and3A_97 = arith.constant 65535 : i32
      %and3A_98 = vector.broadcast %and3A_97 : i32 to vector<16xi32>
      %and3A_99 = arith.andi %get3A_96, %and3A_98 : vector<16xi32>
      %swap3A_100 = arith.constant 16 : index
      %swap3A_101 = tpu.vector_load %arg11[%swap3A_100] {strides = array<i32>} : memref<128xi32, #tpu.memory_space<vmem>>, vector<16xi32>,
      %swap3A_102 = vector.shape_cast %swap3A_101 : vector<16xi32> to vector<16xi32>
      %swap3A_103 = vector.shape_cast %and3A_99 : vector<16xi32> to vector<16xi32>
      tpu.vector_store %arg11[%swap3A_100], %swap3A_103 {strides = array<i32>} : memref<128xi32, #tpu.memory_space<vmem>>, vector<16xi32>,
      %shift_right_logical3A_104 = arith.constant 16 : i32
      %shift_right_logical3A_105 = vector.broadcast %shift_right_logical3A_104 : i32 to vector<16xi32>
      %shift_right_logical3A_106 = arith.shrui %get3A_96, %shift_right_logical3A_105 : vector<16xi32>
      %swap3A_107 = arith.constant 16 : index
      %swap3A_108 = tpu.vector_load %arg13[%swap3A_107] {strides = array<i32>} : memref<128xi32, #tpu.memory_space<vmem>>, vector<16xi32>,
      %swap3A_109 = vector.shape_cast %swap3A_108 : vector<16xi32> to vector<16xi32>
      %swap3A_110 = vector.shape_cast %shift_right_logical3A_106 : vector<16xi32> to vector<16xi32>
      tpu.vector_store %arg13[%swap3A_107], %swap3A_110 {strides = array<i32>} : memref<128xi32, #tpu.memory_space<vmem>>, vector<16xi32>,
      %get3A_111 = arith.constant 0 : i32
      %get3A_112 = arith.index_cast %get3A_111 : i32 to index
      %get3A_113 = arith.constant 32 : index
      %get3A_114 = tpu.vector_load %arg10[%get3A_112, %get3A_113] {strides = array<i32>} : memref<79x128xi32, #tpu.memory_space<vmem>>, vector<1x16xi32>,
      %get3A_115 = vector.shape_cast %get3A_114 : vector<1x16xi32> to vector<16xi32>
      %and3A_116 = arith.constant 65535 : i32
      %and3A_117 = vector.broadcast %and3A_116 : i32 to vector<16xi32>
      %and3A_118 = arith.andi %get3A_115, %and3A_117 : vector<16xi32>
      %swap3A_119 = arith.constant 32 : index
      %swap3A_120 = tpu.vector_load %arg11[%swap3A_119] {strides = array<i32>} : memref<128xi32, #tpu.memory_space<vmem>>, vector<16xi32>,
      %swap3A_121 = vector.shape_cast %swap3A_120 : vector<16xi32> to vector<16xi32>
      %swap3A_122 = vector.shape_cast %and3A_118 : vector<16xi32> to vector<16xi32>
      tpu.vector_store %arg11[%swap3A_119], %swap3A_122 {strides = array<i32>} : memref<128xi32, #tpu.memory_space<vmem>>, vector<16xi32>,
      %shift_right_logical3A_123 = arith.constant 16 : i32
      %shift_right_logical3A_124 = vector.broadcast %shift_right_logical3A_123 : i32 to vector<16xi32>
      %shift_right_logical3A_125 = arith.shrui %get3A_115, %shift_right_logical3A_124 : vector<16xi32>
      %swap3A_126 = arith.constant 32 : index
      %swap3A_127 = tpu.vector_load %arg13[%swap3A_126] {strides = array<i32>} : memref<128xi32, #tpu.memory_space<vmem>>, vector<16xi32>,
      %swap3A_128 = vector.shape_cast %swap3A_127 : vector<16xi32> to vector<16xi32>
      %swap3A_129 = vector.shape_cast %shift_right_logical3A_125 : vector<16xi32> to vector<16xi32>
      tpu.vector_store %arg13[%swap3A_126], %swap3A_129 {strides = array<i32>} : memref<128xi32, #tpu.memory_space<vmem>>, vector<16xi32>,
      %get3A_130 = arith.constant 0 : i32
      %get3A_131 = arith.index_cast %get3A_130 : i32 to index
      %get3A_132 = arith.constant 48 : index
      %get3A_133 = tpu.vector_load %arg10[%get3A_131, %get3A_132] {strides = array<i32>} : memref<79x128xi32, #tpu.memory_space<vmem>>, vector<1x16xi32>,
      %get3A_134 = vector.shape_cast %get3A_133 : vector<1x16xi32> to vector<16xi32>
      %and3A_135 = arith.constant 65535 : i32
      %and3A_136 = vector.broadcast %and3A_135 : i32 to vector<16xi32>
      %and3A_137 = arith.andi %get3A_134, %and3A_136 : vector<16xi32>
      %swap3A_138 = arith.constant 48 : index
      %swap3A_139 = tpu.vector_load %arg11[%swap3A_138] {strides = array<i32>} : memref<128xi32, #tpu.memory_space<vmem>>, vector<16xi32>,
      %swap3A_140 = vector.shape_cast %swap3A_139 : vector<16xi32> to vector<16xi32>
      %swap3A_141 = vector.shape_cast %and3A_137 : vector<16xi32> to vector<16xi32>
      tpu.vector_store %arg11[%swap3A_138], %swap3A_141 {strides = array<i32>} : memref<128xi32, #tpu.memory_space<vmem>>, vector<16xi32>,
      %shift_right_logical3A_142 = arith.constant 16 : i32
      %shift_right_logical3A_143 = vector.broadcast %shift_right_logical3A_142 : i32 to vector<16xi32>
      %shift_right_logical3A_144 = arith.shrui %get3A_134, %shift_right_logical3A_143 : vector<16xi32>
      %swap3A_145 = arith.constant 48 : index
      %swap3A_146 = tpu.vector_load %arg13[%swap3A_145] {strides = array<i32>} : memref<128xi32, #tpu.memory_space<vmem>>, vector<16xi32>,
      %swap3A_147 = vector.shape_cast %swap3A_146 : vector<16xi32> to vector<16xi32>
      %swap3A_148 = vector.shape_cast %shift_right_logical3A_144 : vector<16xi32> to vector<16xi32>
      tpu.vector_store %arg13[%swap3A_145], %swap3A_148 {strides = array<i32>} : memref<128xi32, #tpu.memory_space<vmem>>, vector<16xi32>,
      %get3A_149 = arith.constant 0 : i32
      %get3A_150 = arith.index_cast %get3A_149 : i32 to index
      %get3A_151 = arith.constant 64 : index
      %get3A_152 = tpu.vector_load %arg10[%get3A_150, %get3A_151] {strides = array<i32>} : memref<79x128xi32, #tpu.memory_space<vmem>>, vector<1x16xi32>,
      %get3A_153 = vector.shape_cast %get3A_152 : vector<1x16xi32> to vector<16xi32>
      %and3A_154 = arith.constant 65535 : i32
      %and3A_155 = vector.broadcast %and3A_154 : i32 to vector<16xi32>
      %and3A_156 = arith.andi %get3A_153, %and3A_155 : vector<16xi32>
      %swap3A_157 = arith.constant 64 : index
      %swap3A_158 = tpu.vector_load %arg11[%swap3A_157] {strides = array<i32>} : memref<128xi32, #tpu.memory_space<vmem>>, vector<16xi32>,
      %swap3A_159 = vector.shape_cast %swap3A_158 : vector<16xi32> to vector<16xi32>
      %swap3A_160 = vector.shape_cast %and3A_156 : vector<16xi32> to vector<16xi32>
      tpu.vector_store %arg11[%swap3A_157], %swap3A_160 {strides = array<i32>} : memref<128xi32, #tpu.memory_space<vmem>>, vector<16xi32>,
      %shift_right_logical3A_161 = arith.constant 16 : i32
      %shift_right_logical3A_162 = vector.broadcast %shift_right_logical3A_161 : i32 to vector<16xi32>
      %shift_right_logical3A_163 = arith.shrui %get3A_153, %shift_right_logical3A_162 : vector<16xi32>
      %swap3A_164 = arith.constant 64 : index
      %swap3A_165 = tpu.vector_load %arg13[%swap3A_164] {strides = array<i32>} : memref<128xi32, #tpu.memory_space<vmem>>, vector<16xi32>,
      %swap3A_166 = vector.shape_cast %swap3A_165 : vector<16xi32> to vector<16xi32>
      %swap3A_167 = vector.shape_cast %shift_right_logical3A_163 : vector<16xi32> to vector<16xi32>
      tpu.vector_store %arg13[%swap3A_164], %swap3A_167 {strides = array<i32>} : memref<128xi32, #tpu.memory_space<vmem>>, vector<16xi32>,
      %get3A_168 = arith.constant 0 : i32
      %get3A_169 = arith.index_cast %get3A_168 : i32 to index
      %get3A_170 = arith.constant 80 : index
      %get3A_171 = tpu.vector_load %arg10[%get3A_169, %get3A_170] {strides = array<i32>} : memref<79x128xi32, #tpu.memory_space<vmem>>, vector<1x16xi32>,
      %get3A_172 = vector.shape_cast %get3A_171 : vector<1x16xi32> to vector<16xi32>
      %and3A_173 = arith.constant 65535 : i32
      %and3A_174 = vector.broadcast %and3A_173 : i32 to vector<16xi32>
      %and3A_175 = arith.andi %get3A_172, %and3A_174 : vector<16xi32>
      %swap3A_176 = arith.constant 80 : index
      %swap3A_177 = tpu.vector_load %arg11[%swap3A_176] {strides = array<i32>} : memref<128xi32, #tpu.memory_space<vmem>>, vector<16xi32>,
      %swap3A_178 = vector.shape_cast %swap3A_177 : vector<16xi32> to vector<16xi32>
      %swap3A_179 = vector.shape_cast %and3A_175 : vector<16xi32> to vector<16xi32>
      tpu.vector_store %arg11[%swap3A_176], %swap3A_179 {strides = array<i32>} : memref<128xi32, #tpu.memory_space<vmem>>, vector<16xi32>,
      %shift_right_logical3A_180 = arith.constant 16 : i32
      %shift_right_logical3A_181 = vector.broadcast %shift_right_logical3A_180 : i32 to vector<16xi32>
      %shift_right_logical3A_182 = arith.shrui %get3A_172, %shift_right_logical3A_181 : vector<16xi32>
      %swap3A_183 = arith.constant 80 : index
      %swap3A_184 = tpu.vector_load %arg13[%swap3A_183] {strides = array<i32>} : memref<128xi32, #tpu.memory_space<vmem>>, vector<16xi32>,
      %swap3A_185 = vector.shape_cast %swap3A_184 : vector<16xi32> to vector<16xi32>
      %swap3A_186 = vector.shape_cast %shift_right_logical3A_182 : vector<16xi32> to vector<16xi32>
      tpu.vector_store %arg13[%swap3A_183], %swap3A_186 {strides = array<i32>} : memref<128xi32, #tpu.memory_space<vmem>>, vector<16xi32>,
      %get3A_187 = arith.constant 0 : i32
      %get3A_188 = arith.index_cast %get3A_187 : i32 to index
      %get3A_189 = arith.constant 96 : index
      %get3A_190 = tpu.vector_load %arg10[%get3A_188, %get3A_189] {strides = array<i32>} : memref<79x128xi32, #tpu.memory_space<vmem>>, vector<1x16xi32>,
      %get3A_191 = vector.shape_cast %get3A_190 : vector<1x16xi32> to vector<16xi32>
      %and3A_192 = arith.constant 65535 : i32
      %and3A_193 = vector.broadcast %and3A_192 : i32 to vector<16xi32>
      %and3A_194 = arith.andi %get3A_191, %and3A_193 : vector<16xi32>
      %swap3A_195 = arith.constant 96 : index
      %swap3A_196 = tpu.vector_load %arg11[%swap3A_195] {strides = array<i32>} : memref<128xi32, #tpu.memory_space<vmem>>, vector<16xi32>,
      %swap3A_197 = vector.shape_cast %swap3A_196 : vector<16xi32> to vector<16xi32>
      %swap3A_198 = vector.shape_cast %and3A_194 : vector<16xi32> to vector<16xi32>
      tpu.vector_store %arg11[%swap3A_195], %swap3A_198 {strides = array<i32>} : memref<128xi32, #tpu.memory_space<vmem>>, vector<16xi32>,
      %shift_right_logical3A_199 = arith.constant 16 : i32
      %shift_right_logical3A_200 = vector.broadcast %shift_right_logical3A_199 : i32 to vector<16xi32>
      %shift_right_logical3A_201 = arith.shrui %get3A_191, %shift_right_logical3A_200 : vector<16xi32>
      %swap3A_202 = arith.constant 96 : index
      %swap3A_203 = tpu.vector_load %arg13[%swap3A_202] {strides = array<i32>} : memref<128xi32, #tpu.memory_space<vmem>>, vector<16xi32>,
      %swap3A_204 = vector.shape_cast %swap3A_203 : vector<16xi32> to vector<16xi32>
      %swap3A_205 = vector.shape_cast %shift_right_logical3A_201 : vector<16xi32> to vector<16xi32>
      tpu.vector_store %arg13[%swap3A_202], %swap3A_205 {strides = array<i32>} : memref<128xi32, #tpu.memory_space<vmem>>, vector<16xi32>,
      %get3A_206 = arith.constant 0 : i32
      %get3A_207 = arith.index_cast %get3A_206 : i32 to index
      %get3A_208 = arith.constant 112 : index
      %get3A_209 = tpu.vector_load %arg10[%get3A_207, %get3A_208] {strides = array<i32>} : memref<79x128xi32, #tpu.memory_space<vmem>>, vector<1x16xi32>,
      %get3A_210 = vector.shape_cast %get3A_209 : vector<1x16xi32> to vector<16xi32>
      %and3A_211 = arith.constant 65535 : i32
      %and3A_212 = vector.broadcast %and3A_211 : i32 to vector<16xi32>
      %and3A_213 = arith.andi %get3A_210, %and3A_212 : vector<16xi32>
      %swap3A_214 = arith.constant 112 : index
      %swap3A_215 = tpu.vector_load %arg11[%swap3A_214] {strides = array<i32>} : memref<128xi32, #tpu.memory_space<vmem>>, vector<16xi32>,
      %swap3A_216 = vector.shape_cast %swap3A_215 : vector<16xi32> to vector<16xi32>
      %swap3A_217 = vector.shape_cast %and3A_213 : vector<16xi32> to vector<16xi32>
      tpu.vector_store %arg11[%swap3A_214], %swap3A_217 {strides = array<i32>} : memref<128xi32, #tpu.memory_space<vmem>>, vector<16xi32>,
      %shift_right_logical3A_218 = arith.constant 16 : i32
      %shift_right_logical3A_219 = vector.broadcast %shift_right_logical3A_218 : i32 to vector<16xi32>
      %shift_right_logical3A_220 = arith.shrui %get3A_210, %shift_right_logical3A_219 : vector<16xi32>
      %swap3A_221 = arith.constant 112 : index
      %swap3A_222 = tpu.vector_load %arg13[%swap3A_221] {strides = array<i32>} : memref<128xi32, #tpu.memory_space<vmem>>, vector<16xi32>,
      %swap3A_223 = vector.shape_cast %swap3A_222 : vector<16xi32> to vector<16xi32>
      %swap3A_224 = vector.shape_cast %shift_right_logical3A_220 : vector<16xi32> to vector<16xi32>
      tpu.vector_store %arg13[%swap3A_221], %swap3A_224 {strides = array<i32>} : memref<128xi32, #tpu.memory_space<vmem>>, vector<16xi32>,
      %dma_start3A = arith.constant 0 : i32
      %dma_start3A_225 = arith.constant 0 : i32
      %dma_start3A_226 = tpu.memref_slice %arg2[%dma_start3A, %dma_start3A_225] : memref<10000x128xf32, #tpu.memory_space<hbm>> -> memref<10000x128xf32, #tpu.memory_space<hbm>>
      tpu.enqueue_indirect_dma source(%dma_start3A_226 : memref<10000x128xf32, #tpu.memory_space<hbm>>) target(%arg15 : memref<128x128xf32, #tpu.memory_space<vmem>>) offsets(%arg13 : memref<128xi32, #tpu.memory_space<vmem>>) semaphore(%arg18 : memref<!tpu.dma_semaphore, #tpu.memory_space<semaphore_mem>>)
      %get3A_227 = arith.constant 1 : i32
      %get3A_228 = arith.index_cast %get3A_227 : i32 to index
      %get3A_229 = arith.constant 0 : index
      %get3A_230 = tpu.vector_load %arg10[%get3A_228, %get3A_229] {strides = array<i32>} : memref<79x128xi32, #tpu.memory_space<vmem>>, vector<1x16xi32>,
      %get3A_231 = vector.shape_cast %get3A_230 : vector<1x16xi32> to vector<16xi32>
      %and3A_232 = arith.constant 65535 : i32
      %and3A_233 = vector.broadcast %and3A_232 : i32 to vector<16xi32>
      %and3A_234 = arith.andi %get3A_231, %and3A_233 : vector<16xi32>
      %swap3A_235 = arith.constant 0 : index
      %swap3A_236 = tpu.vector_load %arg12[%swap3A_235] {strides = array<i32>} : memref<128xi32, #tpu.memory_space<vmem>>, vector<16xi32>,
      %swap3A_237 = vector.shape_cast %swap3A_236 : vector<16xi32> to vector<16xi32>
      %swap3A_238 = vector.shape_cast %and3A_234 : vector<16xi32> to vector<16xi32>
      tpu.vector_store %arg12[%swap3A_235], %swap3A_238 {strides = array<i32>} : memref<128xi32, #tpu.memory_space<vmem>>, vector<16xi32>,
      %shift_right_logical3A_239 = arith.constant 16 : i32
      %shift_right_logical3A_240 = vector.broadcast %shift_right_logical3A_239 : i32 to vector<16xi32>
      %shift_right_logical3A_241 = arith.shrui %get3A_231, %shift_right_logical3A_240 : vector<16xi32>
      %swap3A_242 = arith.constant 0 : index
      %swap3A_243 = tpu.vector_load %arg14[%swap3A_242] {strides = array<i32>} : memref<128xi32, #tpu.memory_space<vmem>>, vector<16xi32>,
      %swap3A_244 = vector.shape_cast %swap3A_243 : vector<16xi32> to vector<16xi32>
      %swap3A_245 = vector.shape_cast %shift_right_logical3A_241 : vector<16xi32> to vector<16xi32>
      tpu.vector_store %arg14[%swap3A_242], %swap3A_245 {strides = array<i32>} : memref<128xi32, #tpu.memory_space<vmem>>, vector<16xi32>,
      %get3A_246 = arith.constant 1 : i32
      %get3A_247 = arith.index_cast %get3A_246 : i32 to index
      %get3A_248 = arith.constant 16 : index
      %get3A_249 = tpu.vector_load %arg10[%get3A_247, %get3A_248] {strides = array<i32>} : memref<79x128xi32, #tpu.memory_space<vmem>>, vector<1x16xi32>,
      %get3A_250 = vector.shape_cast %get3A_249 : vector<1x16xi32> to vector<16xi32>
      %and3A_251 = arith.constant 65535 : i32
      %and3A_252 = vector.broadcast %and3A_251 : i32 to vector<16xi32>
      %and3A_253 = arith.andi %get3A_250, %and3A_252 : vector<16xi32>
      %swap3A_254 = arith.constant 16 : index
      %swap3A_255 = tpu.vector_load %arg12[%swap3A_254] {strides = array<i32>} : memref<128xi32, #tpu.memory_space<vmem>>, vector<16xi32>,
      %swap3A_256 = vector.shape_cast %swap3A_255 : vector<16xi32> to vector<16xi32>
      %swap3A_257 = vector.shape_cast %and3A_253 : vector<16xi32> to vector<16xi32>
      tpu.vector_store %arg12[%swap3A_254], %swap3A_257 {strides = array<i32>} : memref<128xi32, #tpu.memory_space<vmem>>, vector<16xi32>,
      %shift_right_logical3A_258 = arith.constant 16 : i32
      %shift_right_logical3A_259 = vector.broadcast %shift_right_logical3A_258 : i32 to vector<16xi32>
      %shift_right_logical3A_260 = arith.shrui %get3A_250, %shift_right_logical3A_259 : vector<16xi32>
      %swap3A_261 = arith.constant 16 : index
      %swap3A_262 = tpu.vector_load %arg14[%swap3A_261] {strides = array<i32>} : memref<128xi32, #tpu.memory_space<vmem>>, vector<16xi32>,
      %swap3A_263 = vector.shape_cast %swap3A_262 : vector<16xi32> to vector<16xi32>
      %swap3A_264 = vector.shape_cast %shift_right_logical3A_260 : vector<16xi32> to vector<16xi32>
      tpu.vector_store %arg14[%swap3A_261], %swap3A_264 {strides = array<i32>} : memref<128xi32, #tpu.memory_space<vmem>>, vector<16xi32>,
      %get3A_265 = arith.constant 1 : i32
      %get3A_266 = arith.index_cast %get3A_265 : i32 to index
      %get3A_267 = arith.constant 32 : index
      %get3A_268 = tpu.vector_load %arg10[%get3A_266, %get3A_267] {strides = array<i32>} : memref<79x128xi32, #tpu.memory_space<vmem>>, vector<1x16xi32>,
      %get3A_269 = vector.shape_cast %get3A_268 : vector<1x16xi32> to vector<16xi32>
      %and3A_270 = arith.constant 65535 : i32
      %and3A_271 = vector.broadcast %and3A_270 : i32 to vector<16xi32>
      %and3A_272 = arith.andi %get3A_269, %and3A_271 : vector<16xi32>
      %swap3A_273 = arith.constant 32 : index
      %swap3A_274 = tpu.vector_load %arg12[%swap3A_273] {strides = array<i32>} : memref<128xi32, #tpu.memory_space<vmem>>, vector<16xi32>,
      %swap3A_275 = vector.shape_cast %swap3A_274 : vector<16xi32> to vector<16xi32>
      %swap3A_276 = vector.shape_cast %and3A_272 : vector<16xi32> to vector<16xi32>
      tpu.vector_store %arg12[%swap3A_273], %swap3A_276 {strides = array<i32>} : memref<128xi32, #tpu.memory_space<vmem>>, vector<16xi32>,
      %shift_right_logical3A_277 = arith.constant 16 : i32
      %shift_right_logical3A_278 = vector.broadcast %shift_right_logical3A_277 : i32 to vector<16xi32>
      %shift_right_logical3A_279 = arith.shrui %get3A_269, %shift_right_logical3A_278 : vector<16xi32>
      %swap3A_280 = arith.constant 32 : index
      %swap3A_281 = tpu.vector_load %arg14[%swap3A_280] {strides = array<i32>} : memref<128xi32, #tpu.memory_space<vmem>>, vector<16xi32>,
      %swap3A_282 = vector.shape_cast %swap3A_281 : vector<16xi32> to vector<16xi32>
      %swap3A_283 = vector.shape_cast %shift_right_logical3A_279 : vector<16xi32> to vector<16xi32>
      tpu.vector_store %arg14[%swap3A_280], %swap3A_283 {strides = array<i32>} : memref<128xi32, #tpu.memory_space<vmem>>, vector<16xi32>,
      %get3A_284 = arith.constant 1 : i32
      %get3A_285 = arith.index_cast %get3A_284 : i32 to index
      %get3A_286 = arith.constant 48 : index
      %get3A_287 = tpu.vector_load %arg10[%get3A_285, %get3A_286] {strides = array<i32>} : memref<79x128xi32, #tpu.memory_space<vmem>>, vector<1x16xi32>,
      %get3A_288 = vector.shape_cast %get3A_287 : vector<1x16xi32> to vector<16xi32>
      %and3A_289 = arith.constant 65535 : i32
      %and3A_290 = vector.broadcast %and3A_289 : i32 to vector<16xi32>
      %and3A_291 = arith.andi %get3A_288, %and3A_290 : vector<16xi32>
      %swap3A_292 = arith.constant 48 : index
      %swap3A_293 = tpu.vector_load %arg12[%swap3A_292] {strides = array<i32>} : memref<128xi32, #tpu.memory_space<vmem>>, vector<16xi32>,
      %swap3A_294 = vector.shape_cast %swap3A_293 : vector<16xi32> to vector<16xi32>
      %swap3A_295 = vector.shape_cast %and3A_291 : vector<16xi32> to vector<16xi32>
      tpu.vector_store %arg12[%swap3A_292], %swap3A_295 {strides = array<i32>} : memref<128xi32, #tpu.memory_space<vmem>>, vector<16xi32>,
      %shift_right_logical3A_296 = arith.constant 16 : i32
      %shift_right_logical3A_297 = vector.broadcast %shift_right_logical3A_296 : i32 to vector<16xi32>
      %shift_right_logical3A_298 = arith.shrui %get3A_288, %shift_right_logical3A_297 : vector<16xi32>
      %swap3A_299 = arith.constant 48 : index
      %swap3A_300 = tpu.vector_load %arg14[%swap3A_299] {strides = array<i32>} : memref<128xi32, #tpu.memory_space<vmem>>, vector<16xi32>,
      %swap3A_301 = vector.shape_cast %swap3A_300 : vector<16xi32> to vector<16xi32>
      %swap3A_302 = vector.shape_cast %shift_right_logical3A_298 : vector<16xi32> to vector<16xi32>
      tpu.vector_store %arg14[%swap3A_299], %swap3A_302 {strides = array<i32>} : memref<128xi32, #tpu.memory_space<vmem>>, vector<16xi32>,
      %get3A_303 = arith.constant 1 : i32
      %get3A_304 = arith.index_cast %get3A_303 : i32 to index
      %get3A_305 = arith.constant 64 : index
      %get3A_306 = tpu.vector_load %arg10[%get3A_304, %get3A_305] {strides = array<i32>} : memref<79x128xi32, #tpu.memory_space<vmem>>, vector<1x16xi32>,
      %get3A_307 = vector.shape_cast %get3A_306 : vector<1x16xi32> to vector<16xi32>
      %and3A_308 = arith.constant 65535 : i32
      %and3A_309 = vector.broadcast %and3A_308 : i32 to vector<16xi32>
      %and3A_310 = arith.andi %get3A_307, %and3A_309 : vector<16xi32>
      %swap3A_311 = arith.constant 64 : index
      %swap3A_312 = tpu.vector_load %arg12[%swap3A_311] {strides = array<i32>} : memref<128xi32, #tpu.memory_space<vmem>>, vector<16xi32>,
      %swap3A_313 = vector.shape_cast %swap3A_312 : vector<16xi32> to vector<16xi32>
      %swap3A_314 = vector.shape_cast %and3A_310 : vector<16xi32> to vector<16xi32>
      tpu.vector_store %arg12[%swap3A_311], %swap3A_314 {strides = array<i32>} : memref<128xi32, #tpu.memory_space<vmem>>, vector<16xi32>,
      %shift_right_logical3A_315 = arith.constant 16 : i32
      %shift_right_logical3A_316 = vector.broadcast %shift_right_logical3A_315 : i32 to vector<16xi32>
      %shift_right_logical3A_317 = arith.shrui %get3A_307, %shift_right_logical3A_316 : vector<16xi32>
      %swap3A_318 = arith.constant 64 : index
      %swap3A_319 = tpu.vector_load %arg14[%swap3A_318] {strides = array<i32>} : memref<128xi32, #tpu.memory_space<vmem>>, vector<16xi32>,
      %swap3A_320 = vector.shape_cast %swap3A_319 : vector<16xi32> to vector<16xi32>
      %swap3A_321 = vector.shape_cast %shift_right_logical3A_317 : vector<16xi32> to vector<16xi32>
      tpu.vector_store %arg14[%swap3A_318], %swap3A_321 {strides = array<i32>} : memref<128xi32, #tpu.memory_space<vmem>>, vector<16xi32>,
      %get3A_322 = arith.constant 1 : i32
      %get3A_323 = arith.index_cast %get3A_322 : i32 to index
      %get3A_324 = arith.constant 80 : index
      %get3A_325 = tpu.vector_load %arg10[%get3A_323, %get3A_324] {strides = array<i32>} : memref<79x128xi32, #tpu.memory_space<vmem>>, vector<1x16xi32>,
      %get3A_326 = vector.shape_cast %get3A_325 : vector<1x16xi32> to vector<16xi32>
      %and3A_327 = arith.constant 65535 : i32
      %and3A_328 = vector.broadcast %and3A_327 : i32 to vector<16xi32>
      %and3A_329 = arith.andi %get3A_326, %and3A_328 : vector<16xi32>
      %swap3A_330 = arith.constant 80 : index
      %swap3A_331 = tpu.vector_load %arg12[%swap3A_330] {strides = array<i32>} : memref<128xi32, #tpu.memory_space<vmem>>, vector<16xi32>,
      %swap3A_332 = vector.shape_cast %swap3A_331 : vector<16xi32> to vector<16xi32>
      %swap3A_333 = vector.shape_cast %and3A_329 : vector<16xi32> to vector<16xi32>
      tpu.vector_store %arg12[%swap3A_330], %swap3A_333 {strides = array<i32>} : memref<128xi32, #tpu.memory_space<vmem>>, vector<16xi32>,
      %shift_right_logical3A_334 = arith.constant 16 : i32
      %shift_right_logical3A_335 = vector.broadcast %shift_right_logical3A_334 : i32 to vector<16xi32>
      %shift_right_logical3A_336 = arith.shrui %get3A_326, %shift_right_logical3A_335 : vector<16xi32>
      %swap3A_337 = arith.constant 80 : index
      %swap3A_338 = tpu.vector_load %arg14[%swap3A_337] {strides = array<i32>} : memref<128xi32, #tpu.memory_space<vmem>>, vector<16xi32>,
      %swap3A_339 = vector.shape_cast %swap3A_338 : vector<16xi32> to vector<16xi32>
      %swap3A_340 = vector.shape_cast %shift_right_logical3A_336 : vector<16xi32> to vector<16xi32>
      tpu.vector_store %arg14[%swap3A_337], %swap3A_340 {strides = array<i32>} : memref<128xi32, #tpu.memory_space<vmem>>, vector<16xi32>,
      %get3A_341 = arith.constant 1 : i32
      %get3A_342 = arith.index_cast %get3A_341 : i32 to index
      %get3A_343 = arith.constant 96 : index
      %get3A_344 = tpu.vector_load %arg10[%get3A_342, %get3A_343] {strides = array<i32>} : memref<79x128xi32, #tpu.memory_space<vmem>>, vector<1x16xi32>,
      %get3A_345 = vector.shape_cast %get3A_344 : vector<1x16xi32> to vector<16xi32>
      %and3A_346 = arith.constant 65535 : i32
      %and3A_347 = vector.broadcast %and3A_346 : i32 to vector<16xi32>
      %and3A_348 = arith.andi %get3A_345, %and3A_347 : vector<16xi32>
      %swap3A_349 = arith.constant 96 : index
      %swap3A_350 = tpu.vector_load %arg12[%swap3A_349] {strides = array<i32>} : memref<128xi32, #tpu.memory_space<vmem>>, vector<16xi32>,
      %swap3A_351 = vector.shape_cast %swap3A_350 : vector<16xi32> to vector<16xi32>
      %swap3A_352 = vector.shape_cast %and3A_348 : vector<16xi32> to vector<16xi32>
      tpu.vector_store %arg12[%swap3A_349], %swap3A_352 {strides = array<i32>} : memref<128xi32, #tpu.memory_space<vmem>>, vector<16xi32>,
      %shift_right_logical3A_353 = arith.constant 16 : i32
      %shift_right_logical3A_354 = vector.broadcast %shift_right_logical3A_353 : i32 to vector<16xi32>
      %shift_right_logical3A_355 = arith.shrui %get3A_345, %shift_right_logical3A_354 : vector<16xi32>
      %swap3A_356 = arith.constant 96 : index
      %swap3A_357 = tpu.vector_load %arg14[%swap3A_356] {strides = array<i32>} : memref<128xi32, #tpu.memory_space<vmem>>, vector<16xi32>,
      %swap3A_358 = vector.shape_cast %swap3A_357 : vector<16xi32> to vector<16xi32>
      %swap3A_359 = vector.shape_cast %shift_right_logical3A_355 : vector<16xi32> to vector<16xi32>
      tpu.vector_store %arg14[%swap3A_356], %swap3A_359 {strides = array<i32>} : memref<128xi32, #tpu.memory_space<vmem>>, vector<16xi32>,
      %get3A_360 = arith.constant 1 : i32
      %get3A_361 = arith.index_cast %get3A_360 : i32 to index
      %get3A_362 = arith.constant 112 : index
      %get3A_363 = tpu.vector_load %arg10[%get3A_361, %get3A_362] {strides = array<i32>} : memref<79x128xi32, #tpu.memory_space<vmem>>, vector<1x16xi32>,
      %get3A_364 = vector.shape_cast %get3A_363 : vector<1x16xi32> to vector<16xi32>
      %and3A_365 = arith.constant 65535 : i32
      %and3A_366 = vector.broadcast %and3A_365 : i32 to vector<16xi32>
      %and3A_367 = arith.andi %get3A_364, %and3A_366 : vector<16xi32>
      %swap3A_368 = arith.constant 112 : index
      %swap3A_369 = tpu.vector_load %arg12[%swap3A_368] {strides = array<i32>} : memref<128xi32, #tpu.memory_space<vmem>>, vector<16xi32>,
      %swap3A_370 = vector.shape_cast %swap3A_369 : vector<16xi32> to vector<16xi32>
      %swap3A_371 = vector.shape_cast %and3A_367 : vector<16xi32> to vector<16xi32>
      tpu.vector_store %arg12[%swap3A_368], %swap3A_371 {strides = array<i32>} : memref<128xi32, #tpu.memory_space<vmem>>, vector<16xi32>,
      %shift_right_logical3A_372 = arith.constant 16 : i32
      %shift_right_logical3A_373 = vector.broadcast %shift_right_logical3A_372 : i32 to vector<16xi32>
      %shift_right_logical3A_374 = arith.shrui %get3A_364, %shift_right_logical3A_373 : vector<16xi32>
      %swap3A_375 = arith.constant 112 : index
      %swap3A_376 = tpu.vector_load %arg14[%swap3A_375] {strides = array<i32>} : memref<128xi32, #tpu.memory_space<vmem>>, vector<16xi32>,
      %swap3A_377 = vector.shape_cast %swap3A_376 : vector<16xi32> to vector<16xi32>
      %swap3A_378 = vector.shape_cast %shift_right_logical3A_374 : vector<16xi32> to vector<16xi32>
      tpu.vector_store %arg14[%swap3A_375], %swap3A_378 {strides = array<i32>} : memref<128xi32, #tpu.memory_space<vmem>>, vector<16xi32>,
      %dma_start3A_379 = arith.constant 0 : i32
      %dma_start3A_380 = arith.constant 0 : i32
      %dma_start3A_381 = tpu.memref_slice %arg2[%dma_start3A_379, %dma_start3A_380] : memref<10000x128xf32, #tpu.memory_space<hbm>> -> memref<10000x128xf32, #tpu.memory_space<hbm>>
      tpu.enqueue_indirect_dma source(%dma_start3A_381 : memref<10000x128xf32, #tpu.memory_space<hbm>>) target(%arg16 : memref<128x128xf32, #tpu.memory_space<vmem>>) offsets(%arg14 : memref<128xi32, #tpu.memory_space<vmem>>) semaphore(%arg19 : memref<!tpu.dma_semaphore, #tpu.memory_space<semaphore_mem>>)
      %scan3A = arith.constant 0 : i32
      %scan3A_382 = arith.constant 0 : i32
      %scan3A_383 = arith.constant 39 : i32
      %scan3A_384 = arith.addi %scan3A_382, %scan3A_383 : i32
      %scan3A_385 = arith.constant 1 : i32
      scf.for %scan3A_389 = %scan3A_382 to %scan3A_384 step %scan3A_385  : i32 {
        %mul3A_390 = arith.constant 2 : i32
        %mul3A_391 = arith.muli %mul3A_390, %scan3A_389 : i32
        %dma_wait3A_392 = arith.constant 0 : i32
        %dma_wait3A_393 = arith.constant 0 : i32
        %dma_wait3A_394 = tpu.memref_slice %arg2[%dma_wait3A_392, %dma_wait3A_393] : memref<10000x128xf32, #tpu.memory_space<hbm>> -> memref<10000x128xf32, #tpu.memory_space<hbm>>
        tpu.wait_indirect_dma semaphore(%arg18 : memref<!tpu.dma_semaphore, #tpu.memory_space<semaphore_mem>>) src(%dma_wait3A_394 : memref<10000x128xf32, #tpu.memory_space<hbm>>) dst(%arg15 : memref<128x128xf32, #tpu.memory_space<vmem>>)
        "tpu.region"() ({
          %run_scoped3A = tpu.sem_alloc : memref<!tpu.dma_semaphore, #tpu.memory_space<semaphore_mem>>
          %dma_start3A_413 = arith.constant 0 : i32
          %dma_start3A_414 = arith.constant 0 : i32
          %dma_start3A_415 = tpu.memref_slice %arg17[%dma_start3A_413, %dma_start3A_414] : memref<10240x128xf32, #tpu.memory_space<vmem_shared>> -> memref<10240x128xf32, #tpu.memory_space<vmem_shared>>
          tpu.enqueue_indirect_dma source(%arg15 : memref<128x128xf32, #tpu.memory_space<vmem>>) target(%dma_start3A_415 : memref<10240x128xf32, #tpu.memory_space<vmem_shared>>) offsets(%arg11 : memref<128xi32, #tpu.memory_space<vmem>>) semaphore(%run_scoped3A : memref<!tpu.dma_semaphore, #tpu.memory_space<semaphore_mem>>) {add = true}
          %dma_wait3A_416 = arith.constant 0 : i32
          %dma_wait3A_417 = arith.constant 0 : i32
          %dma_wait3A_418 = tpu.memref_slice %arg17[%dma_wait3A_416, %dma_wait3A_417] : memref<10240x128xf32, #tpu.memory_space<vmem_shared>> -> memref<10240x128xf32, #tpu.memory_space<vmem_shared>>
          tpu.wait_indirect_dma semaphore(%run_scoped3A : memref<!tpu.dma_semaphore, #tpu.memory_space<semaphore_mem>>) src(%arg15 : memref<128x128xf32, #tpu.memory_space<vmem>>) dst(%dma_wait3A_418 : memref<10240x128xf32, #tpu.memory_space<vmem_shared>>)
          tpu.yield
        }) : () -> ()
        "tpu.region"() ({
          %run_scoped3A = tpu.sem_alloc : memref<!tpu.dma_semaphore, #tpu.memory_space<semaphore_mem>>
          %dma_start3A_413 = arith.constant 0 : i32
          %dma_start3A_414 = tpu.memref_slice %arg21[%dma_start3A_413] : memref<10240xf32, #tpu.memory_space<vmem_shared>> -> memref<10240xf32, #tpu.memory_space<vmem_shared>>
          tpu.enqueue_indirect_dma source(%arg20 : memref<128xf32, #tpu.memory_space<vmem>>) target(%dma_start3A_414 : memref<10240xf32, #tpu.memory_space<vmem_shared>>) offsets(%arg11 : memref<128xi32, #tpu.memory_space<vmem>>) semaphore(%run_scoped3A : memref<!tpu.dma_semaphore, #tpu.memory_space<semaphore_mem>>) {add = true}
          %dma_wait3A_415 = arith.constant 0 : i32
          %dma_wait3A_416 = tpu.memref_slice %arg21[%dma_wait3A_415] : memref<10240xf32, #tpu.memory_space<vmem_shared>> -> memref<10240xf32, #tpu.memory_space<vmem_shared>>
          tpu.wait_indirect_dma semaphore(%run_scoped3A : memref<!tpu.dma_semaphore, #tpu.memory_space<semaphore_mem>>) src(%arg20 : memref<128xf32, #tpu.memory_space<vmem>>) dst(%dma_wait3A_416 : memref<10240xf32, #tpu.memory_space<vmem_shared>>)
          tpu.yield
        }) : () -> ()
        %add3A_395 = arith.constant 2 : i32
        %add3A_396 = arith.addi %mul3A_391, %add3A_395 : i32
        %lt3A = arith.constant 79 : i32
        %lt3A_397 = arith.cmpi slt, %add3A_396, %lt3A : i32
        %convert_element_type3A_398 = arith.extui %lt3A_397 : i1 to i32
        %cond3A_399 = arith.constant 0 : i32
        %cond3A_400 = arith.cmpi ne, %convert_element_type3A_398, %cond3A_399 : i32
        scf.if %cond3A_400 {
          %add3A_413 = arith.constant 2 : i32
          %add3A_414 = arith.addi %mul3A_391, %add3A_413 : i32
          %get3A_415 = arith.index_cast %add3A_414 : i32 to index
          %get3A_416 = arith.constant 0 : index
          %get3A_417 = tpu.vector_load %arg10[%get3A_415, %get3A_416] {strides = array<i32>} : memref<79x128xi32, #tpu.memory_space<vmem>>, vector<1x16xi32>,
          %get3A_418 = vector.shape_cast %get3A_417 : vector<1x16xi32> to vector<16xi32>
          %and3A_419 = arith.constant 65535 : i32
          %and3A_420 = vector.broadcast %and3A_419 : i32 to vector<16xi32>
          %and3A_421 = arith.andi %get3A_418, %and3A_420 : vector<16xi32>
          %swap3A_422 = arith.constant 0 : index
          %swap3A_423 = tpu.vector_load %arg11[%swap3A_422] {strides = array<i32>} : memref<128xi32, #tpu.memory_space<vmem>>, vector<16xi32>,
          %swap3A_424 = vector.shape_cast %swap3A_423 : vector<16xi32> to vector<16xi32>
          %swap3A_425 = vector.shape_cast %and3A_421 : vector<16xi32> to vector<16xi32>
          tpu.vector_store %arg11[%swap3A_422], %swap3A_425 {strides = array<i32>} : memref<128xi32, #tpu.memory_space<vmem>>, vector<16xi32>,
          %shift_right_logical3A_426 = arith.constant 16 : i32
          %shift_right_logical3A_427 = vector.broadcast %shift_right_logical3A_426 : i32 to vector<16xi32>
          %shift_right_logical3A_428 = arith.shrui %get3A_418, %shift_right_logical3A_427 : vector<16xi32>
          %swap3A_429 = arith.constant 0 : index
          %swap3A_430 = tpu.vector_load %arg13[%swap3A_429] {strides = array<i32>} : memref<128xi32, #tpu.memory_space<vmem>>, vector<16xi32>,
          %swap3A_431 = vector.shape_cast %swap3A_430 : vector<16xi32> to vector<16xi32>
          %swap3A_432 = vector.shape_cast %shift_right_logical3A_428 : vector<16xi32> to vector<16xi32>
          tpu.vector_store %arg13[%swap3A_429], %swap3A_432 {strides = array<i32>} : memref<128xi32, #tpu.memory_space<vmem>>, vector<16xi32>,
          %get3A_433 = arith.index_cast %add3A_414 : i32 to index
          %get3A_434 = arith.constant 16 : index
          %get3A_435 = tpu.vector_load %arg10[%get3A_433, %get3A_434] {strides = array<i32>} : memref<79x128xi32, #tpu.memory_space<vmem>>, vector<1x16xi32>,
          %get3A_436 = vector.shape_cast %get3A_435 : vector<1x16xi32> to vector<16xi32>
          %and3A_437 = arith.constant 65535 : i32
          %and3A_438 = vector.broadcast %and3A_437 : i32 to vector<16xi32>
          %and3A_439 = arith.andi %get3A_436, %and3A_438 : vector<16xi32>
          %swap3A_440 = arith.constant 16 : index
          %swap3A_441 = tpu.vector_load %arg11[%swap3A_440] {strides = array<i32>} : memref<128xi32, #tpu.memory_space<vmem>>, vector<16xi32>,
          %swap3A_442 = vector.shape_cast %swap3A_441 : vector<16xi32> to vector<16xi32>
          %swap3A_443 = vector.shape_cast %and3A_439 : vector<16xi32> to vector<16xi32>
          tpu.vector_store %arg11[%swap3A_440], %swap3A_443 {strides = array<i32>} : memref<128xi32, #tpu.memory_space<vmem>>, vector<16xi32>,
          %shift_right_logical3A_444 = arith.constant 16 : i32
          %shift_right_logical3A_445 = vector.broadcast %shift_right_logical3A_444 : i32 to vector<16xi32>
          %shift_right_logical3A_446 = arith.shrui %get3A_436, %shift_right_logical3A_445 : vector<16xi32>
          %swap3A_447 = arith.constant 16 : index
          %swap3A_448 = tpu.vector_load %arg13[%swap3A_447] {strides = array<i32>} : memref<128xi32, #tpu.memory_space<vmem>>, vector<16xi32>,
          %swap3A_449 = vector.shape_cast %swap3A_448 : vector<16xi32> to vector<16xi32>
          %swap3A_450 = vector.shape_cast %shift_right_logical3A_446 : vector<16xi32> to vector<16xi32>
          tpu.vector_store %arg13[%swap3A_447], %swap3A_450 {strides = array<i32>} : memref<128xi32, #tpu.memory_space<vmem>>, vector<16xi32>,
          %get3A_451 = arith.index_cast %add3A_414 : i32 to index
          %get3A_452 = arith.constant 32 : index
          %get3A_453 = tpu.vector_load %arg10[%get3A_451, %get3A_452] {strides = array<i32>} : memref<79x128xi32, #tpu.memory_space<vmem>>, vector<1x16xi32>,
          %get3A_454 = vector.shape_cast %get3A_453 : vector<1x16xi32> to vector<16xi32>
          %and3A_455 = arith.constant 65535 : i32
          %and3A_456 = vector.broadcast %and3A_455 : i32 to vector<16xi32>
          %and3A_457 = arith.andi %get3A_454, %and3A_456 : vector<16xi32>
          %swap3A_458 = arith.constant 32 : index
          %swap3A_459 = tpu.vector_load %arg11[%swap3A_458] {strides = array<i32>} : memref<128xi32, #tpu.memory_space<vmem>>, vector<16xi32>,
          %swap3A_460 = vector.shape_cast %swap3A_459 : vector<16xi32> to vector<16xi32>
          %swap3A_461 = vector.shape_cast %and3A_457 : vector<16xi32> to vector<16xi32>
          tpu.vector_store %arg11[%swap3A_458], %swap3A_461 {strides = array<i32>} : memref<128xi32, #tpu.memory_space<vmem>>, vector<16xi32>,
          %shift_right_logical3A_462 = arith.constant 16 : i32
          %shift_right_logical3A_463 = vector.broadcast %shift_right_logical3A_462 : i32 to vector<16xi32>
          %shift_right_logical3A_464 = arith.shrui %get3A_454, %shift_right_logical3A_463 : vector<16xi32>
          %swap3A_465 = arith.constant 32 : index
          %swap3A_466 = tpu.vector_load %arg13[%swap3A_465] {strides = array<i32>} : memref<128xi32, #tpu.memory_space<vmem>>, vector<16xi32>,
          %swap3A_467 = vector.shape_cast %swap3A_466 : vector<16xi32> to vector<16xi32>
          %swap3A_468 = vector.shape_cast %shift_right_logical3A_464 : vector<16xi32> to vector<16xi32>
          tpu.vector_store %arg13[%swap3A_465], %swap3A_468 {strides = array<i32>} : memref<128xi32, #tpu.memory_space<vmem>>, vector<16xi32>,
          %get3A_469 = arith.index_cast %add3A_414 : i32 to index
          %get3A_470 = arith.constant 48 : index
          %get3A_471 = tpu.vector_load %arg10[%get3A_469, %get3A_470] {strides = array<i32>} : memref<79x128xi32, #tpu.memory_space<vmem>>, vector<1x16xi32>,
          %get3A_472 = vector.shape_cast %get3A_471 : vector<1x16xi32> to vector<16xi32>
          %and3A_473 = arith.constant 65535 : i32
          %and3A_474 = vector.broadcast %and3A_473 : i32 to vector<16xi32>
          %and3A_475 = arith.andi %get3A_472, %and3A_474 : vector<16xi32>
          %swap3A_476 = arith.constant 48 : index
          %swap3A_477 = tpu.vector_load %arg11[%swap3A_476] {strides = array<i32>} : memref<128xi32, #tpu.memory_space<vmem>>, vector<16xi32>,
          %swap3A_478 = vector.shape_cast %swap3A_477 : vector<16xi32> to vector<16xi32>
          %swap3A_479 = vector.shape_cast %and3A_475 : vector<16xi32> to vector<16xi32>
          tpu.vector_store %arg11[%swap3A_476], %swap3A_479 {strides = array<i32>} : memref<128xi32, #tpu.memory_space<vmem>>, vector<16xi32>,
          %shift_right_logical3A_480 = arith.constant 16 : i32
          %shift_right_logical3A_481 = vector.broadcast %shift_right_logical3A_480 : i32 to vector<16xi32>
          %shift_right_logical3A_482 = arith.shrui %get3A_472, %shift_right_logical3A_481 : vector<16xi32>
          %swap3A_483 = arith.constant 48 : index
          %swap3A_484 = tpu.vector_load %arg13[%swap3A_483] {strides = array<i32>} : memref<128xi32, #tpu.memory_space<vmem>>, vector<16xi32>,
          %swap3A_485 = vector.shape_cast %swap3A_484 : vector<16xi32> to vector<16xi32>
          %swap3A_486 = vector.shape_cast %shift_right_logical3A_482 : vector<16xi32> to vector<16xi32>
          tpu.vector_store %arg13[%swap3A_483], %swap3A_486 {strides = array<i32>} : memref<128xi32, #tpu.memory_space<vmem>>, vector<16xi32>,
          %get3A_487 = arith.index_cast %add3A_414 : i32 to index
          %get3A_488 = arith.constant 64 : index
          %get3A_489 = tpu.vector_load %arg10[%get3A_487, %get3A_488] {strides = array<i32>} : memref<79x128xi32, #tpu.memory_space<vmem>>, vector<1x16xi32>,
          %get3A_490 = vector.shape_cast %get3A_489 : vector<1x16xi32> to vector<16xi32>
          %and3A_491 = arith.constant 65535 : i32
          %and3A_492 = vector.broadcast %and3A_491 : i32 to vector<16xi32>
          %and3A_493 = arith.andi %get3A_490, %and3A_492 : vector<16xi32>
          %swap3A_494 = arith.constant 64 : index
          %swap3A_495 = tpu.vector_load %arg11[%swap3A_494] {strides = array<i32>} : memref<128xi32, #tpu.memory_space<vmem>>, vector<16xi32>,
          %swap3A_496 = vector.shape_cast %swap3A_495 : vector<16xi32> to vector<16xi32>
          %swap3A_497 = vector.shape_cast %and3A_493 : vector<16xi32> to vector<16xi32>
          tpu.vector_store %arg11[%swap3A_494], %swap3A_497 {strides = array<i32>} : memref<128xi32, #tpu.memory_space<vmem>>, vector<16xi32>,
          %shift_right_logical3A_498 = arith.constant 16 : i32
          %shift_right_logical3A_499 = vector.broadcast %shift_right_logical3A_498 : i32 to vector<16xi32>
          %shift_right_logical3A_500 = arith.shrui %get3A_490, %shift_right_logical3A_499 : vector<16xi32>
          %swap3A_501 = arith.constant 64 : index
          %swap3A_502 = tpu.vector_load %arg13[%swap3A_501] {strides = array<i32>} : memref<128xi32, #tpu.memory_space<vmem>>, vector<16xi32>,
          %swap3A_503 = vector.shape_cast %swap3A_502 : vector<16xi32> to vector<16xi32>
          %swap3A_504 = vector.shape_cast %shift_right_logical3A_500 : vector<16xi32> to vector<16xi32>
          tpu.vector_store %arg13[%swap3A_501], %swap3A_504 {strides = array<i32>} : memref<128xi32, #tpu.memory_space<vmem>>, vector<16xi32>,
          %get3A_505 = arith.index_cast %add3A_414 : i32 to index
          %get3A_506 = arith.constant 80 : index
          %get3A_507 = tpu.vector_load %arg10[%get3A_505, %get3A_506] {strides = array<i32>} : memref<79x128xi32, #tpu.memory_space<vmem>>, vector<1x16xi32>,
          %get3A_508 = vector.shape_cast %get3A_507 : vector<1x16xi32> to vector<16xi32>
          %and3A_509 = arith.constant 65535 : i32
          %and3A_510 = vector.broadcast %and3A_509 : i32 to vector<16xi32>
          %and3A_511 = arith.andi %get3A_508, %and3A_510 : vector<16xi32>
          %swap3A_512 = arith.constant 80 : index
          %swap3A_513 = tpu.vector_load %arg11[%swap3A_512] {strides = array<i32>} : memref<128xi32, #tpu.memory_space<vmem>>, vector<16xi32>,
          %swap3A_514 = vector.shape_cast %swap3A_513 : vector<16xi32> to vector<16xi32>
          %swap3A_515 = vector.shape_cast %and3A_511 : vector<16xi32> to vector<16xi32>
          tpu.vector_store %arg11[%swap3A_512], %swap3A_515 {strides = array<i32>} : memref<128xi32, #tpu.memory_space<vmem>>, vector<16xi32>,
          %shift_right_logical3A_516 = arith.constant 16 : i32
          %shift_right_logical3A_517 = vector.broadcast %shift_right_logical3A_516 : i32 to vector<16xi32>
          %shift_right_logical3A_518 = arith.shrui %get3A_508, %shift_right_logical3A_517 : vector<16xi32>
          %swap3A_519 = arith.constant 80 : index
          %swap3A_520 = tpu.vector_load %arg13[%swap3A_519] {strides = array<i32>} : memref<128xi32, #tpu.memory_space<vmem>>, vector<16xi32>,
          %swap3A_521 = vector.shape_cast %swap3A_520 : vector<16xi32> to vector<16xi32>
          %swap3A_522 = vector.shape_cast %shift_right_logical3A_518 : vector<16xi32> to vector<16xi32>
          tpu.vector_store %arg13[%swap3A_519], %swap3A_522 {strides = array<i32>} : memref<128xi32, #tpu.memory_space<vmem>>, vector<16xi32>,
          %get3A_523 = arith.index_cast %add3A_414 : i32 to index
          %get3A_524 = arith.constant 96 : index
          %get3A_525 = tpu.vector_load %arg10[%get3A_523, %get3A_524] {strides = array<i32>} : memref<79x128xi32, #tpu.memory_space<vmem>>, vector<1x16xi32>,
          %get3A_526 = vector.shape_cast %get3A_525 : vector<1x16xi32> to vector<16xi32>
          %and3A_527 = arith.constant 65535 : i32
          %and3A_528 = vector.broadcast %and3A_527 : i32 to vector<16xi32>
          %and3A_529 = arith.andi %get3A_526, %and3A_528 : vector<16xi32>
          %swap3A_530 = arith.constant 96 : index
          %swap3A_531 = tpu.vector_load %arg11[%swap3A_530] {strides = array<i32>} : memref<128xi32, #tpu.memory_space<vmem>>, vector<16xi32>,
          %swap3A_532 = vector.shape_cast %swap3A_531 : vector<16xi32> to vector<16xi32>
          %swap3A_533 = vector.shape_cast %and3A_529 : vector<16xi32> to vector<16xi32>
          tpu.vector_store %arg11[%swap3A_530], %swap3A_533 {strides = array<i32>} : memref<128xi32, #tpu.memory_space<vmem>>, vector<16xi32>,
          %shift_right_logical3A_534 = arith.constant 16 : i32
          %shift_right_logical3A_535 = vector.broadcast %shift_right_logical3A_534 : i32 to vector<16xi32>
          %shift_right_logical3A_536 = arith.shrui %get3A_526, %shift_right_logical3A_535 : vector<16xi32>
          %swap3A_537 = arith.constant 96 : index
          %swap3A_538 = tpu.vector_load %arg13[%swap3A_537] {strides = array<i32>} : memref<128xi32, #tpu.memory_space<vmem>>, vector<16xi32>,
          %swap3A_539 = vector.shape_cast %swap3A_538 : vector<16xi32> to vector<16xi32>
          %swap3A_540 = vector.shape_cast %shift_right_logical3A_536 : vector<16xi32> to vector<16xi32>
          tpu.vector_store %arg13[%swap3A_537], %swap3A_540 {strides = array<i32>} : memref<128xi32, #tpu.memory_space<vmem>>, vector<16xi32>,
          %get3A_541 = arith.index_cast %add3A_414 : i32 to index
          %get3A_542 = arith.constant 112 : index
          %get3A_543 = tpu.vector_load %arg10[%get3A_541, %get3A_542] {strides = array<i32>} : memref<79x128xi32, #tpu.memory_space<vmem>>, vector<1x16xi32>,
          %get3A_544 = vector.shape_cast %get3A_543 : vector<1x16xi32> to vector<16xi32>
          %and3A_545 = arith.constant 65535 : i32
          %and3A_546 = vector.broadcast %and3A_545 : i32 to vector<16xi32>
          %and3A_547 = arith.andi %get3A_544, %and3A_546 : vector<16xi32>
          %swap3A_548 = arith.constant 112 : index
          %swap3A_549 = tpu.vector_load %arg11[%swap3A_548] {strides = array<i32>} : memref<128xi32, #tpu.memory_space<vmem>>, vector<16xi32>,
          %swap3A_550 = vector.shape_cast %swap3A_549 : vector<16xi32> to vector<16xi32>
          %swap3A_551 = vector.shape_cast %and3A_547 : vector<16xi32> to vector<16xi32>
          tpu.vector_store %arg11[%swap3A_548], %swap3A_551 {strides = array<i32>} : memref<128xi32, #tpu.memory_space<vmem>>, vector<16xi32>,
          %shift_right_logical3A_552 = arith.constant 16 : i32
          %shift_right_logical3A_553 = vector.broadcast %shift_right_logical3A_552 : i32 to vector<16xi32>
          %shift_right_logical3A_554 = arith.shrui %get3A_544, %shift_right_logical3A_553 : vector<16xi32>
          %swap3A_555 = arith.constant 112 : index
          %swap3A_556 = tpu.vector_load %arg13[%swap3A_555] {strides = array<i32>} : memref<128xi32, #tpu.memory_space<vmem>>, vector<16xi32>,
          %swap3A_557 = vector.shape_cast %swap3A_556 : vector<16xi32> to vector<16xi32>
          %swap3A_558 = vector.shape_cast %shift_right_logical3A_554 : vector<16xi32> to vector<16xi32>
          tpu.vector_store %arg13[%swap3A_555], %swap3A_558 {strides = array<i32>} : memref<128xi32, #tpu.memory_space<vmem>>, vector<16xi32>,
          %dma_start3A_559 = arith.constant 0 : i32
          %dma_start3A_560 = arith.constant 0 : i32
          %dma_start3A_561 = tpu.memref_slice %arg2[%dma_start3A_559, %dma_start3A_560] : memref<10000x128xf32, #tpu.memory_space<hbm>> -> memref<10000x128xf32, #tpu.memory_space<hbm>>
          tpu.enqueue_indirect_dma source(%dma_start3A_561 : memref<10000x128xf32, #tpu.memory_space<hbm>>) target(%arg15 : memref<128x128xf32, #tpu.memory_space<vmem>>) offsets(%arg13 : memref<128xi32, #tpu.memory_space<vmem>>) semaphore(%arg18 : memref<!tpu.dma_semaphore, #tpu.memory_space<semaphore_mem>>)
        } else {
        }
        %add3A_401 = arith.constant 1 : i32
        %add3A_402 = arith.addi %mul3A_391, %add3A_401 : i32
        %dma_wait3A_403 = arith.constant 0 : i32
        %dma_wait3A_404 = arith.constant 0 : i32
        %dma_wait3A_405 = tpu.memref_slice %arg2[%dma_wait3A_403, %dma_wait3A_404] : memref<10000x128xf32, #tpu.memory_space<hbm>> -> memref<10000x128xf32, #tpu.memory_space<hbm>>
        tpu.wait_indirect_dma semaphore(%arg19 : memref<!tpu.dma_semaphore, #tpu.memory_space<semaphore_mem>>) src(%dma_wait3A_405 : memref<10000x128xf32, #tpu.memory_space<hbm>>) dst(%arg16 : memref<128x128xf32, #tpu.memory_space<vmem>>)
        "tpu.region"() ({
          %run_scoped3A = tpu.sem_alloc : memref<!tpu.dma_semaphore, #tpu.memory_space<semaphore_mem>>
          %dma_start3A_413 = arith.constant 0 : i32
          %dma_start3A_414 = arith.constant 0 : i32
          %dma_start3A_415 = tpu.memref_slice %arg17[%dma_start3A_413, %dma_start3A_414] : memref<10240x128xf32, #tpu.memory_space<vmem_shared>> -> memref<10240x128xf32, #tpu.memory_space<vmem_shared>>
          tpu.enqueue_indirect_dma source(%arg16 : memref<128x128xf32, #tpu.memory_space<vmem>>) target(%dma_start3A_415 : memref<10240x128xf32, #tpu.memory_space<vmem_shared>>) offsets(%arg12 : memref<128xi32, #tpu.memory_space<vmem>>) semaphore(%run_scoped3A : memref<!tpu.dma_semaphore, #tpu.memory_space<semaphore_mem>>) {add = true}
          %dma_wait3A_416 = arith.constant 0 : i32
          %dma_wait3A_417 = arith.constant 0 : i32
          %dma_wait3A_418 = tpu.memref_slice %arg17[%dma_wait3A_416, %dma_wait3A_417] : memref<10240x128xf32, #tpu.memory_space<vmem_shared>> -> memref<10240x128xf32, #tpu.memory_space<vmem_shared>>
          tpu.wait_indirect_dma semaphore(%run_scoped3A : memref<!tpu.dma_semaphore, #tpu.memory_space<semaphore_mem>>) src(%arg16 : memref<128x128xf32, #tpu.memory_space<vmem>>) dst(%dma_wait3A_418 : memref<10240x128xf32, #tpu.memory_space<vmem_shared>>)
          tpu.yield
        }) : () -> ()
        "tpu.region"() ({
          %run_scoped3A = tpu.sem_alloc : memref<!tpu.dma_semaphore, #tpu.memory_space<semaphore_mem>>
          %dma_start3A_413 = arith.constant 0 : i32
          %dma_start3A_414 = tpu.memref_slice %arg21[%dma_start3A_413] : memref<10240xf32, #tpu.memory_space<vmem_shared>> -> memref<10240xf32, #tpu.memory_space<vmem_shared>>
          tpu.enqueue_indirect_dma source(%arg20 : memref<128xf32, #tpu.memory_space<vmem>>) target(%dma_start3A_414 : memref<10240xf32, #tpu.memory_space<vmem_shared>>) offsets(%arg12 : memref<128xi32, #tpu.memory_space<vmem>>) semaphore(%run_scoped3A : memref<!tpu.dma_semaphore, #tpu.memory_space<semaphore_mem>>) {add = true}
          %dma_wait3A_415 = arith.constant 0 : i32
          %dma_wait3A_416 = tpu.memref_slice %arg21[%dma_wait3A_415] : memref<10240xf32, #tpu.memory_space<vmem_shared>> -> memref<10240xf32, #tpu.memory_space<vmem_shared>>
          tpu.wait_indirect_dma semaphore(%run_scoped3A : memref<!tpu.dma_semaphore, #tpu.memory_space<semaphore_mem>>) src(%arg20 : memref<128xf32, #tpu.memory_space<vmem>>) dst(%dma_wait3A_416 : memref<10240xf32, #tpu.memory_space<vmem_shared>>)
          tpu.yield
        }) : () -> ()
        %add3A_406 = arith.constant 3 : i32
        %add3A_407 = arith.addi %mul3A_391, %add3A_406 : i32
        %lt3A_408 = arith.constant 79 : i32
        %lt3A_409 = arith.cmpi slt, %add3A_407, %lt3A_408 : i32
        %convert_element_type3A_410 = arith.extui %lt3A_409 : i1 to i32
        %cond3A_411 = arith.constant 0 : i32
        %cond3A_412 = arith.cmpi ne, %convert_element_type3A_410, %cond3A_411 : i32
        scf.if %cond3A_412 {
          %add3A_413 = arith.constant 3 : i32
          %add3A_414 = arith.addi %mul3A_391, %add3A_413 : i32
          %get3A_415 = arith.index_cast %add3A_414 : i32 to index
          %get3A_416 = arith.constant 0 : index
          %get3A_417 = tpu.vector_load %arg10[%get3A_415, %get3A_416] {strides = array<i32>} : memref<79x128xi32, #tpu.memory_space<vmem>>, vector<1x16xi32>,
          %get3A_418 = vector.shape_cast %get3A_417 : vector<1x16xi32> to vector<16xi32>
          %and3A_419 = arith.constant 65535 : i32
          %and3A_420 = vector.broadcast %and3A_419 : i32 to vector<16xi32>
          %and3A_421 = arith.andi %get3A_418, %and3A_420 : vector<16xi32>
          %swap3A_422 = arith.constant 0 : index
          %swap3A_423 = tpu.vector_load %arg12[%swap3A_422] {strides = array<i32>} : memref<128xi32, #tpu.memory_space<vmem>>, vector<16xi32>,
          %swap3A_424 = vector.shape_cast %swap3A_423 : vector<16xi32> to vector<16xi32>
          %swap3A_425 = vector.shape_cast %and3A_421 : vector<16xi32> to vector<16xi32>
          tpu.vector_store %arg12[%swap3A_422], %swap3A_425 {strides = array<i32>} : memref<128xi32, #tpu.memory_space<vmem>>, vector<16xi32>,
          %shift_right_logical3A_426 = arith.constant 16 : i32
          %shift_right_logical3A_427 = vector.broadcast %shift_right_logical3A_426 : i32 to vector<16xi32>
          %shift_right_logical3A_428 = arith.shrui %get3A_418, %shift_right_logical3A_427 : vector<16xi32>
          %swap3A_429 = arith.constant 0 : index
          %swap3A_430 = tpu.vector_load %arg14[%swap3A_429] {strides = array<i32>} : memref<128xi32, #tpu.memory_space<vmem>>, vector<16xi32>,
          %swap3A_431 = vector.shape_cast %swap3A_430 : vector<16xi32> to vector<16xi32>
          %swap3A_432 = vector.shape_cast %shift_right_logical3A_428 : vector<16xi32> to vector<16xi32>
          tpu.vector_store %arg14[%swap3A_429], %swap3A_432 {strides = array<i32>} : memref<128xi32, #tpu.memory_space<vmem>>, vector<16xi32>,
          %get3A_433 = arith.index_cast %add3A_414 : i32 to index
          %get3A_434 = arith.constant 16 : index
          %get3A_435 = tpu.vector_load %arg10[%get3A_433, %get3A_434] {strides = array<i32>} : memref<79x128xi32, #tpu.memory_space<vmem>>, vector<1x16xi32>,
          %get3A_436 = vector.shape_cast %get3A_435 : vector<1x16xi32> to vector<16xi32>
          %and3A_437 = arith.constant 65535 : i32
          %and3A_438 = vector.broadcast %and3A_437 : i32 to vector<16xi32>
          %and3A_439 = arith.andi %get3A_436, %and3A_438 : vector<16xi32>
          %swap3A_440 = arith.constant 16 : index
          %swap3A_441 = tpu.vector_load %arg12[%swap3A_440] {strides = array<i32>} : memref<128xi32, #tpu.memory_space<vmem>>, vector<16xi32>,
          %swap3A_442 = vector.shape_cast %swap3A_441 : vector<16xi32> to vector<16xi32>
          %swap3A_443 = vector.shape_cast %and3A_439 : vector<16xi32> to vector<16xi32>
          tpu.vector_store %arg12[%swap3A_440], %swap3A_443 {strides = array<i32>} : memref<128xi32, #tpu.memory_space<vmem>>, vector<16xi32>,
          %shift_right_logical3A_444 = arith.constant 16 : i32
          %shift_right_logical3A_445 = vector.broadcast %shift_right_logical3A_444 : i32 to vector<16xi32>
          %shift_right_logical3A_446 = arith.shrui %get3A_436, %shift_right_logical3A_445 : vector<16xi32>
          %swap3A_447 = arith.constant 16 : index
          %swap3A_448 = tpu.vector_load %arg14[%swap3A_447] {strides = array<i32>} : memref<128xi32, #tpu.memory_space<vmem>>, vector<16xi32>,
          %swap3A_449 = vector.shape_cast %swap3A_448 : vector<16xi32> to vector<16xi32>
          %swap3A_450 = vector.shape_cast %shift_right_logical3A_446 : vector<16xi32> to vector<16xi32>
          tpu.vector_store %arg14[%swap3A_447], %swap3A_450 {strides = array<i32>} : memref<128xi32, #tpu.memory_space<vmem>>, vector<16xi32>,
          %get3A_451 = arith.index_cast %add3A_414 : i32 to index
          %get3A_452 = arith.constant 32 : index
          %get3A_453 = tpu.vector_load %arg10[%get3A_451, %get3A_452] {strides = array<i32>} : memref<79x128xi32, #tpu.memory_space<vmem>>, vector<1x16xi32>,
          %get3A_454 = vector.shape_cast %get3A_453 : vector<1x16xi32> to vector<16xi32>
          %and3A_455 = arith.constant 65535 : i32
          %and3A_456 = vector.broadcast %and3A_455 : i32 to vector<16xi32>
          %and3A_457 = arith.andi %get3A_454, %and3A_456 : vector<16xi32>
          %swap3A_458 = arith.constant 32 : index
          %swap3A_459 = tpu.vector_load %arg12[%swap3A_458] {strides = array<i32>} : memref<128xi32, #tpu.memory_space<vmem>>, vector<16xi32>,
          %swap3A_460 = vector.shape_cast %swap3A_459 : vector<16xi32> to vector<16xi32>
          %swap3A_461 = vector.shape_cast %and3A_457 : vector<16xi32> to vector<16xi32>
          tpu.vector_store %arg12[%swap3A_458], %swap3A_461 {strides = array<i32>} : memref<128xi32, #tpu.memory_space<vmem>>, vector<16xi32>,
          %shift_right_logical3A_462 = arith.constant 16 : i32
          %shift_right_logical3A_463 = vector.broadcast %shift_right_logical3A_462 : i32 to vector<16xi32>
          %shift_right_logical3A_464 = arith.shrui %get3A_454, %shift_right_logical3A_463 : vector<16xi32>
          %swap3A_465 = arith.constant 32 : index
          %swap3A_466 = tpu.vector_load %arg14[%swap3A_465] {strides = array<i32>} : memref<128xi32, #tpu.memory_space<vmem>>, vector<16xi32>,
          %swap3A_467 = vector.shape_cast %swap3A_466 : vector<16xi32> to vector<16xi32>
          %swap3A_468 = vector.shape_cast %shift_right_logical3A_464 : vector<16xi32> to vector<16xi32>
          tpu.vector_store %arg14[%swap3A_465], %swap3A_468 {strides = array<i32>} : memref<128xi32, #tpu.memory_space<vmem>>, vector<16xi32>,
          %get3A_469 = arith.index_cast %add3A_414 : i32 to index
          %get3A_470 = arith.constant 48 : index
          %get3A_471 = tpu.vector_load %arg10[%get3A_469, %get3A_470] {strides = array<i32>} : memref<79x128xi32, #tpu.memory_space<vmem>>, vector<1x16xi32>,
          %get3A_472 = vector.shape_cast %get3A_471 : vector<1x16xi32> to vector<16xi32>
          %and3A_473 = arith.constant 65535 : i32
          %and3A_474 = vector.broadcast %and3A_473 : i32 to vector<16xi32>
          %and3A_475 = arith.andi %get3A_472, %and3A_474 : vector<16xi32>
          %swap3A_476 = arith.constant 48 : index
          %swap3A_477 = tpu.vector_load %arg12[%swap3A_476] {strides = array<i32>} : memref<128xi32, #tpu.memory_space<vmem>>, vector<16xi32>,
          %swap3A_478 = vector.shape_cast %swap3A_477 : vector<16xi32> to vector<16xi32>
          %swap3A_479 = vector.shape_cast %and3A_475 : vector<16xi32> to vector<16xi32>
          tpu.vector_store %arg12[%swap3A_476], %swap3A_479 {strides = array<i32>} : memref<128xi32, #tpu.memory_space<vmem>>, vector<16xi32>,
          %shift_right_logical3A_480 = arith.constant 16 : i32
          %shift_right_logical3A_481 = vector.broadcast %shift_right_logical3A_480 : i32 to vector<16xi32>
          %shift_right_logical3A_482 = arith.shrui %get3A_472, %shift_right_logical3A_481 : vector<16xi32>
          %swap3A_483 = arith.constant 48 : index
          %swap3A_484 = tpu.vector_load %arg14[%swap3A_483] {strides = array<i32>} : memref<128xi32, #tpu.memory_space<vmem>>, vector<16xi32>,
          %swap3A_485 = vector.shape_cast %swap3A_484 : vector<16xi32> to vector<16xi32>
          %swap3A_486 = vector.shape_cast %shift_right_logical3A_482 : vector<16xi32> to vector<16xi32>
          tpu.vector_store %arg14[%swap3A_483], %swap3A_486 {strides = array<i32>} : memref<128xi32, #tpu.memory_space<vmem>>, vector<16xi32>,
          %get3A_487 = arith.index_cast %add3A_414 : i32 to index
          %get3A_488 = arith.constant 64 : index
          %get3A_489 = tpu.vector_load %arg10[%get3A_487, %get3A_488] {strides = array<i32>} : memref<79x128xi32, #tpu.memory_space<vmem>>, vector<1x16xi32>,
          %get3A_490 = vector.shape_cast %get3A_489 : vector<1x16xi32> to vector<16xi32>
          %and3A_491 = arith.constant 65535 : i32
          %and3A_492 = vector.broadcast %and3A_491 : i32 to vector<16xi32>
          %and3A_493 = arith.andi %get3A_490, %and3A_492 : vector<16xi32>
          %swap3A_494 = arith.constant 64 : index
          %swap3A_495 = tpu.vector_load %arg12[%swap3A_494] {strides = array<i32>} : memref<128xi32, #tpu.memory_space<vmem>>, vector<16xi32>,
          %swap3A_496 = vector.shape_cast %swap3A_495 : vector<16xi32> to vector<16xi32>
          %swap3A_497 = vector.shape_cast %and3A_493 : vector<16xi32> to vector<16xi32>
          tpu.vector_store %arg12[%swap3A_494], %swap3A_497 {strides = array<i32>} : memref<128xi32, #tpu.memory_space<vmem>>, vector<16xi32>,
          %shift_right_logical3A_498 = arith.constant 16 : i32
          %shift_right_logical3A_499 = vector.broadcast %shift_right_logical3A_498 : i32 to vector<16xi32>
          %shift_right_logical3A_500 = arith.shrui %get3A_490, %shift_right_logical3A_499 : vector<16xi32>
          %swap3A_501 = arith.constant 64 : index
          %swap3A_502 = tpu.vector_load %arg14[%swap3A_501] {strides = array<i32>} : memref<128xi32, #tpu.memory_space<vmem>>, vector<16xi32>,
          %swap3A_503 = vector.shape_cast %swap3A_502 : vector<16xi32> to vector<16xi32>
          %swap3A_504 = vector.shape_cast %shift_right_logical3A_500 : vector<16xi32> to vector<16xi32>
          tpu.vector_store %arg14[%swap3A_501], %swap3A_504 {strides = array<i32>} : memref<128xi32, #tpu.memory_space<vmem>>, vector<16xi32>,
          %get3A_505 = arith.index_cast %add3A_414 : i32 to index
          %get3A_506 = arith.constant 80 : index
          %get3A_507 = tpu.vector_load %arg10[%get3A_505, %get3A_506] {strides = array<i32>} : memref<79x128xi32, #tpu.memory_space<vmem>>, vector<1x16xi32>,
          %get3A_508 = vector.shape_cast %get3A_507 : vector<1x16xi32> to vector<16xi32>
          %and3A_509 = arith.constant 65535 : i32
          %and3A_510 = vector.broadcast %and3A_509 : i32 to vector<16xi32>
          %and3A_511 = arith.andi %get3A_508, %and3A_510 : vector<16xi32>
          %swap3A_512 = arith.constant 80 : index
          %swap3A_513 = tpu.vector_load %arg12[%swap3A_512] {strides = array<i32>} : memref<128xi32, #tpu.memory_space<vmem>>, vector<16xi32>,
          %swap3A_514 = vector.shape_cast %swap3A_513 : vector<16xi32> to vector<16xi32>
          %swap3A_515 = vector.shape_cast %and3A_511 : vector<16xi32> to vector<16xi32>
          tpu.vector_store %arg12[%swap3A_512], %swap3A_515 {strides = array<i32>} : memref<128xi32, #tpu.memory_space<vmem>>, vector<16xi32>,
          %shift_right_logical3A_516 = arith.constant 16 : i32
          %shift_right_logical3A_517 = vector.broadcast %shift_right_logical3A_516 : i32 to vector<16xi32>
          %shift_right_logical3A_518 = arith.shrui %get3A_508, %shift_right_logical3A_517 : vector<16xi32>
          %swap3A_519 = arith.constant 80 : index
          %swap3A_520 = tpu.vector_load %arg14[%swap3A_519] {strides = array<i32>} : memref<128xi32, #tpu.memory_space<vmem>>, vector<16xi32>,
          %swap3A_521 = vector.shape_cast %swap3A_520 : vector<16xi32> to vector<16xi32>
          %swap3A_522 = vector.shape_cast %shift_right_logical3A_518 : vector<16xi32> to vector<16xi32>
          tpu.vector_store %arg14[%swap3A_519], %swap3A_522 {strides = array<i32>} : memref<128xi32, #tpu.memory_space<vmem>>, vector<16xi32>,
          %get3A_523 = arith.index_cast %add3A_414 : i32 to index
          %get3A_524 = arith.constant 96 : index
          %get3A_525 = tpu.vector_load %arg10[%get3A_523, %get3A_524] {strides = array<i32>} : memref<79x128xi32, #tpu.memory_space<vmem>>, vector<1x16xi32>,
          %get3A_526 = vector.shape_cast %get3A_525 : vector<1x16xi32> to vector<16xi32>
          %and3A_527 = arith.constant 65535 : i32
          %and3A_528 = vector.broadcast %and3A_527 : i32 to vector<16xi32>
          %and3A_529 = arith.andi %get3A_526, %and3A_528 : vector<16xi32>
          %swap3A_530 = arith.constant 96 : index
          %swap3A_531 = tpu.vector_load %arg12[%swap3A_530] {strides = array<i32>} : memref<128xi32, #tpu.memory_space<vmem>>, vector<16xi32>,
          %swap3A_532 = vector.shape_cast %swap3A_531 : vector<16xi32> to vector<16xi32>
          %swap3A_533 = vector.shape_cast %and3A_529 : vector<16xi32> to vector<16xi32>
          tpu.vector_store %arg12[%swap3A_530], %swap3A_533 {strides = array<i32>} : memref<128xi32, #tpu.memory_space<vmem>>, vector<16xi32>,
          %shift_right_logical3A_534 = arith.constant 16 : i32
          %shift_right_logical3A_535 = vector.broadcast %shift_right_logical3A_534 : i32 to vector<16xi32>
          %shift_right_logical3A_536 = arith.shrui %get3A_526, %shift_right_logical3A_535 : vector<16xi32>
          %swap3A_537 = arith.constant 96 : index
          %swap3A_538 = tpu.vector_load %arg14[%swap3A_537] {strides = array<i32>} : memref<128xi32, #tpu.memory_space<vmem>>, vector<16xi32>,
          %swap3A_539 = vector.shape_cast %swap3A_538 : vector<16xi32> to vector<16xi32>
          %swap3A_540 = vector.shape_cast %shift_right_logical3A_536 : vector<16xi32> to vector<16xi32>
          tpu.vector_store %arg14[%swap3A_537], %swap3A_540 {strides = array<i32>} : memref<128xi32, #tpu.memory_space<vmem>>, vector<16xi32>,
          %get3A_541 = arith.index_cast %add3A_414 : i32 to index
          %get3A_542 = arith.constant 112 : index
          %get3A_543 = tpu.vector_load %arg10[%get3A_541, %get3A_542] {strides = array<i32>} : memref<79x128xi32, #tpu.memory_space<vmem>>, vector<1x16xi32>,
          %get3A_544 = vector.shape_cast %get3A_543 : vector<1x16xi32> to vector<16xi32>
          %and3A_545 = arith.constant 65535 : i32
          %and3A_546 = vector.broadcast %and3A_545 : i32 to vector<16xi32>
          %and3A_547 = arith.andi %get3A_544, %and3A_546 : vector<16xi32>
          %swap3A_548 = arith.constant 112 : index
          %swap3A_549 = tpu.vector_load %arg12[%swap3A_548] {strides = array<i32>} : memref<128xi32, #tpu.memory_space<vmem>>, vector<16xi32>,
          %swap3A_550 = vector.shape_cast %swap3A_549 : vector<16xi32> to vector<16xi32>
          %swap3A_551 = vector.shape_cast %and3A_547 : vector<16xi32> to vector<16xi32>
          tpu.vector_store %arg12[%swap3A_548], %swap3A_551 {strides = array<i32>} : memref<128xi32, #tpu.memory_space<vmem>>, vector<16xi32>,
          %shift_right_logical3A_552 = arith.constant 16 : i32
          %shift_right_logical3A_553 = vector.broadcast %shift_right_logical3A_552 : i32 to vector<16xi32>
          %shift_right_logical3A_554 = arith.shrui %get3A_544, %shift_right_logical3A_553 : vector<16xi32>
          %swap3A_555 = arith.constant 112 : index
          %swap3A_556 = tpu.vector_load %arg14[%swap3A_555] {strides = array<i32>} : memref<128xi32, #tpu.memory_space<vmem>>, vector<16xi32>,
          %swap3A_557 = vector.shape_cast %swap3A_556 : vector<16xi32> to vector<16xi32>
          %swap3A_558 = vector.shape_cast %shift_right_logical3A_554 : vector<16xi32> to vector<16xi32>
          tpu.vector_store %arg14[%swap3A_555], %swap3A_558 {strides = array<i32>} : memref<128xi32, #tpu.memory_space<vmem>>, vector<16xi32>,
          %dma_start3A_559 = arith.constant 0 : i32
          %dma_start3A_560 = arith.constant 0 : i32
          %dma_start3A_561 = tpu.memref_slice %arg2[%dma_start3A_559, %dma_start3A_560] : memref<10000x128xf32, #tpu.memory_space<hbm>> -> memref<10000x128xf32, #tpu.memory_space<hbm>>
          tpu.enqueue_indirect_dma source(%dma_start3A_561 : memref<10000x128xf32, #tpu.memory_space<hbm>>) target(%arg16 : memref<128x128xf32, #tpu.memory_space<vmem>>) offsets(%arg14 : memref<128xi32, #tpu.memory_space<vmem>>) semaphore(%arg19 : memref<!tpu.dma_semaphore, #tpu.memory_space<semaphore_mem>>)
        } else {
        }
      }
      %scan3A_386 = arith.constant 39 : i32
      %dma_wait3A = arith.constant 0 : i32
      %dma_wait3A_387 = arith.constant 0 : i32
      %dma_wait3A_388 = tpu.memref_slice %arg2[%dma_wait3A, %dma_wait3A_387] : memref<10000x128xf32, #tpu.memory_space<hbm>> -> memref<10000x128xf32, #tpu.memory_space<hbm>>
      tpu.wait_indirect_dma semaphore(%arg18 : memref<!tpu.dma_semaphore, #tpu.memory_space<semaphore_mem>>) src(%dma_wait3A_388 : memref<10000x128xf32, #tpu.memory_space<hbm>>) dst(%arg15 : memref<128x128xf32, #tpu.memory_space<vmem>>)
      "tpu.region"() ({
        %run_scoped3A = tpu.sem_alloc : memref<!tpu.dma_semaphore, #tpu.memory_space<semaphore_mem>>
        %dma_start3A_389 = arith.constant 0 : i32
        %dma_start3A_390 = arith.constant 0 : i32
        %dma_start3A_391 = tpu.memref_slice %arg17[%dma_start3A_389, %dma_start3A_390] : memref<10240x128xf32, #tpu.memory_space<vmem_shared>> -> memref<10240x128xf32, #tpu.memory_space<vmem_shared>>
        tpu.enqueue_indirect_dma source(%arg15 : memref<128x128xf32, #tpu.memory_space<vmem>>) target(%dma_start3A_391 : memref<10240x128xf32, #tpu.memory_space<vmem_shared>>) offsets(%arg11 : memref<128xi32, #tpu.memory_space<vmem>>) semaphore(%run_scoped3A : memref<!tpu.dma_semaphore, #tpu.memory_space<semaphore_mem>>) {add = true}
        %dma_wait3A_392 = arith.constant 0 : i32
        %dma_wait3A_393 = arith.constant 0 : i32
        %dma_wait3A_394 = tpu.memref_slice %arg17[%dma_wait3A_392, %dma_wait3A_393] : memref<10240x128xf32, #tpu.memory_space<vmem_shared>> -> memref<10240x128xf32, #tpu.memory_space<vmem_shared>>
        tpu.wait_indirect_dma semaphore(%run_scoped3A : memref<!tpu.dma_semaphore, #tpu.memory_space<semaphore_mem>>) src(%arg15 : memref<128x128xf32, #tpu.memory_space<vmem>>) dst(%dma_wait3A_394 : memref<10240x128xf32, #tpu.memory_space<vmem_shared>>)
        tpu.yield
      }) : () -> ()
      "tpu.region"() ({
        %run_scoped3A = tpu.sem_alloc : memref<!tpu.dma_semaphore, #tpu.memory_space<semaphore_mem>>
        %dma_start3A_389 = arith.constant 0 : i32
        %dma_start3A_390 = tpu.memref_slice %arg21[%dma_start3A_389] : memref<10240xf32, #tpu.memory_space<vmem_shared>> -> memref<10240xf32, #tpu.memory_space<vmem_shared>>
        tpu.enqueue_indirect_dma source(%arg20 : memref<128xf32, #tpu.memory_space<vmem>>) target(%dma_start3A_390 : memref<10240xf32, #tpu.memory_space<vmem_shared>>) offsets(%arg11 : memref<128xi32, #tpu.memory_space<vmem>>) semaphore(%run_scoped3A : memref<!tpu.dma_semaphore, #tpu.memory_space<semaphore_mem>>) {add = true}
        %dma_wait3A_391 = arith.constant 0 : i32
        %dma_wait3A_392 = tpu.memref_slice %arg21[%dma_wait3A_391] : memref<10240xf32, #tpu.memory_space<vmem_shared>> -> memref<10240xf32, #tpu.memory_space<vmem_shared>>
        tpu.wait_indirect_dma semaphore(%run_scoped3A : memref<!tpu.dma_semaphore, #tpu.memory_space<semaphore_mem>>) src(%arg20 : memref<128xf32, #tpu.memory_space<vmem>>) dst(%dma_wait3A_392 : memref<10240xf32, #tpu.memory_space<vmem_shared>>)
        tpu.yield
      }) : () -> ()
    } else {
    }
    %eq3A_53 = arith.constant 1 : i32
    %eq3A_54 = arith.cmpi eq, %arg0, %eq3A_53 : i32
    %convert_element_type3A_55 = arith.extui %eq3A_54 : i1 to i32
    %cond3A_56 = arith.constant 0 : i32
    %cond3A_57 = arith.cmpi ne, %convert_element_type3A_55, %cond3A_56 : i32
    scf.if %cond3A_57 {
      %get3A = arith.constant 0 : i32
      %get3A_76 = arith.index_cast %get3A : i32 to index
      %get3A_77 = arith.constant 0 : index
      %get3A_78 = tpu.vector_load %arg10[%get3A_76, %get3A_77] {strides = array<i32>} : memref<79x128xi32, #tpu.memory_space<vmem>>, vector<1x16xi32>,
      %get3A_79 = vector.shape_cast %get3A_78 : vector<1x16xi32> to vector<16xi32>
      %and3A = arith.constant 65535 : i32
      %and3A_80 = vector.broadcast %and3A : i32 to vector<16xi32>
      %and3A_81 = arith.andi %get3A_79, %and3A_80 : vector<16xi32>
      %swap3A_82 = arith.constant 0 : index
      %swap3A_83 = tpu.vector_load %arg11[%swap3A_82] {strides = array<i32>} : memref<128xi32, #tpu.memory_space<vmem>>, vector<16xi32>,
      %swap3A_84 = vector.shape_cast %swap3A_83 : vector<16xi32> to vector<16xi32>
      %swap3A_85 = vector.shape_cast %and3A_81 : vector<16xi32> to vector<16xi32>
      tpu.vector_store %arg11[%swap3A_82], %swap3A_85 {strides = array<i32>} : memref<128xi32, #tpu.memory_space<vmem>>, vector<16xi32>,
      %shift_right_logical3A = arith.constant 16 : i32
      %shift_right_logical3A_86 = vector.broadcast %shift_right_logical3A : i32 to vector<16xi32>
      %shift_right_logical3A_87 = arith.shrui %get3A_79, %shift_right_logical3A_86 : vector<16xi32>
      %swap3A_88 = arith.constant 0 : index
      %swap3A_89 = tpu.vector_load %arg13[%swap3A_88] {strides = array<i32>} : memref<128xi32, #tpu.memory_space<vmem>>, vector<16xi32>,
      %swap3A_90 = vector.shape_cast %swap3A_89 : vector<16xi32> to vector<16xi32>
      %swap3A_91 = vector.shape_cast %shift_right_logical3A_87 : vector<16xi32> to vector<16xi32>
      tpu.vector_store %arg13[%swap3A_88], %swap3A_91 {strides = array<i32>} : memref<128xi32, #tpu.memory_space<vmem>>, vector<16xi32>,
      %get3A_92 = arith.constant 0 : i32
      %get3A_93 = arith.index_cast %get3A_92 : i32 to index
      %get3A_94 = arith.constant 16 : index
      %get3A_95 = tpu.vector_load %arg10[%get3A_93, %get3A_94] {strides = array<i32>} : memref<79x128xi32, #tpu.memory_space<vmem>>, vector<1x16xi32>,
      %get3A_96 = vector.shape_cast %get3A_95 : vector<1x16xi32> to vector<16xi32>
      %and3A_97 = arith.constant 65535 : i32
      %and3A_98 = vector.broadcast %and3A_97 : i32 to vector<16xi32>
      %and3A_99 = arith.andi %get3A_96, %and3A_98 : vector<16xi32>
      %swap3A_100 = arith.constant 16 : index
      %swap3A_101 = tpu.vector_load %arg11[%swap3A_100] {strides = array<i32>} : memref<128xi32, #tpu.memory_space<vmem>>, vector<16xi32>,
      %swap3A_102 = vector.shape_cast %swap3A_101 : vector<16xi32> to vector<16xi32>
      %swap3A_103 = vector.shape_cast %and3A_99 : vector<16xi32> to vector<16xi32>
      tpu.vector_store %arg11[%swap3A_100], %swap3A_103 {strides = array<i32>} : memref<128xi32, #tpu.memory_space<vmem>>, vector<16xi32>,
      %shift_right_logical3A_104 = arith.constant 16 : i32
      %shift_right_logical3A_105 = vector.broadcast %shift_right_logical3A_104 : i32 to vector<16xi32>
      %shift_right_logical3A_106 = arith.shrui %get3A_96, %shift_right_logical3A_105 : vector<16xi32>
      %swap3A_107 = arith.constant 16 : index
      %swap3A_108 = tpu.vector_load %arg13[%swap3A_107] {strides = array<i32>} : memref<128xi32, #tpu.memory_space<vmem>>, vector<16xi32>,
      %swap3A_109 = vector.shape_cast %swap3A_108 : vector<16xi32> to vector<16xi32>
      %swap3A_110 = vector.shape_cast %shift_right_logical3A_106 : vector<16xi32> to vector<16xi32>
      tpu.vector_store %arg13[%swap3A_107], %swap3A_110 {strides = array<i32>} : memref<128xi32, #tpu.memory_space<vmem>>, vector<16xi32>,
      %get3A_111 = arith.constant 0 : i32
      %get3A_112 = arith.index_cast %get3A_111 : i32 to index
      %get3A_113 = arith.constant 32 : index
      %get3A_114 = tpu.vector_load %arg10[%get3A_112, %get3A_113] {strides = array<i32>} : memref<79x128xi32, #tpu.memory_space<vmem>>, vector<1x16xi32>,
      %get3A_115 = vector.shape_cast %get3A_114 : vector<1x16xi32> to vector<16xi32>
      %and3A_116 = arith.constant 65535 : i32
      %and3A_117 = vector.broadcast %and3A_116 : i32 to vector<16xi32>
      %and3A_118 = arith.andi %get3A_115, %and3A_117 : vector<16xi32>
      %swap3A_119 = arith.constant 32 : index
      %swap3A_120 = tpu.vector_load %arg11[%swap3A_119] {strides = array<i32>} : memref<128xi32, #tpu.memory_space<vmem>>, vector<16xi32>,
      %swap3A_121 = vector.shape_cast %swap3A_120 : vector<16xi32> to vector<16xi32>
      %swap3A_122 = vector.shape_cast %and3A_118 : vector<16xi32> to vector<16xi32>
      tpu.vector_store %arg11[%swap3A_119], %swap3A_122 {strides = array<i32>} : memref<128xi32, #tpu.memory_space<vmem>>, vector<16xi32>,
      %shift_right_logical3A_123 = arith.constant 16 : i32
      %shift_right_logical3A_124 = vector.broadcast %shift_right_logical3A_123 : i32 to vector<16xi32>
      %shift_right_logical3A_125 = arith.shrui %get3A_115, %shift_right_logical3A_124 : vector<16xi32>
      %swap3A_126 = arith.constant 32 : index
      %swap3A_127 = tpu.vector_load %arg13[%swap3A_126] {strides = array<i32>} : memref<128xi32, #tpu.memory_space<vmem>>, vector<16xi32>,
      %swap3A_128 = vector.shape_cast %swap3A_127 : vector<16xi32> to vector<16xi32>
      %swap3A_129 = vector.shape_cast %shift_right_logical3A_125 : vector<16xi32> to vector<16xi32>
      tpu.vector_store %arg13[%swap3A_126], %swap3A_129 {strides = array<i32>} : memref<128xi32, #tpu.memory_space<vmem>>, vector<16xi32>,
      %get3A_130 = arith.constant 0 : i32
      %get3A_131 = arith.index_cast %get3A_130 : i32 to index
      %get3A_132 = arith.constant 48 : index
      %get3A_133 = tpu.vector_load %arg10[%get3A_131, %get3A_132] {strides = array<i32>} : memref<79x128xi32, #tpu.memory_space<vmem>>, vector<1x16xi32>,
      %get3A_134 = vector.shape_cast %get3A_133 : vector<1x16xi32> to vector<16xi32>
      %and3A_135 = arith.constant 65535 : i32
      %and3A_136 = vector.broadcast %and3A_135 : i32 to vector<16xi32>
      %and3A_137 = arith.andi %get3A_134, %and3A_136 : vector<16xi32>
      %swap3A_138 = arith.constant 48 : index
      %swap3A_139 = tpu.vector_load %arg11[%swap3A_138] {strides = array<i32>} : memref<128xi32, #tpu.memory_space<vmem>>, vector<16xi32>,
      %swap3A_140 = vector.shape_cast %swap3A_139 : vector<16xi32> to vector<16xi32>
      %swap3A_141 = vector.shape_cast %and3A_137 : vector<16xi32> to vector<16xi32>
      tpu.vector_store %arg11[%swap3A_138], %swap3A_141 {strides = array<i32>} : memref<128xi32, #tpu.memory_space<vmem>>, vector<16xi32>,
      %shift_right_logical3A_142 = arith.constant 16 : i32
      %shift_right_logical3A_143 = vector.broadcast %shift_right_logical3A_142 : i32 to vector<16xi32>
      %shift_right_logical3A_144 = arith.shrui %get3A_134, %shift_right_logical3A_143 : vector<16xi32>
      %swap3A_145 = arith.constant 48 : index
      %swap3A_146 = tpu.vector_load %arg13[%swap3A_145] {strides = array<i32>} : memref<128xi32, #tpu.memory_space<vmem>>, vector<16xi32>,
      %swap3A_147 = vector.shape_cast %swap3A_146 : vector<16xi32> to vector<16xi32>
      %swap3A_148 = vector.shape_cast %shift_right_logical3A_144 : vector<16xi32> to vector<16xi32>
      tpu.vector_store %arg13[%swap3A_145], %swap3A_148 {strides = array<i32>} : memref<128xi32, #tpu.memory_space<vmem>>, vector<16xi32>,
      %get3A_149 = arith.constant 0 : i32
      %get3A_150 = arith.index_cast %get3A_149 : i32 to index
      %get3A_151 = arith.constant 64 : index
      %get3A_152 = tpu.vector_load %arg10[%get3A_150, %get3A_151] {strides = array<i32>} : memref<79x128xi32, #tpu.memory_space<vmem>>, vector<1x16xi32>,
      %get3A_153 = vector.shape_cast %get3A_152 : vector<1x16xi32> to vector<16xi32>
      %and3A_154 = arith.constant 65535 : i32
      %and3A_155 = vector.broadcast %and3A_154 : i32 to vector<16xi32>
      %and3A_156 = arith.andi %get3A_153, %and3A_155 : vector<16xi32>
      %swap3A_157 = arith.constant 64 : index
      %swap3A_158 = tpu.vector_load %arg11[%swap3A_157] {strides = array<i32>} : memref<128xi32, #tpu.memory_space<vmem>>, vector<16xi32>,
      %swap3A_159 = vector.shape_cast %swap3A_158 : vector<16xi32> to vector<16xi32>
      %swap3A_160 = vector.shape_cast %and3A_156 : vector<16xi32> to vector<16xi32>
      tpu.vector_store %arg11[%swap3A_157], %swap3A_160 {strides = array<i32>} : memref<128xi32, #tpu.memory_space<vmem>>, vector<16xi32>,
      %shift_right_logical3A_161 = arith.constant 16 : i32
      %shift_right_logical3A_162 = vector.broadcast %shift_right_logical3A_161 : i32 to vector<16xi32>
      %shift_right_logical3A_163 = arith.shrui %get3A_153, %shift_right_logical3A_162 : vector<16xi32>
      %swap3A_164 = arith.constant 64 : index
      %swap3A_165 = tpu.vector_load %arg13[%swap3A_164] {strides = array<i32>} : memref<128xi32, #tpu.memory_space<vmem>>, vector<16xi32>,
      %swap3A_166 = vector.shape_cast %swap3A_165 : vector<16xi32> to vector<16xi32>
      %swap3A_167 = vector.shape_cast %shift_right_logical3A_163 : vector<16xi32> to vector<16xi32>
      tpu.vector_store %arg13[%swap3A_164], %swap3A_167 {strides = array<i32>} : memref<128xi32, #tpu.memory_space<vmem>>, vector<16xi32>,
      %get3A_168 = arith.constant 0 : i32
      %get3A_169 = arith.index_cast %get3A_168 : i32 to index
      %get3A_170 = arith.constant 80 : index
      %get3A_171 = tpu.vector_load %arg10[%get3A_169, %get3A_170] {strides = array<i32>} : memref<79x128xi32, #tpu.memory_space<vmem>>, vector<1x16xi32>,
      %get3A_172 = vector.shape_cast %get3A_171 : vector<1x16xi32> to vector<16xi32>
      %and3A_173 = arith.constant 65535 : i32
      %and3A_174 = vector.broadcast %and3A_173 : i32 to vector<16xi32>
      %and3A_175 = arith.andi %get3A_172, %and3A_174 : vector<16xi32>
      %swap3A_176 = arith.constant 80 : index
      %swap3A_177 = tpu.vector_load %arg11[%swap3A_176] {strides = array<i32>} : memref<128xi32, #tpu.memory_space<vmem>>, vector<16xi32>,
      %swap3A_178 = vector.shape_cast %swap3A_177 : vector<16xi32> to vector<16xi32>
      %swap3A_179 = vector.shape_cast %and3A_175 : vector<16xi32> to vector<16xi32>
      tpu.vector_store %arg11[%swap3A_176], %swap3A_179 {strides = array<i32>} : memref<128xi32, #tpu.memory_space<vmem>>, vector<16xi32>,
      %shift_right_logical3A_180 = arith.constant 16 : i32
      %shift_right_logical3A_181 = vector.broadcast %shift_right_logical3A_180 : i32 to vector<16xi32>
      %shift_right_logical3A_182 = arith.shrui %get3A_172, %shift_right_logical3A_181 : vector<16xi32>
      %swap3A_183 = arith.constant 80 : index
      %swap3A_184 = tpu.vector_load %arg13[%swap3A_183] {strides = array<i32>} : memref<128xi32, #tpu.memory_space<vmem>>, vector<16xi32>,
      %swap3A_185 = vector.shape_cast %swap3A_184 : vector<16xi32> to vector<16xi32>
      %swap3A_186 = vector.shape_cast %shift_right_logical3A_182 : vector<16xi32> to vector<16xi32>
      tpu.vector_store %arg13[%swap3A_183], %swap3A_186 {strides = array<i32>} : memref<128xi32, #tpu.memory_space<vmem>>, vector<16xi32>,
      %get3A_187 = arith.constant 0 : i32
      %get3A_188 = arith.index_cast %get3A_187 : i32 to index
      %get3A_189 = arith.constant 96 : index
      %get3A_190 = tpu.vector_load %arg10[%get3A_188, %get3A_189] {strides = array<i32>} : memref<79x128xi32, #tpu.memory_space<vmem>>, vector<1x16xi32>,
      %get3A_191 = vector.shape_cast %get3A_190 : vector<1x16xi32> to vector<16xi32>
      %and3A_192 = arith.constant 65535 : i32
      %and3A_193 = vector.broadcast %and3A_192 : i32 to vector<16xi32>
      %and3A_194 = arith.andi %get3A_191, %and3A_193 : vector<16xi32>
      %swap3A_195 = arith.constant 96 : index
      %swap3A_196 = tpu.vector_load %arg11[%swap3A_195] {strides = array<i32>} : memref<128xi32, #tpu.memory_space<vmem>>, vector<16xi32>,
      %swap3A_197 = vector.shape_cast %swap3A_196 : vector<16xi32> to vector<16xi32>
      %swap3A_198 = vector.shape_cast %and3A_194 : vector<16xi32> to vector<16xi32>
      tpu.vector_store %arg11[%swap3A_195], %swap3A_198 {strides = array<i32>} : memref<128xi32, #tpu.memory_space<vmem>>, vector<16xi32>,
      %shift_right_logical3A_199 = arith.constant 16 : i32
      %shift_right_logical3A_200 = vector.broadcast %shift_right_logical3A_199 : i32 to vector<16xi32>
      %shift_right_logical3A_201 = arith.shrui %get3A_191, %shift_right_logical3A_200 : vector<16xi32>
      %swap3A_202 = arith.constant 96 : index
      %swap3A_203 = tpu.vector_load %arg13[%swap3A_202] {strides = array<i32>} : memref<128xi32, #tpu.memory_space<vmem>>, vector<16xi32>,
      %swap3A_204 = vector.shape_cast %swap3A_203 : vector<16xi32> to vector<16xi32>
      %swap3A_205 = vector.shape_cast %shift_right_logical3A_201 : vector<16xi32> to vector<16xi32>
      tpu.vector_store %arg13[%swap3A_202], %swap3A_205 {strides = array<i32>} : memref<128xi32, #tpu.memory_space<vmem>>, vector<16xi32>,
      %get3A_206 = arith.constant 0 : i32
      %get3A_207 = arith.index_cast %get3A_206 : i32 to index
      %get3A_208 = arith.constant 112 : index
      %get3A_209 = tpu.vector_load %arg10[%get3A_207, %get3A_208] {strides = array<i32>} : memref<79x128xi32, #tpu.memory_space<vmem>>, vector<1x16xi32>,
      %get3A_210 = vector.shape_cast %get3A_209 : vector<1x16xi32> to vector<16xi32>
      %and3A_211 = arith.constant 65535 : i32
      %and3A_212 = vector.broadcast %and3A_211 : i32 to vector<16xi32>
      %and3A_213 = arith.andi %get3A_210, %and3A_212 : vector<16xi32>
      %swap3A_214 = arith.constant 112 : index
      %swap3A_215 = tpu.vector_load %arg11[%swap3A_214] {strides = array<i32>} : memref<128xi32, #tpu.memory_space<vmem>>, vector<16xi32>,
      %swap3A_216 = vector.shape_cast %swap3A_215 : vector<16xi32> to vector<16xi32>
      %swap3A_217 = vector.shape_cast %and3A_213 : vector<16xi32> to vector<16xi32>
      tpu.vector_store %arg11[%swap3A_214], %swap3A_217 {strides = array<i32>} : memref<128xi32, #tpu.memory_space<vmem>>, vector<16xi32>,
      %shift_right_logical3A_218 = arith.constant 16 : i32
      %shift_right_logical3A_219 = vector.broadcast %shift_right_logical3A_218 : i32 to vector<16xi32>
      %shift_right_logical3A_220 = arith.shrui %get3A_210, %shift_right_logical3A_219 : vector<16xi32>
      %swap3A_221 = arith.constant 112 : index
      %swap3A_222 = tpu.vector_load %arg13[%swap3A_221] {strides = array<i32>} : memref<128xi32, #tpu.memory_space<vmem>>, vector<16xi32>,
      %swap3A_223 = vector.shape_cast %swap3A_222 : vector<16xi32> to vector<16xi32>
      %swap3A_224 = vector.shape_cast %shift_right_logical3A_220 : vector<16xi32> to vector<16xi32>
      tpu.vector_store %arg13[%swap3A_221], %swap3A_224 {strides = array<i32>} : memref<128xi32, #tpu.memory_space<vmem>>, vector<16xi32>,
      %dma_start3A = arith.constant 0 : i32
      %dma_start3A_225 = arith.constant 0 : i32
      %dma_start3A_226 = tpu.memref_slice %arg3[%dma_start3A, %dma_start3A_225] : memref<10000x128xf32, #tpu.memory_space<hbm>> -> memref<10000x128xf32, #tpu.memory_space<hbm>>
      tpu.enqueue_indirect_dma source(%dma_start3A_226 : memref<10000x128xf32, #tpu.memory_space<hbm>>) target(%arg15 : memref<128x128xf32, #tpu.memory_space<vmem>>) offsets(%arg13 : memref<128xi32, #tpu.memory_space<vmem>>) semaphore(%arg18 : memref<!tpu.dma_semaphore, #tpu.memory_space<semaphore_mem>>)
      %get3A_227 = arith.constant 1 : i32
      %get3A_228 = arith.index_cast %get3A_227 : i32 to index
      %get3A_229 = arith.constant 0 : index
      %get3A_230 = tpu.vector_load %arg10[%get3A_228, %get3A_229] {strides = array<i32>} : memref<79x128xi32, #tpu.memory_space<vmem>>, vector<1x16xi32>,
      %get3A_231 = vector.shape_cast %get3A_230 : vector<1x16xi32> to vector<16xi32>
      %and3A_232 = arith.constant 65535 : i32
      %and3A_233 = vector.broadcast %and3A_232 : i32 to vector<16xi32>
      %and3A_234 = arith.andi %get3A_231, %and3A_233 : vector<16xi32>
      %swap3A_235 = arith.constant 0 : index
      %swap3A_236 = tpu.vector_load %arg12[%swap3A_235] {strides = array<i32>} : memref<128xi32, #tpu.memory_space<vmem>>, vector<16xi32>,
      %swap3A_237 = vector.shape_cast %swap3A_236 : vector<16xi32> to vector<16xi32>
      %swap3A_238 = vector.shape_cast %and3A_234 : vector<16xi32> to vector<16xi32>
      tpu.vector_store %arg12[%swap3A_235], %swap3A_238 {strides = array<i32>} : memref<128xi32, #tpu.memory_space<vmem>>, vector<16xi32>,
      %shift_right_logical3A_239 = arith.constant 16 : i32
      %shift_right_logical3A_240 = vector.broadcast %shift_right_logical3A_239 : i32 to vector<16xi32>
      %shift_right_logical3A_241 = arith.shrui %get3A_231, %shift_right_logical3A_240 : vector<16xi32>
      %swap3A_242 = arith.constant 0 : index
      %swap3A_243 = tpu.vector_load %arg14[%swap3A_242] {strides = array<i32>} : memref<128xi32, #tpu.memory_space<vmem>>, vector<16xi32>,
      %swap3A_244 = vector.shape_cast %swap3A_243 : vector<16xi32> to vector<16xi32>
      %swap3A_245 = vector.shape_cast %shift_right_logical3A_241 : vector<16xi32> to vector<16xi32>
      tpu.vector_store %arg14[%swap3A_242], %swap3A_245 {strides = array<i32>} : memref<128xi32, #tpu.memory_space<vmem>>, vector<16xi32>,
      %get3A_246 = arith.constant 1 : i32
      %get3A_247 = arith.index_cast %get3A_246 : i32 to index
      %get3A_248 = arith.constant 16 : index
      %get3A_249 = tpu.vector_load %arg10[%get3A_247, %get3A_248] {strides = array<i32>} : memref<79x128xi32, #tpu.memory_space<vmem>>, vector<1x16xi32>,
      %get3A_250 = vector.shape_cast %get3A_249 : vector<1x16xi32> to vector<16xi32>
      %and3A_251 = arith.constant 65535 : i32
      %and3A_252 = vector.broadcast %and3A_251 : i32 to vector<16xi32>
      %and3A_253 = arith.andi %get3A_250, %and3A_252 : vector<16xi32>
      %swap3A_254 = arith.constant 16 : index
      %swap3A_255 = tpu.vector_load %arg12[%swap3A_254] {strides = array<i32>} : memref<128xi32, #tpu.memory_space<vmem>>, vector<16xi32>,
      %swap3A_256 = vector.shape_cast %swap3A_255 : vector<16xi32> to vector<16xi32>
      %swap3A_257 = vector.shape_cast %and3A_253 : vector<16xi32> to vector<16xi32>
      tpu.vector_store %arg12[%swap3A_254], %swap3A_257 {strides = array<i32>} : memref<128xi32, #tpu.memory_space<vmem>>, vector<16xi32>,
      %shift_right_logical3A_258 = arith.constant 16 : i32
      %shift_right_logical3A_259 = vector.broadcast %shift_right_logical3A_258 : i32 to vector<16xi32>
      %shift_right_logical3A_260 = arith.shrui %get3A_250, %shift_right_logical3A_259 : vector<16xi32>
      %swap3A_261 = arith.constant 16 : index
      %swap3A_262 = tpu.vector_load %arg14[%swap3A_261] {strides = array<i32>} : memref<128xi32, #tpu.memory_space<vmem>>, vector<16xi32>,
      %swap3A_263 = vector.shape_cast %swap3A_262 : vector<16xi32> to vector<16xi32>
      %swap3A_264 = vector.shape_cast %shift_right_logical3A_260 : vector<16xi32> to vector<16xi32>
      tpu.vector_store %arg14[%swap3A_261], %swap3A_264 {strides = array<i32>} : memref<128xi32, #tpu.memory_space<vmem>>, vector<16xi32>,
      %get3A_265 = arith.constant 1 : i32
      %get3A_266 = arith.index_cast %get3A_265 : i32 to index
      %get3A_267 = arith.constant 32 : index
      %get3A_268 = tpu.vector_load %arg10[%get3A_266, %get3A_267] {strides = array<i32>} : memref<79x128xi32, #tpu.memory_space<vmem>>, vector<1x16xi32>,
      %get3A_269 = vector.shape_cast %get3A_268 : vector<1x16xi32> to vector<16xi32>
      %and3A_270 = arith.constant 65535 : i32
      %and3A_271 = vector.broadcast %and3A_270 : i32 to vector<16xi32>
      %and3A_272 = arith.andi %get3A_269, %and3A_271 : vector<16xi32>
      %swap3A_273 = arith.constant 32 : index
      %swap3A_274 = tpu.vector_load %arg12[%swap3A_273] {strides = array<i32>} : memref<128xi32, #tpu.memory_space<vmem>>, vector<16xi32>,
      %swap3A_275 = vector.shape_cast %swap3A_274 : vector<16xi32> to vector<16xi32>
      %swap3A_276 = vector.shape_cast %and3A_272 : vector<16xi32> to vector<16xi32>
      tpu.vector_store %arg12[%swap3A_273], %swap3A_276 {strides = array<i32>} : memref<128xi32, #tpu.memory_space<vmem>>, vector<16xi32>,
      %shift_right_logical3A_277 = arith.constant 16 : i32
      %shift_right_logical3A_278 = vector.broadcast %shift_right_logical3A_277 : i32 to vector<16xi32>
      %shift_right_logical3A_279 = arith.shrui %get3A_269, %shift_right_logical3A_278 : vector<16xi32>
      %swap3A_280 = arith.constant 32 : index
      %swap3A_281 = tpu.vector_load %arg14[%swap3A_280] {strides = array<i32>} : memref<128xi32, #tpu.memory_space<vmem>>, vector<16xi32>,
      %swap3A_282 = vector.shape_cast %swap3A_281 : vector<16xi32> to vector<16xi32>
      %swap3A_283 = vector.shape_cast %shift_right_logical3A_279 : vector<16xi32> to vector<16xi32>
      tpu.vector_store %arg14[%swap3A_280], %swap3A_283 {strides = array<i32>} : memref<128xi32, #tpu.memory_space<vmem>>, vector<16xi32>,
      %get3A_284 = arith.constant 1 : i32
      %get3A_285 = arith.index_cast %get3A_284 : i32 to index
      %get3A_286 = arith.constant 48 : index
      %get3A_287 = tpu.vector_load %arg10[%get3A_285, %get3A_286] {strides = array<i32>} : memref<79x128xi32, #tpu.memory_space<vmem>>, vector<1x16xi32>,
      %get3A_288 = vector.shape_cast %get3A_287 : vector<1x16xi32> to vector<16xi32>
      %and3A_289 = arith.constant 65535 : i32
      %and3A_290 = vector.broadcast %and3A_289 : i32 to vector<16xi32>
      %and3A_291 = arith.andi %get3A_288, %and3A_290 : vector<16xi32>
      %swap3A_292 = arith.constant 48 : index
      %swap3A_293 = tpu.vector_load %arg12[%swap3A_292] {strides = array<i32>} : memref<128xi32, #tpu.memory_space<vmem>>, vector<16xi32>,
      %swap3A_294 = vector.shape_cast %swap3A_293 : vector<16xi32> to vector<16xi32>
      %swap3A_295 = vector.shape_cast %and3A_291 : vector<16xi32> to vector<16xi32>
      tpu.vector_store %arg12[%swap3A_292], %swap3A_295 {strides = array<i32>} : memref<128xi32, #tpu.memory_space<vmem>>, vector<16xi32>,
      %shift_right_logical3A_296 = arith.constant 16 : i32
      %shift_right_logical3A_297 = vector.broadcast %shift_right_logical3A_296 : i32 to vector<16xi32>
      %shift_right_logical3A_298 = arith.shrui %get3A_288, %shift_right_logical3A_297 : vector<16xi32>
      %swap3A_299 = arith.constant 48 : index
      %swap3A_300 = tpu.vector_load %arg14[%swap3A_299] {strides = array<i32>} : memref<128xi32, #tpu.memory_space<vmem>>, vector<16xi32>,
      %swap3A_301 = vector.shape_cast %swap3A_300 : vector<16xi32> to vector<16xi32>
      %swap3A_302 = vector.shape_cast %shift_right_logical3A_298 : vector<16xi32> to vector<16xi32>
      tpu.vector_store %arg14[%swap3A_299], %swap3A_302 {strides = array<i32>} : memref<128xi32, #tpu.memory_space<vmem>>, vector<16xi32>,
      %get3A_303 = arith.constant 1 : i32
      %get3A_304 = arith.index_cast %get3A_303 : i32 to index
      %get3A_305 = arith.constant 64 : index
      %get3A_306 = tpu.vector_load %arg10[%get3A_304, %get3A_305] {strides = array<i32>} : memref<79x128xi32, #tpu.memory_space<vmem>>, vector<1x16xi32>,
      %get3A_307 = vector.shape_cast %get3A_306 : vector<1x16xi32> to vector<16xi32>
      %and3A_308 = arith.constant 65535 : i32
      %and3A_309 = vector.broadcast %and3A_308 : i32 to vector<16xi32>
      %and3A_310 = arith.andi %get3A_307, %and3A_309 : vector<16xi32>
      %swap3A_311 = arith.constant 64 : index
      %swap3A_312 = tpu.vector_load %arg12[%swap3A_311] {strides = array<i32>} : memref<128xi32, #tpu.memory_space<vmem>>, vector<16xi32>,
      %swap3A_313 = vector.shape_cast %swap3A_312 : vector<16xi32> to vector<16xi32>
      %swap3A_314 = vector.shape_cast %and3A_310 : vector<16xi32> to vector<16xi32>
      tpu.vector_store %arg12[%swap3A_311], %swap3A_314 {strides = array<i32>} : memref<128xi32, #tpu.memory_space<vmem>>, vector<16xi32>,
      %shift_right_logical3A_315 = arith.constant 16 : i32
      %shift_right_logical3A_316 = vector.broadcast %shift_right_logical3A_315 : i32 to vector<16xi32>
      %shift_right_logical3A_317 = arith.shrui %get3A_307, %shift_right_logical3A_316 : vector<16xi32>
      %swap3A_318 = arith.constant 64 : index
      %swap3A_319 = tpu.vector_load %arg14[%swap3A_318] {strides = array<i32>} : memref<128xi32, #tpu.memory_space<vmem>>, vector<16xi32>,
      %swap3A_320 = vector.shape_cast %swap3A_319 : vector<16xi32> to vector<16xi32>
      %swap3A_321 = vector.shape_cast %shift_right_logical3A_317 : vector<16xi32> to vector<16xi32>
      tpu.vector_store %arg14[%swap3A_318], %swap3A_321 {strides = array<i32>} : memref<128xi32, #tpu.memory_space<vmem>>, vector<16xi32>,
      %get3A_322 = arith.constant 1 : i32
      %get3A_323 = arith.index_cast %get3A_322 : i32 to index
      %get3A_324 = arith.constant 80 : index
      %get3A_325 = tpu.vector_load %arg10[%get3A_323, %get3A_324] {strides = array<i32>} : memref<79x128xi32, #tpu.memory_space<vmem>>, vector<1x16xi32>,
      %get3A_326 = vector.shape_cast %get3A_325 : vector<1x16xi32> to vector<16xi32>
      %and3A_327 = arith.constant 65535 : i32
      %and3A_328 = vector.broadcast %and3A_327 : i32 to vector<16xi32>
      %and3A_329 = arith.andi %get3A_326, %and3A_328 : vector<16xi32>
      %swap3A_330 = arith.constant 80 : index
      %swap3A_331 = tpu.vector_load %arg12[%swap3A_330] {strides = array<i32>} : memref<128xi32, #tpu.memory_space<vmem>>, vector<16xi32>,
      %swap3A_332 = vector.shape_cast %swap3A_331 : vector<16xi32> to vector<16xi32>
      %swap3A_333 = vector.shape_cast %and3A_329 : vector<16xi32> to vector<16xi32>
      tpu.vector_store %arg12[%swap3A_330], %swap3A_333 {strides = array<i32>} : memref<128xi32, #tpu.memory_space<vmem>>, vector<16xi32>,
      %shift_right_logical3A_334 = arith.constant 16 : i32
      %shift_right_logical3A_335 = vector.broadcast %shift_right_logical3A_334 : i32 to vector<16xi32>
      %shift_right_logical3A_336 = arith.shrui %get3A_326, %shift_right_logical3A_335 : vector<16xi32>
      %swap3A_337 = arith.constant 80 : index
      %swap3A_338 = tpu.vector_load %arg14[%swap3A_337] {strides = array<i32>} : memref<128xi32, #tpu.memory_space<vmem>>, vector<16xi32>,
      %swap3A_339 = vector.shape_cast %swap3A_338 : vector<16xi32> to vector<16xi32>
      %swap3A_340 = vector.shape_cast %shift_right_logical3A_336 : vector<16xi32> to vector<16xi32>
      tpu.vector_store %arg14[%swap3A_337], %swap3A_340 {strides = array<i32>} : memref<128xi32, #tpu.memory_space<vmem>>, vector<16xi32>,
      %get3A_341 = arith.constant 1 : i32
      %get3A_342 = arith.index_cast %get3A_341 : i32 to index
      %get3A_343 = arith.constant 96 : index
      %get3A_344 = tpu.vector_load %arg10[%get3A_342, %get3A_343] {strides = array<i32>} : memref<79x128xi32, #tpu.memory_space<vmem>>, vector<1x16xi32>,
      %get3A_345 = vector.shape_cast %get3A_344 : vector<1x16xi32> to vector<16xi32>
      %and3A_346 = arith.constant 65535 : i32
      %and3A_347 = vector.broadcast %and3A_346 : i32 to vector<16xi32>
      %and3A_348 = arith.andi %get3A_345, %and3A_347 : vector<16xi32>
      %swap3A_349 = arith.constant 96 : index
      %swap3A_350 = tpu.vector_load %arg12[%swap3A_349] {strides = array<i32>} : memref<128xi32, #tpu.memory_space<vmem>>, vector<16xi32>,
      %swap3A_351 = vector.shape_cast %swap3A_350 : vector<16xi32> to vector<16xi32>
      %swap3A_352 = vector.shape_cast %and3A_348 : vector<16xi32> to vector<16xi32>
      tpu.vector_store %arg12[%swap3A_349], %swap3A_352 {strides = array<i32>} : memref<128xi32, #tpu.memory_space<vmem>>, vector<16xi32>,
      %shift_right_logical3A_353 = arith.constant 16 : i32
      %shift_right_logical3A_354 = vector.broadcast %shift_right_logical3A_353 : i32 to vector<16xi32>
      %shift_right_logical3A_355 = arith.shrui %get3A_345, %shift_right_logical3A_354 : vector<16xi32>
      %swap3A_356 = arith.constant 96 : index
      %swap3A_357 = tpu.vector_load %arg14[%swap3A_356] {strides = array<i32>} : memref<128xi32, #tpu.memory_space<vmem>>, vector<16xi32>,
      %swap3A_358 = vector.shape_cast %swap3A_357 : vector<16xi32> to vector<16xi32>
      %swap3A_359 = vector.shape_cast %shift_right_logical3A_355 : vector<16xi32> to vector<16xi32>
      tpu.vector_store %arg14[%swap3A_356], %swap3A_359 {strides = array<i32>} : memref<128xi32, #tpu.memory_space<vmem>>, vector<16xi32>,
      %get3A_360 = arith.constant 1 : i32
      %get3A_361 = arith.index_cast %get3A_360 : i32 to index
      %get3A_362 = arith.constant 112 : index
      %get3A_363 = tpu.vector_load %arg10[%get3A_361, %get3A_362] {strides = array<i32>} : memref<79x128xi32, #tpu.memory_space<vmem>>, vector<1x16xi32>,
      %get3A_364 = vector.shape_cast %get3A_363 : vector<1x16xi32> to vector<16xi32>
      %and3A_365 = arith.constant 65535 : i32
      %and3A_366 = vector.broadcast %and3A_365 : i32 to vector<16xi32>
      %and3A_367 = arith.andi %get3A_364, %and3A_366 : vector<16xi32>
      %swap3A_368 = arith.constant 112 : index
      %swap3A_369 = tpu.vector_load %arg12[%swap3A_368] {strides = array<i32>} : memref<128xi32, #tpu.memory_space<vmem>>, vector<16xi32>,
      %swap3A_370 = vector.shape_cast %swap3A_369 : vector<16xi32> to vector<16xi32>
      %swap3A_371 = vector.shape_cast %and3A_367 : vector<16xi32> to vector<16xi32>
      tpu.vector_store %arg12[%swap3A_368], %swap3A_371 {strides = array<i32>} : memref<128xi32, #tpu.memory_space<vmem>>, vector<16xi32>,
      %shift_right_logical3A_372 = arith.constant 16 : i32
      %shift_right_logical3A_373 = vector.broadcast %shift_right_logical3A_372 : i32 to vector<16xi32>
      %shift_right_logical3A_374 = arith.shrui %get3A_364, %shift_right_logical3A_373 : vector<16xi32>
      %swap3A_375 = arith.constant 112 : index
      %swap3A_376 = tpu.vector_load %arg14[%swap3A_375] {strides = array<i32>} : memref<128xi32, #tpu.memory_space<vmem>>, vector<16xi32>,
      %swap3A_377 = vector.shape_cast %swap3A_376 : vector<16xi32> to vector<16xi32>
      %swap3A_378 = vector.shape_cast %shift_right_logical3A_374 : vector<16xi32> to vector<16xi32>
      tpu.vector_store %arg14[%swap3A_375], %swap3A_378 {strides = array<i32>} : memref<128xi32, #tpu.memory_space<vmem>>, vector<16xi32>,
      %dma_start3A_379 = arith.constant 0 : i32
      %dma_start3A_380 = arith.constant 0 : i32
      %dma_start3A_381 = tpu.memref_slice %arg3[%dma_start3A_379, %dma_start3A_380] : memref<10000x128xf32, #tpu.memory_space<hbm>> -> memref<10000x128xf32, #tpu.memory_space<hbm>>
      tpu.enqueue_indirect_dma source(%dma_start3A_381 : memref<10000x128xf32, #tpu.memory_space<hbm>>) target(%arg16 : memref<128x128xf32, #tpu.memory_space<vmem>>) offsets(%arg14 : memref<128xi32, #tpu.memory_space<vmem>>) semaphore(%arg19 : memref<!tpu.dma_semaphore, #tpu.memory_space<semaphore_mem>>)
      %scan3A = arith.constant 0 : i32
      %scan3A_382 = arith.constant 0 : i32
      %scan3A_383 = arith.constant 39 : i32
      %scan3A_384 = arith.addi %scan3A_382, %scan3A_383 : i32
      %scan3A_385 = arith.constant 1 : i32
      scf.for %scan3A_389 = %scan3A_382 to %scan3A_384 step %scan3A_385  : i32 {
        %mul3A_390 = arith.constant 2 : i32
        %mul3A_391 = arith.muli %mul3A_390, %scan3A_389 : i32
        %dma_wait3A_392 = arith.constant 0 : i32
        %dma_wait3A_393 = arith.constant 0 : i32
        %dma_wait3A_394 = tpu.memref_slice %arg3[%dma_wait3A_392, %dma_wait3A_393] : memref<10000x128xf32, #tpu.memory_space<hbm>> -> memref<10000x128xf32, #tpu.memory_space<hbm>>
        tpu.wait_indirect_dma semaphore(%arg18 : memref<!tpu.dma_semaphore, #tpu.memory_space<semaphore_mem>>) src(%dma_wait3A_394 : memref<10000x128xf32, #tpu.memory_space<hbm>>) dst(%arg15 : memref<128x128xf32, #tpu.memory_space<vmem>>)
        "tpu.region"() ({
          %run_scoped3A = tpu.sem_alloc : memref<!tpu.dma_semaphore, #tpu.memory_space<semaphore_mem>>
          %dma_start3A_413 = arith.constant 0 : i32
          %dma_start3A_414 = arith.constant 0 : i32
          %dma_start3A_415 = tpu.memref_slice %arg17[%dma_start3A_413, %dma_start3A_414] : memref<10240x128xf32, #tpu.memory_space<vmem_shared>> -> memref<10240x128xf32, #tpu.memory_space<vmem_shared>>
          tpu.enqueue_indirect_dma source(%arg15 : memref<128x128xf32, #tpu.memory_space<vmem>>) target(%dma_start3A_415 : memref<10240x128xf32, #tpu.memory_space<vmem_shared>>) offsets(%arg11 : memref<128xi32, #tpu.memory_space<vmem>>) semaphore(%run_scoped3A : memref<!tpu.dma_semaphore, #tpu.memory_space<semaphore_mem>>) {add = true}
          %dma_wait3A_416 = arith.constant 0 : i32
          %dma_wait3A_417 = arith.constant 0 : i32
          %dma_wait3A_418 = tpu.memref_slice %arg17[%dma_wait3A_416, %dma_wait3A_417] : memref<10240x128xf32, #tpu.memory_space<vmem_shared>> -> memref<10240x128xf32, #tpu.memory_space<vmem_shared>>
          tpu.wait_indirect_dma semaphore(%run_scoped3A : memref<!tpu.dma_semaphore, #tpu.memory_space<semaphore_mem>>) src(%arg15 : memref<128x128xf32, #tpu.memory_space<vmem>>) dst(%dma_wait3A_418 : memref<10240x128xf32, #tpu.memory_space<vmem_shared>>)
          tpu.yield
        }) : () -> ()
        "tpu.region"() ({
          %run_scoped3A = tpu.sem_alloc : memref<!tpu.dma_semaphore, #tpu.memory_space<semaphore_mem>>
          %dma_start3A_413 = arith.constant 0 : i32
          %dma_start3A_414 = tpu.memref_slice %arg21[%dma_start3A_413] : memref<10240xf32, #tpu.memory_space<vmem_shared>> -> memref<10240xf32, #tpu.memory_space<vmem_shared>>
          tpu.enqueue_indirect_dma source(%arg20 : memref<128xf32, #tpu.memory_space<vmem>>) target(%dma_start3A_414 : memref<10240xf32, #tpu.memory_space<vmem_shared>>) offsets(%arg11 : memref<128xi32, #tpu.memory_space<vmem>>) semaphore(%run_scoped3A : memref<!tpu.dma_semaphore, #tpu.memory_space<semaphore_mem>>) {add = true}
          %dma_wait3A_415 = arith.constant 0 : i32
          %dma_wait3A_416 = tpu.memref_slice %arg21[%dma_wait3A_415] : memref<10240xf32, #tpu.memory_space<vmem_shared>> -> memref<10240xf32, #tpu.memory_space<vmem_shared>>
          tpu.wait_indirect_dma semaphore(%run_scoped3A : memref<!tpu.dma_semaphore, #tpu.memory_space<semaphore_mem>>) src(%arg20 : memref<128xf32, #tpu.memory_space<vmem>>) dst(%dma_wait3A_416 : memref<10240xf32, #tpu.memory_space<vmem_shared>>)
          tpu.yield
        }) : () -> ()
        %add3A_395 = arith.constant 2 : i32
        %add3A_396 = arith.addi %mul3A_391, %add3A_395 : i32
        %lt3A = arith.constant 79 : i32
        %lt3A_397 = arith.cmpi slt, %add3A_396, %lt3A : i32
        %convert_element_type3A_398 = arith.extui %lt3A_397 : i1 to i32
        %cond3A_399 = arith.constant 0 : i32
        %cond3A_400 = arith.cmpi ne, %convert_element_type3A_398, %cond3A_399 : i32
        scf.if %cond3A_400 {
          %add3A_413 = arith.constant 2 : i32
          %add3A_414 = arith.addi %mul3A_391, %add3A_413 : i32
          %get3A_415 = arith.index_cast %add3A_414 : i32 to index
          %get3A_416 = arith.constant 0 : index
          %get3A_417 = tpu.vector_load %arg10[%get3A_415, %get3A_416] {strides = array<i32>} : memref<79x128xi32, #tpu.memory_space<vmem>>, vector<1x16xi32>,
          %get3A_418 = vector.shape_cast %get3A_417 : vector<1x16xi32> to vector<16xi32>
          %and3A_419 = arith.constant 65535 : i32
          %and3A_420 = vector.broadcast %and3A_419 : i32 to vector<16xi32>
          %and3A_421 = arith.andi %get3A_418, %and3A_420 : vector<16xi32>
          %swap3A_422 = arith.constant 0 : index
          %swap3A_423 = tpu.vector_load %arg11[%swap3A_422] {strides = array<i32>} : memref<128xi32, #tpu.memory_space<vmem>>, vector<16xi32>,
          %swap3A_424 = vector.shape_cast %swap3A_423 : vector<16xi32> to vector<16xi32>
          %swap3A_425 = vector.shape_cast %and3A_421 : vector<16xi32> to vector<16xi32>
          tpu.vector_store %arg11[%swap3A_422], %swap3A_425 {strides = array<i32>} : memref<128xi32, #tpu.memory_space<vmem>>, vector<16xi32>,
          %shift_right_logical3A_426 = arith.constant 16 : i32
          %shift_right_logical3A_427 = vector.broadcast %shift_right_logical3A_426 : i32 to vector<16xi32>
          %shift_right_logical3A_428 = arith.shrui %get3A_418, %shift_right_logical3A_427 : vector<16xi32>
          %swap3A_429 = arith.constant 0 : index
          %swap3A_430 = tpu.vector_load %arg13[%swap3A_429] {strides = array<i32>} : memref<128xi32, #tpu.memory_space<vmem>>, vector<16xi32>,
          %swap3A_431 = vector.shape_cast %swap3A_430 : vector<16xi32> to vector<16xi32>
          %swap3A_432 = vector.shape_cast %shift_right_logical3A_428 : vector<16xi32> to vector<16xi32>
          tpu.vector_store %arg13[%swap3A_429], %swap3A_432 {strides = array<i32>} : memref<128xi32, #tpu.memory_space<vmem>>, vector<16xi32>,
          %get3A_433 = arith.index_cast %add3A_414 : i32 to index
          %get3A_434 = arith.constant 16 : index
          %get3A_435 = tpu.vector_load %arg10[%get3A_433, %get3A_434] {strides = array<i32>} : memref<79x128xi32, #tpu.memory_space<vmem>>, vector<1x16xi32>,
          %get3A_436 = vector.shape_cast %get3A_435 : vector<1x16xi32> to vector<16xi32>
          %and3A_437 = arith.constant 65535 : i32
          %and3A_438 = vector.broadcast %and3A_437 : i32 to vector<16xi32>
          %and3A_439 = arith.andi %get3A_436, %and3A_438 : vector<16xi32>
          %swap3A_440 = arith.constant 16 : index
          %swap3A_441 = tpu.vector_load %arg11[%swap3A_440] {strides = array<i32>} : memref<128xi32, #tpu.memory_space<vmem>>, vector<16xi32>,
          %swap3A_442 = vector.shape_cast %swap3A_441 : vector<16xi32> to vector<16xi32>
          %swap3A_443 = vector.shape_cast %and3A_439 : vector<16xi32> to vector<16xi32>
          tpu.vector_store %arg11[%swap3A_440], %swap3A_443 {strides = array<i32>} : memref<128xi32, #tpu.memory_space<vmem>>, vector<16xi32>,
          %shift_right_logical3A_444 = arith.constant 16 : i32
          %shift_right_logical3A_445 = vector.broadcast %shift_right_logical3A_444 : i32 to vector<16xi32>
          %shift_right_logical3A_446 = arith.shrui %get3A_436, %shift_right_logical3A_445 : vector<16xi32>
          %swap3A_447 = arith.constant 16 : index
          %swap3A_448 = tpu.vector_load %arg13[%swap3A_447] {strides = array<i32>} : memref<128xi32, #tpu.memory_space<vmem>>, vector<16xi32>,
          %swap3A_449 = vector.shape_cast %swap3A_448 : vector<16xi32> to vector<16xi32>
          %swap3A_450 = vector.shape_cast %shift_right_logical3A_446 : vector<16xi32> to vector<16xi32>
          tpu.vector_store %arg13[%swap3A_447], %swap3A_450 {strides = array<i32>} : memref<128xi32, #tpu.memory_space<vmem>>, vector<16xi32>,
          %get3A_451 = arith.index_cast %add3A_414 : i32 to index
          %get3A_452 = arith.constant 32 : index
          %get3A_453 = tpu.vector_load %arg10[%get3A_451, %get3A_452] {strides = array<i32>} : memref<79x128xi32, #tpu.memory_space<vmem>>, vector<1x16xi32>,
          %get3A_454 = vector.shape_cast %get3A_453 : vector<1x16xi32> to vector<16xi32>
          %and3A_455 = arith.constant 65535 : i32
          %and3A_456 = vector.broadcast %and3A_455 : i32 to vector<16xi32>
          %and3A_457 = arith.andi %get3A_454, %and3A_456 : vector<16xi32>
          %swap3A_458 = arith.constant 32 : index
          %swap3A_459 = tpu.vector_load %arg11[%swap3A_458] {strides = array<i32>} : memref<128xi32, #tpu.memory_space<vmem>>, vector<16xi32>,
          %swap3A_460 = vector.shape_cast %swap3A_459 : vector<16xi32> to vector<16xi32>
          %swap3A_461 = vector.shape_cast %and3A_457 : vector<16xi32> to vector<16xi32>
          tpu.vector_store %arg11[%swap3A_458], %swap3A_461 {strides = array<i32>} : memref<128xi32, #tpu.memory_space<vmem>>, vector<16xi32>,
          %shift_right_logical3A_462 = arith.constant 16 : i32
          %shift_right_logical3A_463 = vector.broadcast %shift_right_logical3A_462 : i32 to vector<16xi32>
          %shift_right_logical3A_464 = arith.shrui %get3A_454, %shift_right_logical3A_463 : vector<16xi32>
          %swap3A_465 = arith.constant 32 : index
          %swap3A_466 = tpu.vector_load %arg13[%swap3A_465] {strides = array<i32>} : memref<128xi32, #tpu.memory_space<vmem>>, vector<16xi32>,
          %swap3A_467 = vector.shape_cast %swap3A_466 : vector<16xi32> to vector<16xi32>
          %swap3A_468 = vector.shape_cast %shift_right_logical3A_464 : vector<16xi32> to vector<16xi32>
          tpu.vector_store %arg13[%swap3A_465], %swap3A_468 {strides = array<i32>} : memref<128xi32, #tpu.memory_space<vmem>>, vector<16xi32>,
          %get3A_469 = arith.index_cast %add3A_414 : i32 to index
          %get3A_470 = arith.constant 48 : index
          %get3A_471 = tpu.vector_load %arg10[%get3A_469, %get3A_470] {strides = array<i32>} : memref<79x128xi32, #tpu.memory_space<vmem>>, vector<1x16xi32>,
          %get3A_472 = vector.shape_cast %get3A_471 : vector<1x16xi32> to vector<16xi32>
          %and3A_473 = arith.constant 65535 : i32
          %and3A_474 = vector.broadcast %and3A_473 : i32 to vector<16xi32>
          %and3A_475 = arith.andi %get3A_472, %and3A_474 : vector<16xi32>
          %swap3A_476 = arith.constant 48 : index
          %swap3A_477 = tpu.vector_load %arg11[%swap3A_476] {strides = array<i32>} : memref<128xi32, #tpu.memory_space<vmem>>, vector<16xi32>,
          %swap3A_478 = vector.shape_cast %swap3A_477 : vector<16xi32> to vector<16xi32>
          %swap3A_479 = vector.shape_cast %and3A_475 : vector<16xi32> to vector<16xi32>
          tpu.vector_store %arg11[%swap3A_476], %swap3A_479 {strides = array<i32>} : memref<128xi32, #tpu.memory_space<vmem>>, vector<16xi32>,
          %shift_right_logical3A_480 = arith.constant 16 : i32
          %shift_right_logical3A_481 = vector.broadcast %shift_right_logical3A_480 : i32 to vector<16xi32>
          %shift_right_logical3A_482 = arith.shrui %get3A_472, %shift_right_logical3A_481 : vector<16xi32>
          %swap3A_483 = arith.constant 48 : index
          %swap3A_484 = tpu.vector_load %arg13[%swap3A_483] {strides = array<i32>} : memref<128xi32, #tpu.memory_space<vmem>>, vector<16xi32>,
          %swap3A_485 = vector.shape_cast %swap3A_484 : vector<16xi32> to vector<16xi32>
          %swap3A_486 = vector.shape_cast %shift_right_logical3A_482 : vector<16xi32> to vector<16xi32>
          tpu.vector_store %arg13[%swap3A_483], %swap3A_486 {strides = array<i32>} : memref<128xi32, #tpu.memory_space<vmem>>, vector<16xi32>,
          %get3A_487 = arith.index_cast %add3A_414 : i32 to index
          %get3A_488 = arith.constant 64 : index
          %get3A_489 = tpu.vector_load %arg10[%get3A_487, %get3A_488] {strides = array<i32>} : memref<79x128xi32, #tpu.memory_space<vmem>>, vector<1x16xi32>,
          %get3A_490 = vector.shape_cast %get3A_489 : vector<1x16xi32> to vector<16xi32>
          %and3A_491 = arith.constant 65535 : i32
          %and3A_492 = vector.broadcast %and3A_491 : i32 to vector<16xi32>
          %and3A_493 = arith.andi %get3A_490, %and3A_492 : vector<16xi32>
          %swap3A_494 = arith.constant 64 : index
          %swap3A_495 = tpu.vector_load %arg11[%swap3A_494] {strides = array<i32>} : memref<128xi32, #tpu.memory_space<vmem>>, vector<16xi32>,
          %swap3A_496 = vector.shape_cast %swap3A_495 : vector<16xi32> to vector<16xi32>
          %swap3A_497 = vector.shape_cast %and3A_493 : vector<16xi32> to vector<16xi32>
          tpu.vector_store %arg11[%swap3A_494], %swap3A_497 {strides = array<i32>} : memref<128xi32, #tpu.memory_space<vmem>>, vector<16xi32>,
          %shift_right_logical3A_498 = arith.constant 16 : i32
          %shift_right_logical3A_499 = vector.broadcast %shift_right_logical3A_498 : i32 to vector<16xi32>
          %shift_right_logical3A_500 = arith.shrui %get3A_490, %shift_right_logical3A_499 : vector<16xi32>
          %swap3A_501 = arith.constant 64 : index
          %swap3A_502 = tpu.vector_load %arg13[%swap3A_501] {strides = array<i32>} : memref<128xi32, #tpu.memory_space<vmem>>, vector<16xi32>,
          %swap3A_503 = vector.shape_cast %swap3A_502 : vector<16xi32> to vector<16xi32>
          %swap3A_504 = vector.shape_cast %shift_right_logical3A_500 : vector<16xi32> to vector<16xi32>
          tpu.vector_store %arg13[%swap3A_501], %swap3A_504 {strides = array<i32>} : memref<128xi32, #tpu.memory_space<vmem>>, vector<16xi32>,
          %get3A_505 = arith.index_cast %add3A_414 : i32 to index
          %get3A_506 = arith.constant 80 : index
          %get3A_507 = tpu.vector_load %arg10[%get3A_505, %get3A_506] {strides = array<i32>} : memref<79x128xi32, #tpu.memory_space<vmem>>, vector<1x16xi32>,
          %get3A_508 = vector.shape_cast %get3A_507 : vector<1x16xi32> to vector<16xi32>
          %and3A_509 = arith.constant 65535 : i32
          %and3A_510 = vector.broadcast %and3A_509 : i32 to vector<16xi32>
          %and3A_511 = arith.andi %get3A_508, %and3A_510 : vector<16xi32>
          %swap3A_512 = arith.constant 80 : index
          %swap3A_513 = tpu.vector_load %arg11[%swap3A_512] {strides = array<i32>} : memref<128xi32, #tpu.memory_space<vmem>>, vector<16xi32>,
          %swap3A_514 = vector.shape_cast %swap3A_513 : vector<16xi32> to vector<16xi32>
          %swap3A_515 = vector.shape_cast %and3A_511 : vector<16xi32> to vector<16xi32>
          tpu.vector_store %arg11[%swap3A_512], %swap3A_515 {strides = array<i32>} : memref<128xi32, #tpu.memory_space<vmem>>, vector<16xi32>,
          %shift_right_logical3A_516 = arith.constant 16 : i32
          %shift_right_logical3A_517 = vector.broadcast %shift_right_logical3A_516 : i32 to vector<16xi32>
          %shift_right_logical3A_518 = arith.shrui %get3A_508, %shift_right_logical3A_517 : vector<16xi32>
          %swap3A_519 = arith.constant 80 : index
          %swap3A_520 = tpu.vector_load %arg13[%swap3A_519] {strides = array<i32>} : memref<128xi32, #tpu.memory_space<vmem>>, vector<16xi32>,
          %swap3A_521 = vector.shape_cast %swap3A_520 : vector<16xi32> to vector<16xi32>
          %swap3A_522 = vector.shape_cast %shift_right_logical3A_518 : vector<16xi32> to vector<16xi32>
          tpu.vector_store %arg13[%swap3A_519], %swap3A_522 {strides = array<i32>} : memref<128xi32, #tpu.memory_space<vmem>>, vector<16xi32>,
          %get3A_523 = arith.index_cast %add3A_414 : i32 to index
          %get3A_524 = arith.constant 96 : index
          %get3A_525 = tpu.vector_load %arg10[%get3A_523, %get3A_524] {strides = array<i32>} : memref<79x128xi32, #tpu.memory_space<vmem>>, vector<1x16xi32>,
          %get3A_526 = vector.shape_cast %get3A_525 : vector<1x16xi32> to vector<16xi32>
          %and3A_527 = arith.constant 65535 : i32
          %and3A_528 = vector.broadcast %and3A_527 : i32 to vector<16xi32>
          %and3A_529 = arith.andi %get3A_526, %and3A_528 : vector<16xi32>
          %swap3A_530 = arith.constant 96 : index
          %swap3A_531 = tpu.vector_load %arg11[%swap3A_530] {strides = array<i32>} : memref<128xi32, #tpu.memory_space<vmem>>, vector<16xi32>,
          %swap3A_532 = vector.shape_cast %swap3A_531 : vector<16xi32> to vector<16xi32>
          %swap3A_533 = vector.shape_cast %and3A_529 : vector<16xi32> to vector<16xi32>
          tpu.vector_store %arg11[%swap3A_530], %swap3A_533 {strides = array<i32>} : memref<128xi32, #tpu.memory_space<vmem>>, vector<16xi32>,
          %shift_right_logical3A_534 = arith.constant 16 : i32
          %shift_right_logical3A_535 = vector.broadcast %shift_right_logical3A_534 : i32 to vector<16xi32>
          %shift_right_logical3A_536 = arith.shrui %get3A_526, %shift_right_logical3A_535 : vector<16xi32>
          %swap3A_537 = arith.constant 96 : index
          %swap3A_538 = tpu.vector_load %arg13[%swap3A_537] {strides = array<i32>} : memref<128xi32, #tpu.memory_space<vmem>>, vector<16xi32>,
          %swap3A_539 = vector.shape_cast %swap3A_538 : vector<16xi32> to vector<16xi32>
          %swap3A_540 = vector.shape_cast %shift_right_logical3A_536 : vector<16xi32> to vector<16xi32>
          tpu.vector_store %arg13[%swap3A_537], %swap3A_540 {strides = array<i32>} : memref<128xi32, #tpu.memory_space<vmem>>, vector<16xi32>,
          %get3A_541 = arith.index_cast %add3A_414 : i32 to index
          %get3A_542 = arith.constant 112 : index
          %get3A_543 = tpu.vector_load %arg10[%get3A_541, %get3A_542] {strides = array<i32>} : memref<79x128xi32, #tpu.memory_space<vmem>>, vector<1x16xi32>,
          %get3A_544 = vector.shape_cast %get3A_543 : vector<1x16xi32> to vector<16xi32>
          %and3A_545 = arith.constant 65535 : i32
          %and3A_546 = vector.broadcast %and3A_545 : i32 to vector<16xi32>
          %and3A_547 = arith.andi %get3A_544, %and3A_546 : vector<16xi32>
          %swap3A_548 = arith.constant 112 : index
          %swap3A_549 = tpu.vector_load %arg11[%swap3A_548] {strides = array<i32>} : memref<128xi32, #tpu.memory_space<vmem>>, vector<16xi32>,
          %swap3A_550 = vector.shape_cast %swap3A_549 : vector<16xi32> to vector<16xi32>
          %swap3A_551 = vector.shape_cast %and3A_547 : vector<16xi32> to vector<16xi32>
          tpu.vector_store %arg11[%swap3A_548], %swap3A_551 {strides = array<i32>} : memref<128xi32, #tpu.memory_space<vmem>>, vector<16xi32>,
          %shift_right_logical3A_552 = arith.constant 16 : i32
          %shift_right_logical3A_553 = vector.broadcast %shift_right_logical3A_552 : i32 to vector<16xi32>
          %shift_right_logical3A_554 = arith.shrui %get3A_544, %shift_right_logical3A_553 : vector<16xi32>
          %swap3A_555 = arith.constant 112 : index
          %swap3A_556 = tpu.vector_load %arg13[%swap3A_555] {strides = array<i32>} : memref<128xi32, #tpu.memory_space<vmem>>, vector<16xi32>,
          %swap3A_557 = vector.shape_cast %swap3A_556 : vector<16xi32> to vector<16xi32>
          %swap3A_558 = vector.shape_cast %shift_right_logical3A_554 : vector<16xi32> to vector<16xi32>
          tpu.vector_store %arg13[%swap3A_555], %swap3A_558 {strides = array<i32>} : memref<128xi32, #tpu.memory_space<vmem>>, vector<16xi32>,
          %dma_start3A_559 = arith.constant 0 : i32
          %dma_start3A_560 = arith.constant 0 : i32
          %dma_start3A_561 = tpu.memref_slice %arg3[%dma_start3A_559, %dma_start3A_560] : memref<10000x128xf32, #tpu.memory_space<hbm>> -> memref<10000x128xf32, #tpu.memory_space<hbm>>
          tpu.enqueue_indirect_dma source(%dma_start3A_561 : memref<10000x128xf32, #tpu.memory_space<hbm>>) target(%arg15 : memref<128x128xf32, #tpu.memory_space<vmem>>) offsets(%arg13 : memref<128xi32, #tpu.memory_space<vmem>>) semaphore(%arg18 : memref<!tpu.dma_semaphore, #tpu.memory_space<semaphore_mem>>)
        } else {
        }
        %add3A_401 = arith.constant 1 : i32
        %add3A_402 = arith.addi %mul3A_391, %add3A_401 : i32
        %dma_wait3A_403 = arith.constant 0 : i32
        %dma_wait3A_404 = arith.constant 0 : i32
        %dma_wait3A_405 = tpu.memref_slice %arg3[%dma_wait3A_403, %dma_wait3A_404] : memref<10000x128xf32, #tpu.memory_space<hbm>> -> memref<10000x128xf32, #tpu.memory_space<hbm>>
        tpu.wait_indirect_dma semaphore(%arg19 : memref<!tpu.dma_semaphore, #tpu.memory_space<semaphore_mem>>) src(%dma_wait3A_405 : memref<10000x128xf32, #tpu.memory_space<hbm>>) dst(%arg16 : memref<128x128xf32, #tpu.memory_space<vmem>>)
        "tpu.region"() ({
          %run_scoped3A = tpu.sem_alloc : memref<!tpu.dma_semaphore, #tpu.memory_space<semaphore_mem>>
          %dma_start3A_413 = arith.constant 0 : i32
          %dma_start3A_414 = arith.constant 0 : i32
          %dma_start3A_415 = tpu.memref_slice %arg17[%dma_start3A_413, %dma_start3A_414] : memref<10240x128xf32, #tpu.memory_space<vmem_shared>> -> memref<10240x128xf32, #tpu.memory_space<vmem_shared>>
          tpu.enqueue_indirect_dma source(%arg16 : memref<128x128xf32, #tpu.memory_space<vmem>>) target(%dma_start3A_415 : memref<10240x128xf32, #tpu.memory_space<vmem_shared>>) offsets(%arg12 : memref<128xi32, #tpu.memory_space<vmem>>) semaphore(%run_scoped3A : memref<!tpu.dma_semaphore, #tpu.memory_space<semaphore_mem>>) {add = true}
          %dma_wait3A_416 = arith.constant 0 : i32
          %dma_wait3A_417 = arith.constant 0 : i32
          %dma_wait3A_418 = tpu.memref_slice %arg17[%dma_wait3A_416, %dma_wait3A_417] : memref<10240x128xf32, #tpu.memory_space<vmem_shared>> -> memref<10240x128xf32, #tpu.memory_space<vmem_shared>>
          tpu.wait_indirect_dma semaphore(%run_scoped3A : memref<!tpu.dma_semaphore, #tpu.memory_space<semaphore_mem>>) src(%arg16 : memref<128x128xf32, #tpu.memory_space<vmem>>) dst(%dma_wait3A_418 : memref<10240x128xf32, #tpu.memory_space<vmem_shared>>)
          tpu.yield
        }) : () -> ()
        "tpu.region"() ({
          %run_scoped3A = tpu.sem_alloc : memref<!tpu.dma_semaphore, #tpu.memory_space<semaphore_mem>>
          %dma_start3A_413 = arith.constant 0 : i32
          %dma_start3A_414 = tpu.memref_slice %arg21[%dma_start3A_413] : memref<10240xf32, #tpu.memory_space<vmem_shared>> -> memref<10240xf32, #tpu.memory_space<vmem_shared>>
          tpu.enqueue_indirect_dma source(%arg20 : memref<128xf32, #tpu.memory_space<vmem>>) target(%dma_start3A_414 : memref<10240xf32, #tpu.memory_space<vmem_shared>>) offsets(%arg12 : memref<128xi32, #tpu.memory_space<vmem>>) semaphore(%run_scoped3A : memref<!tpu.dma_semaphore, #tpu.memory_space<semaphore_mem>>) {add = true}
          %dma_wait3A_415 = arith.constant 0 : i32
          %dma_wait3A_416 = tpu.memref_slice %arg21[%dma_wait3A_415] : memref<10240xf32, #tpu.memory_space<vmem_shared>> -> memref<10240xf32, #tpu.memory_space<vmem_shared>>
          tpu.wait_indirect_dma semaphore(%run_scoped3A : memref<!tpu.dma_semaphore, #tpu.memory_space<semaphore_mem>>) src(%arg20 : memref<128xf32, #tpu.memory_space<vmem>>) dst(%dma_wait3A_416 : memref<10240xf32, #tpu.memory_space<vmem_shared>>)
          tpu.yield
        }) : () -> ()
        %add3A_406 = arith.constant 3 : i32
        %add3A_407 = arith.addi %mul3A_391, %add3A_406 : i32
        %lt3A_408 = arith.constant 79 : i32
        %lt3A_409 = arith.cmpi slt, %add3A_407, %lt3A_408 : i32
        %convert_element_type3A_410 = arith.extui %lt3A_409 : i1 to i32
        %cond3A_411 = arith.constant 0 : i32
        %cond3A_412 = arith.cmpi ne, %convert_element_type3A_410, %cond3A_411 : i32
        scf.if %cond3A_412 {
          %add3A_413 = arith.constant 3 : i32
          %add3A_414 = arith.addi %mul3A_391, %add3A_413 : i32
          %get3A_415 = arith.index_cast %add3A_414 : i32 to index
          %get3A_416 = arith.constant 0 : index
          %get3A_417 = tpu.vector_load %arg10[%get3A_415, %get3A_416] {strides = array<i32>} : memref<79x128xi32, #tpu.memory_space<vmem>>, vector<1x16xi32>,
          %get3A_418 = vector.shape_cast %get3A_417 : vector<1x16xi32> to vector<16xi32>
          %and3A_419 = arith.constant 65535 : i32
          %and3A_420 = vector.broadcast %and3A_419 : i32 to vector<16xi32>
          %and3A_421 = arith.andi %get3A_418, %and3A_420 : vector<16xi32>
          %swap3A_422 = arith.constant 0 : index
          %swap3A_423 = tpu.vector_load %arg12[%swap3A_422] {strides = array<i32>} : memref<128xi32, #tpu.memory_space<vmem>>, vector<16xi32>,
          %swap3A_424 = vector.shape_cast %swap3A_423 : vector<16xi32> to vector<16xi32>
          %swap3A_425 = vector.shape_cast %and3A_421 : vector<16xi32> to vector<16xi32>
          tpu.vector_store %arg12[%swap3A_422], %swap3A_425 {strides = array<i32>} : memref<128xi32, #tpu.memory_space<vmem>>, vector<16xi32>,
          %shift_right_logical3A_426 = arith.constant 16 : i32
          %shift_right_logical3A_427 = vector.broadcast %shift_right_logical3A_426 : i32 to vector<16xi32>
          %shift_right_logical3A_428 = arith.shrui %get3A_418, %shift_right_logical3A_427 : vector<16xi32>
          %swap3A_429 = arith.constant 0 : index
          %swap3A_430 = tpu.vector_load %arg14[%swap3A_429] {strides = array<i32>} : memref<128xi32, #tpu.memory_space<vmem>>, vector<16xi32>,
          %swap3A_431 = vector.shape_cast %swap3A_430 : vector<16xi32> to vector<16xi32>
          %swap3A_432 = vector.shape_cast %shift_right_logical3A_428 : vector<16xi32> to vector<16xi32>
          tpu.vector_store %arg14[%swap3A_429], %swap3A_432 {strides = array<i32>} : memref<128xi32, #tpu.memory_space<vmem>>, vector<16xi32>,
          %get3A_433 = arith.index_cast %add3A_414 : i32 to index
          %get3A_434 = arith.constant 16 : index
          %get3A_435 = tpu.vector_load %arg10[%get3A_433, %get3A_434] {strides = array<i32>} : memref<79x128xi32, #tpu.memory_space<vmem>>, vector<1x16xi32>,
          %get3A_436 = vector.shape_cast %get3A_435 : vector<1x16xi32> to vector<16xi32>
          %and3A_437 = arith.constant 65535 : i32
          %and3A_438 = vector.broadcast %and3A_437 : i32 to vector<16xi32>
          %and3A_439 = arith.andi %get3A_436, %and3A_438 : vector<16xi32>
          %swap3A_440 = arith.constant 16 : index
          %swap3A_441 = tpu.vector_load %arg12[%swap3A_440] {strides = array<i32>} : memref<128xi32, #tpu.memory_space<vmem>>, vector<16xi32>,
          %swap3A_442 = vector.shape_cast %swap3A_441 : vector<16xi32> to vector<16xi32>
          %swap3A_443 = vector.shape_cast %and3A_439 : vector<16xi32> to vector<16xi32>
          tpu.vector_store %arg12[%swap3A_440], %swap3A_443 {strides = array<i32>} : memref<128xi32, #tpu.memory_space<vmem>>, vector<16xi32>,
          %shift_right_logical3A_444 = arith.constant 16 : i32
          %shift_right_logical3A_445 = vector.broadcast %shift_right_logical3A_444 : i32 to vector<16xi32>
          %shift_right_logical3A_446 = arith.shrui %get3A_436, %shift_right_logical3A_445 : vector<16xi32>
          %swap3A_447 = arith.constant 16 : index
          %swap3A_448 = tpu.vector_load %arg14[%swap3A_447] {strides = array<i32>} : memref<128xi32, #tpu.memory_space<vmem>>, vector<16xi32>,
          %swap3A_449 = vector.shape_cast %swap3A_448 : vector<16xi32> to vector<16xi32>
          %swap3A_450 = vector.shape_cast %shift_right_logical3A_446 : vector<16xi32> to vector<16xi32>
          tpu.vector_store %arg14[%swap3A_447], %swap3A_450 {strides = array<i32>} : memref<128xi32, #tpu.memory_space<vmem>>, vector<16xi32>,
          %get3A_451 = arith.index_cast %add3A_414 : i32 to index
          %get3A_452 = arith.constant 32 : index
          %get3A_453 = tpu.vector_load %arg10[%get3A_451, %get3A_452] {strides = array<i32>} : memref<79x128xi32, #tpu.memory_space<vmem>>, vector<1x16xi32>,
          %get3A_454 = vector.shape_cast %get3A_453 : vector<1x16xi32> to vector<16xi32>
          %and3A_455 = arith.constant 65535 : i32
          %and3A_456 = vector.broadcast %and3A_455 : i32 to vector<16xi32>
          %and3A_457 = arith.andi %get3A_454, %and3A_456 : vector<16xi32>
          %swap3A_458 = arith.constant 32 : index
          %swap3A_459 = tpu.vector_load %arg12[%swap3A_458] {strides = array<i32>} : memref<128xi32, #tpu.memory_space<vmem>>, vector<16xi32>,
          %swap3A_460 = vector.shape_cast %swap3A_459 : vector<16xi32> to vector<16xi32>
          %swap3A_461 = vector.shape_cast %and3A_457 : vector<16xi32> to vector<16xi32>
          tpu.vector_store %arg12[%swap3A_458], %swap3A_461 {strides = array<i32>} : memref<128xi32, #tpu.memory_space<vmem>>, vector<16xi32>,
          %shift_right_logical3A_462 = arith.constant 16 : i32
          %shift_right_logical3A_463 = vector.broadcast %shift_right_logical3A_462 : i32 to vector<16xi32>
          %shift_right_logical3A_464 = arith.shrui %get3A_454, %shift_right_logical3A_463 : vector<16xi32>
          %swap3A_465 = arith.constant 32 : index
          %swap3A_466 = tpu.vector_load %arg14[%swap3A_465] {strides = array<i32>} : memref<128xi32, #tpu.memory_space<vmem>>, vector<16xi32>,
          %swap3A_467 = vector.shape_cast %swap3A_466 : vector<16xi32> to vector<16xi32>
          %swap3A_468 = vector.shape_cast %shift_right_logical3A_464 : vector<16xi32> to vector<16xi32>
          tpu.vector_store %arg14[%swap3A_465], %swap3A_468 {strides = array<i32>} : memref<128xi32, #tpu.memory_space<vmem>>, vector<16xi32>,
          %get3A_469 = arith.index_cast %add3A_414 : i32 to index
          %get3A_470 = arith.constant 48 : index
          %get3A_471 = tpu.vector_load %arg10[%get3A_469, %get3A_470] {strides = array<i32>} : memref<79x128xi32, #tpu.memory_space<vmem>>, vector<1x16xi32>,
          %get3A_472 = vector.shape_cast %get3A_471 : vector<1x16xi32> to vector<16xi32>
          %and3A_473 = arith.constant 65535 : i32
          %and3A_474 = vector.broadcast %and3A_473 : i32 to vector<16xi32>
          %and3A_475 = arith.andi %get3A_472, %and3A_474 : vector<16xi32>
          %swap3A_476 = arith.constant 48 : index
          %swap3A_477 = tpu.vector_load %arg12[%swap3A_476] {strides = array<i32>} : memref<128xi32, #tpu.memory_space<vmem>>, vector<16xi32>,
          %swap3A_478 = vector.shape_cast %swap3A_477 : vector<16xi32> to vector<16xi32>
          %swap3A_479 = vector.shape_cast %and3A_475 : vector<16xi32> to vector<16xi32>
          tpu.vector_store %arg12[%swap3A_476], %swap3A_479 {strides = array<i32>} : memref<128xi32, #tpu.memory_space<vmem>>, vector<16xi32>,
          %shift_right_logical3A_480 = arith.constant 16 : i32
          %shift_right_logical3A_481 = vector.broadcast %shift_right_logical3A_480 : i32 to vector<16xi32>
          %shift_right_logical3A_482 = arith.shrui %get3A_472, %shift_right_logical3A_481 : vector<16xi32>
          %swap3A_483 = arith.constant 48 : index
          %swap3A_484 = tpu.vector_load %arg14[%swap3A_483] {strides = array<i32>} : memref<128xi32, #tpu.memory_space<vmem>>, vector<16xi32>,
          %swap3A_485 = vector.shape_cast %swap3A_484 : vector<16xi32> to vector<16xi32>
          %swap3A_486 = vector.shape_cast %shift_right_logical3A_482 : vector<16xi32> to vector<16xi32>
          tpu.vector_store %arg14[%swap3A_483], %swap3A_486 {strides = array<i32>} : memref<128xi32, #tpu.memory_space<vmem>>, vector<16xi32>,
          %get3A_487 = arith.index_cast %add3A_414 : i32 to index
          %get3A_488 = arith.constant 64 : index
          %get3A_489 = tpu.vector_load %arg10[%get3A_487, %get3A_488] {strides = array<i32>} : memref<79x128xi32, #tpu.memory_space<vmem>>, vector<1x16xi32>,
          %get3A_490 = vector.shape_cast %get3A_489 : vector<1x16xi32> to vector<16xi32>
          %and3A_491 = arith.constant 65535 : i32
          %and3A_492 = vector.broadcast %and3A_491 : i32 to vector<16xi32>
          %and3A_493 = arith.andi %get3A_490, %and3A_492 : vector<16xi32>
          %swap3A_494 = arith.constant 64 : index
          %swap3A_495 = tpu.vector_load %arg12[%swap3A_494] {strides = array<i32>} : memref<128xi32, #tpu.memory_space<vmem>>, vector<16xi32>,
          %swap3A_496 = vector.shape_cast %swap3A_495 : vector<16xi32> to vector<16xi32>
          %swap3A_497 = vector.shape_cast %and3A_493 : vector<16xi32> to vector<16xi32>
          tpu.vector_store %arg12[%swap3A_494], %swap3A_497 {strides = array<i32>} : memref<128xi32, #tpu.memory_space<vmem>>, vector<16xi32>,
          %shift_right_logical3A_498 = arith.constant 16 : i32
          %shift_right_logical3A_499 = vector.broadcast %shift_right_logical3A_498 : i32 to vector<16xi32>
          %shift_right_logical3A_500 = arith.shrui %get3A_490, %shift_right_logical3A_499 : vector<16xi32>
          %swap3A_501 = arith.constant 64 : index
          %swap3A_502 = tpu.vector_load %arg14[%swap3A_501] {strides = array<i32>} : memref<128xi32, #tpu.memory_space<vmem>>, vector<16xi32>,
          %swap3A_503 = vector.shape_cast %swap3A_502 : vector<16xi32> to vector<16xi32>
          %swap3A_504 = vector.shape_cast %shift_right_logical3A_500 : vector<16xi32> to vector<16xi32>
          tpu.vector_store %arg14[%swap3A_501], %swap3A_504 {strides = array<i32>} : memref<128xi32, #tpu.memory_space<vmem>>, vector<16xi32>,
          %get3A_505 = arith.index_cast %add3A_414 : i32 to index
          %get3A_506 = arith.constant 80 : index
          %get3A_507 = tpu.vector_load %arg10[%get3A_505, %get3A_506] {strides = array<i32>} : memref<79x128xi32, #tpu.memory_space<vmem>>, vector<1x16xi32>,
          %get3A_508 = vector.shape_cast %get3A_507 : vector<1x16xi32> to vector<16xi32>
          %and3A_509 = arith.constant 65535 : i32
          %and3A_510 = vector.broadcast %and3A_509 : i32 to vector<16xi32>
          %and3A_511 = arith.andi %get3A_508, %and3A_510 : vector<16xi32>
          %swap3A_512 = arith.constant 80 : index
          %swap3A_513 = tpu.vector_load %arg12[%swap3A_512] {strides = array<i32>} : memref<128xi32, #tpu.memory_space<vmem>>, vector<16xi32>,
          %swap3A_514 = vector.shape_cast %swap3A_513 : vector<16xi32> to vector<16xi32>
          %swap3A_515 = vector.shape_cast %and3A_511 : vector<16xi32> to vector<16xi32>
          tpu.vector_store %arg12[%swap3A_512], %swap3A_515 {strides = array<i32>} : memref<128xi32, #tpu.memory_space<vmem>>, vector<16xi32>,
          %shift_right_logical3A_516 = arith.constant 16 : i32
          %shift_right_logical3A_517 = vector.broadcast %shift_right_logical3A_516 : i32 to vector<16xi32>
          %shift_right_logical3A_518 = arith.shrui %get3A_508, %shift_right_logical3A_517 : vector<16xi32>
          %swap3A_519 = arith.constant 80 : index
          %swap3A_520 = tpu.vector_load %arg14[%swap3A_519] {strides = array<i32>} : memref<128xi32, #tpu.memory_space<vmem>>, vector<16xi32>,
          %swap3A_521 = vector.shape_cast %swap3A_520 : vector<16xi32> to vector<16xi32>
          %swap3A_522 = vector.shape_cast %shift_right_logical3A_518 : vector<16xi32> to vector<16xi32>
          tpu.vector_store %arg14[%swap3A_519], %swap3A_522 {strides = array<i32>} : memref<128xi32, #tpu.memory_space<vmem>>, vector<16xi32>,
          %get3A_523 = arith.index_cast %add3A_414 : i32 to index
          %get3A_524 = arith.constant 96 : index
          %get3A_525 = tpu.vector_load %arg10[%get3A_523, %get3A_524] {strides = array<i32>} : memref<79x128xi32, #tpu.memory_space<vmem>>, vector<1x16xi32>,
          %get3A_526 = vector.shape_cast %get3A_525 : vector<1x16xi32> to vector<16xi32>
          %and3A_527 = arith.constant 65535 : i32
          %and3A_528 = vector.broadcast %and3A_527 : i32 to vector<16xi32>
          %and3A_529 = arith.andi %get3A_526, %and3A_528 : vector<16xi32>
          %swap3A_530 = arith.constant 96 : index
          %swap3A_531 = tpu.vector_load %arg12[%swap3A_530] {strides = array<i32>} : memref<128xi32, #tpu.memory_space<vmem>>, vector<16xi32>,
          %swap3A_532 = vector.shape_cast %swap3A_531 : vector<16xi32> to vector<16xi32>
          %swap3A_533 = vector.shape_cast %and3A_529 : vector<16xi32> to vector<16xi32>
          tpu.vector_store %arg12[%swap3A_530], %swap3A_533 {strides = array<i32>} : memref<128xi32, #tpu.memory_space<vmem>>, vector<16xi32>,
          %shift_right_logical3A_534 = arith.constant 16 : i32
          %shift_right_logical3A_535 = vector.broadcast %shift_right_logical3A_534 : i32 to vector<16xi32>
          %shift_right_logical3A_536 = arith.shrui %get3A_526, %shift_right_logical3A_535 : vector<16xi32>
          %swap3A_537 = arith.constant 96 : index
          %swap3A_538 = tpu.vector_load %arg14[%swap3A_537] {strides = array<i32>} : memref<128xi32, #tpu.memory_space<vmem>>, vector<16xi32>,
          %swap3A_539 = vector.shape_cast %swap3A_538 : vector<16xi32> to vector<16xi32>
          %swap3A_540 = vector.shape_cast %shift_right_logical3A_536 : vector<16xi32> to vector<16xi32>
          tpu.vector_store %arg14[%swap3A_537], %swap3A_540 {strides = array<i32>} : memref<128xi32, #tpu.memory_space<vmem>>, vector<16xi32>,
          %get3A_541 = arith.index_cast %add3A_414 : i32 to index
          %get3A_542 = arith.constant 112 : index
          %get3A_543 = tpu.vector_load %arg10[%get3A_541, %get3A_542] {strides = array<i32>} : memref<79x128xi32, #tpu.memory_space<vmem>>, vector<1x16xi32>,
          %get3A_544 = vector.shape_cast %get3A_543 : vector<1x16xi32> to vector<16xi32>
          %and3A_545 = arith.constant 65535 : i32
          %and3A_546 = vector.broadcast %and3A_545 : i32 to vector<16xi32>
          %and3A_547 = arith.andi %get3A_544, %and3A_546 : vector<16xi32>
          %swap3A_548 = arith.constant 112 : index
          %swap3A_549 = tpu.vector_load %arg12[%swap3A_548] {strides = array<i32>} : memref<128xi32, #tpu.memory_space<vmem>>, vector<16xi32>,
          %swap3A_550 = vector.shape_cast %swap3A_549 : vector<16xi32> to vector<16xi32>
          %swap3A_551 = vector.shape_cast %and3A_547 : vector<16xi32> to vector<16xi32>
          tpu.vector_store %arg12[%swap3A_548], %swap3A_551 {strides = array<i32>} : memref<128xi32, #tpu.memory_space<vmem>>, vector<16xi32>,
          %shift_right_logical3A_552 = arith.constant 16 : i32
          %shift_right_logical3A_553 = vector.broadcast %shift_right_logical3A_552 : i32 to vector<16xi32>
          %shift_right_logical3A_554 = arith.shrui %get3A_544, %shift_right_logical3A_553 : vector<16xi32>
          %swap3A_555 = arith.constant 112 : index
          %swap3A_556 = tpu.vector_load %arg14[%swap3A_555] {strides = array<i32>} : memref<128xi32, #tpu.memory_space<vmem>>, vector<16xi32>,
          %swap3A_557 = vector.shape_cast %swap3A_556 : vector<16xi32> to vector<16xi32>
          %swap3A_558 = vector.shape_cast %shift_right_logical3A_554 : vector<16xi32> to vector<16xi32>
          tpu.vector_store %arg14[%swap3A_555], %swap3A_558 {strides = array<i32>} : memref<128xi32, #tpu.memory_space<vmem>>, vector<16xi32>,
          %dma_start3A_559 = arith.constant 0 : i32
          %dma_start3A_560 = arith.constant 0 : i32
          %dma_start3A_561 = tpu.memref_slice %arg3[%dma_start3A_559, %dma_start3A_560] : memref<10000x128xf32, #tpu.memory_space<hbm>> -> memref<10000x128xf32, #tpu.memory_space<hbm>>
          tpu.enqueue_indirect_dma source(%dma_start3A_561 : memref<10000x128xf32, #tpu.memory_space<hbm>>) target(%arg16 : memref<128x128xf32, #tpu.memory_space<vmem>>) offsets(%arg14 : memref<128xi32, #tpu.memory_space<vmem>>) semaphore(%arg19 : memref<!tpu.dma_semaphore, #tpu.memory_space<semaphore_mem>>)
        } else {
        }
      }
      %scan3A_386 = arith.constant 39 : i32
      %dma_wait3A = arith.constant 0 : i32
      %dma_wait3A_387 = arith.constant 0 : i32
      %dma_wait3A_388 = tpu.memref_slice %arg3[%dma_wait3A, %dma_wait3A_387] : memref<10000x128xf32, #tpu.memory_space<hbm>> -> memref<10000x128xf32, #tpu.memory_space<hbm>>
      tpu.wait_indirect_dma semaphore(%arg18 : memref<!tpu.dma_semaphore, #tpu.memory_space<semaphore_mem>>) src(%dma_wait3A_388 : memref<10000x128xf32, #tpu.memory_space<hbm>>) dst(%arg15 : memref<128x128xf32, #tpu.memory_space<vmem>>)
      "tpu.region"() ({
        %run_scoped3A = tpu.sem_alloc : memref<!tpu.dma_semaphore, #tpu.memory_space<semaphore_mem>>
        %dma_start3A_389 = arith.constant 0 : i32
        %dma_start3A_390 = arith.constant 0 : i32
        %dma_start3A_391 = tpu.memref_slice %arg17[%dma_start3A_389, %dma_start3A_390] : memref<10240x128xf32, #tpu.memory_space<vmem_shared>> -> memref<10240x128xf32, #tpu.memory_space<vmem_shared>>
        tpu.enqueue_indirect_dma source(%arg15 : memref<128x128xf32, #tpu.memory_space<vmem>>) target(%dma_start3A_391 : memref<10240x128xf32, #tpu.memory_space<vmem_shared>>) offsets(%arg11 : memref<128xi32, #tpu.memory_space<vmem>>) semaphore(%run_scoped3A : memref<!tpu.dma_semaphore, #tpu.memory_space<semaphore_mem>>) {add = true}
        %dma_wait3A_392 = arith.constant 0 : i32
        %dma_wait3A_393 = arith.constant 0 : i32
        %dma_wait3A_394 = tpu.memref_slice %arg17[%dma_wait3A_392, %dma_wait3A_393] : memref<10240x128xf32, #tpu.memory_space<vmem_shared>> -> memref<10240x128xf32, #tpu.memory_space<vmem_shared>>
        tpu.wait_indirect_dma semaphore(%run_scoped3A : memref<!tpu.dma_semaphore, #tpu.memory_space<semaphore_mem>>) src(%arg15 : memref<128x128xf32, #tpu.memory_space<vmem>>) dst(%dma_wait3A_394 : memref<10240x128xf32, #tpu.memory_space<vmem_shared>>)
        tpu.yield
      }) : () -> ()
      "tpu.region"() ({
        %run_scoped3A = tpu.sem_alloc : memref<!tpu.dma_semaphore, #tpu.memory_space<semaphore_mem>>
        %dma_start3A_389 = arith.constant 0 : i32
        %dma_start3A_390 = tpu.memref_slice %arg21[%dma_start3A_389] : memref<10240xf32, #tpu.memory_space<vmem_shared>> -> memref<10240xf32, #tpu.memory_space<vmem_shared>>
        tpu.enqueue_indirect_dma source(%arg20 : memref<128xf32, #tpu.memory_space<vmem>>) target(%dma_start3A_390 : memref<10240xf32, #tpu.memory_space<vmem_shared>>) offsets(%arg11 : memref<128xi32, #tpu.memory_space<vmem>>) semaphore(%run_scoped3A : memref<!tpu.dma_semaphore, #tpu.memory_space<semaphore_mem>>) {add = true}
        %dma_wait3A_391 = arith.constant 0 : i32
        %dma_wait3A_392 = tpu.memref_slice %arg21[%dma_wait3A_391] : memref<10240xf32, #tpu.memory_space<vmem_shared>> -> memref<10240xf32, #tpu.memory_space<vmem_shared>>
        tpu.wait_indirect_dma semaphore(%run_scoped3A : memref<!tpu.dma_semaphore, #tpu.memory_space<semaphore_mem>>) src(%arg20 : memref<128xf32, #tpu.memory_space<vmem>>) dst(%dma_wait3A_392 : memref<10240xf32, #tpu.memory_space<vmem_shared>>)
        tpu.yield
      }) : () -> ()
    } else {
    }
    %barrier3A_58 = arith.constant 0 : index
    tpu.barrier barrier_id(%barrier3A_58)
    %mul3A_59 = arith.constant 640 : i32
    %mul3A_60 = arith.muli %arg1, %mul3A_59 : i32
    %eq3A_61 = arith.constant 0 : i32
    %eq3A_62 = arith.cmpi eq, %arg0, %eq3A_61 : i32
    %convert_element_type3A_63 = arith.extui %eq3A_62 : i1 to i32
    %cond3A_64 = arith.constant 0 : i32
    %cond3A_65 = arith.cmpi ne, %convert_element_type3A_63, %cond3A_64 : i32
    scf.if %cond3A_65 {
      "tpu.region"() ({
        %run_scoped3A = tpu.sem_alloc : memref<!tpu.dma_semaphore, #tpu.memory_space<semaphore_mem>>
        %dma_start3A = arith.constant 0 : i32
        %dma_start3A_76 = tpu.memref_slice %arg7[%mul3A_60, %dma_start3A] : memref<10240x128xf32, #tpu.memory_space<hbm>> -> memref<640x128xf32, #tpu.memory_space<hbm>>
        %dma_start3A_77 = arith.constant 0 : i32
        %dma_start3A_78 = tpu.memref_slice %arg17[%mul3A_60, %dma_start3A_77] : memref<10240x128xf32, #tpu.memory_space<vmem_shared>> -> memref<640x128xf32, #tpu.memory_space<vmem_shared>>
        tpu.enqueue_dma source(%dma_start3A_78 : memref<640x128xf32, #tpu.memory_space<vmem_shared>>) target(%dma_start3A_76 : memref<640x128xf32, #tpu.memory_space<hbm>>) target_semaphore(%run_scoped3A : memref<!tpu.dma_semaphore, #tpu.memory_space<semaphore_mem>>)
        %dma_wait3A = arith.constant 0 : i32
        %dma_wait3A_79 = tpu.memref_slice %arg7[%mul3A_60, %dma_wait3A] : memref<10240x128xf32, #tpu.memory_space<hbm>> -> memref<640x128xf32, #tpu.memory_space<hbm>>
        %dma_wait3A_80 = arith.constant 0 : i32
        %dma_wait3A_81 = tpu.memref_slice %arg17[%mul3A_60, %dma_wait3A_80] : memref<10240x128xf32, #tpu.memory_space<vmem_shared>> -> memref<640x128xf32, #tpu.memory_space<vmem_shared>>
        tpu.wait_dma2 semaphore(%run_scoped3A : memref<!tpu.dma_semaphore, #tpu.memory_space<semaphore_mem>>) src(%dma_wait3A_81 : memref<640x128xf32, #tpu.memory_space<vmem_shared>>) dst(%dma_wait3A_79 : memref<640x128xf32, #tpu.memory_space<hbm>>)
        tpu.yield
      }) : () -> ()
    } else {
    }
    %eq3A_66 = arith.constant 1 : i32
    %eq3A_67 = arith.cmpi eq, %arg0, %eq3A_66 : i32
    %convert_element_type3A_68 = arith.extui %eq3A_67 : i1 to i32
    %cond3A_69 = arith.constant 0 : i32
    %cond3A_70 = arith.cmpi ne, %convert_element_type3A_68, %cond3A_69 : i32
    scf.if %cond3A_70 {
      "tpu.region"() ({
        %run_scoped3A = tpu.sem_alloc : memref<!tpu.dma_semaphore, #tpu.memory_space<semaphore_mem>>
        %dma_start3A = arith.constant 0 : i32
        %dma_start3A_76 = tpu.memref_slice %arg8[%mul3A_60, %dma_start3A] : memref<10240x128xf32, #tpu.memory_space<hbm>> -> memref<640x128xf32, #tpu.memory_space<hbm>>
        %dma_start3A_77 = arith.constant 0 : i32
        %dma_start3A_78 = tpu.memref_slice %arg17[%mul3A_60, %dma_start3A_77] : memref<10240x128xf32, #tpu.memory_space<vmem_shared>> -> memref<640x128xf32, #tpu.memory_space<vmem_shared>>
        tpu.enqueue_dma source(%dma_start3A_78 : memref<640x128xf32, #tpu.memory_space<vmem_shared>>) target(%dma_start3A_76 : memref<640x128xf32, #tpu.memory_space<hbm>>) target_semaphore(%run_scoped3A : memref<!tpu.dma_semaphore, #tpu.memory_space<semaphore_mem>>)
        %dma_wait3A = arith.constant 0 : i32
        %dma_wait3A_79 = tpu.memref_slice %arg8[%mul3A_60, %dma_wait3A] : memref<10240x128xf32, #tpu.memory_space<hbm>> -> memref<640x128xf32, #tpu.memory_space<hbm>>
        %dma_wait3A_80 = arith.constant 0 : i32
        %dma_wait3A_81 = tpu.memref_slice %arg17[%mul3A_60, %dma_wait3A_80] : memref<10240x128xf32, #tpu.memory_space<vmem_shared>> -> memref<640x128xf32, #tpu.memory_space<vmem_shared>>
        tpu.wait_dma2 semaphore(%run_scoped3A : memref<!tpu.dma_semaphore, #tpu.memory_space<semaphore_mem>>) src(%dma_wait3A_81 : memref<640x128xf32, #tpu.memory_space<vmem_shared>>) dst(%dma_wait3A_79 : memref<640x128xf32, #tpu.memory_space<hbm>>)
        tpu.yield
      }) : () -> ()
    } else {
    }
    %mul3A_71 = arith.constant 10240 : i32
    %mul3A_72 = arith.muli %arg0, %mul3A_71 : i32
    %mul3A_73 = arith.constant 640 : i32
    %mul3A_74 = arith.muli %arg1, %mul3A_73 : i32
    %add3A_75 = arith.addi %mul3A_72, %mul3A_74 : i32
    "tpu.region"() ({
      %run_scoped3A = tpu.sem_alloc : memref<!tpu.dma_semaphore, #tpu.memory_space<semaphore_mem>>
      %dma_start3A = tpu.memref_slice %arg9[%add3A_75] : memref<20480xf32, #tpu.memory_space<hbm>> -> memref<640xf32, #tpu.memory_space<hbm>>
      %dma_start3A_76 = tpu.memref_slice %arg21[%mul3A_60] : memref<10240xf32, #tpu.memory_space<vmem_shared>> -> memref<640xf32, #tpu.memory_space<vmem_shared>>
      tpu.enqueue_dma source(%dma_start3A_76 : memref<640xf32, #tpu.memory_space<vmem_shared>>) target(%dma_start3A : memref<640xf32, #tpu.memory_space<hbm>>) target_semaphore(%run_scoped3A : memref<!tpu.dma_semaphore, #tpu.memory_space<semaphore_mem>>)
      %dma_wait3A = tpu.memref_slice %arg9[%add3A_75] : memref<20480xf32, #tpu.memory_space<hbm>> -> memref<640xf32, #tpu.memory_space<hbm>>
      %dma_wait3A_77 = tpu.memref_slice %arg21[%mul3A_60] : memref<10240xf32, #tpu.memory_space<vmem_shared>> -> memref<640xf32, #tpu.memory_space<vmem_shared>>
      tpu.wait_dma2 semaphore(%run_scoped3A : memref<!tpu.dma_semaphore, #tpu.memory_space<semaphore_mem>>) src(%dma_wait3A_77 : memref<640xf32, #tpu.memory_space<vmem_shared>>) dst(%dma_wait3A : memref<640xf32, #tpu.memory_space<hbm>>)
      tpu.yield
    }) : () -> ()
    return
  }
}

#map = affine_map<(d0, d1) -> (0, 0)>
#map1 = affine_map<(d0, d1) -> (0, 0, 0)>
module attributes {stable_mosaic.version = 14 : i64} {
  func.func @body(%arg0: i32, %arg1: i32, %arg2: memref<10000x64xf32, #tpu.memory_space<hbm>>, %arg3: memref<10000x64xf32, #tpu.memory_space<hbm>>, %arg4: memref<32x79x128xi32, #tpu.memory_space<hbm>>, %arg5: memref<640x64xf32, #tpu.memory_space<hbm>>, %arg6: memref<10240x64xf32, #tpu.memory_space<hbm>>, %arg7: memref<10240x64xf32, #tpu.memory_space<hbm>>, %arg8: memref<79x128xi32, #tpu.memory_space<vmem>>, %arg9: memref<128xi32, #tpu.memory_space<vmem>>, %arg10: memref<128xi32, #tpu.memory_space<vmem>>, %arg11: memref<128xi32, #tpu.memory_space<vmem>>, %arg12: memref<128xi32, #tpu.memory_space<vmem>>, %arg13: memref<128x64xf32, #tpu.memory_space<vmem>>, %arg14: memref<128x64xf32, #tpu.memory_space<vmem>>, %arg15: memref<10240x64xf32, #tpu.memory_space<vmem_shared>>, %arg16: memref<!tpu.dma_semaphore, #tpu.memory_space<semaphore_mem>>, %arg17: memref<!tpu.dma_semaphore, #tpu.memory_space<semaphore_mem>>) attributes {dimension_semantics = [#tpu.dimension_semantics<core_parallel>, #tpu.dimension_semantics<subcore_parallel>], iteration_bounds = array<i64: 2, 16>, scalar_prefetch = 0 : i64, scratch_operands = 10 : i64, tpu.core_type = #tpu.core_type<sc_vector_subcore>, window_params = [{transform_indices = #map}, {transform_indices = #map}, {transform_indices = #map1}, {transform_indices = #map}, {transform_indices = #map}, {transform_indices = #map}]} {
    %mul3A = arith.constant 16 : i32
    %mul3A_0 = arith.muli %arg0, %mul3A : i32
    %add3A = arith.addi %mul3A_0, %arg1 : i32
    "tpu.region"() ({
      %run_scoped3A = tpu.sem_alloc : memref<!tpu.dma_semaphore, #tpu.memory_space<semaphore_mem>>
      %dma_start3A = arith.constant 0 : i32
      %dma_start3A_23 = arith.constant 0 : i32
      %dma_start3A_24 = tpu.memref_slice %arg4[%add3A, %dma_start3A, %dma_start3A_23] : memref<32x79x128xi32, #tpu.memory_space<hbm>> -> memref<1x79x128xi32, #tpu.memory_space<hbm>>
      %dma_start3A_25 = tpu.memref_squeeze %dma_start3A_24 : memref<1x79x128xi32, #tpu.memory_space<hbm>> -> memref<79x128xi32, #tpu.memory_space<hbm>>
      %dma_start3A_26 = arith.constant 0 : i32
      %dma_start3A_27 = arith.constant 0 : i32
      %dma_start3A_28 = tpu.memref_slice %arg4[%add3A, %dma_start3A_26, %dma_start3A_27] : memref<32x79x128xi32, #tpu.memory_space<hbm>> -> memref<1x79x128xi32, #tpu.memory_space<hbm>>
      %dma_start3A_29 = tpu.memref_squeeze %dma_start3A_28 : memref<1x79x128xi32, #tpu.memory_space<hbm>> -> memref<79x128xi32, #tpu.memory_space<hbm>>
      tpu.enqueue_dma source(%dma_start3A_29 : memref<79x128xi32, #tpu.memory_space<hbm>>) target(%arg8 : memref<79x128xi32, #tpu.memory_space<vmem>>) target_semaphore(%run_scoped3A : memref<!tpu.dma_semaphore, #tpu.memory_space<semaphore_mem>>)
      %dma_wait3A = arith.constant 0 : i32
      %dma_wait3A_30 = arith.constant 0 : i32
      %dma_wait3A_31 = tpu.memref_slice %arg4[%add3A, %dma_wait3A, %dma_wait3A_30] : memref<32x79x128xi32, #tpu.memory_space<hbm>> -> memref<1x79x128xi32, #tpu.memory_space<hbm>>
      %dma_wait3A_32 = tpu.memref_squeeze %dma_wait3A_31 : memref<1x79x128xi32, #tpu.memory_space<hbm>> -> memref<79x128xi32, #tpu.memory_space<hbm>>
      %dma_wait3A_33 = arith.constant 0 : i32
      %dma_wait3A_34 = arith.constant 0 : i32
      %dma_wait3A_35 = tpu.memref_slice %arg4[%add3A, %dma_wait3A_33, %dma_wait3A_34] : memref<32x79x128xi32, #tpu.memory_space<hbm>> -> memref<1x79x128xi32, #tpu.memory_space<hbm>>
      %dma_wait3A_36 = tpu.memref_squeeze %dma_wait3A_35 : memref<1x79x128xi32, #tpu.memory_space<hbm>> -> memref<79x128xi32, #tpu.memory_space<hbm>>
      tpu.wait_dma2 semaphore(%run_scoped3A : memref<!tpu.dma_semaphore, #tpu.memory_space<semaphore_mem>>) src(%dma_wait3A_36 : memref<79x128xi32, #tpu.memory_space<hbm>>) dst(%arg8 : memref<79x128xi32, #tpu.memory_space<vmem>>)
      tpu.yield
    }) : () -> ()
    %mul3A_1 = arith.constant 640 : i32
    %mul3A_2 = arith.muli %arg1, %mul3A_1 : i32
    "tpu.region"() ({
      %run_scoped3A = tpu.sem_alloc : memref<!tpu.dma_semaphore, #tpu.memory_space<semaphore_mem>>
      %dma_start3A = arith.constant 0 : i32
      %dma_start3A_23 = tpu.memref_slice %arg15[%mul3A_2, %dma_start3A] : memref<10240x64xf32, #tpu.memory_space<vmem_shared>> -> memref<640x64xf32, #tpu.memory_space<vmem_shared>>
      tpu.enqueue_dma source(%arg5 : memref<640x64xf32, #tpu.memory_space<hbm>>) target(%dma_start3A_23 : memref<640x64xf32, #tpu.memory_space<vmem_shared>>) target_semaphore(%run_scoped3A : memref<!tpu.dma_semaphore, #tpu.memory_space<semaphore_mem>>)
      %dma_wait3A = arith.constant 0 : i32
      %dma_wait3A_24 = tpu.memref_slice %arg15[%mul3A_2, %dma_wait3A] : memref<10240x64xf32, #tpu.memory_space<vmem_shared>> -> memref<640x64xf32, #tpu.memory_space<vmem_shared>>
      tpu.wait_dma2 semaphore(%run_scoped3A : memref<!tpu.dma_semaphore, #tpu.memory_space<semaphore_mem>>) src(%arg5 : memref<640x64xf32, #tpu.memory_space<hbm>>) dst(%dma_wait3A_24 : memref<640x64xf32, #tpu.memory_space<vmem_shared>>)
      tpu.yield
    }) : () -> ()
    %barrier3A = arith.constant 0 : index
    tpu.barrier barrier_id(%barrier3A)
    %eq3A = arith.constant 0 : i32
    %eq3A_3 = arith.cmpi eq, %arg0, %eq3A : i32
    %convert_element_type3A = arith.extui %eq3A_3 : i1 to i32
    %cond3A = arith.constant 0 : i32
    %cond3A_4 = arith.cmpi ne, %convert_element_type3A, %cond3A : i32
    scf.if %cond3A_4 {
      %get3A = arith.constant 0 : i32
      %get3A_23 = arith.index_cast %get3A : i32 to index
      %get3A_24 = arith.constant 0 : index
      %get3A_25 = tpu.vector_load %arg8[%get3A_23, %get3A_24] {strides = array<i32>} : memref<79x128xi32, #tpu.memory_space<vmem>>, vector<1x16xi32>,
      %get3A_26 = vector.shape_cast %get3A_25 : vector<1x16xi32> to vector<16xi32>
      %and3A = arith.constant 65535 : i32
      %and3A_27 = vector.broadcast %and3A : i32 to vector<16xi32>
      %and3A_28 = arith.andi %get3A_26, %and3A_27 : vector<16xi32>
      %swap3A = arith.constant 0 : index
      %swap3A_29 = tpu.vector_load %arg9[%swap3A] {strides = array<i32>} : memref<128xi32, #tpu.memory_space<vmem>>, vector<16xi32>,
      %swap3A_30 = vector.shape_cast %swap3A_29 : vector<16xi32> to vector<16xi32>
      %swap3A_31 = vector.shape_cast %and3A_28 : vector<16xi32> to vector<16xi32>
      tpu.vector_store %arg9[%swap3A], %swap3A_31 {strides = array<i32>} : memref<128xi32, #tpu.memory_space<vmem>>, vector<16xi32>,
      %shift_right_logical3A = arith.constant 16 : i32
      %shift_right_logical3A_32 = vector.broadcast %shift_right_logical3A : i32 to vector<16xi32>
      %shift_right_logical3A_33 = arith.shrui %get3A_26, %shift_right_logical3A_32 : vector<16xi32>
      %swap3A_34 = arith.constant 0 : index
      %swap3A_35 = tpu.vector_load %arg11[%swap3A_34] {strides = array<i32>} : memref<128xi32, #tpu.memory_space<vmem>>, vector<16xi32>,
      %swap3A_36 = vector.shape_cast %swap3A_35 : vector<16xi32> to vector<16xi32>
      %swap3A_37 = vector.shape_cast %shift_right_logical3A_33 : vector<16xi32> to vector<16xi32>
      tpu.vector_store %arg11[%swap3A_34], %swap3A_37 {strides = array<i32>} : memref<128xi32, #tpu.memory_space<vmem>>, vector<16xi32>,
      %get3A_38 = arith.constant 0 : i32
      %get3A_39 = arith.index_cast %get3A_38 : i32 to index
      %get3A_40 = arith.constant 16 : index
      %get3A_41 = tpu.vector_load %arg8[%get3A_39, %get3A_40] {strides = array<i32>} : memref<79x128xi32, #tpu.memory_space<vmem>>, vector<1x16xi32>,
      %get3A_42 = vector.shape_cast %get3A_41 : vector<1x16xi32> to vector<16xi32>
      %and3A_43 = arith.constant 65535 : i32
      %and3A_44 = vector.broadcast %and3A_43 : i32 to vector<16xi32>
      %and3A_45 = arith.andi %get3A_42, %and3A_44 : vector<16xi32>
      %swap3A_46 = arith.constant 16 : index
      %swap3A_47 = tpu.vector_load %arg9[%swap3A_46] {strides = array<i32>} : memref<128xi32, #tpu.memory_space<vmem>>, vector<16xi32>,
      %swap3A_48 = vector.shape_cast %swap3A_47 : vector<16xi32> to vector<16xi32>
      %swap3A_49 = vector.shape_cast %and3A_45 : vector<16xi32> to vector<16xi32>
      tpu.vector_store %arg9[%swap3A_46], %swap3A_49 {strides = array<i32>} : memref<128xi32, #tpu.memory_space<vmem>>, vector<16xi32>,
      %shift_right_logical3A_50 = arith.constant 16 : i32
      %shift_right_logical3A_51 = vector.broadcast %shift_right_logical3A_50 : i32 to vector<16xi32>
      %shift_right_logical3A_52 = arith.shrui %get3A_42, %shift_right_logical3A_51 : vector<16xi32>
      %swap3A_53 = arith.constant 16 : index
      %swap3A_54 = tpu.vector_load %arg11[%swap3A_53] {strides = array<i32>} : memref<128xi32, #tpu.memory_space<vmem>>, vector<16xi32>,
      %swap3A_55 = vector.shape_cast %swap3A_54 : vector<16xi32> to vector<16xi32>
      %swap3A_56 = vector.shape_cast %shift_right_logical3A_52 : vector<16xi32> to vector<16xi32>
      tpu.vector_store %arg11[%swap3A_53], %swap3A_56 {strides = array<i32>} : memref<128xi32, #tpu.memory_space<vmem>>, vector<16xi32>,
      %get3A_57 = arith.constant 0 : i32
      %get3A_58 = arith.index_cast %get3A_57 : i32 to index
      %get3A_59 = arith.constant 32 : index
      %get3A_60 = tpu.vector_load %arg8[%get3A_58, %get3A_59] {strides = array<i32>} : memref<79x128xi32, #tpu.memory_space<vmem>>, vector<1x16xi32>,
      %get3A_61 = vector.shape_cast %get3A_60 : vector<1x16xi32> to vector<16xi32>
      %and3A_62 = arith.constant 65535 : i32
      %and3A_63 = vector.broadcast %and3A_62 : i32 to vector<16xi32>
      %and3A_64 = arith.andi %get3A_61, %and3A_63 : vector<16xi32>
      %swap3A_65 = arith.constant 32 : index
      %swap3A_66 = tpu.vector_load %arg9[%swap3A_65] {strides = array<i32>} : memref<128xi32, #tpu.memory_space<vmem>>, vector<16xi32>,
      %swap3A_67 = vector.shape_cast %swap3A_66 : vector<16xi32> to vector<16xi32>
      %swap3A_68 = vector.shape_cast %and3A_64 : vector<16xi32> to vector<16xi32>
      tpu.vector_store %arg9[%swap3A_65], %swap3A_68 {strides = array<i32>} : memref<128xi32, #tpu.memory_space<vmem>>, vector<16xi32>,
      %shift_right_logical3A_69 = arith.constant 16 : i32
      %shift_right_logical3A_70 = vector.broadcast %shift_right_logical3A_69 : i32 to vector<16xi32>
      %shift_right_logical3A_71 = arith.shrui %get3A_61, %shift_right_logical3A_70 : vector<16xi32>
      %swap3A_72 = arith.constant 32 : index
      %swap3A_73 = tpu.vector_load %arg11[%swap3A_72] {strides = array<i32>} : memref<128xi32, #tpu.memory_space<vmem>>, vector<16xi32>,
      %swap3A_74 = vector.shape_cast %swap3A_73 : vector<16xi32> to vector<16xi32>
      %swap3A_75 = vector.shape_cast %shift_right_logical3A_71 : vector<16xi32> to vector<16xi32>
      tpu.vector_store %arg11[%swap3A_72], %swap3A_75 {strides = array<i32>} : memref<128xi32, #tpu.memory_space<vmem>>, vector<16xi32>,
      %get3A_76 = arith.constant 0 : i32
      %get3A_77 = arith.index_cast %get3A_76 : i32 to index
      %get3A_78 = arith.constant 48 : index
      %get3A_79 = tpu.vector_load %arg8[%get3A_77, %get3A_78] {strides = array<i32>} : memref<79x128xi32, #tpu.memory_space<vmem>>, vector<1x16xi32>,
      %get3A_80 = vector.shape_cast %get3A_79 : vector<1x16xi32> to vector<16xi32>
      %and3A_81 = arith.constant 65535 : i32
      %and3A_82 = vector.broadcast %and3A_81 : i32 to vector<16xi32>
      %and3A_83 = arith.andi %get3A_80, %and3A_82 : vector<16xi32>
      %swap3A_84 = arith.constant 48 : index
      %swap3A_85 = tpu.vector_load %arg9[%swap3A_84] {strides = array<i32>} : memref<128xi32, #tpu.memory_space<vmem>>, vector<16xi32>,
      %swap3A_86 = vector.shape_cast %swap3A_85 : vector<16xi32> to vector<16xi32>
      %swap3A_87 = vector.shape_cast %and3A_83 : vector<16xi32> to vector<16xi32>
      tpu.vector_store %arg9[%swap3A_84], %swap3A_87 {strides = array<i32>} : memref<128xi32, #tpu.memory_space<vmem>>, vector<16xi32>,
      %shift_right_logical3A_88 = arith.constant 16 : i32
      %shift_right_logical3A_89 = vector.broadcast %shift_right_logical3A_88 : i32 to vector<16xi32>
      %shift_right_logical3A_90 = arith.shrui %get3A_80, %shift_right_logical3A_89 : vector<16xi32>
      %swap3A_91 = arith.constant 48 : index
      %swap3A_92 = tpu.vector_load %arg11[%swap3A_91] {strides = array<i32>} : memref<128xi32, #tpu.memory_space<vmem>>, vector<16xi32>,
      %swap3A_93 = vector.shape_cast %swap3A_92 : vector<16xi32> to vector<16xi32>
      %swap3A_94 = vector.shape_cast %shift_right_logical3A_90 : vector<16xi32> to vector<16xi32>
      tpu.vector_store %arg11[%swap3A_91], %swap3A_94 {strides = array<i32>} : memref<128xi32, #tpu.memory_space<vmem>>, vector<16xi32>,
      %get3A_95 = arith.constant 0 : i32
      %get3A_96 = arith.index_cast %get3A_95 : i32 to index
      %get3A_97 = arith.constant 64 : index
      %get3A_98 = tpu.vector_load %arg8[%get3A_96, %get3A_97] {strides = array<i32>} : memref<79x128xi32, #tpu.memory_space<vmem>>, vector<1x16xi32>,
      %get3A_99 = vector.shape_cast %get3A_98 : vector<1x16xi32> to vector<16xi32>
      %and3A_100 = arith.constant 65535 : i32
      %and3A_101 = vector.broadcast %and3A_100 : i32 to vector<16xi32>
      %and3A_102 = arith.andi %get3A_99, %and3A_101 : vector<16xi32>
      %swap3A_103 = arith.constant 64 : index
      %swap3A_104 = tpu.vector_load %arg9[%swap3A_103] {strides = array<i32>} : memref<128xi32, #tpu.memory_space<vmem>>, vector<16xi32>,
      %swap3A_105 = vector.shape_cast %swap3A_104 : vector<16xi32> to vector<16xi32>
      %swap3A_106 = vector.shape_cast %and3A_102 : vector<16xi32> to vector<16xi32>
      tpu.vector_store %arg9[%swap3A_103], %swap3A_106 {strides = array<i32>} : memref<128xi32, #tpu.memory_space<vmem>>, vector<16xi32>,
      %shift_right_logical3A_107 = arith.constant 16 : i32
      %shift_right_logical3A_108 = vector.broadcast %shift_right_logical3A_107 : i32 to vector<16xi32>
      %shift_right_logical3A_109 = arith.shrui %get3A_99, %shift_right_logical3A_108 : vector<16xi32>
      %swap3A_110 = arith.constant 64 : index
      %swap3A_111 = tpu.vector_load %arg11[%swap3A_110] {strides = array<i32>} : memref<128xi32, #tpu.memory_space<vmem>>, vector<16xi32>,
      %swap3A_112 = vector.shape_cast %swap3A_111 : vector<16xi32> to vector<16xi32>
      %swap3A_113 = vector.shape_cast %shift_right_logical3A_109 : vector<16xi32> to vector<16xi32>
      tpu.vector_store %arg11[%swap3A_110], %swap3A_113 {strides = array<i32>} : memref<128xi32, #tpu.memory_space<vmem>>, vector<16xi32>,
      %get3A_114 = arith.constant 0 : i32
      %get3A_115 = arith.index_cast %get3A_114 : i32 to index
      %get3A_116 = arith.constant 80 : index
      %get3A_117 = tpu.vector_load %arg8[%get3A_115, %get3A_116] {strides = array<i32>} : memref<79x128xi32, #tpu.memory_space<vmem>>, vector<1x16xi32>,
      %get3A_118 = vector.shape_cast %get3A_117 : vector<1x16xi32> to vector<16xi32>
      %and3A_119 = arith.constant 65535 : i32
      %and3A_120 = vector.broadcast %and3A_119 : i32 to vector<16xi32>
      %and3A_121 = arith.andi %get3A_118, %and3A_120 : vector<16xi32>
      %swap3A_122 = arith.constant 80 : index
      %swap3A_123 = tpu.vector_load %arg9[%swap3A_122] {strides = array<i32>} : memref<128xi32, #tpu.memory_space<vmem>>, vector<16xi32>,
      %swap3A_124 = vector.shape_cast %swap3A_123 : vector<16xi32> to vector<16xi32>
      %swap3A_125 = vector.shape_cast %and3A_121 : vector<16xi32> to vector<16xi32>
      tpu.vector_store %arg9[%swap3A_122], %swap3A_125 {strides = array<i32>} : memref<128xi32, #tpu.memory_space<vmem>>, vector<16xi32>,
      %shift_right_logical3A_126 = arith.constant 16 : i32
      %shift_right_logical3A_127 = vector.broadcast %shift_right_logical3A_126 : i32 to vector<16xi32>
      %shift_right_logical3A_128 = arith.shrui %get3A_118, %shift_right_logical3A_127 : vector<16xi32>
      %swap3A_129 = arith.constant 80 : index
      %swap3A_130 = tpu.vector_load %arg11[%swap3A_129] {strides = array<i32>} : memref<128xi32, #tpu.memory_space<vmem>>, vector<16xi32>,
      %swap3A_131 = vector.shape_cast %swap3A_130 : vector<16xi32> to vector<16xi32>
      %swap3A_132 = vector.shape_cast %shift_right_logical3A_128 : vector<16xi32> to vector<16xi32>
      tpu.vector_store %arg11[%swap3A_129], %swap3A_132 {strides = array<i32>} : memref<128xi32, #tpu.memory_space<vmem>>, vector<16xi32>,
      %get3A_133 = arith.constant 0 : i32
      %get3A_134 = arith.index_cast %get3A_133 : i32 to index
      %get3A_135 = arith.constant 96 : index
      %get3A_136 = tpu.vector_load %arg8[%get3A_134, %get3A_135] {strides = array<i32>} : memref<79x128xi32, #tpu.memory_space<vmem>>, vector<1x16xi32>,
      %get3A_137 = vector.shape_cast %get3A_136 : vector<1x16xi32> to vector<16xi32>
      %and3A_138 = arith.constant 65535 : i32
      %and3A_139 = vector.broadcast %and3A_138 : i32 to vector<16xi32>
      %and3A_140 = arith.andi %get3A_137, %and3A_139 : vector<16xi32>
      %swap3A_141 = arith.constant 96 : index
      %swap3A_142 = tpu.vector_load %arg9[%swap3A_141] {strides = array<i32>} : memref<128xi32, #tpu.memory_space<vmem>>, vector<16xi32>,
      %swap3A_143 = vector.shape_cast %swap3A_142 : vector<16xi32> to vector<16xi32>
      %swap3A_144 = vector.shape_cast %and3A_140 : vector<16xi32> to vector<16xi32>
      tpu.vector_store %arg9[%swap3A_141], %swap3A_144 {strides = array<i32>} : memref<128xi32, #tpu.memory_space<vmem>>, vector<16xi32>,
      %shift_right_logical3A_145 = arith.constant 16 : i32
      %shift_right_logical3A_146 = vector.broadcast %shift_right_logical3A_145 : i32 to vector<16xi32>
      %shift_right_logical3A_147 = arith.shrui %get3A_137, %shift_right_logical3A_146 : vector<16xi32>
      %swap3A_148 = arith.constant 96 : index
      %swap3A_149 = tpu.vector_load %arg11[%swap3A_148] {strides = array<i32>} : memref<128xi32, #tpu.memory_space<vmem>>, vector<16xi32>,
      %swap3A_150 = vector.shape_cast %swap3A_149 : vector<16xi32> to vector<16xi32>
      %swap3A_151 = vector.shape_cast %shift_right_logical3A_147 : vector<16xi32> to vector<16xi32>
      tpu.vector_store %arg11[%swap3A_148], %swap3A_151 {strides = array<i32>} : memref<128xi32, #tpu.memory_space<vmem>>, vector<16xi32>,
      %get3A_152 = arith.constant 0 : i32
      %get3A_153 = arith.index_cast %get3A_152 : i32 to index
      %get3A_154 = arith.constant 112 : index
      %get3A_155 = tpu.vector_load %arg8[%get3A_153, %get3A_154] {strides = array<i32>} : memref<79x128xi32, #tpu.memory_space<vmem>>, vector<1x16xi32>,
      %get3A_156 = vector.shape_cast %get3A_155 : vector<1x16xi32> to vector<16xi32>
      %and3A_157 = arith.constant 65535 : i32
      %and3A_158 = vector.broadcast %and3A_157 : i32 to vector<16xi32>
      %and3A_159 = arith.andi %get3A_156, %and3A_158 : vector<16xi32>
      %swap3A_160 = arith.constant 112 : index
      %swap3A_161 = tpu.vector_load %arg9[%swap3A_160] {strides = array<i32>} : memref<128xi32, #tpu.memory_space<vmem>>, vector<16xi32>,
      %swap3A_162 = vector.shape_cast %swap3A_161 : vector<16xi32> to vector<16xi32>
      %swap3A_163 = vector.shape_cast %and3A_159 : vector<16xi32> to vector<16xi32>
      tpu.vector_store %arg9[%swap3A_160], %swap3A_163 {strides = array<i32>} : memref<128xi32, #tpu.memory_space<vmem>>, vector<16xi32>,
      %shift_right_logical3A_164 = arith.constant 16 : i32
      %shift_right_logical3A_165 = vector.broadcast %shift_right_logical3A_164 : i32 to vector<16xi32>
      %shift_right_logical3A_166 = arith.shrui %get3A_156, %shift_right_logical3A_165 : vector<16xi32>
      %swap3A_167 = arith.constant 112 : index
      %swap3A_168 = tpu.vector_load %arg11[%swap3A_167] {strides = array<i32>} : memref<128xi32, #tpu.memory_space<vmem>>, vector<16xi32>,
      %swap3A_169 = vector.shape_cast %swap3A_168 : vector<16xi32> to vector<16xi32>
      %swap3A_170 = vector.shape_cast %shift_right_logical3A_166 : vector<16xi32> to vector<16xi32>
      tpu.vector_store %arg11[%swap3A_167], %swap3A_170 {strides = array<i32>} : memref<128xi32, #tpu.memory_space<vmem>>, vector<16xi32>,
      %dma_start3A = arith.constant 0 : i32
      %dma_start3A_171 = arith.constant 0 : i32
      %dma_start3A_172 = tpu.memref_slice %arg2[%dma_start3A, %dma_start3A_171] : memref<10000x64xf32, #tpu.memory_space<hbm>> -> memref<10000x64xf32, #tpu.memory_space<hbm>>
      tpu.enqueue_indirect_dma source(%dma_start3A_172 : memref<10000x64xf32, #tpu.memory_space<hbm>>) target(%arg13 : memref<128x64xf32, #tpu.memory_space<vmem>>) offsets(%arg11 : memref<128xi32, #tpu.memory_space<vmem>>) semaphore(%arg16 : memref<!tpu.dma_semaphore, #tpu.memory_space<semaphore_mem>>)
      %get3A_173 = arith.constant 1 : i32
      %get3A_174 = arith.index_cast %get3A_173 : i32 to index
      %get3A_175 = arith.constant 0 : index
      %get3A_176 = tpu.vector_load %arg8[%get3A_174, %get3A_175] {strides = array<i32>} : memref<79x128xi32, #tpu.memory_space<vmem>>, vector<1x16xi32>,
      %get3A_177 = vector.shape_cast %get3A_176 : vector<1x16xi32> to vector<16xi32>
      %and3A_178 = arith.constant 65535 : i32
      %and3A_179 = vector.broadcast %and3A_178 : i32 to vector<16xi32>
      %and3A_180 = arith.andi %get3A_177, %and3A_179 : vector<16xi32>
      %swap3A_181 = arith.constant 0 : index
      %swap3A_182 = tpu.vector_load %arg10[%swap3A_181] {strides = array<i32>} : memref<128xi32, #tpu.memory_space<vmem>>, vector<16xi32>,
      %swap3A_183 = vector.shape_cast %swap3A_182 : vector<16xi32> to vector<16xi32>
      %swap3A_184 = vector.shape_cast %and3A_180 : vector<16xi32> to vector<16xi32>
      tpu.vector_store %arg10[%swap3A_181], %swap3A_184 {strides = array<i32>} : memref<128xi32, #tpu.memory_space<vmem>>, vector<16xi32>,
      %shift_right_logical3A_185 = arith.constant 16 : i32
      %shift_right_logical3A_186 = vector.broadcast %shift_right_logical3A_185 : i32 to vector<16xi32>
      %shift_right_logical3A_187 = arith.shrui %get3A_177, %shift_right_logical3A_186 : vector<16xi32>
      %swap3A_188 = arith.constant 0 : index
      %swap3A_189 = tpu.vector_load %arg12[%swap3A_188] {strides = array<i32>} : memref<128xi32, #tpu.memory_space<vmem>>, vector<16xi32>,
      %swap3A_190 = vector.shape_cast %swap3A_189 : vector<16xi32> to vector<16xi32>
      %swap3A_191 = vector.shape_cast %shift_right_logical3A_187 : vector<16xi32> to vector<16xi32>
      tpu.vector_store %arg12[%swap3A_188], %swap3A_191 {strides = array<i32>} : memref<128xi32, #tpu.memory_space<vmem>>, vector<16xi32>,
      %get3A_192 = arith.constant 1 : i32
      %get3A_193 = arith.index_cast %get3A_192 : i32 to index
      %get3A_194 = arith.constant 16 : index
      %get3A_195 = tpu.vector_load %arg8[%get3A_193, %get3A_194] {strides = array<i32>} : memref<79x128xi32, #tpu.memory_space<vmem>>, vector<1x16xi32>,
      %get3A_196 = vector.shape_cast %get3A_195 : vector<1x16xi32> to vector<16xi32>
      %and3A_197 = arith.constant 65535 : i32
      %and3A_198 = vector.broadcast %and3A_197 : i32 to vector<16xi32>
      %and3A_199 = arith.andi %get3A_196, %and3A_198 : vector<16xi32>
      %swap3A_200 = arith.constant 16 : index
      %swap3A_201 = tpu.vector_load %arg10[%swap3A_200] {strides = array<i32>} : memref<128xi32, #tpu.memory_space<vmem>>, vector<16xi32>,
      %swap3A_202 = vector.shape_cast %swap3A_201 : vector<16xi32> to vector<16xi32>
      %swap3A_203 = vector.shape_cast %and3A_199 : vector<16xi32> to vector<16xi32>
      tpu.vector_store %arg10[%swap3A_200], %swap3A_203 {strides = array<i32>} : memref<128xi32, #tpu.memory_space<vmem>>, vector<16xi32>,
      %shift_right_logical3A_204 = arith.constant 16 : i32
      %shift_right_logical3A_205 = vector.broadcast %shift_right_logical3A_204 : i32 to vector<16xi32>
      %shift_right_logical3A_206 = arith.shrui %get3A_196, %shift_right_logical3A_205 : vector<16xi32>
      %swap3A_207 = arith.constant 16 : index
      %swap3A_208 = tpu.vector_load %arg12[%swap3A_207] {strides = array<i32>} : memref<128xi32, #tpu.memory_space<vmem>>, vector<16xi32>,
      %swap3A_209 = vector.shape_cast %swap3A_208 : vector<16xi32> to vector<16xi32>
      %swap3A_210 = vector.shape_cast %shift_right_logical3A_206 : vector<16xi32> to vector<16xi32>
      tpu.vector_store %arg12[%swap3A_207], %swap3A_210 {strides = array<i32>} : memref<128xi32, #tpu.memory_space<vmem>>, vector<16xi32>,
      %get3A_211 = arith.constant 1 : i32
      %get3A_212 = arith.index_cast %get3A_211 : i32 to index
      %get3A_213 = arith.constant 32 : index
      %get3A_214 = tpu.vector_load %arg8[%get3A_212, %get3A_213] {strides = array<i32>} : memref<79x128xi32, #tpu.memory_space<vmem>>, vector<1x16xi32>,
      %get3A_215 = vector.shape_cast %get3A_214 : vector<1x16xi32> to vector<16xi32>
      %and3A_216 = arith.constant 65535 : i32
      %and3A_217 = vector.broadcast %and3A_216 : i32 to vector<16xi32>
      %and3A_218 = arith.andi %get3A_215, %and3A_217 : vector<16xi32>
      %swap3A_219 = arith.constant 32 : index
      %swap3A_220 = tpu.vector_load %arg10[%swap3A_219] {strides = array<i32>} : memref<128xi32, #tpu.memory_space<vmem>>, vector<16xi32>,
      %swap3A_221 = vector.shape_cast %swap3A_220 : vector<16xi32> to vector<16xi32>
      %swap3A_222 = vector.shape_cast %and3A_218 : vector<16xi32> to vector<16xi32>
      tpu.vector_store %arg10[%swap3A_219], %swap3A_222 {strides = array<i32>} : memref<128xi32, #tpu.memory_space<vmem>>, vector<16xi32>,
      %shift_right_logical3A_223 = arith.constant 16 : i32
      %shift_right_logical3A_224 = vector.broadcast %shift_right_logical3A_223 : i32 to vector<16xi32>
      %shift_right_logical3A_225 = arith.shrui %get3A_215, %shift_right_logical3A_224 : vector<16xi32>
      %swap3A_226 = arith.constant 32 : index
      %swap3A_227 = tpu.vector_load %arg12[%swap3A_226] {strides = array<i32>} : memref<128xi32, #tpu.memory_space<vmem>>, vector<16xi32>,
      %swap3A_228 = vector.shape_cast %swap3A_227 : vector<16xi32> to vector<16xi32>
      %swap3A_229 = vector.shape_cast %shift_right_logical3A_225 : vector<16xi32> to vector<16xi32>
      tpu.vector_store %arg12[%swap3A_226], %swap3A_229 {strides = array<i32>} : memref<128xi32, #tpu.memory_space<vmem>>, vector<16xi32>,
      %get3A_230 = arith.constant 1 : i32
      %get3A_231 = arith.index_cast %get3A_230 : i32 to index
      %get3A_232 = arith.constant 48 : index
      %get3A_233 = tpu.vector_load %arg8[%get3A_231, %get3A_232] {strides = array<i32>} : memref<79x128xi32, #tpu.memory_space<vmem>>, vector<1x16xi32>,
      %get3A_234 = vector.shape_cast %get3A_233 : vector<1x16xi32> to vector<16xi32>
      %and3A_235 = arith.constant 65535 : i32
      %and3A_236 = vector.broadcast %and3A_235 : i32 to vector<16xi32>
      %and3A_237 = arith.andi %get3A_234, %and3A_236 : vector<16xi32>
      %swap3A_238 = arith.constant 48 : index
      %swap3A_239 = tpu.vector_load %arg10[%swap3A_238] {strides = array<i32>} : memref<128xi32, #tpu.memory_space<vmem>>, vector<16xi32>,
      %swap3A_240 = vector.shape_cast %swap3A_239 : vector<16xi32> to vector<16xi32>
      %swap3A_241 = vector.shape_cast %and3A_237 : vector<16xi32> to vector<16xi32>
      tpu.vector_store %arg10[%swap3A_238], %swap3A_241 {strides = array<i32>} : memref<128xi32, #tpu.memory_space<vmem>>, vector<16xi32>,
      %shift_right_logical3A_242 = arith.constant 16 : i32
      %shift_right_logical3A_243 = vector.broadcast %shift_right_logical3A_242 : i32 to vector<16xi32>
      %shift_right_logical3A_244 = arith.shrui %get3A_234, %shift_right_logical3A_243 : vector<16xi32>
      %swap3A_245 = arith.constant 48 : index
      %swap3A_246 = tpu.vector_load %arg12[%swap3A_245] {strides = array<i32>} : memref<128xi32, #tpu.memory_space<vmem>>, vector<16xi32>,
      %swap3A_247 = vector.shape_cast %swap3A_246 : vector<16xi32> to vector<16xi32>
      %swap3A_248 = vector.shape_cast %shift_right_logical3A_244 : vector<16xi32> to vector<16xi32>
      tpu.vector_store %arg12[%swap3A_245], %swap3A_248 {strides = array<i32>} : memref<128xi32, #tpu.memory_space<vmem>>, vector<16xi32>,
      %get3A_249 = arith.constant 1 : i32
      %get3A_250 = arith.index_cast %get3A_249 : i32 to index
      %get3A_251 = arith.constant 64 : index
      %get3A_252 = tpu.vector_load %arg8[%get3A_250, %get3A_251] {strides = array<i32>} : memref<79x128xi32, #tpu.memory_space<vmem>>, vector<1x16xi32>,
      %get3A_253 = vector.shape_cast %get3A_252 : vector<1x16xi32> to vector<16xi32>
      %and3A_254 = arith.constant 65535 : i32
      %and3A_255 = vector.broadcast %and3A_254 : i32 to vector<16xi32>
      %and3A_256 = arith.andi %get3A_253, %and3A_255 : vector<16xi32>
      %swap3A_257 = arith.constant 64 : index
      %swap3A_258 = tpu.vector_load %arg10[%swap3A_257] {strides = array<i32>} : memref<128xi32, #tpu.memory_space<vmem>>, vector<16xi32>,
      %swap3A_259 = vector.shape_cast %swap3A_258 : vector<16xi32> to vector<16xi32>
      %swap3A_260 = vector.shape_cast %and3A_256 : vector<16xi32> to vector<16xi32>
      tpu.vector_store %arg10[%swap3A_257], %swap3A_260 {strides = array<i32>} : memref<128xi32, #tpu.memory_space<vmem>>, vector<16xi32>,
      %shift_right_logical3A_261 = arith.constant 16 : i32
      %shift_right_logical3A_262 = vector.broadcast %shift_right_logical3A_261 : i32 to vector<16xi32>
      %shift_right_logical3A_263 = arith.shrui %get3A_253, %shift_right_logical3A_262 : vector<16xi32>
      %swap3A_264 = arith.constant 64 : index
      %swap3A_265 = tpu.vector_load %arg12[%swap3A_264] {strides = array<i32>} : memref<128xi32, #tpu.memory_space<vmem>>, vector<16xi32>,
      %swap3A_266 = vector.shape_cast %swap3A_265 : vector<16xi32> to vector<16xi32>
      %swap3A_267 = vector.shape_cast %shift_right_logical3A_263 : vector<16xi32> to vector<16xi32>
      tpu.vector_store %arg12[%swap3A_264], %swap3A_267 {strides = array<i32>} : memref<128xi32, #tpu.memory_space<vmem>>, vector<16xi32>,
      %get3A_268 = arith.constant 1 : i32
      %get3A_269 = arith.index_cast %get3A_268 : i32 to index
      %get3A_270 = arith.constant 80 : index
      %get3A_271 = tpu.vector_load %arg8[%get3A_269, %get3A_270] {strides = array<i32>} : memref<79x128xi32, #tpu.memory_space<vmem>>, vector<1x16xi32>,
      %get3A_272 = vector.shape_cast %get3A_271 : vector<1x16xi32> to vector<16xi32>
      %and3A_273 = arith.constant 65535 : i32
      %and3A_274 = vector.broadcast %and3A_273 : i32 to vector<16xi32>
      %and3A_275 = arith.andi %get3A_272, %and3A_274 : vector<16xi32>
      %swap3A_276 = arith.constant 80 : index
      %swap3A_277 = tpu.vector_load %arg10[%swap3A_276] {strides = array<i32>} : memref<128xi32, #tpu.memory_space<vmem>>, vector<16xi32>,
      %swap3A_278 = vector.shape_cast %swap3A_277 : vector<16xi32> to vector<16xi32>
      %swap3A_279 = vector.shape_cast %and3A_275 : vector<16xi32> to vector<16xi32>
      tpu.vector_store %arg10[%swap3A_276], %swap3A_279 {strides = array<i32>} : memref<128xi32, #tpu.memory_space<vmem>>, vector<16xi32>,
      %shift_right_logical3A_280 = arith.constant 16 : i32
      %shift_right_logical3A_281 = vector.broadcast %shift_right_logical3A_280 : i32 to vector<16xi32>
      %shift_right_logical3A_282 = arith.shrui %get3A_272, %shift_right_logical3A_281 : vector<16xi32>
      %swap3A_283 = arith.constant 80 : index
      %swap3A_284 = tpu.vector_load %arg12[%swap3A_283] {strides = array<i32>} : memref<128xi32, #tpu.memory_space<vmem>>, vector<16xi32>,
      %swap3A_285 = vector.shape_cast %swap3A_284 : vector<16xi32> to vector<16xi32>
      %swap3A_286 = vector.shape_cast %shift_right_logical3A_282 : vector<16xi32> to vector<16xi32>
      tpu.vector_store %arg12[%swap3A_283], %swap3A_286 {strides = array<i32>} : memref<128xi32, #tpu.memory_space<vmem>>, vector<16xi32>,
      %get3A_287 = arith.constant 1 : i32
      %get3A_288 = arith.index_cast %get3A_287 : i32 to index
      %get3A_289 = arith.constant 96 : index
      %get3A_290 = tpu.vector_load %arg8[%get3A_288, %get3A_289] {strides = array<i32>} : memref<79x128xi32, #tpu.memory_space<vmem>>, vector<1x16xi32>,
      %get3A_291 = vector.shape_cast %get3A_290 : vector<1x16xi32> to vector<16xi32>
      %and3A_292 = arith.constant 65535 : i32
      %and3A_293 = vector.broadcast %and3A_292 : i32 to vector<16xi32>
      %and3A_294 = arith.andi %get3A_291, %and3A_293 : vector<16xi32>
      %swap3A_295 = arith.constant 96 : index
      %swap3A_296 = tpu.vector_load %arg10[%swap3A_295] {strides = array<i32>} : memref<128xi32, #tpu.memory_space<vmem>>, vector<16xi32>,
      %swap3A_297 = vector.shape_cast %swap3A_296 : vector<16xi32> to vector<16xi32>
      %swap3A_298 = vector.shape_cast %and3A_294 : vector<16xi32> to vector<16xi32>
      tpu.vector_store %arg10[%swap3A_295], %swap3A_298 {strides = array<i32>} : memref<128xi32, #tpu.memory_space<vmem>>, vector<16xi32>,
      %shift_right_logical3A_299 = arith.constant 16 : i32
      %shift_right_logical3A_300 = vector.broadcast %shift_right_logical3A_299 : i32 to vector<16xi32>
      %shift_right_logical3A_301 = arith.shrui %get3A_291, %shift_right_logical3A_300 : vector<16xi32>
      %swap3A_302 = arith.constant 96 : index
      %swap3A_303 = tpu.vector_load %arg12[%swap3A_302] {strides = array<i32>} : memref<128xi32, #tpu.memory_space<vmem>>, vector<16xi32>,
      %swap3A_304 = vector.shape_cast %swap3A_303 : vector<16xi32> to vector<16xi32>
      %swap3A_305 = vector.shape_cast %shift_right_logical3A_301 : vector<16xi32> to vector<16xi32>
      tpu.vector_store %arg12[%swap3A_302], %swap3A_305 {strides = array<i32>} : memref<128xi32, #tpu.memory_space<vmem>>, vector<16xi32>,
      %get3A_306 = arith.constant 1 : i32
      %get3A_307 = arith.index_cast %get3A_306 : i32 to index
      %get3A_308 = arith.constant 112 : index
      %get3A_309 = tpu.vector_load %arg8[%get3A_307, %get3A_308] {strides = array<i32>} : memref<79x128xi32, #tpu.memory_space<vmem>>, vector<1x16xi32>,
      %get3A_310 = vector.shape_cast %get3A_309 : vector<1x16xi32> to vector<16xi32>
      %and3A_311 = arith.constant 65535 : i32
      %and3A_312 = vector.broadcast %and3A_311 : i32 to vector<16xi32>
      %and3A_313 = arith.andi %get3A_310, %and3A_312 : vector<16xi32>
      %swap3A_314 = arith.constant 112 : index
      %swap3A_315 = tpu.vector_load %arg10[%swap3A_314] {strides = array<i32>} : memref<128xi32, #tpu.memory_space<vmem>>, vector<16xi32>,
      %swap3A_316 = vector.shape_cast %swap3A_315 : vector<16xi32> to vector<16xi32>
      %swap3A_317 = vector.shape_cast %and3A_313 : vector<16xi32> to vector<16xi32>
      tpu.vector_store %arg10[%swap3A_314], %swap3A_317 {strides = array<i32>} : memref<128xi32, #tpu.memory_space<vmem>>, vector<16xi32>,
      %shift_right_logical3A_318 = arith.constant 16 : i32
      %shift_right_logical3A_319 = vector.broadcast %shift_right_logical3A_318 : i32 to vector<16xi32>
      %shift_right_logical3A_320 = arith.shrui %get3A_310, %shift_right_logical3A_319 : vector<16xi32>
      %swap3A_321 = arith.constant 112 : index
      %swap3A_322 = tpu.vector_load %arg12[%swap3A_321] {strides = array<i32>} : memref<128xi32, #tpu.memory_space<vmem>>, vector<16xi32>,
      %swap3A_323 = vector.shape_cast %swap3A_322 : vector<16xi32> to vector<16xi32>
      %swap3A_324 = vector.shape_cast %shift_right_logical3A_320 : vector<16xi32> to vector<16xi32>
      tpu.vector_store %arg12[%swap3A_321], %swap3A_324 {strides = array<i32>} : memref<128xi32, #tpu.memory_space<vmem>>, vector<16xi32>,
      %dma_start3A_325 = arith.constant 0 : i32
      %dma_start3A_326 = arith.constant 0 : i32
      %dma_start3A_327 = tpu.memref_slice %arg2[%dma_start3A_325, %dma_start3A_326] : memref<10000x64xf32, #tpu.memory_space<hbm>> -> memref<10000x64xf32, #tpu.memory_space<hbm>>
      tpu.enqueue_indirect_dma source(%dma_start3A_327 : memref<10000x64xf32, #tpu.memory_space<hbm>>) target(%arg14 : memref<128x64xf32, #tpu.memory_space<vmem>>) offsets(%arg12 : memref<128xi32, #tpu.memory_space<vmem>>) semaphore(%arg17 : memref<!tpu.dma_semaphore, #tpu.memory_space<semaphore_mem>>)
      %scan3A = arith.constant 0 : i32
      %scan3A_328 = arith.constant 0 : i32
      %scan3A_329 = arith.constant 39 : i32
      %scan3A_330 = arith.addi %scan3A_328, %scan3A_329 : i32
      %scan3A_331 = arith.constant 1 : i32
      scf.for %scan3A_335 = %scan3A_328 to %scan3A_330 step %scan3A_331  : i32 {
        %mul3A_336 = arith.constant 2 : i32
        %mul3A_337 = arith.muli %mul3A_336, %scan3A_335 : i32
        %dma_wait3A_338 = arith.constant 0 : i32
        %dma_wait3A_339 = arith.constant 0 : i32
        %dma_wait3A_340 = tpu.memref_slice %arg2[%dma_wait3A_338, %dma_wait3A_339] : memref<10000x64xf32, #tpu.memory_space<hbm>> -> memref<10000x64xf32, #tpu.memory_space<hbm>>
        tpu.wait_indirect_dma semaphore(%arg16 : memref<!tpu.dma_semaphore, #tpu.memory_space<semaphore_mem>>) src(%dma_wait3A_340 : memref<10000x64xf32, #tpu.memory_space<hbm>>) dst(%arg13 : memref<128x64xf32, #tpu.memory_space<vmem>>)
        "tpu.region"() ({
          %run_scoped3A = tpu.sem_alloc : memref<!tpu.dma_semaphore, #tpu.memory_space<semaphore_mem>>
          %dma_start3A_359 = arith.constant 0 : i32
          %dma_start3A_360 = arith.constant 0 : i32
          %dma_start3A_361 = tpu.memref_slice %arg15[%dma_start3A_359, %dma_start3A_360] : memref<10240x64xf32, #tpu.memory_space<vmem_shared>> -> memref<10240x64xf32, #tpu.memory_space<vmem_shared>>
          tpu.enqueue_indirect_dma source(%arg13 : memref<128x64xf32, #tpu.memory_space<vmem>>) target(%dma_start3A_361 : memref<10240x64xf32, #tpu.memory_space<vmem_shared>>) offsets(%arg9 : memref<128xi32, #tpu.memory_space<vmem>>) semaphore(%run_scoped3A : memref<!tpu.dma_semaphore, #tpu.memory_space<semaphore_mem>>) {add = true}
          %dma_wait3A_362 = arith.constant 0 : i32
          %dma_wait3A_363 = arith.constant 0 : i32
          %dma_wait3A_364 = tpu.memref_slice %arg15[%dma_wait3A_362, %dma_wait3A_363] : memref<10240x64xf32, #tpu.memory_space<vmem_shared>> -> memref<10240x64xf32, #tpu.memory_space<vmem_shared>>
          tpu.wait_indirect_dma semaphore(%run_scoped3A : memref<!tpu.dma_semaphore, #tpu.memory_space<semaphore_mem>>) src(%arg13 : memref<128x64xf32, #tpu.memory_space<vmem>>) dst(%dma_wait3A_364 : memref<10240x64xf32, #tpu.memory_space<vmem_shared>>)
          tpu.yield
        }) : () -> ()
        %add3A_341 = arith.constant 2 : i32
        %add3A_342 = arith.addi %mul3A_337, %add3A_341 : i32
        %lt3A = arith.constant 79 : i32
        %lt3A_343 = arith.cmpi slt, %add3A_342, %lt3A : i32
        %convert_element_type3A_344 = arith.extui %lt3A_343 : i1 to i32
        %cond3A_345 = arith.constant 0 : i32
        %cond3A_346 = arith.cmpi ne, %convert_element_type3A_344, %cond3A_345 : i32
        scf.if %cond3A_346 {
          %add3A_359 = arith.constant 2 : i32
          %add3A_360 = arith.addi %mul3A_337, %add3A_359 : i32
          %get3A_361 = arith.index_cast %add3A_360 : i32 to index
          %get3A_362 = arith.constant 0 : index
          %get3A_363 = tpu.vector_load %arg8[%get3A_361, %get3A_362] {strides = array<i32>} : memref<79x128xi32, #tpu.memory_space<vmem>>, vector<1x16xi32>,
          %get3A_364 = vector.shape_cast %get3A_363 : vector<1x16xi32> to vector<16xi32>
          %and3A_365 = arith.constant 65535 : i32
          %and3A_366 = vector.broadcast %and3A_365 : i32 to vector<16xi32>
          %and3A_367 = arith.andi %get3A_364, %and3A_366 : vector<16xi32>
          %swap3A_368 = arith.constant 0 : index
          %swap3A_369 = tpu.vector_load %arg9[%swap3A_368] {strides = array<i32>} : memref<128xi32, #tpu.memory_space<vmem>>, vector<16xi32>,
          %swap3A_370 = vector.shape_cast %swap3A_369 : vector<16xi32> to vector<16xi32>
          %swap3A_371 = vector.shape_cast %and3A_367 : vector<16xi32> to vector<16xi32>
          tpu.vector_store %arg9[%swap3A_368], %swap3A_371 {strides = array<i32>} : memref<128xi32, #tpu.memory_space<vmem>>, vector<16xi32>,
          %shift_right_logical3A_372 = arith.constant 16 : i32
          %shift_right_logical3A_373 = vector.broadcast %shift_right_logical3A_372 : i32 to vector<16xi32>
          %shift_right_logical3A_374 = arith.shrui %get3A_364, %shift_right_logical3A_373 : vector<16xi32>
          %swap3A_375 = arith.constant 0 : index
          %swap3A_376 = tpu.vector_load %arg11[%swap3A_375] {strides = array<i32>} : memref<128xi32, #tpu.memory_space<vmem>>, vector<16xi32>,
          %swap3A_377 = vector.shape_cast %swap3A_376 : vector<16xi32> to vector<16xi32>
          %swap3A_378 = vector.shape_cast %shift_right_logical3A_374 : vector<16xi32> to vector<16xi32>
          tpu.vector_store %arg11[%swap3A_375], %swap3A_378 {strides = array<i32>} : memref<128xi32, #tpu.memory_space<vmem>>, vector<16xi32>,
          %get3A_379 = arith.index_cast %add3A_360 : i32 to index
          %get3A_380 = arith.constant 16 : index
          %get3A_381 = tpu.vector_load %arg8[%get3A_379, %get3A_380] {strides = array<i32>} : memref<79x128xi32, #tpu.memory_space<vmem>>, vector<1x16xi32>,
          %get3A_382 = vector.shape_cast %get3A_381 : vector<1x16xi32> to vector<16xi32>
          %and3A_383 = arith.constant 65535 : i32
          %and3A_384 = vector.broadcast %and3A_383 : i32 to vector<16xi32>
          %and3A_385 = arith.andi %get3A_382, %and3A_384 : vector<16xi32>
          %swap3A_386 = arith.constant 16 : index
          %swap3A_387 = tpu.vector_load %arg9[%swap3A_386] {strides = array<i32>} : memref<128xi32, #tpu.memory_space<vmem>>, vector<16xi32>,
          %swap3A_388 = vector.shape_cast %swap3A_387 : vector<16xi32> to vector<16xi32>
          %swap3A_389 = vector.shape_cast %and3A_385 : vector<16xi32> to vector<16xi32>
          tpu.vector_store %arg9[%swap3A_386], %swap3A_389 {strides = array<i32>} : memref<128xi32, #tpu.memory_space<vmem>>, vector<16xi32>,
          %shift_right_logical3A_390 = arith.constant 16 : i32
          %shift_right_logical3A_391 = vector.broadcast %shift_right_logical3A_390 : i32 to vector<16xi32>
          %shift_right_logical3A_392 = arith.shrui %get3A_382, %shift_right_logical3A_391 : vector<16xi32>
          %swap3A_393 = arith.constant 16 : index
          %swap3A_394 = tpu.vector_load %arg11[%swap3A_393] {strides = array<i32>} : memref<128xi32, #tpu.memory_space<vmem>>, vector<16xi32>,
          %swap3A_395 = vector.shape_cast %swap3A_394 : vector<16xi32> to vector<16xi32>
          %swap3A_396 = vector.shape_cast %shift_right_logical3A_392 : vector<16xi32> to vector<16xi32>
          tpu.vector_store %arg11[%swap3A_393], %swap3A_396 {strides = array<i32>} : memref<128xi32, #tpu.memory_space<vmem>>, vector<16xi32>,
          %get3A_397 = arith.index_cast %add3A_360 : i32 to index
          %get3A_398 = arith.constant 32 : index
          %get3A_399 = tpu.vector_load %arg8[%get3A_397, %get3A_398] {strides = array<i32>} : memref<79x128xi32, #tpu.memory_space<vmem>>, vector<1x16xi32>,
          %get3A_400 = vector.shape_cast %get3A_399 : vector<1x16xi32> to vector<16xi32>
          %and3A_401 = arith.constant 65535 : i32
          %and3A_402 = vector.broadcast %and3A_401 : i32 to vector<16xi32>
          %and3A_403 = arith.andi %get3A_400, %and3A_402 : vector<16xi32>
          %swap3A_404 = arith.constant 32 : index
          %swap3A_405 = tpu.vector_load %arg9[%swap3A_404] {strides = array<i32>} : memref<128xi32, #tpu.memory_space<vmem>>, vector<16xi32>,
          %swap3A_406 = vector.shape_cast %swap3A_405 : vector<16xi32> to vector<16xi32>
          %swap3A_407 = vector.shape_cast %and3A_403 : vector<16xi32> to vector<16xi32>
          tpu.vector_store %arg9[%swap3A_404], %swap3A_407 {strides = array<i32>} : memref<128xi32, #tpu.memory_space<vmem>>, vector<16xi32>,
          %shift_right_logical3A_408 = arith.constant 16 : i32
          %shift_right_logical3A_409 = vector.broadcast %shift_right_logical3A_408 : i32 to vector<16xi32>
          %shift_right_logical3A_410 = arith.shrui %get3A_400, %shift_right_logical3A_409 : vector<16xi32>
          %swap3A_411 = arith.constant 32 : index
          %swap3A_412 = tpu.vector_load %arg11[%swap3A_411] {strides = array<i32>} : memref<128xi32, #tpu.memory_space<vmem>>, vector<16xi32>,
          %swap3A_413 = vector.shape_cast %swap3A_412 : vector<16xi32> to vector<16xi32>
          %swap3A_414 = vector.shape_cast %shift_right_logical3A_410 : vector<16xi32> to vector<16xi32>
          tpu.vector_store %arg11[%swap3A_411], %swap3A_414 {strides = array<i32>} : memref<128xi32, #tpu.memory_space<vmem>>, vector<16xi32>,
          %get3A_415 = arith.index_cast %add3A_360 : i32 to index
          %get3A_416 = arith.constant 48 : index
          %get3A_417 = tpu.vector_load %arg8[%get3A_415, %get3A_416] {strides = array<i32>} : memref<79x128xi32, #tpu.memory_space<vmem>>, vector<1x16xi32>,
          %get3A_418 = vector.shape_cast %get3A_417 : vector<1x16xi32> to vector<16xi32>
          %and3A_419 = arith.constant 65535 : i32
          %and3A_420 = vector.broadcast %and3A_419 : i32 to vector<16xi32>
          %and3A_421 = arith.andi %get3A_418, %and3A_420 : vector<16xi32>
          %swap3A_422 = arith.constant 48 : index
          %swap3A_423 = tpu.vector_load %arg9[%swap3A_422] {strides = array<i32>} : memref<128xi32, #tpu.memory_space<vmem>>, vector<16xi32>,
          %swap3A_424 = vector.shape_cast %swap3A_423 : vector<16xi32> to vector<16xi32>
          %swap3A_425 = vector.shape_cast %and3A_421 : vector<16xi32> to vector<16xi32>
          tpu.vector_store %arg9[%swap3A_422], %swap3A_425 {strides = array<i32>} : memref<128xi32, #tpu.memory_space<vmem>>, vector<16xi32>,
          %shift_right_logical3A_426 = arith.constant 16 : i32
          %shift_right_logical3A_427 = vector.broadcast %shift_right_logical3A_426 : i32 to vector<16xi32>
          %shift_right_logical3A_428 = arith.shrui %get3A_418, %shift_right_logical3A_427 : vector<16xi32>
          %swap3A_429 = arith.constant 48 : index
          %swap3A_430 = tpu.vector_load %arg11[%swap3A_429] {strides = array<i32>} : memref<128xi32, #tpu.memory_space<vmem>>, vector<16xi32>,
          %swap3A_431 = vector.shape_cast %swap3A_430 : vector<16xi32> to vector<16xi32>
          %swap3A_432 = vector.shape_cast %shift_right_logical3A_428 : vector<16xi32> to vector<16xi32>
          tpu.vector_store %arg11[%swap3A_429], %swap3A_432 {strides = array<i32>} : memref<128xi32, #tpu.memory_space<vmem>>, vector<16xi32>,
          %get3A_433 = arith.index_cast %add3A_360 : i32 to index
          %get3A_434 = arith.constant 64 : index
          %get3A_435 = tpu.vector_load %arg8[%get3A_433, %get3A_434] {strides = array<i32>} : memref<79x128xi32, #tpu.memory_space<vmem>>, vector<1x16xi32>,
          %get3A_436 = vector.shape_cast %get3A_435 : vector<1x16xi32> to vector<16xi32>
          %and3A_437 = arith.constant 65535 : i32
          %and3A_438 = vector.broadcast %and3A_437 : i32 to vector<16xi32>
          %and3A_439 = arith.andi %get3A_436, %and3A_438 : vector<16xi32>
          %swap3A_440 = arith.constant 64 : index
          %swap3A_441 = tpu.vector_load %arg9[%swap3A_440] {strides = array<i32>} : memref<128xi32, #tpu.memory_space<vmem>>, vector<16xi32>,
          %swap3A_442 = vector.shape_cast %swap3A_441 : vector<16xi32> to vector<16xi32>
          %swap3A_443 = vector.shape_cast %and3A_439 : vector<16xi32> to vector<16xi32>
          tpu.vector_store %arg9[%swap3A_440], %swap3A_443 {strides = array<i32>} : memref<128xi32, #tpu.memory_space<vmem>>, vector<16xi32>,
          %shift_right_logical3A_444 = arith.constant 16 : i32
          %shift_right_logical3A_445 = vector.broadcast %shift_right_logical3A_444 : i32 to vector<16xi32>
          %shift_right_logical3A_446 = arith.shrui %get3A_436, %shift_right_logical3A_445 : vector<16xi32>
          %swap3A_447 = arith.constant 64 : index
          %swap3A_448 = tpu.vector_load %arg11[%swap3A_447] {strides = array<i32>} : memref<128xi32, #tpu.memory_space<vmem>>, vector<16xi32>,
          %swap3A_449 = vector.shape_cast %swap3A_448 : vector<16xi32> to vector<16xi32>
          %swap3A_450 = vector.shape_cast %shift_right_logical3A_446 : vector<16xi32> to vector<16xi32>
          tpu.vector_store %arg11[%swap3A_447], %swap3A_450 {strides = array<i32>} : memref<128xi32, #tpu.memory_space<vmem>>, vector<16xi32>,
          %get3A_451 = arith.index_cast %add3A_360 : i32 to index
          %get3A_452 = arith.constant 80 : index
          %get3A_453 = tpu.vector_load %arg8[%get3A_451, %get3A_452] {strides = array<i32>} : memref<79x128xi32, #tpu.memory_space<vmem>>, vector<1x16xi32>,
          %get3A_454 = vector.shape_cast %get3A_453 : vector<1x16xi32> to vector<16xi32>
          %and3A_455 = arith.constant 65535 : i32
          %and3A_456 = vector.broadcast %and3A_455 : i32 to vector<16xi32>
          %and3A_457 = arith.andi %get3A_454, %and3A_456 : vector<16xi32>
          %swap3A_458 = arith.constant 80 : index
          %swap3A_459 = tpu.vector_load %arg9[%swap3A_458] {strides = array<i32>} : memref<128xi32, #tpu.memory_space<vmem>>, vector<16xi32>,
          %swap3A_460 = vector.shape_cast %swap3A_459 : vector<16xi32> to vector<16xi32>
          %swap3A_461 = vector.shape_cast %and3A_457 : vector<16xi32> to vector<16xi32>
          tpu.vector_store %arg9[%swap3A_458], %swap3A_461 {strides = array<i32>} : memref<128xi32, #tpu.memory_space<vmem>>, vector<16xi32>,
          %shift_right_logical3A_462 = arith.constant 16 : i32
          %shift_right_logical3A_463 = vector.broadcast %shift_right_logical3A_462 : i32 to vector<16xi32>
          %shift_right_logical3A_464 = arith.shrui %get3A_454, %shift_right_logical3A_463 : vector<16xi32>
          %swap3A_465 = arith.constant 80 : index
          %swap3A_466 = tpu.vector_load %arg11[%swap3A_465] {strides = array<i32>} : memref<128xi32, #tpu.memory_space<vmem>>, vector<16xi32>,
          %swap3A_467 = vector.shape_cast %swap3A_466 : vector<16xi32> to vector<16xi32>
          %swap3A_468 = vector.shape_cast %shift_right_logical3A_464 : vector<16xi32> to vector<16xi32>
          tpu.vector_store %arg11[%swap3A_465], %swap3A_468 {strides = array<i32>} : memref<128xi32, #tpu.memory_space<vmem>>, vector<16xi32>,
          %get3A_469 = arith.index_cast %add3A_360 : i32 to index
          %get3A_470 = arith.constant 96 : index
          %get3A_471 = tpu.vector_load %arg8[%get3A_469, %get3A_470] {strides = array<i32>} : memref<79x128xi32, #tpu.memory_space<vmem>>, vector<1x16xi32>,
          %get3A_472 = vector.shape_cast %get3A_471 : vector<1x16xi32> to vector<16xi32>
          %and3A_473 = arith.constant 65535 : i32
          %and3A_474 = vector.broadcast %and3A_473 : i32 to vector<16xi32>
          %and3A_475 = arith.andi %get3A_472, %and3A_474 : vector<16xi32>
          %swap3A_476 = arith.constant 96 : index
          %swap3A_477 = tpu.vector_load %arg9[%swap3A_476] {strides = array<i32>} : memref<128xi32, #tpu.memory_space<vmem>>, vector<16xi32>,
          %swap3A_478 = vector.shape_cast %swap3A_477 : vector<16xi32> to vector<16xi32>
          %swap3A_479 = vector.shape_cast %and3A_475 : vector<16xi32> to vector<16xi32>
          tpu.vector_store %arg9[%swap3A_476], %swap3A_479 {strides = array<i32>} : memref<128xi32, #tpu.memory_space<vmem>>, vector<16xi32>,
          %shift_right_logical3A_480 = arith.constant 16 : i32
          %shift_right_logical3A_481 = vector.broadcast %shift_right_logical3A_480 : i32 to vector<16xi32>
          %shift_right_logical3A_482 = arith.shrui %get3A_472, %shift_right_logical3A_481 : vector<16xi32>
          %swap3A_483 = arith.constant 96 : index
          %swap3A_484 = tpu.vector_load %arg11[%swap3A_483] {strides = array<i32>} : memref<128xi32, #tpu.memory_space<vmem>>, vector<16xi32>,
          %swap3A_485 = vector.shape_cast %swap3A_484 : vector<16xi32> to vector<16xi32>
          %swap3A_486 = vector.shape_cast %shift_right_logical3A_482 : vector<16xi32> to vector<16xi32>
          tpu.vector_store %arg11[%swap3A_483], %swap3A_486 {strides = array<i32>} : memref<128xi32, #tpu.memory_space<vmem>>, vector<16xi32>,
          %get3A_487 = arith.index_cast %add3A_360 : i32 to index
          %get3A_488 = arith.constant 112 : index
          %get3A_489 = tpu.vector_load %arg8[%get3A_487, %get3A_488] {strides = array<i32>} : memref<79x128xi32, #tpu.memory_space<vmem>>, vector<1x16xi32>,
          %get3A_490 = vector.shape_cast %get3A_489 : vector<1x16xi32> to vector<16xi32>
          %and3A_491 = arith.constant 65535 : i32
          %and3A_492 = vector.broadcast %and3A_491 : i32 to vector<16xi32>
          %and3A_493 = arith.andi %get3A_490, %and3A_492 : vector<16xi32>
          %swap3A_494 = arith.constant 112 : index
          %swap3A_495 = tpu.vector_load %arg9[%swap3A_494] {strides = array<i32>} : memref<128xi32, #tpu.memory_space<vmem>>, vector<16xi32>,
          %swap3A_496 = vector.shape_cast %swap3A_495 : vector<16xi32> to vector<16xi32>
          %swap3A_497 = vector.shape_cast %and3A_493 : vector<16xi32> to vector<16xi32>
          tpu.vector_store %arg9[%swap3A_494], %swap3A_497 {strides = array<i32>} : memref<128xi32, #tpu.memory_space<vmem>>, vector<16xi32>,
          %shift_right_logical3A_498 = arith.constant 16 : i32
          %shift_right_logical3A_499 = vector.broadcast %shift_right_logical3A_498 : i32 to vector<16xi32>
          %shift_right_logical3A_500 = arith.shrui %get3A_490, %shift_right_logical3A_499 : vector<16xi32>
          %swap3A_501 = arith.constant 112 : index
          %swap3A_502 = tpu.vector_load %arg11[%swap3A_501] {strides = array<i32>} : memref<128xi32, #tpu.memory_space<vmem>>, vector<16xi32>,
          %swap3A_503 = vector.shape_cast %swap3A_502 : vector<16xi32> to vector<16xi32>
          %swap3A_504 = vector.shape_cast %shift_right_logical3A_500 : vector<16xi32> to vector<16xi32>
          tpu.vector_store %arg11[%swap3A_501], %swap3A_504 {strides = array<i32>} : memref<128xi32, #tpu.memory_space<vmem>>, vector<16xi32>,
          %dma_start3A_505 = arith.constant 0 : i32
          %dma_start3A_506 = arith.constant 0 : i32
          %dma_start3A_507 = tpu.memref_slice %arg2[%dma_start3A_505, %dma_start3A_506] : memref<10000x64xf32, #tpu.memory_space<hbm>> -> memref<10000x64xf32, #tpu.memory_space<hbm>>
          tpu.enqueue_indirect_dma source(%dma_start3A_507 : memref<10000x64xf32, #tpu.memory_space<hbm>>) target(%arg13 : memref<128x64xf32, #tpu.memory_space<vmem>>) offsets(%arg11 : memref<128xi32, #tpu.memory_space<vmem>>) semaphore(%arg16 : memref<!tpu.dma_semaphore, #tpu.memory_space<semaphore_mem>>)
        } else {
        }
        %add3A_347 = arith.constant 1 : i32
        %add3A_348 = arith.addi %mul3A_337, %add3A_347 : i32
        %dma_wait3A_349 = arith.constant 0 : i32
        %dma_wait3A_350 = arith.constant 0 : i32
        %dma_wait3A_351 = tpu.memref_slice %arg2[%dma_wait3A_349, %dma_wait3A_350] : memref<10000x64xf32, #tpu.memory_space<hbm>> -> memref<10000x64xf32, #tpu.memory_space<hbm>>
        tpu.wait_indirect_dma semaphore(%arg17 : memref<!tpu.dma_semaphore, #tpu.memory_space<semaphore_mem>>) src(%dma_wait3A_351 : memref<10000x64xf32, #tpu.memory_space<hbm>>) dst(%arg14 : memref<128x64xf32, #tpu.memory_space<vmem>>)
        "tpu.region"() ({
          %run_scoped3A = tpu.sem_alloc : memref<!tpu.dma_semaphore, #tpu.memory_space<semaphore_mem>>
          %dma_start3A_359 = arith.constant 0 : i32
          %dma_start3A_360 = arith.constant 0 : i32
          %dma_start3A_361 = tpu.memref_slice %arg15[%dma_start3A_359, %dma_start3A_360] : memref<10240x64xf32, #tpu.memory_space<vmem_shared>> -> memref<10240x64xf32, #tpu.memory_space<vmem_shared>>
          tpu.enqueue_indirect_dma source(%arg14 : memref<128x64xf32, #tpu.memory_space<vmem>>) target(%dma_start3A_361 : memref<10240x64xf32, #tpu.memory_space<vmem_shared>>) offsets(%arg10 : memref<128xi32, #tpu.memory_space<vmem>>) semaphore(%run_scoped3A : memref<!tpu.dma_semaphore, #tpu.memory_space<semaphore_mem>>) {add = true}
          %dma_wait3A_362 = arith.constant 0 : i32
          %dma_wait3A_363 = arith.constant 0 : i32
          %dma_wait3A_364 = tpu.memref_slice %arg15[%dma_wait3A_362, %dma_wait3A_363] : memref<10240x64xf32, #tpu.memory_space<vmem_shared>> -> memref<10240x64xf32, #tpu.memory_space<vmem_shared>>
          tpu.wait_indirect_dma semaphore(%run_scoped3A : memref<!tpu.dma_semaphore, #tpu.memory_space<semaphore_mem>>) src(%arg14 : memref<128x64xf32, #tpu.memory_space<vmem>>) dst(%dma_wait3A_364 : memref<10240x64xf32, #tpu.memory_space<vmem_shared>>)
          tpu.yield
        }) : () -> ()
        %add3A_352 = arith.constant 3 : i32
        %add3A_353 = arith.addi %mul3A_337, %add3A_352 : i32
        %lt3A_354 = arith.constant 79 : i32
        %lt3A_355 = arith.cmpi slt, %add3A_353, %lt3A_354 : i32
        %convert_element_type3A_356 = arith.extui %lt3A_355 : i1 to i32
        %cond3A_357 = arith.constant 0 : i32
        %cond3A_358 = arith.cmpi ne, %convert_element_type3A_356, %cond3A_357 : i32
        scf.if %cond3A_358 {
          %add3A_359 = arith.constant 3 : i32
          %add3A_360 = arith.addi %mul3A_337, %add3A_359 : i32
          %get3A_361 = arith.index_cast %add3A_360 : i32 to index
          %get3A_362 = arith.constant 0 : index
          %get3A_363 = tpu.vector_load %arg8[%get3A_361, %get3A_362] {strides = array<i32>} : memref<79x128xi32, #tpu.memory_space<vmem>>, vector<1x16xi32>,
          %get3A_364 = vector.shape_cast %get3A_363 : vector<1x16xi32> to vector<16xi32>
          %and3A_365 = arith.constant 65535 : i32
          %and3A_366 = vector.broadcast %and3A_365 : i32 to vector<16xi32>
          %and3A_367 = arith.andi %get3A_364, %and3A_366 : vector<16xi32>
          %swap3A_368 = arith.constant 0 : index
          %swap3A_369 = tpu.vector_load %arg10[%swap3A_368] {strides = array<i32>} : memref<128xi32, #tpu.memory_space<vmem>>, vector<16xi32>,
          %swap3A_370 = vector.shape_cast %swap3A_369 : vector<16xi32> to vector<16xi32>
          %swap3A_371 = vector.shape_cast %and3A_367 : vector<16xi32> to vector<16xi32>
          tpu.vector_store %arg10[%swap3A_368], %swap3A_371 {strides = array<i32>} : memref<128xi32, #tpu.memory_space<vmem>>, vector<16xi32>,
          %shift_right_logical3A_372 = arith.constant 16 : i32
          %shift_right_logical3A_373 = vector.broadcast %shift_right_logical3A_372 : i32 to vector<16xi32>
          %shift_right_logical3A_374 = arith.shrui %get3A_364, %shift_right_logical3A_373 : vector<16xi32>
          %swap3A_375 = arith.constant 0 : index
          %swap3A_376 = tpu.vector_load %arg12[%swap3A_375] {strides = array<i32>} : memref<128xi32, #tpu.memory_space<vmem>>, vector<16xi32>,
          %swap3A_377 = vector.shape_cast %swap3A_376 : vector<16xi32> to vector<16xi32>
          %swap3A_378 = vector.shape_cast %shift_right_logical3A_374 : vector<16xi32> to vector<16xi32>
          tpu.vector_store %arg12[%swap3A_375], %swap3A_378 {strides = array<i32>} : memref<128xi32, #tpu.memory_space<vmem>>, vector<16xi32>,
          %get3A_379 = arith.index_cast %add3A_360 : i32 to index
          %get3A_380 = arith.constant 16 : index
          %get3A_381 = tpu.vector_load %arg8[%get3A_379, %get3A_380] {strides = array<i32>} : memref<79x128xi32, #tpu.memory_space<vmem>>, vector<1x16xi32>,
          %get3A_382 = vector.shape_cast %get3A_381 : vector<1x16xi32> to vector<16xi32>
          %and3A_383 = arith.constant 65535 : i32
          %and3A_384 = vector.broadcast %and3A_383 : i32 to vector<16xi32>
          %and3A_385 = arith.andi %get3A_382, %and3A_384 : vector<16xi32>
          %swap3A_386 = arith.constant 16 : index
          %swap3A_387 = tpu.vector_load %arg10[%swap3A_386] {strides = array<i32>} : memref<128xi32, #tpu.memory_space<vmem>>, vector<16xi32>,
          %swap3A_388 = vector.shape_cast %swap3A_387 : vector<16xi32> to vector<16xi32>
          %swap3A_389 = vector.shape_cast %and3A_385 : vector<16xi32> to vector<16xi32>
          tpu.vector_store %arg10[%swap3A_386], %swap3A_389 {strides = array<i32>} : memref<128xi32, #tpu.memory_space<vmem>>, vector<16xi32>,
          %shift_right_logical3A_390 = arith.constant 16 : i32
          %shift_right_logical3A_391 = vector.broadcast %shift_right_logical3A_390 : i32 to vector<16xi32>
          %shift_right_logical3A_392 = arith.shrui %get3A_382, %shift_right_logical3A_391 : vector<16xi32>
          %swap3A_393 = arith.constant 16 : index
          %swap3A_394 = tpu.vector_load %arg12[%swap3A_393] {strides = array<i32>} : memref<128xi32, #tpu.memory_space<vmem>>, vector<16xi32>,
          %swap3A_395 = vector.shape_cast %swap3A_394 : vector<16xi32> to vector<16xi32>
          %swap3A_396 = vector.shape_cast %shift_right_logical3A_392 : vector<16xi32> to vector<16xi32>
          tpu.vector_store %arg12[%swap3A_393], %swap3A_396 {strides = array<i32>} : memref<128xi32, #tpu.memory_space<vmem>>, vector<16xi32>,
          %get3A_397 = arith.index_cast %add3A_360 : i32 to index
          %get3A_398 = arith.constant 32 : index
          %get3A_399 = tpu.vector_load %arg8[%get3A_397, %get3A_398] {strides = array<i32>} : memref<79x128xi32, #tpu.memory_space<vmem>>, vector<1x16xi32>,
          %get3A_400 = vector.shape_cast %get3A_399 : vector<1x16xi32> to vector<16xi32>
          %and3A_401 = arith.constant 65535 : i32
          %and3A_402 = vector.broadcast %and3A_401 : i32 to vector<16xi32>
          %and3A_403 = arith.andi %get3A_400, %and3A_402 : vector<16xi32>
          %swap3A_404 = arith.constant 32 : index
          %swap3A_405 = tpu.vector_load %arg10[%swap3A_404] {strides = array<i32>} : memref<128xi32, #tpu.memory_space<vmem>>, vector<16xi32>,
          %swap3A_406 = vector.shape_cast %swap3A_405 : vector<16xi32> to vector<16xi32>
          %swap3A_407 = vector.shape_cast %and3A_403 : vector<16xi32> to vector<16xi32>
          tpu.vector_store %arg10[%swap3A_404], %swap3A_407 {strides = array<i32>} : memref<128xi32, #tpu.memory_space<vmem>>, vector<16xi32>,
          %shift_right_logical3A_408 = arith.constant 16 : i32
          %shift_right_logical3A_409 = vector.broadcast %shift_right_logical3A_408 : i32 to vector<16xi32>
          %shift_right_logical3A_410 = arith.shrui %get3A_400, %shift_right_logical3A_409 : vector<16xi32>
          %swap3A_411 = arith.constant 32 : index
          %swap3A_412 = tpu.vector_load %arg12[%swap3A_411] {strides = array<i32>} : memref<128xi32, #tpu.memory_space<vmem>>, vector<16xi32>,
          %swap3A_413 = vector.shape_cast %swap3A_412 : vector<16xi32> to vector<16xi32>
          %swap3A_414 = vector.shape_cast %shift_right_logical3A_410 : vector<16xi32> to vector<16xi32>
          tpu.vector_store %arg12[%swap3A_411], %swap3A_414 {strides = array<i32>} : memref<128xi32, #tpu.memory_space<vmem>>, vector<16xi32>,
          %get3A_415 = arith.index_cast %add3A_360 : i32 to index
          %get3A_416 = arith.constant 48 : index
          %get3A_417 = tpu.vector_load %arg8[%get3A_415, %get3A_416] {strides = array<i32>} : memref<79x128xi32, #tpu.memory_space<vmem>>, vector<1x16xi32>,
          %get3A_418 = vector.shape_cast %get3A_417 : vector<1x16xi32> to vector<16xi32>
          %and3A_419 = arith.constant 65535 : i32
          %and3A_420 = vector.broadcast %and3A_419 : i32 to vector<16xi32>
          %and3A_421 = arith.andi %get3A_418, %and3A_420 : vector<16xi32>
          %swap3A_422 = arith.constant 48 : index
          %swap3A_423 = tpu.vector_load %arg10[%swap3A_422] {strides = array<i32>} : memref<128xi32, #tpu.memory_space<vmem>>, vector<16xi32>,
          %swap3A_424 = vector.shape_cast %swap3A_423 : vector<16xi32> to vector<16xi32>
          %swap3A_425 = vector.shape_cast %and3A_421 : vector<16xi32> to vector<16xi32>
          tpu.vector_store %arg10[%swap3A_422], %swap3A_425 {strides = array<i32>} : memref<128xi32, #tpu.memory_space<vmem>>, vector<16xi32>,
          %shift_right_logical3A_426 = arith.constant 16 : i32
          %shift_right_logical3A_427 = vector.broadcast %shift_right_logical3A_426 : i32 to vector<16xi32>
          %shift_right_logical3A_428 = arith.shrui %get3A_418, %shift_right_logical3A_427 : vector<16xi32>
          %swap3A_429 = arith.constant 48 : index
          %swap3A_430 = tpu.vector_load %arg12[%swap3A_429] {strides = array<i32>} : memref<128xi32, #tpu.memory_space<vmem>>, vector<16xi32>,
          %swap3A_431 = vector.shape_cast %swap3A_430 : vector<16xi32> to vector<16xi32>
          %swap3A_432 = vector.shape_cast %shift_right_logical3A_428 : vector<16xi32> to vector<16xi32>
          tpu.vector_store %arg12[%swap3A_429], %swap3A_432 {strides = array<i32>} : memref<128xi32, #tpu.memory_space<vmem>>, vector<16xi32>,
          %get3A_433 = arith.index_cast %add3A_360 : i32 to index
          %get3A_434 = arith.constant 64 : index
          %get3A_435 = tpu.vector_load %arg8[%get3A_433, %get3A_434] {strides = array<i32>} : memref<79x128xi32, #tpu.memory_space<vmem>>, vector<1x16xi32>,
          %get3A_436 = vector.shape_cast %get3A_435 : vector<1x16xi32> to vector<16xi32>
          %and3A_437 = arith.constant 65535 : i32
          %and3A_438 = vector.broadcast %and3A_437 : i32 to vector<16xi32>
          %and3A_439 = arith.andi %get3A_436, %and3A_438 : vector<16xi32>
          %swap3A_440 = arith.constant 64 : index
          %swap3A_441 = tpu.vector_load %arg10[%swap3A_440] {strides = array<i32>} : memref<128xi32, #tpu.memory_space<vmem>>, vector<16xi32>,
          %swap3A_442 = vector.shape_cast %swap3A_441 : vector<16xi32> to vector<16xi32>
          %swap3A_443 = vector.shape_cast %and3A_439 : vector<16xi32> to vector<16xi32>
          tpu.vector_store %arg10[%swap3A_440], %swap3A_443 {strides = array<i32>} : memref<128xi32, #tpu.memory_space<vmem>>, vector<16xi32>,
          %shift_right_logical3A_444 = arith.constant 16 : i32
          %shift_right_logical3A_445 = vector.broadcast %shift_right_logical3A_444 : i32 to vector<16xi32>
          %shift_right_logical3A_446 = arith.shrui %get3A_436, %shift_right_logical3A_445 : vector<16xi32>
          %swap3A_447 = arith.constant 64 : index
          %swap3A_448 = tpu.vector_load %arg12[%swap3A_447] {strides = array<i32>} : memref<128xi32, #tpu.memory_space<vmem>>, vector<16xi32>,
          %swap3A_449 = vector.shape_cast %swap3A_448 : vector<16xi32> to vector<16xi32>
          %swap3A_450 = vector.shape_cast %shift_right_logical3A_446 : vector<16xi32> to vector<16xi32>
          tpu.vector_store %arg12[%swap3A_447], %swap3A_450 {strides = array<i32>} : memref<128xi32, #tpu.memory_space<vmem>>, vector<16xi32>,
          %get3A_451 = arith.index_cast %add3A_360 : i32 to index
          %get3A_452 = arith.constant 80 : index
          %get3A_453 = tpu.vector_load %arg8[%get3A_451, %get3A_452] {strides = array<i32>} : memref<79x128xi32, #tpu.memory_space<vmem>>, vector<1x16xi32>,
          %get3A_454 = vector.shape_cast %get3A_453 : vector<1x16xi32> to vector<16xi32>
          %and3A_455 = arith.constant 65535 : i32
          %and3A_456 = vector.broadcast %and3A_455 : i32 to vector<16xi32>
          %and3A_457 = arith.andi %get3A_454, %and3A_456 : vector<16xi32>
          %swap3A_458 = arith.constant 80 : index
          %swap3A_459 = tpu.vector_load %arg10[%swap3A_458] {strides = array<i32>} : memref<128xi32, #tpu.memory_space<vmem>>, vector<16xi32>,
          %swap3A_460 = vector.shape_cast %swap3A_459 : vector<16xi32> to vector<16xi32>
          %swap3A_461 = vector.shape_cast %and3A_457 : vector<16xi32> to vector<16xi32>
          tpu.vector_store %arg10[%swap3A_458], %swap3A_461 {strides = array<i32>} : memref<128xi32, #tpu.memory_space<vmem>>, vector<16xi32>,
          %shift_right_logical3A_462 = arith.constant 16 : i32
          %shift_right_logical3A_463 = vector.broadcast %shift_right_logical3A_462 : i32 to vector<16xi32>
          %shift_right_logical3A_464 = arith.shrui %get3A_454, %shift_right_logical3A_463 : vector<16xi32>
          %swap3A_465 = arith.constant 80 : index
          %swap3A_466 = tpu.vector_load %arg12[%swap3A_465] {strides = array<i32>} : memref<128xi32, #tpu.memory_space<vmem>>, vector<16xi32>,
          %swap3A_467 = vector.shape_cast %swap3A_466 : vector<16xi32> to vector<16xi32>
          %swap3A_468 = vector.shape_cast %shift_right_logical3A_464 : vector<16xi32> to vector<16xi32>
          tpu.vector_store %arg12[%swap3A_465], %swap3A_468 {strides = array<i32>} : memref<128xi32, #tpu.memory_space<vmem>>, vector<16xi32>,
          %get3A_469 = arith.index_cast %add3A_360 : i32 to index
          %get3A_470 = arith.constant 96 : index
          %get3A_471 = tpu.vector_load %arg8[%get3A_469, %get3A_470] {strides = array<i32>} : memref<79x128xi32, #tpu.memory_space<vmem>>, vector<1x16xi32>,
          %get3A_472 = vector.shape_cast %get3A_471 : vector<1x16xi32> to vector<16xi32>
          %and3A_473 = arith.constant 65535 : i32
          %and3A_474 = vector.broadcast %and3A_473 : i32 to vector<16xi32>
          %and3A_475 = arith.andi %get3A_472, %and3A_474 : vector<16xi32>
          %swap3A_476 = arith.constant 96 : index
          %swap3A_477 = tpu.vector_load %arg10[%swap3A_476] {strides = array<i32>} : memref<128xi32, #tpu.memory_space<vmem>>, vector<16xi32>,
          %swap3A_478 = vector.shape_cast %swap3A_477 : vector<16xi32> to vector<16xi32>
          %swap3A_479 = vector.shape_cast %and3A_475 : vector<16xi32> to vector<16xi32>
          tpu.vector_store %arg10[%swap3A_476], %swap3A_479 {strides = array<i32>} : memref<128xi32, #tpu.memory_space<vmem>>, vector<16xi32>,
          %shift_right_logical3A_480 = arith.constant 16 : i32
          %shift_right_logical3A_481 = vector.broadcast %shift_right_logical3A_480 : i32 to vector<16xi32>
          %shift_right_logical3A_482 = arith.shrui %get3A_472, %shift_right_logical3A_481 : vector<16xi32>
          %swap3A_483 = arith.constant 96 : index
          %swap3A_484 = tpu.vector_load %arg12[%swap3A_483] {strides = array<i32>} : memref<128xi32, #tpu.memory_space<vmem>>, vector<16xi32>,
          %swap3A_485 = vector.shape_cast %swap3A_484 : vector<16xi32> to vector<16xi32>
          %swap3A_486 = vector.shape_cast %shift_right_logical3A_482 : vector<16xi32> to vector<16xi32>
          tpu.vector_store %arg12[%swap3A_483], %swap3A_486 {strides = array<i32>} : memref<128xi32, #tpu.memory_space<vmem>>, vector<16xi32>,
          %get3A_487 = arith.index_cast %add3A_360 : i32 to index
          %get3A_488 = arith.constant 112 : index
          %get3A_489 = tpu.vector_load %arg8[%get3A_487, %get3A_488] {strides = array<i32>} : memref<79x128xi32, #tpu.memory_space<vmem>>, vector<1x16xi32>,
          %get3A_490 = vector.shape_cast %get3A_489 : vector<1x16xi32> to vector<16xi32>
          %and3A_491 = arith.constant 65535 : i32
          %and3A_492 = vector.broadcast %and3A_491 : i32 to vector<16xi32>
          %and3A_493 = arith.andi %get3A_490, %and3A_492 : vector<16xi32>
          %swap3A_494 = arith.constant 112 : index
          %swap3A_495 = tpu.vector_load %arg10[%swap3A_494] {strides = array<i32>} : memref<128xi32, #tpu.memory_space<vmem>>, vector<16xi32>,
          %swap3A_496 = vector.shape_cast %swap3A_495 : vector<16xi32> to vector<16xi32>
          %swap3A_497 = vector.shape_cast %and3A_493 : vector<16xi32> to vector<16xi32>
          tpu.vector_store %arg10[%swap3A_494], %swap3A_497 {strides = array<i32>} : memref<128xi32, #tpu.memory_space<vmem>>, vector<16xi32>,
          %shift_right_logical3A_498 = arith.constant 16 : i32
          %shift_right_logical3A_499 = vector.broadcast %shift_right_logical3A_498 : i32 to vector<16xi32>
          %shift_right_logical3A_500 = arith.shrui %get3A_490, %shift_right_logical3A_499 : vector<16xi32>
          %swap3A_501 = arith.constant 112 : index
          %swap3A_502 = tpu.vector_load %arg12[%swap3A_501] {strides = array<i32>} : memref<128xi32, #tpu.memory_space<vmem>>, vector<16xi32>,
          %swap3A_503 = vector.shape_cast %swap3A_502 : vector<16xi32> to vector<16xi32>
          %swap3A_504 = vector.shape_cast %shift_right_logical3A_500 : vector<16xi32> to vector<16xi32>
          tpu.vector_store %arg12[%swap3A_501], %swap3A_504 {strides = array<i32>} : memref<128xi32, #tpu.memory_space<vmem>>, vector<16xi32>,
          %dma_start3A_505 = arith.constant 0 : i32
          %dma_start3A_506 = arith.constant 0 : i32
          %dma_start3A_507 = tpu.memref_slice %arg2[%dma_start3A_505, %dma_start3A_506] : memref<10000x64xf32, #tpu.memory_space<hbm>> -> memref<10000x64xf32, #tpu.memory_space<hbm>>
          tpu.enqueue_indirect_dma source(%dma_start3A_507 : memref<10000x64xf32, #tpu.memory_space<hbm>>) target(%arg14 : memref<128x64xf32, #tpu.memory_space<vmem>>) offsets(%arg12 : memref<128xi32, #tpu.memory_space<vmem>>) semaphore(%arg17 : memref<!tpu.dma_semaphore, #tpu.memory_space<semaphore_mem>>)
        } else {
        }
      }
      %scan3A_332 = arith.constant 39 : i32
      %dma_wait3A = arith.constant 0 : i32
      %dma_wait3A_333 = arith.constant 0 : i32
      %dma_wait3A_334 = tpu.memref_slice %arg2[%dma_wait3A, %dma_wait3A_333] : memref<10000x64xf32, #tpu.memory_space<hbm>> -> memref<10000x64xf32, #tpu.memory_space<hbm>>
      tpu.wait_indirect_dma semaphore(%arg16 : memref<!tpu.dma_semaphore, #tpu.memory_space<semaphore_mem>>) src(%dma_wait3A_334 : memref<10000x64xf32, #tpu.memory_space<hbm>>) dst(%arg13 : memref<128x64xf32, #tpu.memory_space<vmem>>)
      "tpu.region"() ({
        %run_scoped3A = tpu.sem_alloc : memref<!tpu.dma_semaphore, #tpu.memory_space<semaphore_mem>>
        %dma_start3A_335 = arith.constant 0 : i32
        %dma_start3A_336 = arith.constant 0 : i32
        %dma_start3A_337 = tpu.memref_slice %arg15[%dma_start3A_335, %dma_start3A_336] : memref<10240x64xf32, #tpu.memory_space<vmem_shared>> -> memref<10240x64xf32, #tpu.memory_space<vmem_shared>>
        tpu.enqueue_indirect_dma source(%arg13 : memref<128x64xf32, #tpu.memory_space<vmem>>) target(%dma_start3A_337 : memref<10240x64xf32, #tpu.memory_space<vmem_shared>>) offsets(%arg9 : memref<128xi32, #tpu.memory_space<vmem>>) semaphore(%run_scoped3A : memref<!tpu.dma_semaphore, #tpu.memory_space<semaphore_mem>>) {add = true}
        %dma_wait3A_338 = arith.constant 0 : i32
        %dma_wait3A_339 = arith.constant 0 : i32
        %dma_wait3A_340 = tpu.memref_slice %arg15[%dma_wait3A_338, %dma_wait3A_339] : memref<10240x64xf32, #tpu.memory_space<vmem_shared>> -> memref<10240x64xf32, #tpu.memory_space<vmem_shared>>
        tpu.wait_indirect_dma semaphore(%run_scoped3A : memref<!tpu.dma_semaphore, #tpu.memory_space<semaphore_mem>>) src(%arg13 : memref<128x64xf32, #tpu.memory_space<vmem>>) dst(%dma_wait3A_340 : memref<10240x64xf32, #tpu.memory_space<vmem_shared>>)
        tpu.yield
      }) : () -> ()
    } else {
    }
    %eq3A_5 = arith.constant 1 : i32
    %eq3A_6 = arith.cmpi eq, %arg0, %eq3A_5 : i32
    %convert_element_type3A_7 = arith.extui %eq3A_6 : i1 to i32
    %cond3A_8 = arith.constant 0 : i32
    %cond3A_9 = arith.cmpi ne, %convert_element_type3A_7, %cond3A_8 : i32
    scf.if %cond3A_9 {
      %get3A = arith.constant 0 : i32
      %get3A_23 = arith.index_cast %get3A : i32 to index
      %get3A_24 = arith.constant 0 : index
      %get3A_25 = tpu.vector_load %arg8[%get3A_23, %get3A_24] {strides = array<i32>} : memref<79x128xi32, #tpu.memory_space<vmem>>, vector<1x16xi32>,
      %get3A_26 = vector.shape_cast %get3A_25 : vector<1x16xi32> to vector<16xi32>
      %and3A = arith.constant 65535 : i32
      %and3A_27 = vector.broadcast %and3A : i32 to vector<16xi32>
      %and3A_28 = arith.andi %get3A_26, %and3A_27 : vector<16xi32>
      %swap3A = arith.constant 0 : index
      %swap3A_29 = tpu.vector_load %arg9[%swap3A] {strides = array<i32>} : memref<128xi32, #tpu.memory_space<vmem>>, vector<16xi32>,
      %swap3A_30 = vector.shape_cast %swap3A_29 : vector<16xi32> to vector<16xi32>
      %swap3A_31 = vector.shape_cast %and3A_28 : vector<16xi32> to vector<16xi32>
      tpu.vector_store %arg9[%swap3A], %swap3A_31 {strides = array<i32>} : memref<128xi32, #tpu.memory_space<vmem>>, vector<16xi32>,
      %shift_right_logical3A = arith.constant 16 : i32
      %shift_right_logical3A_32 = vector.broadcast %shift_right_logical3A : i32 to vector<16xi32>
      %shift_right_logical3A_33 = arith.shrui %get3A_26, %shift_right_logical3A_32 : vector<16xi32>
      %swap3A_34 = arith.constant 0 : index
      %swap3A_35 = tpu.vector_load %arg11[%swap3A_34] {strides = array<i32>} : memref<128xi32, #tpu.memory_space<vmem>>, vector<16xi32>,
      %swap3A_36 = vector.shape_cast %swap3A_35 : vector<16xi32> to vector<16xi32>
      %swap3A_37 = vector.shape_cast %shift_right_logical3A_33 : vector<16xi32> to vector<16xi32>
      tpu.vector_store %arg11[%swap3A_34], %swap3A_37 {strides = array<i32>} : memref<128xi32, #tpu.memory_space<vmem>>, vector<16xi32>,
      %get3A_38 = arith.constant 0 : i32
      %get3A_39 = arith.index_cast %get3A_38 : i32 to index
      %get3A_40 = arith.constant 16 : index
      %get3A_41 = tpu.vector_load %arg8[%get3A_39, %get3A_40] {strides = array<i32>} : memref<79x128xi32, #tpu.memory_space<vmem>>, vector<1x16xi32>,
      %get3A_42 = vector.shape_cast %get3A_41 : vector<1x16xi32> to vector<16xi32>
      %and3A_43 = arith.constant 65535 : i32
      %and3A_44 = vector.broadcast %and3A_43 : i32 to vector<16xi32>
      %and3A_45 = arith.andi %get3A_42, %and3A_44 : vector<16xi32>
      %swap3A_46 = arith.constant 16 : index
      %swap3A_47 = tpu.vector_load %arg9[%swap3A_46] {strides = array<i32>} : memref<128xi32, #tpu.memory_space<vmem>>, vector<16xi32>,
      %swap3A_48 = vector.shape_cast %swap3A_47 : vector<16xi32> to vector<16xi32>
      %swap3A_49 = vector.shape_cast %and3A_45 : vector<16xi32> to vector<16xi32>
      tpu.vector_store %arg9[%swap3A_46], %swap3A_49 {strides = array<i32>} : memref<128xi32, #tpu.memory_space<vmem>>, vector<16xi32>,
      %shift_right_logical3A_50 = arith.constant 16 : i32
      %shift_right_logical3A_51 = vector.broadcast %shift_right_logical3A_50 : i32 to vector<16xi32>
      %shift_right_logical3A_52 = arith.shrui %get3A_42, %shift_right_logical3A_51 : vector<16xi32>
      %swap3A_53 = arith.constant 16 : index
      %swap3A_54 = tpu.vector_load %arg11[%swap3A_53] {strides = array<i32>} : memref<128xi32, #tpu.memory_space<vmem>>, vector<16xi32>,
      %swap3A_55 = vector.shape_cast %swap3A_54 : vector<16xi32> to vector<16xi32>
      %swap3A_56 = vector.shape_cast %shift_right_logical3A_52 : vector<16xi32> to vector<16xi32>
      tpu.vector_store %arg11[%swap3A_53], %swap3A_56 {strides = array<i32>} : memref<128xi32, #tpu.memory_space<vmem>>, vector<16xi32>,
      %get3A_57 = arith.constant 0 : i32
      %get3A_58 = arith.index_cast %get3A_57 : i32 to index
      %get3A_59 = arith.constant 32 : index
      %get3A_60 = tpu.vector_load %arg8[%get3A_58, %get3A_59] {strides = array<i32>} : memref<79x128xi32, #tpu.memory_space<vmem>>, vector<1x16xi32>,
      %get3A_61 = vector.shape_cast %get3A_60 : vector<1x16xi32> to vector<16xi32>
      %and3A_62 = arith.constant 65535 : i32
      %and3A_63 = vector.broadcast %and3A_62 : i32 to vector<16xi32>
      %and3A_64 = arith.andi %get3A_61, %and3A_63 : vector<16xi32>
      %swap3A_65 = arith.constant 32 : index
      %swap3A_66 = tpu.vector_load %arg9[%swap3A_65] {strides = array<i32>} : memref<128xi32, #tpu.memory_space<vmem>>, vector<16xi32>,
      %swap3A_67 = vector.shape_cast %swap3A_66 : vector<16xi32> to vector<16xi32>
      %swap3A_68 = vector.shape_cast %and3A_64 : vector<16xi32> to vector<16xi32>
      tpu.vector_store %arg9[%swap3A_65], %swap3A_68 {strides = array<i32>} : memref<128xi32, #tpu.memory_space<vmem>>, vector<16xi32>,
      %shift_right_logical3A_69 = arith.constant 16 : i32
      %shift_right_logical3A_70 = vector.broadcast %shift_right_logical3A_69 : i32 to vector<16xi32>
      %shift_right_logical3A_71 = arith.shrui %get3A_61, %shift_right_logical3A_70 : vector<16xi32>
      %swap3A_72 = arith.constant 32 : index
      %swap3A_73 = tpu.vector_load %arg11[%swap3A_72] {strides = array<i32>} : memref<128xi32, #tpu.memory_space<vmem>>, vector<16xi32>,
      %swap3A_74 = vector.shape_cast %swap3A_73 : vector<16xi32> to vector<16xi32>
      %swap3A_75 = vector.shape_cast %shift_right_logical3A_71 : vector<16xi32> to vector<16xi32>
      tpu.vector_store %arg11[%swap3A_72], %swap3A_75 {strides = array<i32>} : memref<128xi32, #tpu.memory_space<vmem>>, vector<16xi32>,
      %get3A_76 = arith.constant 0 : i32
      %get3A_77 = arith.index_cast %get3A_76 : i32 to index
      %get3A_78 = arith.constant 48 : index
      %get3A_79 = tpu.vector_load %arg8[%get3A_77, %get3A_78] {strides = array<i32>} : memref<79x128xi32, #tpu.memory_space<vmem>>, vector<1x16xi32>,
      %get3A_80 = vector.shape_cast %get3A_79 : vector<1x16xi32> to vector<16xi32>
      %and3A_81 = arith.constant 65535 : i32
      %and3A_82 = vector.broadcast %and3A_81 : i32 to vector<16xi32>
      %and3A_83 = arith.andi %get3A_80, %and3A_82 : vector<16xi32>
      %swap3A_84 = arith.constant 48 : index
      %swap3A_85 = tpu.vector_load %arg9[%swap3A_84] {strides = array<i32>} : memref<128xi32, #tpu.memory_space<vmem>>, vector<16xi32>,
      %swap3A_86 = vector.shape_cast %swap3A_85 : vector<16xi32> to vector<16xi32>
      %swap3A_87 = vector.shape_cast %and3A_83 : vector<16xi32> to vector<16xi32>
      tpu.vector_store %arg9[%swap3A_84], %swap3A_87 {strides = array<i32>} : memref<128xi32, #tpu.memory_space<vmem>>, vector<16xi32>,
      %shift_right_logical3A_88 = arith.constant 16 : i32
      %shift_right_logical3A_89 = vector.broadcast %shift_right_logical3A_88 : i32 to vector<16xi32>
      %shift_right_logical3A_90 = arith.shrui %get3A_80, %shift_right_logical3A_89 : vector<16xi32>
      %swap3A_91 = arith.constant 48 : index
      %swap3A_92 = tpu.vector_load %arg11[%swap3A_91] {strides = array<i32>} : memref<128xi32, #tpu.memory_space<vmem>>, vector<16xi32>,
      %swap3A_93 = vector.shape_cast %swap3A_92 : vector<16xi32> to vector<16xi32>
      %swap3A_94 = vector.shape_cast %shift_right_logical3A_90 : vector<16xi32> to vector<16xi32>
      tpu.vector_store %arg11[%swap3A_91], %swap3A_94 {strides = array<i32>} : memref<128xi32, #tpu.memory_space<vmem>>, vector<16xi32>,
      %get3A_95 = arith.constant 0 : i32
      %get3A_96 = arith.index_cast %get3A_95 : i32 to index
      %get3A_97 = arith.constant 64 : index
      %get3A_98 = tpu.vector_load %arg8[%get3A_96, %get3A_97] {strides = array<i32>} : memref<79x128xi32, #tpu.memory_space<vmem>>, vector<1x16xi32>,
      %get3A_99 = vector.shape_cast %get3A_98 : vector<1x16xi32> to vector<16xi32>
      %and3A_100 = arith.constant 65535 : i32
      %and3A_101 = vector.broadcast %and3A_100 : i32 to vector<16xi32>
      %and3A_102 = arith.andi %get3A_99, %and3A_101 : vector<16xi32>
      %swap3A_103 = arith.constant 64 : index
      %swap3A_104 = tpu.vector_load %arg9[%swap3A_103] {strides = array<i32>} : memref<128xi32, #tpu.memory_space<vmem>>, vector<16xi32>,
      %swap3A_105 = vector.shape_cast %swap3A_104 : vector<16xi32> to vector<16xi32>
      %swap3A_106 = vector.shape_cast %and3A_102 : vector<16xi32> to vector<16xi32>
      tpu.vector_store %arg9[%swap3A_103], %swap3A_106 {strides = array<i32>} : memref<128xi32, #tpu.memory_space<vmem>>, vector<16xi32>,
      %shift_right_logical3A_107 = arith.constant 16 : i32
      %shift_right_logical3A_108 = vector.broadcast %shift_right_logical3A_107 : i32 to vector<16xi32>
      %shift_right_logical3A_109 = arith.shrui %get3A_99, %shift_right_logical3A_108 : vector<16xi32>
      %swap3A_110 = arith.constant 64 : index
      %swap3A_111 = tpu.vector_load %arg11[%swap3A_110] {strides = array<i32>} : memref<128xi32, #tpu.memory_space<vmem>>, vector<16xi32>,
      %swap3A_112 = vector.shape_cast %swap3A_111 : vector<16xi32> to vector<16xi32>
      %swap3A_113 = vector.shape_cast %shift_right_logical3A_109 : vector<16xi32> to vector<16xi32>
      tpu.vector_store %arg11[%swap3A_110], %swap3A_113 {strides = array<i32>} : memref<128xi32, #tpu.memory_space<vmem>>, vector<16xi32>,
      %get3A_114 = arith.constant 0 : i32
      %get3A_115 = arith.index_cast %get3A_114 : i32 to index
      %get3A_116 = arith.constant 80 : index
      %get3A_117 = tpu.vector_load %arg8[%get3A_115, %get3A_116] {strides = array<i32>} : memref<79x128xi32, #tpu.memory_space<vmem>>, vector<1x16xi32>,
      %get3A_118 = vector.shape_cast %get3A_117 : vector<1x16xi32> to vector<16xi32>
      %and3A_119 = arith.constant 65535 : i32
      %and3A_120 = vector.broadcast %and3A_119 : i32 to vector<16xi32>
      %and3A_121 = arith.andi %get3A_118, %and3A_120 : vector<16xi32>
      %swap3A_122 = arith.constant 80 : index
      %swap3A_123 = tpu.vector_load %arg9[%swap3A_122] {strides = array<i32>} : memref<128xi32, #tpu.memory_space<vmem>>, vector<16xi32>,
      %swap3A_124 = vector.shape_cast %swap3A_123 : vector<16xi32> to vector<16xi32>
      %swap3A_125 = vector.shape_cast %and3A_121 : vector<16xi32> to vector<16xi32>
      tpu.vector_store %arg9[%swap3A_122], %swap3A_125 {strides = array<i32>} : memref<128xi32, #tpu.memory_space<vmem>>, vector<16xi32>,
      %shift_right_logical3A_126 = arith.constant 16 : i32
      %shift_right_logical3A_127 = vector.broadcast %shift_right_logical3A_126 : i32 to vector<16xi32>
      %shift_right_logical3A_128 = arith.shrui %get3A_118, %shift_right_logical3A_127 : vector<16xi32>
      %swap3A_129 = arith.constant 80 : index
      %swap3A_130 = tpu.vector_load %arg11[%swap3A_129] {strides = array<i32>} : memref<128xi32, #tpu.memory_space<vmem>>, vector<16xi32>,
      %swap3A_131 = vector.shape_cast %swap3A_130 : vector<16xi32> to vector<16xi32>
      %swap3A_132 = vector.shape_cast %shift_right_logical3A_128 : vector<16xi32> to vector<16xi32>
      tpu.vector_store %arg11[%swap3A_129], %swap3A_132 {strides = array<i32>} : memref<128xi32, #tpu.memory_space<vmem>>, vector<16xi32>,
      %get3A_133 = arith.constant 0 : i32
      %get3A_134 = arith.index_cast %get3A_133 : i32 to index
      %get3A_135 = arith.constant 96 : index
      %get3A_136 = tpu.vector_load %arg8[%get3A_134, %get3A_135] {strides = array<i32>} : memref<79x128xi32, #tpu.memory_space<vmem>>, vector<1x16xi32>,
      %get3A_137 = vector.shape_cast %get3A_136 : vector<1x16xi32> to vector<16xi32>
      %and3A_138 = arith.constant 65535 : i32
      %and3A_139 = vector.broadcast %and3A_138 : i32 to vector<16xi32>
      %and3A_140 = arith.andi %get3A_137, %and3A_139 : vector<16xi32>
      %swap3A_141 = arith.constant 96 : index
      %swap3A_142 = tpu.vector_load %arg9[%swap3A_141] {strides = array<i32>} : memref<128xi32, #tpu.memory_space<vmem>>, vector<16xi32>,
      %swap3A_143 = vector.shape_cast %swap3A_142 : vector<16xi32> to vector<16xi32>
      %swap3A_144 = vector.shape_cast %and3A_140 : vector<16xi32> to vector<16xi32>
      tpu.vector_store %arg9[%swap3A_141], %swap3A_144 {strides = array<i32>} : memref<128xi32, #tpu.memory_space<vmem>>, vector<16xi32>,
      %shift_right_logical3A_145 = arith.constant 16 : i32
      %shift_right_logical3A_146 = vector.broadcast %shift_right_logical3A_145 : i32 to vector<16xi32>
      %shift_right_logical3A_147 = arith.shrui %get3A_137, %shift_right_logical3A_146 : vector<16xi32>
      %swap3A_148 = arith.constant 96 : index
      %swap3A_149 = tpu.vector_load %arg11[%swap3A_148] {strides = array<i32>} : memref<128xi32, #tpu.memory_space<vmem>>, vector<16xi32>,
      %swap3A_150 = vector.shape_cast %swap3A_149 : vector<16xi32> to vector<16xi32>
      %swap3A_151 = vector.shape_cast %shift_right_logical3A_147 : vector<16xi32> to vector<16xi32>
      tpu.vector_store %arg11[%swap3A_148], %swap3A_151 {strides = array<i32>} : memref<128xi32, #tpu.memory_space<vmem>>, vector<16xi32>,
      %get3A_152 = arith.constant 0 : i32
      %get3A_153 = arith.index_cast %get3A_152 : i32 to index
      %get3A_154 = arith.constant 112 : index
      %get3A_155 = tpu.vector_load %arg8[%get3A_153, %get3A_154] {strides = array<i32>} : memref<79x128xi32, #tpu.memory_space<vmem>>, vector<1x16xi32>,
      %get3A_156 = vector.shape_cast %get3A_155 : vector<1x16xi32> to vector<16xi32>
      %and3A_157 = arith.constant 65535 : i32
      %and3A_158 = vector.broadcast %and3A_157 : i32 to vector<16xi32>
      %and3A_159 = arith.andi %get3A_156, %and3A_158 : vector<16xi32>
      %swap3A_160 = arith.constant 112 : index
      %swap3A_161 = tpu.vector_load %arg9[%swap3A_160] {strides = array<i32>} : memref<128xi32, #tpu.memory_space<vmem>>, vector<16xi32>,
      %swap3A_162 = vector.shape_cast %swap3A_161 : vector<16xi32> to vector<16xi32>
      %swap3A_163 = vector.shape_cast %and3A_159 : vector<16xi32> to vector<16xi32>
      tpu.vector_store %arg9[%swap3A_160], %swap3A_163 {strides = array<i32>} : memref<128xi32, #tpu.memory_space<vmem>>, vector<16xi32>,
      %shift_right_logical3A_164 = arith.constant 16 : i32
      %shift_right_logical3A_165 = vector.broadcast %shift_right_logical3A_164 : i32 to vector<16xi32>
      %shift_right_logical3A_166 = arith.shrui %get3A_156, %shift_right_logical3A_165 : vector<16xi32>
      %swap3A_167 = arith.constant 112 : index
      %swap3A_168 = tpu.vector_load %arg11[%swap3A_167] {strides = array<i32>} : memref<128xi32, #tpu.memory_space<vmem>>, vector<16xi32>,
      %swap3A_169 = vector.shape_cast %swap3A_168 : vector<16xi32> to vector<16xi32>
      %swap3A_170 = vector.shape_cast %shift_right_logical3A_166 : vector<16xi32> to vector<16xi32>
      tpu.vector_store %arg11[%swap3A_167], %swap3A_170 {strides = array<i32>} : memref<128xi32, #tpu.memory_space<vmem>>, vector<16xi32>,
      %dma_start3A = arith.constant 0 : i32
      %dma_start3A_171 = arith.constant 0 : i32
      %dma_start3A_172 = tpu.memref_slice %arg3[%dma_start3A, %dma_start3A_171] : memref<10000x64xf32, #tpu.memory_space<hbm>> -> memref<10000x64xf32, #tpu.memory_space<hbm>>
      tpu.enqueue_indirect_dma source(%dma_start3A_172 : memref<10000x64xf32, #tpu.memory_space<hbm>>) target(%arg13 : memref<128x64xf32, #tpu.memory_space<vmem>>) offsets(%arg11 : memref<128xi32, #tpu.memory_space<vmem>>) semaphore(%arg16 : memref<!tpu.dma_semaphore, #tpu.memory_space<semaphore_mem>>)
      %get3A_173 = arith.constant 1 : i32
      %get3A_174 = arith.index_cast %get3A_173 : i32 to index
      %get3A_175 = arith.constant 0 : index
      %get3A_176 = tpu.vector_load %arg8[%get3A_174, %get3A_175] {strides = array<i32>} : memref<79x128xi32, #tpu.memory_space<vmem>>, vector<1x16xi32>,
      %get3A_177 = vector.shape_cast %get3A_176 : vector<1x16xi32> to vector<16xi32>
      %and3A_178 = arith.constant 65535 : i32
      %and3A_179 = vector.broadcast %and3A_178 : i32 to vector<16xi32>
      %and3A_180 = arith.andi %get3A_177, %and3A_179 : vector<16xi32>
      %swap3A_181 = arith.constant 0 : index
      %swap3A_182 = tpu.vector_load %arg10[%swap3A_181] {strides = array<i32>} : memref<128xi32, #tpu.memory_space<vmem>>, vector<16xi32>,
      %swap3A_183 = vector.shape_cast %swap3A_182 : vector<16xi32> to vector<16xi32>
      %swap3A_184 = vector.shape_cast %and3A_180 : vector<16xi32> to vector<16xi32>
      tpu.vector_store %arg10[%swap3A_181], %swap3A_184 {strides = array<i32>} : memref<128xi32, #tpu.memory_space<vmem>>, vector<16xi32>,
      %shift_right_logical3A_185 = arith.constant 16 : i32
      %shift_right_logical3A_186 = vector.broadcast %shift_right_logical3A_185 : i32 to vector<16xi32>
      %shift_right_logical3A_187 = arith.shrui %get3A_177, %shift_right_logical3A_186 : vector<16xi32>
      %swap3A_188 = arith.constant 0 : index
      %swap3A_189 = tpu.vector_load %arg12[%swap3A_188] {strides = array<i32>} : memref<128xi32, #tpu.memory_space<vmem>>, vector<16xi32>,
      %swap3A_190 = vector.shape_cast %swap3A_189 : vector<16xi32> to vector<16xi32>
      %swap3A_191 = vector.shape_cast %shift_right_logical3A_187 : vector<16xi32> to vector<16xi32>
      tpu.vector_store %arg12[%swap3A_188], %swap3A_191 {strides = array<i32>} : memref<128xi32, #tpu.memory_space<vmem>>, vector<16xi32>,
      %get3A_192 = arith.constant 1 : i32
      %get3A_193 = arith.index_cast %get3A_192 : i32 to index
      %get3A_194 = arith.constant 16 : index
      %get3A_195 = tpu.vector_load %arg8[%get3A_193, %get3A_194] {strides = array<i32>} : memref<79x128xi32, #tpu.memory_space<vmem>>, vector<1x16xi32>,
      %get3A_196 = vector.shape_cast %get3A_195 : vector<1x16xi32> to vector<16xi32>
      %and3A_197 = arith.constant 65535 : i32
      %and3A_198 = vector.broadcast %and3A_197 : i32 to vector<16xi32>
      %and3A_199 = arith.andi %get3A_196, %and3A_198 : vector<16xi32>
      %swap3A_200 = arith.constant 16 : index
      %swap3A_201 = tpu.vector_load %arg10[%swap3A_200] {strides = array<i32>} : memref<128xi32, #tpu.memory_space<vmem>>, vector<16xi32>,
      %swap3A_202 = vector.shape_cast %swap3A_201 : vector<16xi32> to vector<16xi32>
      %swap3A_203 = vector.shape_cast %and3A_199 : vector<16xi32> to vector<16xi32>
      tpu.vector_store %arg10[%swap3A_200], %swap3A_203 {strides = array<i32>} : memref<128xi32, #tpu.memory_space<vmem>>, vector<16xi32>,
      %shift_right_logical3A_204 = arith.constant 16 : i32
      %shift_right_logical3A_205 = vector.broadcast %shift_right_logical3A_204 : i32 to vector<16xi32>
      %shift_right_logical3A_206 = arith.shrui %get3A_196, %shift_right_logical3A_205 : vector<16xi32>
      %swap3A_207 = arith.constant 16 : index
      %swap3A_208 = tpu.vector_load %arg12[%swap3A_207] {strides = array<i32>} : memref<128xi32, #tpu.memory_space<vmem>>, vector<16xi32>,
      %swap3A_209 = vector.shape_cast %swap3A_208 : vector<16xi32> to vector<16xi32>
      %swap3A_210 = vector.shape_cast %shift_right_logical3A_206 : vector<16xi32> to vector<16xi32>
      tpu.vector_store %arg12[%swap3A_207], %swap3A_210 {strides = array<i32>} : memref<128xi32, #tpu.memory_space<vmem>>, vector<16xi32>,
      %get3A_211 = arith.constant 1 : i32
      %get3A_212 = arith.index_cast %get3A_211 : i32 to index
      %get3A_213 = arith.constant 32 : index
      %get3A_214 = tpu.vector_load %arg8[%get3A_212, %get3A_213] {strides = array<i32>} : memref<79x128xi32, #tpu.memory_space<vmem>>, vector<1x16xi32>,
      %get3A_215 = vector.shape_cast %get3A_214 : vector<1x16xi32> to vector<16xi32>
      %and3A_216 = arith.constant 65535 : i32
      %and3A_217 = vector.broadcast %and3A_216 : i32 to vector<16xi32>
      %and3A_218 = arith.andi %get3A_215, %and3A_217 : vector<16xi32>
      %swap3A_219 = arith.constant 32 : index
      %swap3A_220 = tpu.vector_load %arg10[%swap3A_219] {strides = array<i32>} : memref<128xi32, #tpu.memory_space<vmem>>, vector<16xi32>,
      %swap3A_221 = vector.shape_cast %swap3A_220 : vector<16xi32> to vector<16xi32>
      %swap3A_222 = vector.shape_cast %and3A_218 : vector<16xi32> to vector<16xi32>
      tpu.vector_store %arg10[%swap3A_219], %swap3A_222 {strides = array<i32>} : memref<128xi32, #tpu.memory_space<vmem>>, vector<16xi32>,
      %shift_right_logical3A_223 = arith.constant 16 : i32
      %shift_right_logical3A_224 = vector.broadcast %shift_right_logical3A_223 : i32 to vector<16xi32>
      %shift_right_logical3A_225 = arith.shrui %get3A_215, %shift_right_logical3A_224 : vector<16xi32>
      %swap3A_226 = arith.constant 32 : index
      %swap3A_227 = tpu.vector_load %arg12[%swap3A_226] {strides = array<i32>} : memref<128xi32, #tpu.memory_space<vmem>>, vector<16xi32>,
      %swap3A_228 = vector.shape_cast %swap3A_227 : vector<16xi32> to vector<16xi32>
      %swap3A_229 = vector.shape_cast %shift_right_logical3A_225 : vector<16xi32> to vector<16xi32>
      tpu.vector_store %arg12[%swap3A_226], %swap3A_229 {strides = array<i32>} : memref<128xi32, #tpu.memory_space<vmem>>, vector<16xi32>,
      %get3A_230 = arith.constant 1 : i32
      %get3A_231 = arith.index_cast %get3A_230 : i32 to index
      %get3A_232 = arith.constant 48 : index
      %get3A_233 = tpu.vector_load %arg8[%get3A_231, %get3A_232] {strides = array<i32>} : memref<79x128xi32, #tpu.memory_space<vmem>>, vector<1x16xi32>,
      %get3A_234 = vector.shape_cast %get3A_233 : vector<1x16xi32> to vector<16xi32>
      %and3A_235 = arith.constant 65535 : i32
      %and3A_236 = vector.broadcast %and3A_235 : i32 to vector<16xi32>
      %and3A_237 = arith.andi %get3A_234, %and3A_236 : vector<16xi32>
      %swap3A_238 = arith.constant 48 : index
      %swap3A_239 = tpu.vector_load %arg10[%swap3A_238] {strides = array<i32>} : memref<128xi32, #tpu.memory_space<vmem>>, vector<16xi32>,
      %swap3A_240 = vector.shape_cast %swap3A_239 : vector<16xi32> to vector<16xi32>
      %swap3A_241 = vector.shape_cast %and3A_237 : vector<16xi32> to vector<16xi32>
      tpu.vector_store %arg10[%swap3A_238], %swap3A_241 {strides = array<i32>} : memref<128xi32, #tpu.memory_space<vmem>>, vector<16xi32>,
      %shift_right_logical3A_242 = arith.constant 16 : i32
      %shift_right_logical3A_243 = vector.broadcast %shift_right_logical3A_242 : i32 to vector<16xi32>
      %shift_right_logical3A_244 = arith.shrui %get3A_234, %shift_right_logical3A_243 : vector<16xi32>
      %swap3A_245 = arith.constant 48 : index
      %swap3A_246 = tpu.vector_load %arg12[%swap3A_245] {strides = array<i32>} : memref<128xi32, #tpu.memory_space<vmem>>, vector<16xi32>,
      %swap3A_247 = vector.shape_cast %swap3A_246 : vector<16xi32> to vector<16xi32>
      %swap3A_248 = vector.shape_cast %shift_right_logical3A_244 : vector<16xi32> to vector<16xi32>
      tpu.vector_store %arg12[%swap3A_245], %swap3A_248 {strides = array<i32>} : memref<128xi32, #tpu.memory_space<vmem>>, vector<16xi32>,
      %get3A_249 = arith.constant 1 : i32
      %get3A_250 = arith.index_cast %get3A_249 : i32 to index
      %get3A_251 = arith.constant 64 : index
      %get3A_252 = tpu.vector_load %arg8[%get3A_250, %get3A_251] {strides = array<i32>} : memref<79x128xi32, #tpu.memory_space<vmem>>, vector<1x16xi32>,
      %get3A_253 = vector.shape_cast %get3A_252 : vector<1x16xi32> to vector<16xi32>
      %and3A_254 = arith.constant 65535 : i32
      %and3A_255 = vector.broadcast %and3A_254 : i32 to vector<16xi32>
      %and3A_256 = arith.andi %get3A_253, %and3A_255 : vector<16xi32>
      %swap3A_257 = arith.constant 64 : index
      %swap3A_258 = tpu.vector_load %arg10[%swap3A_257] {strides = array<i32>} : memref<128xi32, #tpu.memory_space<vmem>>, vector<16xi32>,
      %swap3A_259 = vector.shape_cast %swap3A_258 : vector<16xi32> to vector<16xi32>
      %swap3A_260 = vector.shape_cast %and3A_256 : vector<16xi32> to vector<16xi32>
      tpu.vector_store %arg10[%swap3A_257], %swap3A_260 {strides = array<i32>} : memref<128xi32, #tpu.memory_space<vmem>>, vector<16xi32>,
      %shift_right_logical3A_261 = arith.constant 16 : i32
      %shift_right_logical3A_262 = vector.broadcast %shift_right_logical3A_261 : i32 to vector<16xi32>
      %shift_right_logical3A_263 = arith.shrui %get3A_253, %shift_right_logical3A_262 : vector<16xi32>
      %swap3A_264 = arith.constant 64 : index
      %swap3A_265 = tpu.vector_load %arg12[%swap3A_264] {strides = array<i32>} : memref<128xi32, #tpu.memory_space<vmem>>, vector<16xi32>,
      %swap3A_266 = vector.shape_cast %swap3A_265 : vector<16xi32> to vector<16xi32>
      %swap3A_267 = vector.shape_cast %shift_right_logical3A_263 : vector<16xi32> to vector<16xi32>
      tpu.vector_store %arg12[%swap3A_264], %swap3A_267 {strides = array<i32>} : memref<128xi32, #tpu.memory_space<vmem>>, vector<16xi32>,
      %get3A_268 = arith.constant 1 : i32
      %get3A_269 = arith.index_cast %get3A_268 : i32 to index
      %get3A_270 = arith.constant 80 : index
      %get3A_271 = tpu.vector_load %arg8[%get3A_269, %get3A_270] {strides = array<i32>} : memref<79x128xi32, #tpu.memory_space<vmem>>, vector<1x16xi32>,
      %get3A_272 = vector.shape_cast %get3A_271 : vector<1x16xi32> to vector<16xi32>
      %and3A_273 = arith.constant 65535 : i32
      %and3A_274 = vector.broadcast %and3A_273 : i32 to vector<16xi32>
      %and3A_275 = arith.andi %get3A_272, %and3A_274 : vector<16xi32>
      %swap3A_276 = arith.constant 80 : index
      %swap3A_277 = tpu.vector_load %arg10[%swap3A_276] {strides = array<i32>} : memref<128xi32, #tpu.memory_space<vmem>>, vector<16xi32>,
      %swap3A_278 = vector.shape_cast %swap3A_277 : vector<16xi32> to vector<16xi32>
      %swap3A_279 = vector.shape_cast %and3A_275 : vector<16xi32> to vector<16xi32>
      tpu.vector_store %arg10[%swap3A_276], %swap3A_279 {strides = array<i32>} : memref<128xi32, #tpu.memory_space<vmem>>, vector<16xi32>,
      %shift_right_logical3A_280 = arith.constant 16 : i32
      %shift_right_logical3A_281 = vector.broadcast %shift_right_logical3A_280 : i32 to vector<16xi32>
      %shift_right_logical3A_282 = arith.shrui %get3A_272, %shift_right_logical3A_281 : vector<16xi32>
      %swap3A_283 = arith.constant 80 : index
      %swap3A_284 = tpu.vector_load %arg12[%swap3A_283] {strides = array<i32>} : memref<128xi32, #tpu.memory_space<vmem>>, vector<16xi32>,
      %swap3A_285 = vector.shape_cast %swap3A_284 : vector<16xi32> to vector<16xi32>
      %swap3A_286 = vector.shape_cast %shift_right_logical3A_282 : vector<16xi32> to vector<16xi32>
      tpu.vector_store %arg12[%swap3A_283], %swap3A_286 {strides = array<i32>} : memref<128xi32, #tpu.memory_space<vmem>>, vector<16xi32>,
      %get3A_287 = arith.constant 1 : i32
      %get3A_288 = arith.index_cast %get3A_287 : i32 to index
      %get3A_289 = arith.constant 96 : index
      %get3A_290 = tpu.vector_load %arg8[%get3A_288, %get3A_289] {strides = array<i32>} : memref<79x128xi32, #tpu.memory_space<vmem>>, vector<1x16xi32>,
      %get3A_291 = vector.shape_cast %get3A_290 : vector<1x16xi32> to vector<16xi32>
      %and3A_292 = arith.constant 65535 : i32
      %and3A_293 = vector.broadcast %and3A_292 : i32 to vector<16xi32>
      %and3A_294 = arith.andi %get3A_291, %and3A_293 : vector<16xi32>
      %swap3A_295 = arith.constant 96 : index
      %swap3A_296 = tpu.vector_load %arg10[%swap3A_295] {strides = array<i32>} : memref<128xi32, #tpu.memory_space<vmem>>, vector<16xi32>,
      %swap3A_297 = vector.shape_cast %swap3A_296 : vector<16xi32> to vector<16xi32>
      %swap3A_298 = vector.shape_cast %and3A_294 : vector<16xi32> to vector<16xi32>
      tpu.vector_store %arg10[%swap3A_295], %swap3A_298 {strides = array<i32>} : memref<128xi32, #tpu.memory_space<vmem>>, vector<16xi32>,
      %shift_right_logical3A_299 = arith.constant 16 : i32
      %shift_right_logical3A_300 = vector.broadcast %shift_right_logical3A_299 : i32 to vector<16xi32>
      %shift_right_logical3A_301 = arith.shrui %get3A_291, %shift_right_logical3A_300 : vector<16xi32>
      %swap3A_302 = arith.constant 96 : index
      %swap3A_303 = tpu.vector_load %arg12[%swap3A_302] {strides = array<i32>} : memref<128xi32, #tpu.memory_space<vmem>>, vector<16xi32>,
      %swap3A_304 = vector.shape_cast %swap3A_303 : vector<16xi32> to vector<16xi32>
      %swap3A_305 = vector.shape_cast %shift_right_logical3A_301 : vector<16xi32> to vector<16xi32>
      tpu.vector_store %arg12[%swap3A_302], %swap3A_305 {strides = array<i32>} : memref<128xi32, #tpu.memory_space<vmem>>, vector<16xi32>,
      %get3A_306 = arith.constant 1 : i32
      %get3A_307 = arith.index_cast %get3A_306 : i32 to index
      %get3A_308 = arith.constant 112 : index
      %get3A_309 = tpu.vector_load %arg8[%get3A_307, %get3A_308] {strides = array<i32>} : memref<79x128xi32, #tpu.memory_space<vmem>>, vector<1x16xi32>,
      %get3A_310 = vector.shape_cast %get3A_309 : vector<1x16xi32> to vector<16xi32>
      %and3A_311 = arith.constant 65535 : i32
      %and3A_312 = vector.broadcast %and3A_311 : i32 to vector<16xi32>
      %and3A_313 = arith.andi %get3A_310, %and3A_312 : vector<16xi32>
      %swap3A_314 = arith.constant 112 : index
      %swap3A_315 = tpu.vector_load %arg10[%swap3A_314] {strides = array<i32>} : memref<128xi32, #tpu.memory_space<vmem>>, vector<16xi32>,
      %swap3A_316 = vector.shape_cast %swap3A_315 : vector<16xi32> to vector<16xi32>
      %swap3A_317 = vector.shape_cast %and3A_313 : vector<16xi32> to vector<16xi32>
      tpu.vector_store %arg10[%swap3A_314], %swap3A_317 {strides = array<i32>} : memref<128xi32, #tpu.memory_space<vmem>>, vector<16xi32>,
      %shift_right_logical3A_318 = arith.constant 16 : i32
      %shift_right_logical3A_319 = vector.broadcast %shift_right_logical3A_318 : i32 to vector<16xi32>
      %shift_right_logical3A_320 = arith.shrui %get3A_310, %shift_right_logical3A_319 : vector<16xi32>
      %swap3A_321 = arith.constant 112 : index
      %swap3A_322 = tpu.vector_load %arg12[%swap3A_321] {strides = array<i32>} : memref<128xi32, #tpu.memory_space<vmem>>, vector<16xi32>,
      %swap3A_323 = vector.shape_cast %swap3A_322 : vector<16xi32> to vector<16xi32>
      %swap3A_324 = vector.shape_cast %shift_right_logical3A_320 : vector<16xi32> to vector<16xi32>
      tpu.vector_store %arg12[%swap3A_321], %swap3A_324 {strides = array<i32>} : memref<128xi32, #tpu.memory_space<vmem>>, vector<16xi32>,
      %dma_start3A_325 = arith.constant 0 : i32
      %dma_start3A_326 = arith.constant 0 : i32
      %dma_start3A_327 = tpu.memref_slice %arg3[%dma_start3A_325, %dma_start3A_326] : memref<10000x64xf32, #tpu.memory_space<hbm>> -> memref<10000x64xf32, #tpu.memory_space<hbm>>
      tpu.enqueue_indirect_dma source(%dma_start3A_327 : memref<10000x64xf32, #tpu.memory_space<hbm>>) target(%arg14 : memref<128x64xf32, #tpu.memory_space<vmem>>) offsets(%arg12 : memref<128xi32, #tpu.memory_space<vmem>>) semaphore(%arg17 : memref<!tpu.dma_semaphore, #tpu.memory_space<semaphore_mem>>)
      %scan3A = arith.constant 0 : i32
      %scan3A_328 = arith.constant 0 : i32
      %scan3A_329 = arith.constant 39 : i32
      %scan3A_330 = arith.addi %scan3A_328, %scan3A_329 : i32
      %scan3A_331 = arith.constant 1 : i32
      scf.for %scan3A_335 = %scan3A_328 to %scan3A_330 step %scan3A_331  : i32 {
        %mul3A_336 = arith.constant 2 : i32
        %mul3A_337 = arith.muli %mul3A_336, %scan3A_335 : i32
        %dma_wait3A_338 = arith.constant 0 : i32
        %dma_wait3A_339 = arith.constant 0 : i32
        %dma_wait3A_340 = tpu.memref_slice %arg3[%dma_wait3A_338, %dma_wait3A_339] : memref<10000x64xf32, #tpu.memory_space<hbm>> -> memref<10000x64xf32, #tpu.memory_space<hbm>>
        tpu.wait_indirect_dma semaphore(%arg16 : memref<!tpu.dma_semaphore, #tpu.memory_space<semaphore_mem>>) src(%dma_wait3A_340 : memref<10000x64xf32, #tpu.memory_space<hbm>>) dst(%arg13 : memref<128x64xf32, #tpu.memory_space<vmem>>)
        "tpu.region"() ({
          %run_scoped3A = tpu.sem_alloc : memref<!tpu.dma_semaphore, #tpu.memory_space<semaphore_mem>>
          %dma_start3A_359 = arith.constant 0 : i32
          %dma_start3A_360 = arith.constant 0 : i32
          %dma_start3A_361 = tpu.memref_slice %arg15[%dma_start3A_359, %dma_start3A_360] : memref<10240x64xf32, #tpu.memory_space<vmem_shared>> -> memref<10240x64xf32, #tpu.memory_space<vmem_shared>>
          tpu.enqueue_indirect_dma source(%arg13 : memref<128x64xf32, #tpu.memory_space<vmem>>) target(%dma_start3A_361 : memref<10240x64xf32, #tpu.memory_space<vmem_shared>>) offsets(%arg9 : memref<128xi32, #tpu.memory_space<vmem>>) semaphore(%run_scoped3A : memref<!tpu.dma_semaphore, #tpu.memory_space<semaphore_mem>>) {add = true}
          %dma_wait3A_362 = arith.constant 0 : i32
          %dma_wait3A_363 = arith.constant 0 : i32
          %dma_wait3A_364 = tpu.memref_slice %arg15[%dma_wait3A_362, %dma_wait3A_363] : memref<10240x64xf32, #tpu.memory_space<vmem_shared>> -> memref<10240x64xf32, #tpu.memory_space<vmem_shared>>
          tpu.wait_indirect_dma semaphore(%run_scoped3A : memref<!tpu.dma_semaphore, #tpu.memory_space<semaphore_mem>>) src(%arg13 : memref<128x64xf32, #tpu.memory_space<vmem>>) dst(%dma_wait3A_364 : memref<10240x64xf32, #tpu.memory_space<vmem_shared>>)
          tpu.yield
        }) : () -> ()
        %add3A_341 = arith.constant 2 : i32
        %add3A_342 = arith.addi %mul3A_337, %add3A_341 : i32
        %lt3A = arith.constant 79 : i32
        %lt3A_343 = arith.cmpi slt, %add3A_342, %lt3A : i32
        %convert_element_type3A_344 = arith.extui %lt3A_343 : i1 to i32
        %cond3A_345 = arith.constant 0 : i32
        %cond3A_346 = arith.cmpi ne, %convert_element_type3A_344, %cond3A_345 : i32
        scf.if %cond3A_346 {
          %add3A_359 = arith.constant 2 : i32
          %add3A_360 = arith.addi %mul3A_337, %add3A_359 : i32
          %get3A_361 = arith.index_cast %add3A_360 : i32 to index
          %get3A_362 = arith.constant 0 : index
          %get3A_363 = tpu.vector_load %arg8[%get3A_361, %get3A_362] {strides = array<i32>} : memref<79x128xi32, #tpu.memory_space<vmem>>, vector<1x16xi32>,
          %get3A_364 = vector.shape_cast %get3A_363 : vector<1x16xi32> to vector<16xi32>
          %and3A_365 = arith.constant 65535 : i32
          %and3A_366 = vector.broadcast %and3A_365 : i32 to vector<16xi32>
          %and3A_367 = arith.andi %get3A_364, %and3A_366 : vector<16xi32>
          %swap3A_368 = arith.constant 0 : index
          %swap3A_369 = tpu.vector_load %arg9[%swap3A_368] {strides = array<i32>} : memref<128xi32, #tpu.memory_space<vmem>>, vector<16xi32>,
          %swap3A_370 = vector.shape_cast %swap3A_369 : vector<16xi32> to vector<16xi32>
          %swap3A_371 = vector.shape_cast %and3A_367 : vector<16xi32> to vector<16xi32>
          tpu.vector_store %arg9[%swap3A_368], %swap3A_371 {strides = array<i32>} : memref<128xi32, #tpu.memory_space<vmem>>, vector<16xi32>,
          %shift_right_logical3A_372 = arith.constant 16 : i32
          %shift_right_logical3A_373 = vector.broadcast %shift_right_logical3A_372 : i32 to vector<16xi32>
          %shift_right_logical3A_374 = arith.shrui %get3A_364, %shift_right_logical3A_373 : vector<16xi32>
          %swap3A_375 = arith.constant 0 : index
          %swap3A_376 = tpu.vector_load %arg11[%swap3A_375] {strides = array<i32>} : memref<128xi32, #tpu.memory_space<vmem>>, vector<16xi32>,
          %swap3A_377 = vector.shape_cast %swap3A_376 : vector<16xi32> to vector<16xi32>
          %swap3A_378 = vector.shape_cast %shift_right_logical3A_374 : vector<16xi32> to vector<16xi32>
          tpu.vector_store %arg11[%swap3A_375], %swap3A_378 {strides = array<i32>} : memref<128xi32, #tpu.memory_space<vmem>>, vector<16xi32>,
          %get3A_379 = arith.index_cast %add3A_360 : i32 to index
          %get3A_380 = arith.constant 16 : index
          %get3A_381 = tpu.vector_load %arg8[%get3A_379, %get3A_380] {strides = array<i32>} : memref<79x128xi32, #tpu.memory_space<vmem>>, vector<1x16xi32>,
          %get3A_382 = vector.shape_cast %get3A_381 : vector<1x16xi32> to vector<16xi32>
          %and3A_383 = arith.constant 65535 : i32
          %and3A_384 = vector.broadcast %and3A_383 : i32 to vector<16xi32>
          %and3A_385 = arith.andi %get3A_382, %and3A_384 : vector<16xi32>
          %swap3A_386 = arith.constant 16 : index
          %swap3A_387 = tpu.vector_load %arg9[%swap3A_386] {strides = array<i32>} : memref<128xi32, #tpu.memory_space<vmem>>, vector<16xi32>,
          %swap3A_388 = vector.shape_cast %swap3A_387 : vector<16xi32> to vector<16xi32>
          %swap3A_389 = vector.shape_cast %and3A_385 : vector<16xi32> to vector<16xi32>
          tpu.vector_store %arg9[%swap3A_386], %swap3A_389 {strides = array<i32>} : memref<128xi32, #tpu.memory_space<vmem>>, vector<16xi32>,
          %shift_right_logical3A_390 = arith.constant 16 : i32
          %shift_right_logical3A_391 = vector.broadcast %shift_right_logical3A_390 : i32 to vector<16xi32>
          %shift_right_logical3A_392 = arith.shrui %get3A_382, %shift_right_logical3A_391 : vector<16xi32>
          %swap3A_393 = arith.constant 16 : index
          %swap3A_394 = tpu.vector_load %arg11[%swap3A_393] {strides = array<i32>} : memref<128xi32, #tpu.memory_space<vmem>>, vector<16xi32>,
          %swap3A_395 = vector.shape_cast %swap3A_394 : vector<16xi32> to vector<16xi32>
          %swap3A_396 = vector.shape_cast %shift_right_logical3A_392 : vector<16xi32> to vector<16xi32>
          tpu.vector_store %arg11[%swap3A_393], %swap3A_396 {strides = array<i32>} : memref<128xi32, #tpu.memory_space<vmem>>, vector<16xi32>,
          %get3A_397 = arith.index_cast %add3A_360 : i32 to index
          %get3A_398 = arith.constant 32 : index
          %get3A_399 = tpu.vector_load %arg8[%get3A_397, %get3A_398] {strides = array<i32>} : memref<79x128xi32, #tpu.memory_space<vmem>>, vector<1x16xi32>,
          %get3A_400 = vector.shape_cast %get3A_399 : vector<1x16xi32> to vector<16xi32>
          %and3A_401 = arith.constant 65535 : i32
          %and3A_402 = vector.broadcast %and3A_401 : i32 to vector<16xi32>
          %and3A_403 = arith.andi %get3A_400, %and3A_402 : vector<16xi32>
          %swap3A_404 = arith.constant 32 : index
          %swap3A_405 = tpu.vector_load %arg9[%swap3A_404] {strides = array<i32>} : memref<128xi32, #tpu.memory_space<vmem>>, vector<16xi32>,
          %swap3A_406 = vector.shape_cast %swap3A_405 : vector<16xi32> to vector<16xi32>
          %swap3A_407 = vector.shape_cast %and3A_403 : vector<16xi32> to vector<16xi32>
          tpu.vector_store %arg9[%swap3A_404], %swap3A_407 {strides = array<i32>} : memref<128xi32, #tpu.memory_space<vmem>>, vector<16xi32>,
          %shift_right_logical3A_408 = arith.constant 16 : i32
          %shift_right_logical3A_409 = vector.broadcast %shift_right_logical3A_408 : i32 to vector<16xi32>
          %shift_right_logical3A_410 = arith.shrui %get3A_400, %shift_right_logical3A_409 : vector<16xi32>
          %swap3A_411 = arith.constant 32 : index
          %swap3A_412 = tpu.vector_load %arg11[%swap3A_411] {strides = array<i32>} : memref<128xi32, #tpu.memory_space<vmem>>, vector<16xi32>,
          %swap3A_413 = vector.shape_cast %swap3A_412 : vector<16xi32> to vector<16xi32>
          %swap3A_414 = vector.shape_cast %shift_right_logical3A_410 : vector<16xi32> to vector<16xi32>
          tpu.vector_store %arg11[%swap3A_411], %swap3A_414 {strides = array<i32>} : memref<128xi32, #tpu.memory_space<vmem>>, vector<16xi32>,
          %get3A_415 = arith.index_cast %add3A_360 : i32 to index
          %get3A_416 = arith.constant 48 : index
          %get3A_417 = tpu.vector_load %arg8[%get3A_415, %get3A_416] {strides = array<i32>} : memref<79x128xi32, #tpu.memory_space<vmem>>, vector<1x16xi32>,
          %get3A_418 = vector.shape_cast %get3A_417 : vector<1x16xi32> to vector<16xi32>
          %and3A_419 = arith.constant 65535 : i32
          %and3A_420 = vector.broadcast %and3A_419 : i32 to vector<16xi32>
          %and3A_421 = arith.andi %get3A_418, %and3A_420 : vector<16xi32>
          %swap3A_422 = arith.constant 48 : index
          %swap3A_423 = tpu.vector_load %arg9[%swap3A_422] {strides = array<i32>} : memref<128xi32, #tpu.memory_space<vmem>>, vector<16xi32>,
          %swap3A_424 = vector.shape_cast %swap3A_423 : vector<16xi32> to vector<16xi32>
          %swap3A_425 = vector.shape_cast %and3A_421 : vector<16xi32> to vector<16xi32>
          tpu.vector_store %arg9[%swap3A_422], %swap3A_425 {strides = array<i32>} : memref<128xi32, #tpu.memory_space<vmem>>, vector<16xi32>,
          %shift_right_logical3A_426 = arith.constant 16 : i32
          %shift_right_logical3A_427 = vector.broadcast %shift_right_logical3A_426 : i32 to vector<16xi32>
          %shift_right_logical3A_428 = arith.shrui %get3A_418, %shift_right_logical3A_427 : vector<16xi32>
          %swap3A_429 = arith.constant 48 : index
          %swap3A_430 = tpu.vector_load %arg11[%swap3A_429] {strides = array<i32>} : memref<128xi32, #tpu.memory_space<vmem>>, vector<16xi32>,
          %swap3A_431 = vector.shape_cast %swap3A_430 : vector<16xi32> to vector<16xi32>
          %swap3A_432 = vector.shape_cast %shift_right_logical3A_428 : vector<16xi32> to vector<16xi32>
          tpu.vector_store %arg11[%swap3A_429], %swap3A_432 {strides = array<i32>} : memref<128xi32, #tpu.memory_space<vmem>>, vector<16xi32>,
          %get3A_433 = arith.index_cast %add3A_360 : i32 to index
          %get3A_434 = arith.constant 64 : index
          %get3A_435 = tpu.vector_load %arg8[%get3A_433, %get3A_434] {strides = array<i32>} : memref<79x128xi32, #tpu.memory_space<vmem>>, vector<1x16xi32>,
          %get3A_436 = vector.shape_cast %get3A_435 : vector<1x16xi32> to vector<16xi32>
          %and3A_437 = arith.constant 65535 : i32
          %and3A_438 = vector.broadcast %and3A_437 : i32 to vector<16xi32>
          %and3A_439 = arith.andi %get3A_436, %and3A_438 : vector<16xi32>
          %swap3A_440 = arith.constant 64 : index
          %swap3A_441 = tpu.vector_load %arg9[%swap3A_440] {strides = array<i32>} : memref<128xi32, #tpu.memory_space<vmem>>, vector<16xi32>,
          %swap3A_442 = vector.shape_cast %swap3A_441 : vector<16xi32> to vector<16xi32>
          %swap3A_443 = vector.shape_cast %and3A_439 : vector<16xi32> to vector<16xi32>
          tpu.vector_store %arg9[%swap3A_440], %swap3A_443 {strides = array<i32>} : memref<128xi32, #tpu.memory_space<vmem>>, vector<16xi32>,
          %shift_right_logical3A_444 = arith.constant 16 : i32
          %shift_right_logical3A_445 = vector.broadcast %shift_right_logical3A_444 : i32 to vector<16xi32>
          %shift_right_logical3A_446 = arith.shrui %get3A_436, %shift_right_logical3A_445 : vector<16xi32>
          %swap3A_447 = arith.constant 64 : index
          %swap3A_448 = tpu.vector_load %arg11[%swap3A_447] {strides = array<i32>} : memref<128xi32, #tpu.memory_space<vmem>>, vector<16xi32>,
          %swap3A_449 = vector.shape_cast %swap3A_448 : vector<16xi32> to vector<16xi32>
          %swap3A_450 = vector.shape_cast %shift_right_logical3A_446 : vector<16xi32> to vector<16xi32>
          tpu.vector_store %arg11[%swap3A_447], %swap3A_450 {strides = array<i32>} : memref<128xi32, #tpu.memory_space<vmem>>, vector<16xi32>,
          %get3A_451 = arith.index_cast %add3A_360 : i32 to index
          %get3A_452 = arith.constant 80 : index
          %get3A_453 = tpu.vector_load %arg8[%get3A_451, %get3A_452] {strides = array<i32>} : memref<79x128xi32, #tpu.memory_space<vmem>>, vector<1x16xi32>,
          %get3A_454 = vector.shape_cast %get3A_453 : vector<1x16xi32> to vector<16xi32>
          %and3A_455 = arith.constant 65535 : i32
          %and3A_456 = vector.broadcast %and3A_455 : i32 to vector<16xi32>
          %and3A_457 = arith.andi %get3A_454, %and3A_456 : vector<16xi32>
          %swap3A_458 = arith.constant 80 : index
          %swap3A_459 = tpu.vector_load %arg9[%swap3A_458] {strides = array<i32>} : memref<128xi32, #tpu.memory_space<vmem>>, vector<16xi32>,
          %swap3A_460 = vector.shape_cast %swap3A_459 : vector<16xi32> to vector<16xi32>
          %swap3A_461 = vector.shape_cast %and3A_457 : vector<16xi32> to vector<16xi32>
          tpu.vector_store %arg9[%swap3A_458], %swap3A_461 {strides = array<i32>} : memref<128xi32, #tpu.memory_space<vmem>>, vector<16xi32>,
          %shift_right_logical3A_462 = arith.constant 16 : i32
          %shift_right_logical3A_463 = vector.broadcast %shift_right_logical3A_462 : i32 to vector<16xi32>
          %shift_right_logical3A_464 = arith.shrui %get3A_454, %shift_right_logical3A_463 : vector<16xi32>
          %swap3A_465 = arith.constant 80 : index
          %swap3A_466 = tpu.vector_load %arg11[%swap3A_465] {strides = array<i32>} : memref<128xi32, #tpu.memory_space<vmem>>, vector<16xi32>,
          %swap3A_467 = vector.shape_cast %swap3A_466 : vector<16xi32> to vector<16xi32>
          %swap3A_468 = vector.shape_cast %shift_right_logical3A_464 : vector<16xi32> to vector<16xi32>
          tpu.vector_store %arg11[%swap3A_465], %swap3A_468 {strides = array<i32>} : memref<128xi32, #tpu.memory_space<vmem>>, vector<16xi32>,
          %get3A_469 = arith.index_cast %add3A_360 : i32 to index
          %get3A_470 = arith.constant 96 : index
          %get3A_471 = tpu.vector_load %arg8[%get3A_469, %get3A_470] {strides = array<i32>} : memref<79x128xi32, #tpu.memory_space<vmem>>, vector<1x16xi32>,
          %get3A_472 = vector.shape_cast %get3A_471 : vector<1x16xi32> to vector<16xi32>
          %and3A_473 = arith.constant 65535 : i32
          %and3A_474 = vector.broadcast %and3A_473 : i32 to vector<16xi32>
          %and3A_475 = arith.andi %get3A_472, %and3A_474 : vector<16xi32>
          %swap3A_476 = arith.constant 96 : index
          %swap3A_477 = tpu.vector_load %arg9[%swap3A_476] {strides = array<i32>} : memref<128xi32, #tpu.memory_space<vmem>>, vector<16xi32>,
          %swap3A_478 = vector.shape_cast %swap3A_477 : vector<16xi32> to vector<16xi32>
          %swap3A_479 = vector.shape_cast %and3A_475 : vector<16xi32> to vector<16xi32>
          tpu.vector_store %arg9[%swap3A_476], %swap3A_479 {strides = array<i32>} : memref<128xi32, #tpu.memory_space<vmem>>, vector<16xi32>,
          %shift_right_logical3A_480 = arith.constant 16 : i32
          %shift_right_logical3A_481 = vector.broadcast %shift_right_logical3A_480 : i32 to vector<16xi32>
          %shift_right_logical3A_482 = arith.shrui %get3A_472, %shift_right_logical3A_481 : vector<16xi32>
          %swap3A_483 = arith.constant 96 : index
          %swap3A_484 = tpu.vector_load %arg11[%swap3A_483] {strides = array<i32>} : memref<128xi32, #tpu.memory_space<vmem>>, vector<16xi32>,
          %swap3A_485 = vector.shape_cast %swap3A_484 : vector<16xi32> to vector<16xi32>
          %swap3A_486 = vector.shape_cast %shift_right_logical3A_482 : vector<16xi32> to vector<16xi32>
          tpu.vector_store %arg11[%swap3A_483], %swap3A_486 {strides = array<i32>} : memref<128xi32, #tpu.memory_space<vmem>>, vector<16xi32>,
          %get3A_487 = arith.index_cast %add3A_360 : i32 to index
          %get3A_488 = arith.constant 112 : index
          %get3A_489 = tpu.vector_load %arg8[%get3A_487, %get3A_488] {strides = array<i32>} : memref<79x128xi32, #tpu.memory_space<vmem>>, vector<1x16xi32>,
          %get3A_490 = vector.shape_cast %get3A_489 : vector<1x16xi32> to vector<16xi32>
          %and3A_491 = arith.constant 65535 : i32
          %and3A_492 = vector.broadcast %and3A_491 : i32 to vector<16xi32>
          %and3A_493 = arith.andi %get3A_490, %and3A_492 : vector<16xi32>
          %swap3A_494 = arith.constant 112 : index
          %swap3A_495 = tpu.vector_load %arg9[%swap3A_494] {strides = array<i32>} : memref<128xi32, #tpu.memory_space<vmem>>, vector<16xi32>,
          %swap3A_496 = vector.shape_cast %swap3A_495 : vector<16xi32> to vector<16xi32>
          %swap3A_497 = vector.shape_cast %and3A_493 : vector<16xi32> to vector<16xi32>
          tpu.vector_store %arg9[%swap3A_494], %swap3A_497 {strides = array<i32>} : memref<128xi32, #tpu.memory_space<vmem>>, vector<16xi32>,
          %shift_right_logical3A_498 = arith.constant 16 : i32
          %shift_right_logical3A_499 = vector.broadcast %shift_right_logical3A_498 : i32 to vector<16xi32>
          %shift_right_logical3A_500 = arith.shrui %get3A_490, %shift_right_logical3A_499 : vector<16xi32>
          %swap3A_501 = arith.constant 112 : index
          %swap3A_502 = tpu.vector_load %arg11[%swap3A_501] {strides = array<i32>} : memref<128xi32, #tpu.memory_space<vmem>>, vector<16xi32>,
          %swap3A_503 = vector.shape_cast %swap3A_502 : vector<16xi32> to vector<16xi32>
          %swap3A_504 = vector.shape_cast %shift_right_logical3A_500 : vector<16xi32> to vector<16xi32>
          tpu.vector_store %arg11[%swap3A_501], %swap3A_504 {strides = array<i32>} : memref<128xi32, #tpu.memory_space<vmem>>, vector<16xi32>,
          %dma_start3A_505 = arith.constant 0 : i32
          %dma_start3A_506 = arith.constant 0 : i32
          %dma_start3A_507 = tpu.memref_slice %arg3[%dma_start3A_505, %dma_start3A_506] : memref<10000x64xf32, #tpu.memory_space<hbm>> -> memref<10000x64xf32, #tpu.memory_space<hbm>>
          tpu.enqueue_indirect_dma source(%dma_start3A_507 : memref<10000x64xf32, #tpu.memory_space<hbm>>) target(%arg13 : memref<128x64xf32, #tpu.memory_space<vmem>>) offsets(%arg11 : memref<128xi32, #tpu.memory_space<vmem>>) semaphore(%arg16 : memref<!tpu.dma_semaphore, #tpu.memory_space<semaphore_mem>>)
        } else {
        }
        %add3A_347 = arith.constant 1 : i32
        %add3A_348 = arith.addi %mul3A_337, %add3A_347 : i32
        %dma_wait3A_349 = arith.constant 0 : i32
        %dma_wait3A_350 = arith.constant 0 : i32
        %dma_wait3A_351 = tpu.memref_slice %arg3[%dma_wait3A_349, %dma_wait3A_350] : memref<10000x64xf32, #tpu.memory_space<hbm>> -> memref<10000x64xf32, #tpu.memory_space<hbm>>
        tpu.wait_indirect_dma semaphore(%arg17 : memref<!tpu.dma_semaphore, #tpu.memory_space<semaphore_mem>>) src(%dma_wait3A_351 : memref<10000x64xf32, #tpu.memory_space<hbm>>) dst(%arg14 : memref<128x64xf32, #tpu.memory_space<vmem>>)
        "tpu.region"() ({
          %run_scoped3A = tpu.sem_alloc : memref<!tpu.dma_semaphore, #tpu.memory_space<semaphore_mem>>
          %dma_start3A_359 = arith.constant 0 : i32
          %dma_start3A_360 = arith.constant 0 : i32
          %dma_start3A_361 = tpu.memref_slice %arg15[%dma_start3A_359, %dma_start3A_360] : memref<10240x64xf32, #tpu.memory_space<vmem_shared>> -> memref<10240x64xf32, #tpu.memory_space<vmem_shared>>
          tpu.enqueue_indirect_dma source(%arg14 : memref<128x64xf32, #tpu.memory_space<vmem>>) target(%dma_start3A_361 : memref<10240x64xf32, #tpu.memory_space<vmem_shared>>) offsets(%arg10 : memref<128xi32, #tpu.memory_space<vmem>>) semaphore(%run_scoped3A : memref<!tpu.dma_semaphore, #tpu.memory_space<semaphore_mem>>) {add = true}
          %dma_wait3A_362 = arith.constant 0 : i32
          %dma_wait3A_363 = arith.constant 0 : i32
          %dma_wait3A_364 = tpu.memref_slice %arg15[%dma_wait3A_362, %dma_wait3A_363] : memref<10240x64xf32, #tpu.memory_space<vmem_shared>> -> memref<10240x64xf32, #tpu.memory_space<vmem_shared>>
          tpu.wait_indirect_dma semaphore(%run_scoped3A : memref<!tpu.dma_semaphore, #tpu.memory_space<semaphore_mem>>) src(%arg14 : memref<128x64xf32, #tpu.memory_space<vmem>>) dst(%dma_wait3A_364 : memref<10240x64xf32, #tpu.memory_space<vmem_shared>>)
          tpu.yield
        }) : () -> ()
        %add3A_352 = arith.constant 3 : i32
        %add3A_353 = arith.addi %mul3A_337, %add3A_352 : i32
        %lt3A_354 = arith.constant 79 : i32
        %lt3A_355 = arith.cmpi slt, %add3A_353, %lt3A_354 : i32
        %convert_element_type3A_356 = arith.extui %lt3A_355 : i1 to i32
        %cond3A_357 = arith.constant 0 : i32
        %cond3A_358 = arith.cmpi ne, %convert_element_type3A_356, %cond3A_357 : i32
        scf.if %cond3A_358 {
          %add3A_359 = arith.constant 3 : i32
          %add3A_360 = arith.addi %mul3A_337, %add3A_359 : i32
          %get3A_361 = arith.index_cast %add3A_360 : i32 to index
          %get3A_362 = arith.constant 0 : index
          %get3A_363 = tpu.vector_load %arg8[%get3A_361, %get3A_362] {strides = array<i32>} : memref<79x128xi32, #tpu.memory_space<vmem>>, vector<1x16xi32>,
          %get3A_364 = vector.shape_cast %get3A_363 : vector<1x16xi32> to vector<16xi32>
          %and3A_365 = arith.constant 65535 : i32
          %and3A_366 = vector.broadcast %and3A_365 : i32 to vector<16xi32>
          %and3A_367 = arith.andi %get3A_364, %and3A_366 : vector<16xi32>
          %swap3A_368 = arith.constant 0 : index
          %swap3A_369 = tpu.vector_load %arg10[%swap3A_368] {strides = array<i32>} : memref<128xi32, #tpu.memory_space<vmem>>, vector<16xi32>,
          %swap3A_370 = vector.shape_cast %swap3A_369 : vector<16xi32> to vector<16xi32>
          %swap3A_371 = vector.shape_cast %and3A_367 : vector<16xi32> to vector<16xi32>
          tpu.vector_store %arg10[%swap3A_368], %swap3A_371 {strides = array<i32>} : memref<128xi32, #tpu.memory_space<vmem>>, vector<16xi32>,
          %shift_right_logical3A_372 = arith.constant 16 : i32
          %shift_right_logical3A_373 = vector.broadcast %shift_right_logical3A_372 : i32 to vector<16xi32>
          %shift_right_logical3A_374 = arith.shrui %get3A_364, %shift_right_logical3A_373 : vector<16xi32>
          %swap3A_375 = arith.constant 0 : index
          %swap3A_376 = tpu.vector_load %arg12[%swap3A_375] {strides = array<i32>} : memref<128xi32, #tpu.memory_space<vmem>>, vector<16xi32>,
          %swap3A_377 = vector.shape_cast %swap3A_376 : vector<16xi32> to vector<16xi32>
          %swap3A_378 = vector.shape_cast %shift_right_logical3A_374 : vector<16xi32> to vector<16xi32>
          tpu.vector_store %arg12[%swap3A_375], %swap3A_378 {strides = array<i32>} : memref<128xi32, #tpu.memory_space<vmem>>, vector<16xi32>,
          %get3A_379 = arith.index_cast %add3A_360 : i32 to index
          %get3A_380 = arith.constant 16 : index
          %get3A_381 = tpu.vector_load %arg8[%get3A_379, %get3A_380] {strides = array<i32>} : memref<79x128xi32, #tpu.memory_space<vmem>>, vector<1x16xi32>,
          %get3A_382 = vector.shape_cast %get3A_381 : vector<1x16xi32> to vector<16xi32>
          %and3A_383 = arith.constant 65535 : i32
          %and3A_384 = vector.broadcast %and3A_383 : i32 to vector<16xi32>
          %and3A_385 = arith.andi %get3A_382, %and3A_384 : vector<16xi32>
          %swap3A_386 = arith.constant 16 : index
          %swap3A_387 = tpu.vector_load %arg10[%swap3A_386] {strides = array<i32>} : memref<128xi32, #tpu.memory_space<vmem>>, vector<16xi32>,
          %swap3A_388 = vector.shape_cast %swap3A_387 : vector<16xi32> to vector<16xi32>
          %swap3A_389 = vector.shape_cast %and3A_385 : vector<16xi32> to vector<16xi32>
          tpu.vector_store %arg10[%swap3A_386], %swap3A_389 {strides = array<i32>} : memref<128xi32, #tpu.memory_space<vmem>>, vector<16xi32>,
          %shift_right_logical3A_390 = arith.constant 16 : i32
          %shift_right_logical3A_391 = vector.broadcast %shift_right_logical3A_390 : i32 to vector<16xi32>
          %shift_right_logical3A_392 = arith.shrui %get3A_382, %shift_right_logical3A_391 : vector<16xi32>
          %swap3A_393 = arith.constant 16 : index
          %swap3A_394 = tpu.vector_load %arg12[%swap3A_393] {strides = array<i32>} : memref<128xi32, #tpu.memory_space<vmem>>, vector<16xi32>,
          %swap3A_395 = vector.shape_cast %swap3A_394 : vector<16xi32> to vector<16xi32>
          %swap3A_396 = vector.shape_cast %shift_right_logical3A_392 : vector<16xi32> to vector<16xi32>
          tpu.vector_store %arg12[%swap3A_393], %swap3A_396 {strides = array<i32>} : memref<128xi32, #tpu.memory_space<vmem>>, vector<16xi32>,
          %get3A_397 = arith.index_cast %add3A_360 : i32 to index
          %get3A_398 = arith.constant 32 : index
          %get3A_399 = tpu.vector_load %arg8[%get3A_397, %get3A_398] {strides = array<i32>} : memref<79x128xi32, #tpu.memory_space<vmem>>, vector<1x16xi32>,
          %get3A_400 = vector.shape_cast %get3A_399 : vector<1x16xi32> to vector<16xi32>
          %and3A_401 = arith.constant 65535 : i32
          %and3A_402 = vector.broadcast %and3A_401 : i32 to vector<16xi32>
          %and3A_403 = arith.andi %get3A_400, %and3A_402 : vector<16xi32>
          %swap3A_404 = arith.constant 32 : index
          %swap3A_405 = tpu.vector_load %arg10[%swap3A_404] {strides = array<i32>} : memref<128xi32, #tpu.memory_space<vmem>>, vector<16xi32>,
          %swap3A_406 = vector.shape_cast %swap3A_405 : vector<16xi32> to vector<16xi32>
          %swap3A_407 = vector.shape_cast %and3A_403 : vector<16xi32> to vector<16xi32>
          tpu.vector_store %arg10[%swap3A_404], %swap3A_407 {strides = array<i32>} : memref<128xi32, #tpu.memory_space<vmem>>, vector<16xi32>,
          %shift_right_logical3A_408 = arith.constant 16 : i32
          %shift_right_logical3A_409 = vector.broadcast %shift_right_logical3A_408 : i32 to vector<16xi32>
          %shift_right_logical3A_410 = arith.shrui %get3A_400, %shift_right_logical3A_409 : vector<16xi32>
          %swap3A_411 = arith.constant 32 : index
          %swap3A_412 = tpu.vector_load %arg12[%swap3A_411] {strides = array<i32>} : memref<128xi32, #tpu.memory_space<vmem>>, vector<16xi32>,
          %swap3A_413 = vector.shape_cast %swap3A_412 : vector<16xi32> to vector<16xi32>
          %swap3A_414 = vector.shape_cast %shift_right_logical3A_410 : vector<16xi32> to vector<16xi32>
          tpu.vector_store %arg12[%swap3A_411], %swap3A_414 {strides = array<i32>} : memref<128xi32, #tpu.memory_space<vmem>>, vector<16xi32>,
          %get3A_415 = arith.index_cast %add3A_360 : i32 to index
          %get3A_416 = arith.constant 48 : index
          %get3A_417 = tpu.vector_load %arg8[%get3A_415, %get3A_416] {strides = array<i32>} : memref<79x128xi32, #tpu.memory_space<vmem>>, vector<1x16xi32>,
          %get3A_418 = vector.shape_cast %get3A_417 : vector<1x16xi32> to vector<16xi32>
          %and3A_419 = arith.constant 65535 : i32
          %and3A_420 = vector.broadcast %and3A_419 : i32 to vector<16xi32>
          %and3A_421 = arith.andi %get3A_418, %and3A_420 : vector<16xi32>
          %swap3A_422 = arith.constant 48 : index
          %swap3A_423 = tpu.vector_load %arg10[%swap3A_422] {strides = array<i32>} : memref<128xi32, #tpu.memory_space<vmem>>, vector<16xi32>,
          %swap3A_424 = vector.shape_cast %swap3A_423 : vector<16xi32> to vector<16xi32>
          %swap3A_425 = vector.shape_cast %and3A_421 : vector<16xi32> to vector<16xi32>
          tpu.vector_store %arg10[%swap3A_422], %swap3A_425 {strides = array<i32>} : memref<128xi32, #tpu.memory_space<vmem>>, vector<16xi32>,
          %shift_right_logical3A_426 = arith.constant 16 : i32
          %shift_right_logical3A_427 = vector.broadcast %shift_right_logical3A_426 : i32 to vector<16xi32>
          %shift_right_logical3A_428 = arith.shrui %get3A_418, %shift_right_logical3A_427 : vector<16xi32>
          %swap3A_429 = arith.constant 48 : index
          %swap3A_430 = tpu.vector_load %arg12[%swap3A_429] {strides = array<i32>} : memref<128xi32, #tpu.memory_space<vmem>>, vector<16xi32>,
          %swap3A_431 = vector.shape_cast %swap3A_430 : vector<16xi32> to vector<16xi32>
          %swap3A_432 = vector.shape_cast %shift_right_logical3A_428 : vector<16xi32> to vector<16xi32>
          tpu.vector_store %arg12[%swap3A_429], %swap3A_432 {strides = array<i32>} : memref<128xi32, #tpu.memory_space<vmem>>, vector<16xi32>,
          %get3A_433 = arith.index_cast %add3A_360 : i32 to index
          %get3A_434 = arith.constant 64 : index
          %get3A_435 = tpu.vector_load %arg8[%get3A_433, %get3A_434] {strides = array<i32>} : memref<79x128xi32, #tpu.memory_space<vmem>>, vector<1x16xi32>,
          %get3A_436 = vector.shape_cast %get3A_435 : vector<1x16xi32> to vector<16xi32>
          %and3A_437 = arith.constant 65535 : i32
          %and3A_438 = vector.broadcast %and3A_437 : i32 to vector<16xi32>
          %and3A_439 = arith.andi %get3A_436, %and3A_438 : vector<16xi32>
          %swap3A_440 = arith.constant 64 : index
          %swap3A_441 = tpu.vector_load %arg10[%swap3A_440] {strides = array<i32>} : memref<128xi32, #tpu.memory_space<vmem>>, vector<16xi32>,
          %swap3A_442 = vector.shape_cast %swap3A_441 : vector<16xi32> to vector<16xi32>
          %swap3A_443 = vector.shape_cast %and3A_439 : vector<16xi32> to vector<16xi32>
          tpu.vector_store %arg10[%swap3A_440], %swap3A_443 {strides = array<i32>} : memref<128xi32, #tpu.memory_space<vmem>>, vector<16xi32>,
          %shift_right_logical3A_444 = arith.constant 16 : i32
          %shift_right_logical3A_445 = vector.broadcast %shift_right_logical3A_444 : i32 to vector<16xi32>
          %shift_right_logical3A_446 = arith.shrui %get3A_436, %shift_right_logical3A_445 : vector<16xi32>
          %swap3A_447 = arith.constant 64 : index
          %swap3A_448 = tpu.vector_load %arg12[%swap3A_447] {strides = array<i32>} : memref<128xi32, #tpu.memory_space<vmem>>, vector<16xi32>,
          %swap3A_449 = vector.shape_cast %swap3A_448 : vector<16xi32> to vector<16xi32>
          %swap3A_450 = vector.shape_cast %shift_right_logical3A_446 : vector<16xi32> to vector<16xi32>
          tpu.vector_store %arg12[%swap3A_447], %swap3A_450 {strides = array<i32>} : memref<128xi32, #tpu.memory_space<vmem>>, vector<16xi32>,
          %get3A_451 = arith.index_cast %add3A_360 : i32 to index
          %get3A_452 = arith.constant 80 : index
          %get3A_453 = tpu.vector_load %arg8[%get3A_451, %get3A_452] {strides = array<i32>} : memref<79x128xi32, #tpu.memory_space<vmem>>, vector<1x16xi32>,
          %get3A_454 = vector.shape_cast %get3A_453 : vector<1x16xi32> to vector<16xi32>
          %and3A_455 = arith.constant 65535 : i32
          %and3A_456 = vector.broadcast %and3A_455 : i32 to vector<16xi32>
          %and3A_457 = arith.andi %get3A_454, %and3A_456 : vector<16xi32>
          %swap3A_458 = arith.constant 80 : index
          %swap3A_459 = tpu.vector_load %arg10[%swap3A_458] {strides = array<i32>} : memref<128xi32, #tpu.memory_space<vmem>>, vector<16xi32>,
          %swap3A_460 = vector.shape_cast %swap3A_459 : vector<16xi32> to vector<16xi32>
          %swap3A_461 = vector.shape_cast %and3A_457 : vector<16xi32> to vector<16xi32>
          tpu.vector_store %arg10[%swap3A_458], %swap3A_461 {strides = array<i32>} : memref<128xi32, #tpu.memory_space<vmem>>, vector<16xi32>,
          %shift_right_logical3A_462 = arith.constant 16 : i32
          %shift_right_logical3A_463 = vector.broadcast %shift_right_logical3A_462 : i32 to vector<16xi32>
          %shift_right_logical3A_464 = arith.shrui %get3A_454, %shift_right_logical3A_463 : vector<16xi32>
          %swap3A_465 = arith.constant 80 : index
          %swap3A_466 = tpu.vector_load %arg12[%swap3A_465] {strides = array<i32>} : memref<128xi32, #tpu.memory_space<vmem>>, vector<16xi32>,
          %swap3A_467 = vector.shape_cast %swap3A_466 : vector<16xi32> to vector<16xi32>
          %swap3A_468 = vector.shape_cast %shift_right_logical3A_464 : vector<16xi32> to vector<16xi32>
          tpu.vector_store %arg12[%swap3A_465], %swap3A_468 {strides = array<i32>} : memref<128xi32, #tpu.memory_space<vmem>>, vector<16xi32>,
          %get3A_469 = arith.index_cast %add3A_360 : i32 to index
          %get3A_470 = arith.constant 96 : index
          %get3A_471 = tpu.vector_load %arg8[%get3A_469, %get3A_470] {strides = array<i32>} : memref<79x128xi32, #tpu.memory_space<vmem>>, vector<1x16xi32>,
          %get3A_472 = vector.shape_cast %get3A_471 : vector<1x16xi32> to vector<16xi32>
          %and3A_473 = arith.constant 65535 : i32
          %and3A_474 = vector.broadcast %and3A_473 : i32 to vector<16xi32>
          %and3A_475 = arith.andi %get3A_472, %and3A_474 : vector<16xi32>
          %swap3A_476 = arith.constant 96 : index
          %swap3A_477 = tpu.vector_load %arg10[%swap3A_476] {strides = array<i32>} : memref<128xi32, #tpu.memory_space<vmem>>, vector<16xi32>,
          %swap3A_478 = vector.shape_cast %swap3A_477 : vector<16xi32> to vector<16xi32>
          %swap3A_479 = vector.shape_cast %and3A_475 : vector<16xi32> to vector<16xi32>
          tpu.vector_store %arg10[%swap3A_476], %swap3A_479 {strides = array<i32>} : memref<128xi32, #tpu.memory_space<vmem>>, vector<16xi32>,
          %shift_right_logical3A_480 = arith.constant 16 : i32
          %shift_right_logical3A_481 = vector.broadcast %shift_right_logical3A_480 : i32 to vector<16xi32>
          %shift_right_logical3A_482 = arith.shrui %get3A_472, %shift_right_logical3A_481 : vector<16xi32>
          %swap3A_483 = arith.constant 96 : index
          %swap3A_484 = tpu.vector_load %arg12[%swap3A_483] {strides = array<i32>} : memref<128xi32, #tpu.memory_space<vmem>>, vector<16xi32>,
          %swap3A_485 = vector.shape_cast %swap3A_484 : vector<16xi32> to vector<16xi32>
          %swap3A_486 = vector.shape_cast %shift_right_logical3A_482 : vector<16xi32> to vector<16xi32>
          tpu.vector_store %arg12[%swap3A_483], %swap3A_486 {strides = array<i32>} : memref<128xi32, #tpu.memory_space<vmem>>, vector<16xi32>,
          %get3A_487 = arith.index_cast %add3A_360 : i32 to index
          %get3A_488 = arith.constant 112 : index
          %get3A_489 = tpu.vector_load %arg8[%get3A_487, %get3A_488] {strides = array<i32>} : memref<79x128xi32, #tpu.memory_space<vmem>>, vector<1x16xi32>,
          %get3A_490 = vector.shape_cast %get3A_489 : vector<1x16xi32> to vector<16xi32>
          %and3A_491 = arith.constant 65535 : i32
          %and3A_492 = vector.broadcast %and3A_491 : i32 to vector<16xi32>
          %and3A_493 = arith.andi %get3A_490, %and3A_492 : vector<16xi32>
          %swap3A_494 = arith.constant 112 : index
          %swap3A_495 = tpu.vector_load %arg10[%swap3A_494] {strides = array<i32>} : memref<128xi32, #tpu.memory_space<vmem>>, vector<16xi32>,
          %swap3A_496 = vector.shape_cast %swap3A_495 : vector<16xi32> to vector<16xi32>
          %swap3A_497 = vector.shape_cast %and3A_493 : vector<16xi32> to vector<16xi32>
          tpu.vector_store %arg10[%swap3A_494], %swap3A_497 {strides = array<i32>} : memref<128xi32, #tpu.memory_space<vmem>>, vector<16xi32>,
          %shift_right_logical3A_498 = arith.constant 16 : i32
          %shift_right_logical3A_499 = vector.broadcast %shift_right_logical3A_498 : i32 to vector<16xi32>
          %shift_right_logical3A_500 = arith.shrui %get3A_490, %shift_right_logical3A_499 : vector<16xi32>
          %swap3A_501 = arith.constant 112 : index
          %swap3A_502 = tpu.vector_load %arg12[%swap3A_501] {strides = array<i32>} : memref<128xi32, #tpu.memory_space<vmem>>, vector<16xi32>,
          %swap3A_503 = vector.shape_cast %swap3A_502 : vector<16xi32> to vector<16xi32>
          %swap3A_504 = vector.shape_cast %shift_right_logical3A_500 : vector<16xi32> to vector<16xi32>
          tpu.vector_store %arg12[%swap3A_501], %swap3A_504 {strides = array<i32>} : memref<128xi32, #tpu.memory_space<vmem>>, vector<16xi32>,
          %dma_start3A_505 = arith.constant 0 : i32
          %dma_start3A_506 = arith.constant 0 : i32
          %dma_start3A_507 = tpu.memref_slice %arg3[%dma_start3A_505, %dma_start3A_506] : memref<10000x64xf32, #tpu.memory_space<hbm>> -> memref<10000x64xf32, #tpu.memory_space<hbm>>
          tpu.enqueue_indirect_dma source(%dma_start3A_507 : memref<10000x64xf32, #tpu.memory_space<hbm>>) target(%arg14 : memref<128x64xf32, #tpu.memory_space<vmem>>) offsets(%arg12 : memref<128xi32, #tpu.memory_space<vmem>>) semaphore(%arg17 : memref<!tpu.dma_semaphore, #tpu.memory_space<semaphore_mem>>)
        } else {
        }
      }
      %scan3A_332 = arith.constant 39 : i32
      %dma_wait3A = arith.constant 0 : i32
      %dma_wait3A_333 = arith.constant 0 : i32
      %dma_wait3A_334 = tpu.memref_slice %arg3[%dma_wait3A, %dma_wait3A_333] : memref<10000x64xf32, #tpu.memory_space<hbm>> -> memref<10000x64xf32, #tpu.memory_space<hbm>>
      tpu.wait_indirect_dma semaphore(%arg16 : memref<!tpu.dma_semaphore, #tpu.memory_space<semaphore_mem>>) src(%dma_wait3A_334 : memref<10000x64xf32, #tpu.memory_space<hbm>>) dst(%arg13 : memref<128x64xf32, #tpu.memory_space<vmem>>)
      "tpu.region"() ({
        %run_scoped3A = tpu.sem_alloc : memref<!tpu.dma_semaphore, #tpu.memory_space<semaphore_mem>>
        %dma_start3A_335 = arith.constant 0 : i32
        %dma_start3A_336 = arith.constant 0 : i32
        %dma_start3A_337 = tpu.memref_slice %arg15[%dma_start3A_335, %dma_start3A_336] : memref<10240x64xf32, #tpu.memory_space<vmem_shared>> -> memref<10240x64xf32, #tpu.memory_space<vmem_shared>>
        tpu.enqueue_indirect_dma source(%arg13 : memref<128x64xf32, #tpu.memory_space<vmem>>) target(%dma_start3A_337 : memref<10240x64xf32, #tpu.memory_space<vmem_shared>>) offsets(%arg9 : memref<128xi32, #tpu.memory_space<vmem>>) semaphore(%run_scoped3A : memref<!tpu.dma_semaphore, #tpu.memory_space<semaphore_mem>>) {add = true}
        %dma_wait3A_338 = arith.constant 0 : i32
        %dma_wait3A_339 = arith.constant 0 : i32
        %dma_wait3A_340 = tpu.memref_slice %arg15[%dma_wait3A_338, %dma_wait3A_339] : memref<10240x64xf32, #tpu.memory_space<vmem_shared>> -> memref<10240x64xf32, #tpu.memory_space<vmem_shared>>
        tpu.wait_indirect_dma semaphore(%run_scoped3A : memref<!tpu.dma_semaphore, #tpu.memory_space<semaphore_mem>>) src(%arg13 : memref<128x64xf32, #tpu.memory_space<vmem>>) dst(%dma_wait3A_340 : memref<10240x64xf32, #tpu.memory_space<vmem_shared>>)
        tpu.yield
      }) : () -> ()
    } else {
    }
    %barrier3A_10 = arith.constant 0 : index
    tpu.barrier barrier_id(%barrier3A_10)
    %mul3A_11 = arith.constant 640 : i32
    %mul3A_12 = arith.muli %arg1, %mul3A_11 : i32
    %eq3A_13 = arith.constant 0 : i32
    %eq3A_14 = arith.cmpi eq, %arg0, %eq3A_13 : i32
    %convert_element_type3A_15 = arith.extui %eq3A_14 : i1 to i32
    %cond3A_16 = arith.constant 0 : i32
    %cond3A_17 = arith.cmpi ne, %convert_element_type3A_15, %cond3A_16 : i32
    scf.if %cond3A_17 {
      "tpu.region"() ({
        %run_scoped3A = tpu.sem_alloc : memref<!tpu.dma_semaphore, #tpu.memory_space<semaphore_mem>>
        %dma_start3A = arith.constant 0 : i32
        %dma_start3A_23 = tpu.memref_slice %arg6[%mul3A_12, %dma_start3A] : memref<10240x64xf32, #tpu.memory_space<hbm>> -> memref<640x64xf32, #tpu.memory_space<hbm>>
        %dma_start3A_24 = arith.constant 0 : i32
        %dma_start3A_25 = tpu.memref_slice %arg15[%mul3A_12, %dma_start3A_24] : memref<10240x64xf32, #tpu.memory_space<vmem_shared>> -> memref<640x64xf32, #tpu.memory_space<vmem_shared>>
        tpu.enqueue_dma source(%dma_start3A_25 : memref<640x64xf32, #tpu.memory_space<vmem_shared>>) target(%dma_start3A_23 : memref<640x64xf32, #tpu.memory_space<hbm>>) target_semaphore(%run_scoped3A : memref<!tpu.dma_semaphore, #tpu.memory_space<semaphore_mem>>)
        %dma_wait3A = arith.constant 0 : i32
        %dma_wait3A_26 = tpu.memref_slice %arg6[%mul3A_12, %dma_wait3A] : memref<10240x64xf32, #tpu.memory_space<hbm>> -> memref<640x64xf32, #tpu.memory_space<hbm>>
        %dma_wait3A_27 = arith.constant 0 : i32
        %dma_wait3A_28 = tpu.memref_slice %arg15[%mul3A_12, %dma_wait3A_27] : memref<10240x64xf32, #tpu.memory_space<vmem_shared>> -> memref<640x64xf32, #tpu.memory_space<vmem_shared>>
        tpu.wait_dma2 semaphore(%run_scoped3A : memref<!tpu.dma_semaphore, #tpu.memory_space<semaphore_mem>>) src(%dma_wait3A_28 : memref<640x64xf32, #tpu.memory_space<vmem_shared>>) dst(%dma_wait3A_26 : memref<640x64xf32, #tpu.memory_space<hbm>>)
        tpu.yield
      }) : () -> ()
    } else {
    }
    %eq3A_18 = arith.constant 1 : i32
    %eq3A_19 = arith.cmpi eq, %arg0, %eq3A_18 : i32
    %convert_element_type3A_20 = arith.extui %eq3A_19 : i1 to i32
    %cond3A_21 = arith.constant 0 : i32
    %cond3A_22 = arith.cmpi ne, %convert_element_type3A_20, %cond3A_21 : i32
    scf.if %cond3A_22 {
      "tpu.region"() ({
        %run_scoped3A = tpu.sem_alloc : memref<!tpu.dma_semaphore, #tpu.memory_space<semaphore_mem>>
        %dma_start3A = arith.constant 0 : i32
        %dma_start3A_23 = tpu.memref_slice %arg7[%mul3A_12, %dma_start3A] : memref<10240x64xf32, #tpu.memory_space<hbm>> -> memref<640x64xf32, #tpu.memory_space<hbm>>
        %dma_start3A_24 = arith.constant 0 : i32
        %dma_start3A_25 = tpu.memref_slice %arg15[%mul3A_12, %dma_start3A_24] : memref<10240x64xf32, #tpu.memory_space<vmem_shared>> -> memref<640x64xf32, #tpu.memory_space<vmem_shared>>
        tpu.enqueue_dma source(%dma_start3A_25 : memref<640x64xf32, #tpu.memory_space<vmem_shared>>) target(%dma_start3A_23 : memref<640x64xf32, #tpu.memory_space<hbm>>) target_semaphore(%run_scoped3A : memref<!tpu.dma_semaphore, #tpu.memory_space<semaphore_mem>>)
        %dma_wait3A = arith.constant 0 : i32
        %dma_wait3A_26 = tpu.memref_slice %arg7[%mul3A_12, %dma_wait3A] : memref<10240x64xf32, #tpu.memory_space<hbm>> -> memref<640x64xf32, #tpu.memory_space<hbm>>
        %dma_wait3A_27 = arith.constant 0 : i32
        %dma_wait3A_28 = tpu.memref_slice %arg15[%mul3A_12, %dma_wait3A_27] : memref<10240x64xf32, #tpu.memory_space<vmem_shared>> -> memref<640x64xf32, #tpu.memory_space<vmem_shared>>
        tpu.wait_dma2 semaphore(%run_scoped3A : memref<!tpu.dma_semaphore, #tpu.memory_space<semaphore_mem>>) src(%dma_wait3A_28 : memref<640x64xf32, #tpu.memory_space<vmem_shared>>) dst(%dma_wait3A_26 : memref<640x64xf32, #tpu.memory_space<hbm>>)
        tpu.yield
      }) : () -> ()
    } else {
    }
    return
  }
}

module attributes {stable_mosaic.version = 14 : i64} {
  func.func @_a_body(%arg0: i32, %arg1: memref<1000x128xf32, #tpu.memory_space<vmem>>, %arg2: memref<128x128xf32, #tpu.memory_space<vmem>>, %arg3: memref<1x128xf32, #tpu.memory_space<vmem>>, %arg4: memref<128x128xf32, #tpu.memory_space<vmem>>, %arg5: memref<1x128xf32, #tpu.memory_space<vmem>>, %arg6: memref<128x128xf32, #tpu.memory_space<vmem>>, %arg7: memref<1x128xf32, #tpu.memory_space<vmem>>, %arg8: memref<1000x128xf32, #tpu.memory_space<vmem>>, %arg9: memref<1000x128xf32, #tpu.memory_space<vmem>>, %arg10: memref<1000x128xf32, #tpu.memory_space<vmem>>) attributes {dimension_semantics = [#tpu.dimension_semantics<arbitrary>], iteration_bounds = array<i64: 10>, scalar_prefetch = 0 : i64, scratch_operands = 0 : i64, tpu.core_type = #tpu.core_type<tc>, window_params = [{transform_indices = @transform_0, window_bounds = array<i64: 1000, 128>}, {pipeline_mode = #tpu.pipeline_mode<synchronous>, transform_indices = @transform_1, window_bounds = array<i64: 128, 128>}, {pipeline_mode = #tpu.pipeline_mode<synchronous>, transform_indices = @transform_2, window_bounds = array<i64: 1, 128>}, {pipeline_mode = #tpu.pipeline_mode<synchronous>, transform_indices = @transform_3, window_bounds = array<i64: 128, 128>}, {pipeline_mode = #tpu.pipeline_mode<synchronous>, transform_indices = @transform_4, window_bounds = array<i64: 1, 128>}, {pipeline_mode = #tpu.pipeline_mode<synchronous>, transform_indices = @transform_5, window_bounds = array<i64: 128, 128>}, {pipeline_mode = #tpu.pipeline_mode<synchronous>, transform_indices = @transform_6, window_bounds = array<i64: 1, 128>}, {transform_indices = @transform_7, window_bounds = array<i64: 1000, 128>}, {transform_indices = @transform_8, window_bounds = array<i64: 1000, 128>}, {transform_indices = @transform_9, window_bounds = array<i64: 1000, 128>}]} {
    %get3A = arith.constant 0 : index
    %get3A_0 = arith.constant 0 : index
    %get3A_1 = vector.load %arg1[%get3A, %get3A_0] : memref<1000x128xf32, #tpu.memory_space<vmem>>, vector<1000x128xf32>
    %get3A_2 = arith.constant 0 : index
    %get3A_3 = arith.constant 0 : index
    %get3A_4 = vector.load %arg2[%get3A_2, %get3A_3] : memref<128x128xf32, #tpu.memory_space<vmem>>, vector<128x128xf32>
    %dot_general3A = arith.constant dense<0.000000e+00> : vector<1000x128xf32>
    %dot_general3A_5 = tpu.matmul %get3A_1, %get3A_4, %dot_general3A {dimension_numbers = #tpu.dot_dimension_numbers<[1], [0], [0], [1], [0, 0, 1, 1], [], []>, transpose_lhs_hint = false} : vector<1000x128xf32>, vector<128x128xf32>, vector<1000x128xf32> -> vector<1000x128xf32>
    %get3A_6 = arith.constant 0 : index
    %get3A_7 = arith.constant 0 : index
    %get3A_8 = vector.load %arg3[%get3A_6, %get3A_7] : memref<1x128xf32, #tpu.memory_space<vmem>>, vector<1x128xf32>
    %add3A = vector.broadcast %get3A_8 : vector<1x128xf32> to vector<1000x128xf32>
    %add3A_9 = arith.addf %dot_general3A_5, %add3A : vector<1000x128xf32>
    %max3A = arith.constant 0.000000e+00 : f32
    %max3A_10 = vector.broadcast %max3A : f32 to vector<1000x128xf32>
    %max3A_11 = arith.maximumf %add3A_9, %max3A_10 : vector<1000x128xf32>
    %get3A_12 = arith.constant 0 : index
    %get3A_13 = arith.constant 0 : index
    %get3A_14 = vector.load %arg6[%get3A_12, %get3A_13] : memref<128x128xf32, #tpu.memory_space<vmem>>, vector<128x128xf32>
    %dot_general3A_15 = arith.constant dense<0.000000e+00> : vector<1000x128xf32>
    %dot_general3A_16 = tpu.matmul %max3A_11, %get3A_14, %dot_general3A_15 {dimension_numbers = #tpu.dot_dimension_numbers<[1], [0], [0], [1], [0, 0, 1, 1], [], []>, transpose_lhs_hint = false} : vector<1000x128xf32>, vector<128x128xf32>, vector<1000x128xf32> -> vector<1000x128xf32>
    %swap3A = arith.constant 0 : index
    %swap3A_17 = arith.constant 0 : index
    %swap3A_18 = vector.load %arg8[%swap3A, %swap3A_17] : memref<1000x128xf32, #tpu.memory_space<vmem>>, vector<1000x128xf32>
    tpu.vector_store %arg8[%swap3A, %swap3A_17], %dot_general3A_16 {strides = array<i32>} : memref<1000x128xf32, #tpu.memory_space<vmem>>, vector<1000x128xf32>,
    %swap3A_19 = arith.constant 0 : index
    %swap3A_20 = arith.constant 0 : index
    %swap3A_21 = vector.load %arg9[%swap3A_19, %swap3A_20] : memref<1000x128xf32, #tpu.memory_space<vmem>>, vector<1000x128xf32>
    tpu.vector_store %arg9[%swap3A_19, %swap3A_20], %dot_general3A_16 {strides = array<i32>} : memref<1000x128xf32, #tpu.memory_space<vmem>>, vector<1000x128xf32>,
    %get3A_22 = arith.constant 0 : index
    %get3A_23 = arith.constant 0 : index
    %get3A_24 = vector.load %arg4[%get3A_22, %get3A_23] : memref<128x128xf32, #tpu.memory_space<vmem>>, vector<128x128xf32>
    %dot_general3A_25 = arith.constant dense<0.000000e+00> : vector<1000x128xf32>
    %dot_general3A_26 = tpu.matmul %max3A_11, %get3A_24, %dot_general3A_25 {dimension_numbers = #tpu.dot_dimension_numbers<[1], [0], [0], [1], [0, 0, 1, 1], [], []>, transpose_lhs_hint = false} : vector<1000x128xf32>, vector<128x128xf32>, vector<1000x128xf32> -> vector<1000x128xf32>
    %get3A_27 = arith.constant 0 : index
    %get3A_28 = arith.constant 0 : index
    %get3A_29 = vector.load %arg5[%get3A_27, %get3A_28] : memref<1x128xf32, #tpu.memory_space<vmem>>, vector<1x128xf32>
    %add3A_30 = vector.broadcast %get3A_29 : vector<1x128xf32> to vector<1000x128xf32>
    %add3A_31 = arith.addf %dot_general3A_26, %add3A_30 : vector<1000x128xf32>
    %get3A_32 = arith.constant 0 : index
    %get3A_33 = arith.constant 0 : index
    %get3A_34 = vector.load %arg7[%get3A_32, %get3A_33] : memref<1x128xf32, #tpu.memory_space<vmem>>, vector<1x128xf32>
    %add3A_35 = vector.broadcast %get3A_34 : vector<1x128xf32> to vector<1000x128xf32>
    %add3A_36 = arith.addf %add3A_31, %add3A_35 : vector<1000x128xf32>
    %swap3A_37 = arith.constant 0 : index
    %swap3A_38 = arith.constant 0 : index
    %swap3A_39 = vector.load %arg10[%swap3A_37, %swap3A_38] : memref<1000x128xf32, #tpu.memory_space<vmem>>, vector<1000x128xf32>
    tpu.vector_store %arg10[%swap3A_37, %swap3A_38], %add3A_36 {strides = array<i32>} : memref<1000x128xf32, #tpu.memory_space<vmem>>, vector<1000x128xf32>,
    return
  }
  func.func @transform_0(%arg0: i32) -> (i32, i32) {
    %c0_i32 = arith.constant 0 : i32
    %c0_i32_0 = arith.constant 0 : i32
    return %arg0, %c0_i32 : i32, i32
  }
  func.func @transform_1(%arg0: i32) -> (i32, i32) {
    %c0_i32 = arith.constant 0 : i32
    %c0_i32_0 = arith.constant 0 : i32
    %c0_i32_1 = arith.constant 0 : i32
    return %c0_i32, %c0_i32_0 : i32, i32
  }
  func.func @transform_2(%arg0: i32) -> (i32, i32) {
    %c0_i32 = arith.constant 0 : i32
    %c0_i32_0 = arith.constant 0 : i32
    %c0_i32_1 = arith.constant 0 : i32
    return %c0_i32, %c0_i32_0 : i32, i32
  }
  func.func @transform_3(%arg0: i32) -> (i32, i32) {
    %c0_i32 = arith.constant 0 : i32
    %c0_i32_0 = arith.constant 0 : i32
    %c0_i32_1 = arith.constant 0 : i32
    return %c0_i32, %c0_i32_0 : i32, i32
  }
  func.func @transform_4(%arg0: i32) -> (i32, i32) {
    %c0_i32 = arith.constant 0 : i32
    %c0_i32_0 = arith.constant 0 : i32
    %c0_i32_1 = arith.constant 0 : i32
    return %c0_i32, %c0_i32_0 : i32, i32
  }
  func.func @transform_5(%arg0: i32) -> (i32, i32) {
    %c0_i32 = arith.constant 0 : i32
    %c0_i32_0 = arith.constant 0 : i32
    %c0_i32_1 = arith.constant 0 : i32
    return %c0_i32, %c0_i32_0 : i32, i32
  }
  func.func @transform_6(%arg0: i32) -> (i32, i32) {
    %c0_i32 = arith.constant 0 : i32
    %c0_i32_0 = arith.constant 0 : i32
    %c0_i32_1 = arith.constant 0 : i32
    return %c0_i32, %c0_i32_0 : i32, i32
  }
  func.func @transform_7(%arg0: i32) -> (i32, i32) {
    %c0_i32 = arith.constant 0 : i32
    %c0_i32_0 = arith.constant 0 : i32
    return %arg0, %c0_i32 : i32, i32
  }
  func.func @transform_8(%arg0: i32) -> (i32, i32) {
    %c0_i32 = arith.constant 0 : i32
    %c0_i32_0 = arith.constant 0 : i32
    return %arg0, %c0_i32 : i32, i32
  }
  func.func @transform_9(%arg0: i32) -> (i32, i32) {
    %c0_i32 = arith.constant 0 : i32
    %c0_i32_0 = arith.constant 0 : i32
    return %arg0, %c0_i32 : i32, i32
  }
}

module attributes {stable_mosaic.version = 14 : i64} {
  func.func @_c_body(%arg0: i32, %arg1: memref<1000x128xf32, #tpu.memory_space<vmem>>, %arg2: memref<1000x128xf32, #tpu.memory_space<vmem>>, %arg3: memref<1000x128xf32, #tpu.memory_space<vmem>>, %arg4: memref<1000x1xf32, #tpu.memory_space<vmem>>, %arg5: memref<1000x1xf32, #tpu.memory_space<vmem>>, %arg6: memref<128x64xf32, #tpu.memory_space<vmem>>, %arg7: memref<1x64xf32, #tpu.memory_space<vmem>>, %arg8: memref<128x64xf32, #tpu.memory_space<vmem>>, %arg9: memref<1x64xf32, #tpu.memory_space<vmem>>, %arg10: memref<1000x64xf32, #tpu.memory_space<vmem>>, %arg11: memref<1000x64xf32, #tpu.memory_space<vmem>>, %arg12: memref<1000x64xf32, #tpu.memory_space<vmem>>) attributes {dimension_semantics = [#tpu.dimension_semantics<arbitrary>], iteration_bounds = array<i64: 10>, scalar_prefetch = 0 : i64, scratch_operands = 0 : i64, tpu.core_type = #tpu.core_type<tc>, window_params = [{transform_indices = @transform_0, window_bounds = array<i64: 1000, 128>}, {transform_indices = @transform_1, window_bounds = array<i64: 1000, 128>}, {transform_indices = @transform_2, window_bounds = array<i64: 1000, 128>}, {transform_indices = @transform_3, window_bounds = array<i64: 1000, 1>}, {transform_indices = @transform_4, window_bounds = array<i64: 1000, 1>}, {pipeline_mode = #tpu.pipeline_mode<synchronous>, transform_indices = @transform_5, window_bounds = array<i64: 128, 64>}, {pipeline_mode = #tpu.pipeline_mode<synchronous>, transform_indices = @transform_6, window_bounds = array<i64: 1, 64>}, {pipeline_mode = #tpu.pipeline_mode<synchronous>, transform_indices = @transform_7, window_bounds = array<i64: 128, 64>}, {pipeline_mode = #tpu.pipeline_mode<synchronous>, transform_indices = @transform_8, window_bounds = array<i64: 1, 64>}, {transform_indices = @transform_9, window_bounds = array<i64: 1000, 64>}, {transform_indices = @transform_10, window_bounds = array<i64: 1000, 64>}, {transform_indices = @transform_11, window_bounds = array<i64: 1000, 64>}]} {
    %get3A = arith.constant 0 : index
    %get3A_0 = arith.constant 0 : index
    %get3A_1 = vector.load %arg4[%get3A, %get3A_0] : memref<1000x1xf32, #tpu.memory_space<vmem>>, vector<1000x1xf32>
    %get3A_2 = arith.constant 0 : index
    %get3A_3 = arith.constant 0 : index
    %get3A_4 = vector.load %arg5[%get3A_2, %get3A_3] : memref<1000x1xf32, #tpu.memory_space<vmem>>, vector<1000x1xf32>
    %add3A = arith.addf %get3A_1, %get3A_4 : vector<1000x1xf32>
    %max3A = arith.constant 9.99999996E-13 : f32
    %max3A_5 = vector.broadcast %max3A : f32 to vector<1000x1xf32>
    %max3A_6 = arith.maximumf %add3A, %max3A_5 : vector<1000x1xf32>
    %get3A_7 = arith.constant 0 : index
    %get3A_8 = arith.constant 0 : index
    %get3A_9 = vector.load %arg1[%get3A_7, %get3A_8] : memref<1000x128xf32, #tpu.memory_space<vmem>>, vector<1000x128xf32>
    %get3A_10 = arith.constant 0 : index
    %get3A_11 = arith.constant 0 : index
    %get3A_12 = vector.load %arg2[%get3A_10, %get3A_11] : memref<1000x128xf32, #tpu.memory_space<vmem>>, vector<1000x128xf32>
    %get3A_13 = arith.constant 0 : index
    %get3A_14 = arith.constant 0 : index
    %get3A_15 = vector.load %arg3[%get3A_13, %get3A_14] : memref<1000x128xf32, #tpu.memory_space<vmem>>, vector<1000x128xf32>
    %add3A_16 = arith.addf %get3A_12, %get3A_15 : vector<1000x128xf32>
    %div3A = vector.broadcast %max3A_6 : vector<1000x1xf32> to vector<1000x128xf32>
    %div3A_17 = arith.divf %add3A_16, %div3A : vector<1000x128xf32>
    %add3A_18 = arith.addf %get3A_9, %div3A_17 : vector<1000x128xf32>
    %max3A_19 = arith.constant 0.000000e+00 : f32
    %max3A_20 = vector.broadcast %max3A_19 : f32 to vector<1000x128xf32>
    %max3A_21 = arith.maximumf %add3A_18, %max3A_20 : vector<1000x128xf32>
    %get3A_22 = arith.constant 0 : index
    %get3A_23 = arith.constant 0 : index
    %get3A_24 = vector.load %arg8[%get3A_22, %get3A_23] : memref<128x64xf32, #tpu.memory_space<vmem>>, vector<128x64xf32>
    %dot_general3A = arith.constant dense<0.000000e+00> : vector<1000x64xf32>
    %dot_general3A_25 = tpu.matmul %max3A_21, %get3A_24, %dot_general3A {dimension_numbers = #tpu.dot_dimension_numbers<[1], [0], [0], [1], [0, 0, 1, 1], [], []>, transpose_lhs_hint = false} : vector<1000x128xf32>, vector<128x64xf32>, vector<1000x64xf32> -> vector<1000x64xf32>
    %swap3A = arith.constant 0 : index
    %swap3A_26 = arith.constant 0 : index
    %swap3A_27 = vector.load %arg10[%swap3A, %swap3A_26] : memref<1000x64xf32, #tpu.memory_space<vmem>>, vector<1000x64xf32>
    tpu.vector_store %arg10[%swap3A, %swap3A_26], %dot_general3A_25 {strides = array<i32>} : memref<1000x64xf32, #tpu.memory_space<vmem>>, vector<1000x64xf32>,
    %swap3A_28 = arith.constant 0 : index
    %swap3A_29 = arith.constant 0 : index
    %swap3A_30 = vector.load %arg11[%swap3A_28, %swap3A_29] : memref<1000x64xf32, #tpu.memory_space<vmem>>, vector<1000x64xf32>
    tpu.vector_store %arg11[%swap3A_28, %swap3A_29], %dot_general3A_25 {strides = array<i32>} : memref<1000x64xf32, #tpu.memory_space<vmem>>, vector<1000x64xf32>,
    %get3A_31 = arith.constant 0 : index
    %get3A_32 = arith.constant 0 : index
    %get3A_33 = vector.load %arg6[%get3A_31, %get3A_32] : memref<128x64xf32, #tpu.memory_space<vmem>>, vector<128x64xf32>
    %dot_general3A_34 = arith.constant dense<0.000000e+00> : vector<1000x64xf32>
    %dot_general3A_35 = tpu.matmul %max3A_21, %get3A_33, %dot_general3A_34 {dimension_numbers = #tpu.dot_dimension_numbers<[1], [0], [0], [1], [0, 0, 1, 1], [], []>, transpose_lhs_hint = false} : vector<1000x128xf32>, vector<128x64xf32>, vector<1000x64xf32> -> vector<1000x64xf32>
    %get3A_36 = arith.constant 0 : index
    %get3A_37 = arith.constant 0 : index
    %get3A_38 = vector.load %arg7[%get3A_36, %get3A_37] : memref<1x64xf32, #tpu.memory_space<vmem>>, vector<1x64xf32>
    %add3A_39 = vector.broadcast %get3A_38 : vector<1x64xf32> to vector<1000x64xf32>
    %add3A_40 = arith.addf %dot_general3A_35, %add3A_39 : vector<1000x64xf32>
    %get3A_41 = arith.constant 0 : index
    %get3A_42 = arith.constant 0 : index
    %get3A_43 = vector.load %arg9[%get3A_41, %get3A_42] : memref<1x64xf32, #tpu.memory_space<vmem>>, vector<1x64xf32>
    %add3A_44 = vector.broadcast %get3A_43 : vector<1x64xf32> to vector<1000x64xf32>
    %add3A_45 = arith.addf %add3A_40, %add3A_44 : vector<1000x64xf32>
    %swap3A_46 = arith.constant 0 : index
    %swap3A_47 = arith.constant 0 : index
    %swap3A_48 = vector.load %arg12[%swap3A_46, %swap3A_47] : memref<1000x64xf32, #tpu.memory_space<vmem>>, vector<1000x64xf32>
    tpu.vector_store %arg12[%swap3A_46, %swap3A_47], %add3A_45 {strides = array<i32>} : memref<1000x64xf32, #tpu.memory_space<vmem>>, vector<1000x64xf32>,
    return
  }
  func.func @transform_0(%arg0: i32) -> (i32, i32) {
    %c0_i32 = arith.constant 0 : i32
    %c0_i32_0 = arith.constant 0 : i32
    return %arg0, %c0_i32 : i32, i32
  }
  func.func @transform_1(%arg0: i32) -> (i32, i32) {
    %c0_i32 = arith.constant 0 : i32
    %c0_i32_0 = arith.constant 0 : i32
    return %arg0, %c0_i32 : i32, i32
  }
  func.func @transform_2(%arg0: i32) -> (i32, i32) {
    %c0_i32 = arith.constant 0 : i32
    %c0_i32_0 = arith.constant 0 : i32
    return %arg0, %c0_i32 : i32, i32
  }
  func.func @transform_3(%arg0: i32) -> (i32, i32) {
    %c0_i32 = arith.constant 0 : i32
    %c0_i32_0 = arith.constant 0 : i32
    return %arg0, %c0_i32 : i32, i32
  }
  func.func @transform_4(%arg0: i32) -> (i32, i32) {
    %c0_i32 = arith.constant 0 : i32
    %c0_i32_0 = arith.constant 0 : i32
    return %arg0, %c0_i32 : i32, i32
  }
  func.func @transform_5(%arg0: i32) -> (i32, i32) {
    %c0_i32 = arith.constant 0 : i32
    %c0_i32_0 = arith.constant 0 : i32
    %c0_i32_1 = arith.constant 0 : i32
    return %c0_i32, %c0_i32_0 : i32, i32
  }
  func.func @transform_6(%arg0: i32) -> (i32, i32) {
    %c0_i32 = arith.constant 0 : i32
    %c0_i32_0 = arith.constant 0 : i32
    %c0_i32_1 = arith.constant 0 : i32
    return %c0_i32, %c0_i32_0 : i32, i32
  }
  func.func @transform_7(%arg0: i32) -> (i32, i32) {
    %c0_i32 = arith.constant 0 : i32
    %c0_i32_0 = arith.constant 0 : i32
    %c0_i32_1 = arith.constant 0 : i32
    return %c0_i32, %c0_i32_0 : i32, i32
  }
  func.func @transform_8(%arg0: i32) -> (i32, i32) {
    %c0_i32 = arith.constant 0 : i32
    %c0_i32_0 = arith.constant 0 : i32
    %c0_i32_1 = arith.constant 0 : i32
    return %c0_i32, %c0_i32_0 : i32, i32
  }
  func.func @transform_9(%arg0: i32) -> (i32, i32) {
    %c0_i32 = arith.constant 0 : i32
    %c0_i32_0 = arith.constant 0 : i32
    return %arg0, %c0_i32 : i32, i32
  }
  func.func @transform_10(%arg0: i32) -> (i32, i32) {
    %c0_i32 = arith.constant 0 : i32
    %c0_i32_0 = arith.constant 0 : i32
    return %arg0, %c0_i32 : i32, i32
  }
  func.func @transform_11(%arg0: i32) -> (i32, i32) {
    %c0_i32 = arith.constant 0 : i32
    %c0_i32_0 = arith.constant 0 : i32
    return %arg0, %c0_i32 : i32, i32
  }
}

module attributes {stable_mosaic.version = 14 : i64} {
  func.func @_e_body(%arg0: i32, %arg1: memref<1000x64xf32, #tpu.memory_space<vmem>>, %arg2: memref<1000x64xf32, #tpu.memory_space<vmem>>, %arg3: memref<1000x64xf32, #tpu.memory_space<vmem>>, %arg4: memref<1000x1xf32, #tpu.memory_space<vmem>>, %arg5: memref<1000x1xf32, #tpu.memory_space<vmem>>, %arg6: memref<1000x64xf32, #tpu.memory_space<vmem>>) attributes {dimension_semantics = [#tpu.dimension_semantics<arbitrary>], iteration_bounds = array<i64: 10>, scalar_prefetch = 0 : i64, scratch_operands = 0 : i64, tpu.core_type = #tpu.core_type<tc>, window_params = [{transform_indices = @transform_0, window_bounds = array<i64: 1000, 64>}, {transform_indices = @transform_1, window_bounds = array<i64: 1000, 64>}, {transform_indices = @transform_2, window_bounds = array<i64: 1000, 64>}, {transform_indices = @transform_3, window_bounds = array<i64: 1000, 1>}, {transform_indices = @transform_4, window_bounds = array<i64: 1000, 1>}, {transform_indices = @transform_5, window_bounds = array<i64: 1000, 64>}]} {
    %get3A = arith.constant 0 : index
    %get3A_0 = arith.constant 0 : index
    %get3A_1 = vector.load %arg4[%get3A, %get3A_0] : memref<1000x1xf32, #tpu.memory_space<vmem>>, vector<1000x1xf32>
    %get3A_2 = arith.constant 0 : index
    %get3A_3 = arith.constant 0 : index
    %get3A_4 = vector.load %arg5[%get3A_2, %get3A_3] : memref<1000x1xf32, #tpu.memory_space<vmem>>, vector<1000x1xf32>
    %add3A = arith.addf %get3A_1, %get3A_4 : vector<1000x1xf32>
    %max3A = arith.constant 9.99999996E-13 : f32
    %max3A_5 = vector.broadcast %max3A : f32 to vector<1000x1xf32>
    %max3A_6 = arith.maximumf %add3A, %max3A_5 : vector<1000x1xf32>
    %get3A_7 = arith.constant 0 : index
    %get3A_8 = arith.constant 0 : index
    %get3A_9 = vector.load %arg1[%get3A_7, %get3A_8] : memref<1000x64xf32, #tpu.memory_space<vmem>>, vector<1000x64xf32>
    %get3A_10 = arith.constant 0 : index
    %get3A_11 = arith.constant 0 : index
    %get3A_12 = vector.load %arg2[%get3A_10, %get3A_11] : memref<1000x64xf32, #tpu.memory_space<vmem>>, vector<1000x64xf32>
    %get3A_13 = arith.constant 0 : index
    %get3A_14 = arith.constant 0 : index
    %get3A_15 = vector.load %arg3[%get3A_13, %get3A_14] : memref<1000x64xf32, #tpu.memory_space<vmem>>, vector<1000x64xf32>
    %add3A_16 = arith.addf %get3A_12, %get3A_15 : vector<1000x64xf32>
    %div3A = vector.broadcast %max3A_6 : vector<1000x1xf32> to vector<1000x64xf32>
    %div3A_17 = arith.divf %add3A_16, %div3A : vector<1000x64xf32>
    %add3A_18 = arith.addf %get3A_9, %div3A_17 : vector<1000x64xf32>
    %swap3A = arith.constant 0 : index
    %swap3A_19 = arith.constant 0 : index
    %swap3A_20 = vector.load %arg6[%swap3A, %swap3A_19] : memref<1000x64xf32, #tpu.memory_space<vmem>>, vector<1000x64xf32>
    tpu.vector_store %arg6[%swap3A, %swap3A_19], %add3A_18 {strides = array<i32>} : memref<1000x64xf32, #tpu.memory_space<vmem>>, vector<1000x64xf32>,
    return
  }
  func.func @transform_0(%arg0: i32) -> (i32, i32) {
    %c0_i32 = arith.constant 0 : i32
    %c0_i32_0 = arith.constant 0 : i32
    return %arg0, %c0_i32 : i32, i32
  }
  func.func @transform_1(%arg0: i32) -> (i32, i32) {
    %c0_i32 = arith.constant 0 : i32
    %c0_i32_0 = arith.constant 0 : i32
    return %arg0, %c0_i32 : i32, i32
  }
  func.func @transform_2(%arg0: i32) -> (i32, i32) {
    %c0_i32 = arith.constant 0 : i32
    %c0_i32_0 = arith.constant 0 : i32
    return %arg0, %c0_i32 : i32, i32
  }
  func.func @transform_3(%arg0: i32) -> (i32, i32) {
    %c0_i32 = arith.constant 0 : i32
    %c0_i32_0 = arith.constant 0 : i32
    return %arg0, %c0_i32 : i32, i32
  }
  func.func @transform_4(%arg0: i32) -> (i32, i32) {
    %c0_i32 = arith.constant 0 : i32
    %c0_i32_0 = arith.constant 0 : i32
    return %arg0, %c0_i32 : i32, i32
  }
  func.func @transform_5(%arg0: i32) -> (i32, i32) {
    %c0_i32 = arith.constant 0 : i32
    %c0_i32_0 = arith.constant 0 : i32
    return %arg0, %c0_i32 : i32, i32
  }
}

</mosaic_0001>

<sc_bundles>
// kernel: kernel.10.cloned.1.call-start
scs
__scs_entry_jumppad:
0x0: {  	(pc) =	sbr.rel $0x88, $3  }
0x1: {  	(tag) =	ssettag $0x0;
	lr =	simm.s32 $0x1  }
0x2: {  	[smem:$0x3F95] =	sst lr;
	_ =	strace $0xD0000000  }
0x3: {  	_ = 	snop  }
0x4: {  	_ = 	snop  }
0x5: {  	_ = 	snop  }
0x6: {  	_ = 	snop  }
0x7: {  	_ = 	snop  }
__scs_overlays_trampoline_lowered:
0x8: {  	[smem:$0x3FA4] =	sst s0  }
0x9: {  	[smem:$0x3FA5] =	sst s1  }
0xa: {  	[smem:$0x3FA6] =	sst s2  }
0xb: {  	[smem:$0x3FA7] =	sst s3  }
0xc: {  	[smem:$0x3FA8] =	sst s4  }
0xd: {  	[smem:$0x3FA9] =	sst s5  }
0xe: {  	[smem:$0x3FAA] =	sst s6  }
0xf: {  	[smem:$0x3FAB] =	sst s7  }
0x10: {  	[smem:$0x3FAC] =	sst s8  }
0x11: {  	[smem:$0x3FAD] =	sst s9;
	s0 =	simm.s32 @!p0 $0x0  }
0x12: {  	s1 =	sld [smem:$0x3F93];
	s0 =	simm.s32 @p0 $0x1  }
0x13: {  	[smem:$0x3FAE] =	sst s0;
	s0 =	simm.s32 @!p1 $0x0  }
0x14: {  	s2 =	sld [smem:$0x3F92];
	s0 =	simm.s32 @p1 $0x1  }
0x15: {  	[smem:$0x3FAF] =	sst s0;
	s0 =	simm.s32 @!p2 $0x0  }
0x16: {  	s3 =	sld [smem:$0x3FDB];
	s0 =	simm.s32 @p2 $0x1  }
0x17: {  	s4 =	simm.s32 $0x1BF5;
	[smem:$0x3FB1] =	sst s0  }
0x18: {  	s0 =	sld [smem:$0x3F94];
	_ =	swait.ge [sflag:s4], $0x0  }
0x19: {  	s7 =	sld [smem:$0x3F95]  }
0x1a: {  	s8 =	sadd.s32 $0xFFFFE003, lr  }
0x1b: {  	s9 =	sadd.s32 $0xFFFFFEF7, lr;
	s5 =	simm.s32 $0xFFFFFFFF;
	p2 =	slt.u32 s8, $0xFFFFF086  }
0x1c: {  	p1 =	slt.u32 s9, $0xF7A;
	s5 =	simm.s32 @!p2 $0x0  }
0x1d: {  	s5 =	simm.s32 @p1 $0x1;
	p0 =	seq.s32 s7, s2  }
0x1e: {  	s7 =	smul.u32 @!p0 $0xF7A, s2;
	p2 =	seq.s32 @!p0 s5, $0x0  }
0x1f: {  	s9 =	smul.u32 $0xF7A, s1;
	s8 =	simm.s32 @!p0 $0x1BF5;
	p2 =	por !p2, p0  }
0x20: {  	[sflag:s8] =	ssyncset.s32 @!p0 $0xFFFFF086;
	s6 =	sadd.s32 @!p0 s3, s7;
	s7 =	simm.s32 @!p0 $0x108  }
0x21: {  	s3 =	sadd.s32 s3, s9;
	s6 =	sadd.s32 @!p0 $0x88, s6;
	s7 =	simm.s32 @p2 $0x1082  }
0x22: {  	[simem:s7], [sflag:s8] =	dma.local @!p0 [hbm:s6], $0xF7A  }
0x23: {  	s9 =	sor.u32 $0xD0000000, s2;
	s6 =	simm.s32 $0x108;
	_ =	swait.ge @!p0 [sflag:s8], $0x0  }
0x24: {  	s3 =	sadd.s32 $0x88, s3;
	s6 =	simm.s32 @!p1 $0x1082;
	[sflag:s4] =	ssyncset.s32 $0xFFFFF086  }
0x25: {  	[simem:s6], [sflag:s4] =	dma.local [hbm:s3], $0xF7A  }
0x26: {  	[smem:$0x3F95] =	sst s1;
	(tag) =	ssettag s2;
	_ =	strace s9  }
0x27: {  	s1 =	sld [smem:$0x3FA5]  }
0x28: {  	s2 =	sld [smem:$0x3FA6]  }
0x29: {  	s4 =	sld [smem:$0x3FA8]  }
0x2a: {  	p0 =	seq.s32 s5, $0x0;
	s5 =	sld [smem:$0x3FA9]  }
0x2b: {  	s6 =	sld [smem:$0x3FAA]  }
0x2c: {  	s7 =	sld [smem:$0x3FAB]  }
0x2d: {  	s3 =	simm.s32 $0x108;
	s8 =	sld [smem:$0x3FAC]  }
0x2e: {  	s3 =	simm.s32 @!p0 $0x1082;
	s9 =	sld [smem:$0x3FAD]  }
0x2f: {  	lr =	sadd.s32 s0, s3;
	s0 =	sld [smem:$0x3FA4]  }
0x30: {  	s3 =	sld [smem:$0x3FA7]  }
0x31: {  	[smem:$0x3FB0] =	sst s10  }
0x32: {  	s10 =	sld [smem:$0x3FAE];
	_ =	sdelay $0x3  }
0x33: {  	p0 =	seq.s32 s10, $0x1;
	s10 =	sld [smem:$0x3FB0];
	_ =	sdelay $0x3  }
0x34: {  	[smem:$0x3FB0] =	sst s10  }
0x35: {  	s10 =	sld [smem:$0x3FAF];
	_ =	sdelay $0x3  }
0x36: {  	p1 =	seq.s32 s10, $0x1;
	s10 =	sld [smem:$0x3FB0];
	_ =	sdelay $0x3  }
0x37: {  	[smem:$0x3FB0] =	sst s10  }
0x38: {  	s10 =	sld [smem:$0x3FB1]  }
0x39: {  	_ = 	snop;
	(pc) =	sbr.ind lr, $3  }
0x3a: {  	_ = 	snop  }
0x3b: {  	_ = 	snop  }
0x3c: {  	p2 =	seq.s32 s10, $0x1;
	s10 =	sld [smem:$0x3FB0]  }
0x3d: {  	_ =	shalt  }
0x3e: {  	_ =	shalt  }
0x3f: {  	_ =	shalt  }
0x40: {  	_ =	shalt  }
0x41: {  	_ =	shalt  }
0x42: {  	_ =	shalt  }
0x43: {  	_ =	shalt  }
0x44: {  	_ =	shalt  }
0x45: {  	_ =	shalt  }
0x46: {  	_ =	shalt  }
0x47: {  	_ =	shalt  }
0x48: {  	_ =	shalt  }
0x49: {  	_ =	shalt  }
0x4a: {  	_ =	shalt  }
0x4b: {  	_ =	shalt  }
0x4c: {  	_ =	shalt  }
0x4d: {  	_ =	shalt  }
0x4e: {  	_ =	shalt  }
0x4f: {  	_ =	shalt  }
0x50: {  	_ =	shalt  }
0x51: {  	_ =	shalt  }
0x52: {  	_ =	shalt  }
0x53: {  	_ =	shalt  }
0x54: {  	_ =	shalt  }
0x55: {  	_ =	shalt  }
0x56: {  	_ =	shalt  }
0x57: {  	_ =	shalt  }
0x58: {  	_ =	shalt  }
0x59: {  	_ =	shalt  }
0x5a: {  	_ =	shalt  }
0x5b: {  	_ =	shalt  }
0x5c: {  	_ =	shalt  }
0x5d: {  	_ =	shalt  }
0x5e: {  	_ =	shalt  }
0x5f: {  	_ =	shalt  }
0x60: {  	_ =	shalt  }
0x61: {  	_ =	shalt  }
0x62: {  	_ =	shalt  }
0x63: {  	_ =	shalt  }
0x64: {  	_ =	shalt  }
0x65: {  	_ =	shalt  }
0x66: {  	_ =	shalt  }
0x67: {  	_ =	shalt  }
0x68: {  	_ =	shalt  }
0x69: {  	_ =	shalt  }
0x6a: {  	_ =	shalt  }
0x6b: {  	_ =	shalt  }
0x6c: {  	_ =	shalt  }
0x6d: {  	_ =	shalt  }
0x6e: {  	_ =	shalt  }
0x6f: {  	_ =	shalt  }
0x70: {  	_ =	shalt  }
0x71: {  	_ =	shalt  }
0x72: {  	_ =	shalt  }
0x73: {  	_ =	shalt  }
0x74: {  	_ =	shalt  }
0x75: {  	_ =	shalt  }
0x76: {  	_ =	shalt  }
0x77: {  	_ =	shalt  }
0x78: {  	_ =	shalt  }
0x79: {  	_ =	shalt  }
0x7a: {  	_ =	shalt  }
0x7b: {  	_ =	shalt  }
0x7c: {  	_ =	shalt  }
0x7d: {  	_ =	shalt  }
0x7e: {  	_ =	shalt  }
0x7f: {  	_ =	shalt  }
0x80: {  	_ =	shalt  }
0x81: {  	_ =	shalt  }
0x82: {  	_ =	shalt  }
0x83: {  	_ =	shalt  }
0x84: {  	_ =	shalt  }
0x85: {  	_ =	shalt  }
0x86: {  	_ =	shalt  }
0x87: {  	_ =	shalt  }
.Lfunc_end0:
.L_simem_size_0:
called_computation.1_lowered:
.L_overlay_start_0:
0x88: {  	s2 =	sld [smem:$0x3FD9]  }
0x89: {  	s3 =	sld [smem:$0x3FFE];
	_ =	sdelay $0x1  }
0x8a: {  	s1 =	srdreg.scid  }
0x8b: {  	s0 =	sand.u32 $0x1, s1  }
0x8c: {  	s17 =	sshll.u32 s0, $0xA;
	s2 =	sadd.s32 s3, s2  }
0x8d: {  	s2 =	sadd.s32 s2, s17  }
0x8e: {  	[smem:$0x3FBC] =	sst s2  }
0x8f: {  	_ = 	snop  }
0x90: {  	s2 =	sld [smem:$0x3FD0];
	(tm) =	ssettm $0x1  }
0x91: {  	s18 =	sld [smem:$0x3FFB];
	_ =	sdelay $0x3  }
0x92: {  	_ =	strace s18  }
0x93: {  	s3 =	sld [smem:$0x3FFC];
	_ =	sdelay $0x3  }
0x94: {  	_ =	strace s3  }
0x95: {  	s3 =	sld [smem:$0x3FFD];
	_ =	sdelay $0x3  }
0x96: {  	_ =	strace s3  }
0x97: {  	_ =	strace $0x8FFFFFFF  }
0x98: {  	s19 =	sld [smem:$0x3FDB];
	_ =	sdelay $0x1  }
0x99: {  	s4 =	simm.s32 $_scs_section_size  }
0x9a: {  	s5 =	simm.s32 $_size__tile_overlayer_lowered;
	s6 =	simm.s32 $_tile_overlayer_lowered  }
0x9b: {  	s22 =	simm.s32 $0x1BFF;
	s21 =	sshll.u32 s6, $0x1;
	s3 =	sadd.s32 s4, s19  }
0x9c: {  	s7 =	simm.s32 $0x0;
	s20 =	sshll.u32 s5, $0x1;
	s5 =	sadd.s32 s21, s3  }
0x9d: {  	[timem:s7], [sflag:s22] =	dma.local [hbm:s5], s20  }
0x9e: {  	_ =	swait.ge [sflag:s22], s20  }
0x9f: {  	s4 =	ssub.s32 $0x0, s20;
	[sflag:s22] =	ssyncset.done $0x0  }
0xa0: {  	[sflag:s22] =	ssyncadd.s32 s4;
	_ =	sdelay $0x1  }
0xa1: {  	s23 =	simm.s32 $0x1B8B  }
0xa2: {  	_ =	swait.ge [sflag:s23], $0x1  }
0xa3: {  	[sflag:s23] =	ssyncset.done $0x0  }
0xa4: {  	s25 =	simm.s32 $0x1B8E;
	s24 =	sld [smem:$0x3FFE];
	[sflag:s23] =	ssyncadd.s32 $0xFFFFFFFF  }
0xa5: {  	s26 =	simm.s32 $execute0_lowered;
	[smem:$0x3FD2] =	sst s25  }
0xa6: {  	s5 =	sshll.u32 s26, $0x1;
	_ =	strace $0x80000049;
	[dreg:$0x1] =	wrdreg $0xFFFFFFFF  }
0xa7: {  	s28 =	simm.s32 $_size_execute0_lowered;
	s3 =	sadd.s32 s3, s5;
	[dreg:$0x0] =	wrdreg $0x0  }
0xa8: {  	s5 =	sshll.u32 s28, $0x1;
	[dreg:$0x2] =	wrdreg s3  }
0xa9: {  	[dreg:$0x3] =	wrdreg s5  }
0xaa: {  	[dreg:$0x4] =	wrdreg $0xC0  }
0xab: {  	_ =	task [dreg:s7], $0x5FFFF  }
0xac: {  	[dreg:$0x1] =	wrdreg $0xFFFFFFFF  }
0xad: {  	[dreg:$0x0] =	wrdreg $0x60  }
0xae: {  	[dreg:$0x2] =	wrdreg s2  }
0xaf: {  	[dreg:$0x3] =	wrdreg s24  }
0xb0: {  	[dreg:$0x4] =	wrdreg $0x69800  }
0xb1: {  	[dreg:$0x5] =	wrdreg $0x9  }
0xb2: {  	_ =	task.clear_ibuf [dreg:s7], $0x6FFFF;
	_ =	strace $0x90000049  }
0xb3: {  	s29 =	simm.s32 $0x9;
	_ =	strace $0x8000004B  }
0xb4: {  	_ =	swait.ge [sflag:s29], $0x1  }
0xb5: {  	[sflag:s29] =	ssyncadd.s32 $0xFFFFFFFF  }
0xb6: {  	_ =	strace $0x9000004B  }
0xb7: {  	_ =	sfence  }
0xb8: {  	s30 =	sld [smem:$0x0];
	_ =	sdelay $0x2  }
0xb9: {  	s31 =	sshll.u32 s1, $0xD;
	s1 =	sshrl.u32 s1, $0x2  }
0xba: {  	s3 =	sand.u32 $0x4000, s31;
	s1 =	sadd.s32 s1, s30  }
0xbb: {  	s0 =	sor.u32 s3, s0;
	s1 =	sshll.u32 s1, $0x11  }
0xbc: {  	s0 =	sor.u32 s1, s0  }
0xbd: {  	s0 =	sadd.s32 $0x8F2B, s0  }
0xbe: {  	[sflag:s0] =	ssyncadd.remote.s32 $0x1  }
0xbf: {  	_ =	sfence.sel $0xFFFF  }
0xc0: {  	[dreg:$0x0] =	wrdreg $0xFFFFFFFF;
	(pc) =	sbr.abs _section_cstart, $3  }
0xc1: {  	[dreg:$0x1] =	wrdreg $0xFFFFFFFF  }
0xc2: {  	_ =	task.clear_ibuf [dreg:s7], $0x2FFFF;
	_ =	strace $0x9FFFFFFF  }
0xc3: {  	(tm) =	ssettm $0x7FFFFFFF  }
tec
execute0_lowered:
.L_overlay_start_1:
0x0: {  	(tag) =	ssettag $0x1  }
0x1: {  	s0 =	rddreg [dreg:$0x0]  }
0x2: {  	s1 =	srdreg.scid;
	s8 =	rddreg [dreg:$0x1]  }
0x3: {  	s3 =	rddreg [dreg:$0x2];
	s2 =	stileid.u32;
	s4 =	simm.s32 $0x0  }
0x4: {  	s15 =	simm.s32 $0x80;
	s16 =	simm.s32 $0x2880;
	s17 =	simm.s32 $0x2980  }
0x5: {  	s18 =	simm.s32 $0x2900;
	s19 =	simm.s32 $0x4980;
	s20 =	simm.s32 $0x1  }
0x6: {  	s21 =	simm.s32 $0x2780;
	s22 =	simm.s32 $0x2;
	s23 =	simm.s32 $0x2800  }
0x7: {  	s24 =	simm.s32 $0x0;
	s12 =	sand.u32 $0x1, s1;
	s1 =	rddreg [dreg:$0x3]  }
0x8: {  	[smem:$0x7FF] =	sst s4;
	s7 =	sadd.s32 $0x7B800, s8;
	s13 =	smul.u32 $0xA000, s2  }
0x9: {  	s31 =	sshll.u32 s2, $0x6;
	s5 =	sshll.u32 s12, $0x4;
	_ =	strace $0x8000004A  }
0xa: {  	s10 =	ssub.s32 $0x2, s12;
	p0 =	sne.s32 s12, $0x0;
	s12 =	simm.s32 $0x3  }
.Ltmp0:
0xb: {  	s5 =	sor.u32 s2, s5;
	s11 =	sshrl.u32 s10, $0x1;
	(pc) =	sbr.rel .LBB2_1-.Ltmp0, $4  }
0xc: {  	s14 =	sadd.s32 s13, s3;
	s6 =	smul.u32 $0x4F0, s5;
	s5 =	sadd.s32 $0x52A00, s8  }
0xd: {  	s11 =	ssub.s32 s10, s11;
	s10 =	sshrl.u32 s13, $0x3;
	s13 =	sor.u32 $0x1C03, s31  }
0xe: {  	s14 =	sshrl.u32 s14, $0x3;
	s11 =	smax.u32 s11, $0x1;
	s9 =	sadd.s32 s6, s8  }
0xf: {  	s6 =	sadd.s32 $0x66400, s8;
	s8 =	sadd.s32 $0x67800, s8;
	s9 =	sadd.s32 $0xCD000, s9  }
.LBB2_8:
0x10: {  	s25 =	smov.u32 s8  }
.LBB2_9:
0x11: {  	_ =	swait.ge [sflag:s20], $0x2000  }
0x12: {  	[sflag:s20] =	ssyncset.done $0x0  }
0x13: {  	[sflag:s20] =	ssyncadd.s32 $0xFFFFE000  }
0x14: {  	[spmem:s3] =	stream.indirect.scatter.add.f32 [tilespmem:s17], [sflag:$0x3], $0x40, s21, s15, $0xb8;
	[tilespmem:$0x10980] =	vst v63  }
0x15: {  	_ =	swait.ge [sflag:s12], $0x2000  }
0x16: {  	s24 =	sadd.s32 $0x1, s24;
	[sflag:s12] =	ssyncset.done $0x0  }
0x17: {  	p1 =	sne.s32 s24, s11;
	[sflag:s12] =	ssyncadd.s32 $0xFFFFE000  }
.Ltmp1:
0x18: {  	s25 =	sadd.s32 s25, s10;
	[bflag:$0x0] =	sbarrier.arrive $0xFFFF;
	(pc) =	sbr.rel @!p1 .LBB2_10-.Ltmp1, $4  }
0x19: {  	[hbm:s25], [sflag:s13] =	dma.local [spmem:s14], $0x1400  }
0x1a: {  	_ =	swait.ge [sflag:s12], $0x1400  }
0x1b: {  	[sflag:s12] =	ssyncset.done $0x0  }
0x1c: {  	[sflag:s12] =	ssyncadd.s32 $0xFFFFEC00  }
.LBB2_1:
0x1d: {  	[tilespmem:s4], [sflag:$0x3] =	stream.linear.gather [hbm4b:s9+s4], $0x2780, $0x38;
	[tilespmem:$0x10980] =	vst v63  }
0x1e: {  	_ =	swait.ge [sflag:s12], $0x2780  }
0x1f: {  	[sflag:s12] =	ssyncset.done $0x0  }
0x20: {  	[sflag:s12] =	ssyncadd.s32 $0xFFFFD880  }
0x21: {  	[spmem:s14], [sflag:s13] =	dma.local [hbm:s6], $0x1400  }
0x22: {  	_ =	swait.ge [sflag:s12], $0x1400  }
0x23: {  	[sflag:s12] =	ssyncset.done $0x0  }
0x24: {  	[sflag:s12] =	ssyncadd.s32 $0xFFFFEC00  }
0x25: {  	[bflag:$0x0] =	sbarrier.arrive $0xFFFF  }
0x26: {  	v0 =	vld [tilespmem:$0x0];
	_ =	sdelay $0x1  }
0x27: {  	v1 =	vld [tilespmem:$0x10];
	_ =	sdelay $0x1  }
0x28: {  	v2 =	vld [tilespmem:$0x20]  }
0x29: {  	v3 =	vand.u32 $0xFFFF, v0  }
0x2a: {  	v45 =	vld [tilespmem:$0x30];
	v0 =	vshrl.u32 v0, $0x10;
	[tilespmem:$0x2780] =	vst v3  }
0x2b: {  	v46 =	vand.u32 $0xFFFF, v1;
	[tilespmem:$0x2880] =	vst v0  }
0x2c: {  	v48 =	vld [tilespmem:$0x40];
	v47 =	vshrl.u32 v1, $0x10;
	[tilespmem:$0x2790] =	vst v46  }
0x2d: {  	v49 =	vand.u32 $0xFFFF, v2;
	[tilespmem:$0x2890] =	vst v47  }
0x2e: {  	v51 =	vld [tilespmem:$0x50];
	v50 =	vshrl.u32 v2, $0x10;
	[tilespmem:$0x27A0] =	vst v49  }
0x2f: {  	v52 =	vand.u32 $0xFFFF, v45;
	[tilespmem:$0x28A0] =	vst v50  }
0x30: {  	v54 =	vld [tilespmem:$0x60];
	v53 =	vshrl.u32 v45, $0x10;
	[tilespmem:$0x27B0] =	vst v52  }
0x31: {  	v55 =	vand.u32 $0xFFFF, v48;
	[tilespmem:$0x28B0] =	vst v53  }
0x32: {  	v57 =	vld [tilespmem:$0x70];
	v56 =	vshrl.u32 v48, $0x10;
	[tilespmem:$0x27C0] =	vst v55  }
0x33: {  	v58 =	vand.u32 $0xFFFF, v51;
	[tilespmem:$0x28C0] =	vst v56  }
0x34: {  	v59 =	vshrl.u32 v51, $0x10;
	[tilespmem:$0x27D0] =	vst v58  }
.Ltmp2:
0x35: {  	v60 =	vand.u32 $0xFFFF, v54;
	[tilespmem:$0x28D0] =	vst v59;
	(pc) =	sbr.rel @p0 .LBB2_6-.Ltmp2, $4  }
0x36: {  	v61 =	vshrl.u32 v54, $0x10;
	[tilespmem:$0x27E0] =	vst v60  }
0x37: {  	v62 =	vand.u32 $0xFFFF, v57;
	[tilespmem:$0x28E0] =	vst v61  }
0x38: {  	v63 =	vshrl.u32 v57, $0x10;
	[tilespmem:$0x27F0] =	vst v62  }
0x39: {  	[tilespmem:$0x28F0] =	vst v63  }
0x3a: {  	[tilespmem:s17], [sflag:$0x1] =	stream.indirect.gather [hbm4b:s0+s15], $0x40, s16, s15, $0xb8;
	[tilespmem:$0x10980] =	vst v63  }
0x3b: {  	v0 =	vld [tilespmem:$0x80];
	_ =	sdelay $0x1  }
0x3c: {  	v1 =	vld [tilespmem:$0x90];
	_ =	sdelay $0x1  }
0x3d: {  	v2 =	vld [tilespmem:$0xA0]  }
0x3e: {  	v3 =	vand.u32 $0xFFFF, v0  }
0x3f: {  	v45 =	vld [tilespmem:$0xB0];
	v0 =	vshrl.u32 v0, $0x10;
	[tilespmem:$0x2800] =	vst v3  }
0x40: {  	v46 =	vand.u32 $0xFFFF, v1;
	[tilespmem:$0x2900] =	vst v0  }
0x41: {  	v48 =	vld [tilespmem:$0xC0];
	v47 =	vshrl.u32 v1, $0x10;
	[tilespmem:$0x2810] =	vst v46  }
0x42: {  	v49 =	vand.u32 $0xFFFF, v2;
	[tilespmem:$0x2910] =	vst v47  }
0x43: {  	v51 =	vld [tilespmem:$0xD0];
	v50 =	vshrl.u32 v2, $0x10;
	[tilespmem:$0x2820] =	vst v49  }
0x44: {  	v52 =	vand.u32 $0xFFFF, v45;
	[tilespmem:$0x2920] =	vst v50  }
0x45: {  	v54 =	vld [tilespmem:$0xE0];
	v53 =	vshrl.u32 v45, $0x10;
	[tilespmem:$0x2830] =	vst v52  }
0x46: {  	v55 =	vand.u32 $0xFFFF, v48;
	[tilespmem:$0x2930] =	vst v53  }
0x47: {  	v57 =	vld [tilespmem:$0xF0];
	v56 =	vshrl.u32 v48, $0x10;
	[tilespmem:$0x2840] =	vst v55  }
0x48: {  	v58 =	vand.u32 $0xFFFF, v51;
	[tilespmem:$0x2940] =	vst v56  }
0x49: {  	v59 =	vshrl.u32 v51, $0x10;
	[tilespmem:$0x2850] =	vst v58  }
0x4a: {  	v60 =	vand.u32 $0xFFFF, v54;
	[tilespmem:$0x2950] =	vst v59  }
0x4b: {  	v61 =	vshrl.u32 v54, $0x10;
	[tilespmem:$0x2860] =	vst v60  }
0x4c: {  	v62 =	vand.u32 $0xFFFF, v57;
	[tilespmem:$0x2960] =	vst v61  }
0x4d: {  	v63 =	vshrl.u32 v57, $0x10;
	[tilespmem:$0x2870] =	vst v62  }
0x4e: {  	s25 =	simm.s32 $0x7C0;
	[tilespmem:$0x2970] =	vst v63  }
0x4f: {  	[tilespmem:s19], [sflag:$0x2] =	stream.indirect.gather [hbm4b:s0+s15], $0x40, s18, s15, $0xb8;
	[tilespmem:$0x10980] =	vst v63  }
.LBB2_3:
0x50: {  	_ =	swait.ge [sflag:s20], $0x2000  }
0x51: {  	[sflag:s20] =	ssyncset.done $0x0  }
0x52: {  	[sflag:s20] =	ssyncadd.s32 $0xFFFFE000  }
0x53: {  	[spmem:s3] =	stream.indirect.scatter.add.f32 [tilespmem:s17], [sflag:$0x3], $0x40, s21, s15, $0xb8;
	[tilespmem:$0x10980] =	vst v63  }
0x54: {  	_ =	swait.ge [sflag:s12], $0x2000  }
0x55: {  	[sflag:s12] =	ssyncset.done $0x0  }
0x56: {  	s26 =	sshra.s32 s25, $0x2;
	[sflag:s12] =	ssyncadd.s32 $0xFFFFE000  }
0x57: {  	v0 =	vld [tilespmem:s26+$0xFFFFFF10];
	_ =	sdelay $0x4  }
0x58: {  	v1 =	vand.u32 $0xFFFF, v0  }
0x59: {  	v0 =	vshrl.u32 v0, $0x10;
	[tilespmem:$0x2780] =	vst v1  }
0x5a: {  	[tilespmem:$0x2880] =	vst v0  }
0x5b: {  	v0 =	vld [tilespmem:s26+$0xFFFFFF20];
	_ =	sdelay $0x4  }
0x5c: {  	v57 =	vand.u32 $0xFFFF, v0  }
0x5d: {  	v0 =	vshrl.u32 v0, $0x10;
	[tilespmem:$0x2790] =	vst v57  }
0x5e: {  	[tilespmem:$0x2890] =	vst v0  }
0x5f: {  	v0 =	vld [tilespmem:s26+$0xFFFFFF30];
	_ =	sdelay $0x4  }
0x60: {  	v58 =	vand.u32 $0xFFFF, v0  }
0x61: {  	v0 =	vshrl.u32 v0, $0x10;
	[tilespmem:$0x27A0] =	vst v58  }
0x62: {  	[tilespmem:$0x28A0] =	vst v0  }
0x63: {  	v0 =	vld [tilespmem:s26+$0xFFFFFF40];
	_ =	sdelay $0x4  }
0x64: {  	v59 =	vand.u32 $0xFFFF, v0  }
0x65: {  	v0 =	vshrl.u32 v0, $0x10;
	[tilespmem:$0x27B0] =	vst v59  }
0x66: {  	[tilespmem:$0x28B0] =	vst v0  }
0x67: {  	v0 =	vld [tilespmem:s26+$0xFFFFFF50];
	_ =	sdelay $0x4  }
0x68: {  	v60 =	vand.u32 $0xFFFF, v0  }
0x69: {  	v0 =	vshrl.u32 v0, $0x10;
	[tilespmem:$0x27C0] =	vst v60  }
0x6a: {  	[tilespmem:$0x28C0] =	vst v0  }
0x6b: {  	v0 =	vld [tilespmem:s26+$0xFFFFFF60];
	_ =	sdelay $0x4  }
0x6c: {  	v61 =	vand.u32 $0xFFFF, v0  }
0x6d: {  	v0 =	vshrl.u32 v0, $0x10;
	[tilespmem:$0x27D0] =	vst v61  }
0x6e: {  	[tilespmem:$0x28D0] =	vst v0  }
0x6f: {  	v0 =	vld [tilespmem:s26+$0xFFFFFF70];
	_ =	sdelay $0x4  }
0x70: {  	v62 =	vand.u32 $0xFFFF, v0  }
0x71: {  	v0 =	vshrl.u32 v0, $0x10;
	[tilespmem:$0x27E0] =	vst v62  }
0x72: {  	[tilespmem:$0x28E0] =	vst v0  }
0x73: {  	v0 =	vld [tilespmem:s26+$0xFFFFFF80];
	_ =	sdelay $0x4  }
0x74: {  	v63 =	vand.u32 $0xFFFF, v0  }
0x75: {  	v0 =	vshrl.u32 v0, $0x10;
	[tilespmem:$0x27F0] =	vst v63  }
0x76: {  	[tilespmem:$0x28F0] =	vst v0  }
0x77: {  	[tilespmem:s17], [sflag:$0x1] =	stream.indirect.gather [hbm4b:s0+s15], $0x40, s16, s15, $0xb8;
	[tilespmem:$0x10980] =	vst v63  }
0x78: {  	_ =	swait.ge [sflag:s22], $0x2000  }
0x79: {  	p1 =	seq.s32 s25, $0x9FC0;
	[sflag:s22] =	ssyncset.done $0x0  }
.Ltmp3:
0x7a: {  	[sflag:s22] =	ssyncadd.s32 $0xFFFFE000;
	(pc) =	sbr.rel @p1 .LBB2_4-.Ltmp3, $4  }
0x7b: {  	[spmem:s3] =	stream.indirect.scatter.add.f32 [tilespmem:s19], [sflag:$0x3], $0x40, s23, s15, $0xb8;
	[tilespmem:$0x10980] =	vst v63  }
0x7c: {  	_ =	swait.ge [sflag:s12], $0x2000  }
0x7d: {  	[sflag:s12] =	ssyncset.done $0x0  }
0x7e: {  	[sflag:s12] =	ssyncadd.s32 $0xFFFFE000  }
0x7f: {  	v0 =	vld [tilespmem:s26+$0xFFFFFF90];
	_ =	sdelay $0x4  }
0x80: {  	v1 =	vand.u32 $0xFFFF, v0  }
0x81: {  	v0 =	vshrl.u32 v0, $0x10;
	[tilespmem:$0x2800] =	vst v1  }
0x82: {  	[tilespmem:$0x2900] =	vst v0  }
0x83: {  	v0 =	vld [tilespmem:s26+$0xFFFFFFA0];
	_ =	sdelay $0x4  }
0x84: {  	v57 =	vand.u32 $0xFFFF, v0  }
0x85: {  	v0 =	vshrl.u32 v0, $0x10;
	[tilespmem:$0x2810] =	vst v57  }
0x86: {  	[tilespmem:$0x2910] =	vst v0  }
0x87: {  	v0 =	vld [tilespmem:s26+$0xFFFFFFB0];
	_ =	sdelay $0x4  }
0x88: {  	v58 =	vand.u32 $0xFFFF, v0  }
0x89: {  	v0 =	vshrl.u32 v0, $0x10;
	[tilespmem:$0x2820] =	vst v58  }
0x8a: {  	[tilespmem:$0x2920] =	vst v0  }
0x8b: {  	v0 =	vld [tilespmem:s26+$0xFFFFFFC0];
	_ =	sdelay $0x4  }
0x8c: {  	v59 =	vand.u32 $0xFFFF, v0  }
0x8d: {  	v0 =	vshrl.u32 v0, $0x10;
	[tilespmem:$0x2830] =	vst v59  }
0x8e: {  	[tilespmem:$0x2930] =	vst v0  }
0x8f: {  	v0 =	vld [tilespmem:s26+$0xFFFFFFD0];
	_ =	sdelay $0x4  }
0x90: {  	v60 =	vand.u32 $0xFFFF, v0  }
0x91: {  	v0 =	vshrl.u32 v0, $0x10;
	[tilespmem:$0x2840] =	vst v60  }
0x92: {  	[tilespmem:$0x2940] =	vst v0  }
0x93: {  	v0 =	vld [tilespmem:s26+$0xFFFFFFE0];
	_ =	sdelay $0x4  }
0x94: {  	v61 =	vand.u32 $0xFFFF, v0  }
0x95: {  	v0 =	vshrl.u32 v0, $0x10;
	[tilespmem:$0x2850] =	vst v61  }
0x96: {  	[tilespmem:$0x2950] =	vst v0  }
0x97: {  	v0 =	vld [tilespmem:s26+$0xFFFFFFF0];
	_ =	sdelay $0x4  }
0x98: {  	v62 =	vand.u32 $0xFFFF, v0  }
0x99: {  	v0 =	vshrl.u32 v0, $0x10;
	[tilespmem:$0x2860] =	vst v62  }
0x9a: {  	[tilespmem:$0x2960] =	vst v0  }
0x9b: {  	v0 =	vld [tilespmem:s26+$0x0];
	_ =	sdelay $0x3  }
.Ltmp4:
0x9c: {  	_ = 	snop;
	(pc) =	sbr.rel .LBB2_3-.Ltmp4, $4  }
0x9d: {  	v63 =	vand.u32 $0xFFFF, v0  }
0x9e: {  	v0 =	vshrl.u32 v0, $0x10;
	[tilespmem:$0x2870] =	vst v63  }
0x9f: {  	s25 =	sadd.s32 $0x400, s25;
	[tilespmem:$0x2970] =	vst v0  }
0xa0: {  	[tilespmem:s19], [sflag:$0x2] =	stream.indirect.gather [hbm4b:s0+s15], $0x40, s18, s15, $0xb8;
	[tilespmem:$0x10980] =	vst v63  }
.LBB2_6:
0xa1: {  	[tilespmem:s17], [sflag:$0x1] =	stream.indirect.gather [hbm4b:s5+s15], $0x40, s16, s15, $0xb8;
	[tilespmem:$0x10980] =	vst v63  }
0xa2: {  	v0 =	vld [tilespmem:$0x80];
	_ =	sdelay $0x1  }
0xa3: {  	v1 =	vld [tilespmem:$0x90];
	_ =	sdelay $0x1  }
0xa4: {  	v2 =	vld [tilespmem:$0xA0]  }
0xa5: {  	v3 =	vand.u32 $0xFFFF, v0  }
0xa6: {  	v45 =	vld [tilespmem:$0xB0];
	v0 =	vshrl.u32 v0, $0x10;
	[tilespmem:$0x2800] =	vst v3  }
0xa7: {  	v46 =	vand.u32 $0xFFFF, v1;
	[tilespmem:$0x2900] =	vst v0  }
0xa8: {  	v48 =	vld [tilespmem:$0xC0];
	v47 =	vshrl.u32 v1, $0x10;
	[tilespmem:$0x2810] =	vst v46  }
0xa9: {  	v49 =	vand.u32 $0xFFFF, v2;
	[tilespmem:$0x2910] =	vst v47  }
0xaa: {  	v51 =	vld [tilespmem:$0xD0];
	v50 =	vshrl.u32 v2, $0x10;
	[tilespmem:$0x2820] =	vst v49  }
0xab: {  	v52 =	vand.u32 $0xFFFF, v45;
	[tilespmem:$0x2920] =	vst v50  }
0xac: {  	v54 =	vld [tilespmem:$0xE0];
	v53 =	vshrl.u32 v45, $0x10;
	[tilespmem:$0x2830] =	vst v52  }
0xad: {  	v55 =	vand.u32 $0xFFFF, v48;
	[tilespmem:$0x2930] =	vst v53  }
0xae: {  	v57 =	vld [tilespmem:$0xF0];
	v56 =	vshrl.u32 v48, $0x10;
	[tilespmem:$0x2840] =	vst v55  }
0xaf: {  	v58 =	vand.u32 $0xFFFF, v51;
	[tilespmem:$0x2940] =	vst v56  }
0xb0: {  	v59 =	vshrl.u32 v51, $0x10;
	[tilespmem:$0x2850] =	vst v58  }
0xb1: {  	v60 =	vand.u32 $0xFFFF, v54;
	[tilespmem:$0x2950] =	vst v59  }
0xb2: {  	v61 =	vshrl.u32 v54, $0x10;
	[tilespmem:$0x2860] =	vst v60  }
0xb3: {  	v62 =	vand.u32 $0xFFFF, v57;
	[tilespmem:$0x2960] =	vst v61  }
0xb4: {  	v63 =	vshrl.u32 v57, $0x10;
	[tilespmem:$0x2870] =	vst v62  }
0xb5: {  	s25 =	simm.s32 $0x7C0;
	[tilespmem:$0x2970] =	vst v63  }
0xb6: {  	[tilespmem:s19], [sflag:$0x2] =	stream.indirect.gather [hbm4b:s5+s15], $0x40, s18, s15, $0xb8;
	[tilespmem:$0x10980] =	vst v63  }
.LBB2_7:
0xb7: {  	_ =	swait.ge [sflag:s20], $0x2000  }
0xb8: {  	[sflag:s20] =	ssyncset.done $0x0  }
0xb9: {  	[sflag:s20] =	ssyncadd.s32 $0xFFFFE000  }
0xba: {  	[spmem:s3] =	stream.indirect.scatter.add.f32 [tilespmem:s17], [sflag:$0x3], $0x40, s21, s15, $0xb8;
	[tilespmem:$0x10980] =	vst v63  }
0xbb: {  	_ =	swait.ge [sflag:s12], $0x2000  }
0xbc: {  	[sflag:s12] =	ssyncset.done $0x0  }
0xbd: {  	s26 =	sshra.s32 s25, $0x2;
	[sflag:s12] =	ssyncadd.s32 $0xFFFFE000  }
0xbe: {  	v0 =	vld [tilespmem:s26+$0xFFFFFF10];
	_ =	sdelay $0x4  }
0xbf: {  	v1 =	vand.u32 $0xFFFF, v0  }
0xc0: {  	v0 =	vshrl.u32 v0, $0x10;
	[tilespmem:$0x2780] =	vst v1  }
0xc1: {  	[tilespmem:$0x2880] =	vst v0  }
0xc2: {  	v0 =	vld [tilespmem:s26+$0xFFFFFF20];
	_ =	sdelay $0x4  }
0xc3: {  	v57 =	vand.u32 $0xFFFF, v0  }
0xc4: {  	v0 =	vshrl.u32 v0, $0x10;
	[tilespmem:$0x2790] =	vst v57  }
0xc5: {  	[tilespmem:$0x2890] =	vst v0  }
0xc6: {  	v0 =	vld [tilespmem:s26+$0xFFFFFF30];
	_ =	sdelay $0x4  }
0xc7: {  	v58 =	vand.u32 $0xFFFF, v0  }
0xc8: {  	v0 =	vshrl.u32 v0, $0x10;
	[tilespmem:$0x27A0] =	vst v58  }
0xc9: {  	[tilespmem:$0x28A0] =	vst v0  }
0xca: {  	v0 =	vld [tilespmem:s26+$0xFFFFFF40];
	_ =	sdelay $0x4  }
0xcb: {  	v59 =	vand.u32 $0xFFFF, v0  }
0xcc: {  	v0 =	vshrl.u32 v0, $0x10;
	[tilespmem:$0x27B0] =	vst v59  }
0xcd: {  	[tilespmem:$0x28B0] =	vst v0  }
0xce: {  	v0 =	vld [tilespmem:s26+$0xFFFFFF50];
	_ =	sdelay $0x4  }
0xcf: {  	v60 =	vand.u32 $0xFFFF, v0  }
0xd0: {  	v0 =	vshrl.u32 v0, $0x10;
	[tilespmem:$0x27C0] =	vst v60  }
0xd1: {  	[tilespmem:$0x28C0] =	vst v0  }
0xd2: {  	v0 =	vld [tilespmem:s26+$0xFFFFFF60];
	_ =	sdelay $0x4  }
0xd3: {  	v61 =	vand.u32 $0xFFFF, v0  }
0xd4: {  	v0 =	vshrl.u32 v0, $0x10;
	[tilespmem:$0x27D0] =	vst v61  }
0xd5: {  	[tilespmem:$0x28D0] =	vst v0  }
0xd6: {  	v0 =	vld [tilespmem:s26+$0xFFFFFF70];
	_ =	sdelay $0x4  }
0xd7: {  	v62 =	vand.u32 $0xFFFF, v0  }
0xd8: {  	v0 =	vshrl.u32 v0, $0x10;
	[tilespmem:$0x27E0] =	vst v62  }
0xd9: {  	[tilespmem:$0x28E0] =	vst v0  }
0xda: {  	v0 =	vld [tilespmem:s26+$0xFFFFFF80];
	_ =	sdelay $0x4  }
0xdb: {  	v63 =	vand.u32 $0xFFFF, v0  }
0xdc: {  	v0 =	vshrl.u32 v0, $0x10;
	[tilespmem:$0x27F0] =	vst v63  }
0xdd: {  	[tilespmem:$0x28F0] =	vst v0  }
0xde: {  	[tilespmem:s17], [sflag:$0x1] =	stream.indirect.gather [hbm4b:s5+s15], $0x40, s16, s15, $0xb8;
	[tilespmem:$0x10980] =	vst v63  }
0xdf: {  	_ =	swait.ge [sflag:s22], $0x2000  }
0xe0: {  	p1 =	seq.s32 s25, $0x9FC0;
	[sflag:s22] =	ssyncset.done $0x0  }
.Ltmp5:
0xe1: {  	[sflag:s22] =	ssyncadd.s32 $0xFFFFE000;
	(pc) =	sbr.rel @p1 .LBB2_8-.Ltmp5, $4  }
0xe2: {  	[spmem:s3] =	stream.indirect.scatter.add.f32 [tilespmem:s19], [sflag:$0x3], $0x40, s23, s15, $0xb8;
	[tilespmem:$0x10980] =	vst v63  }
0xe3: {  	_ =	swait.ge [sflag:s12], $0x2000  }
0xe4: {  	[sflag:s12] =	ssyncset.done $0x0  }
0xe5: {  	[sflag:s12] =	ssyncadd.s32 $0xFFFFE000  }
0xe6: {  	v0 =	vld [tilespmem:s26+$0xFFFFFF90];
	_ =	sdelay $0x4  }
0xe7: {  	v1 =	vand.u32 $0xFFFF, v0  }
0xe8: {  	v0 =	vshrl.u32 v0, $0x10;
	[tilespmem:$0x2800] =	vst v1  }
0xe9: {  	[tilespmem:$0x2900] =	vst v0  }
0xea: {  	v0 =	vld [tilespmem:s26+$0xFFFFFFA0];
	_ =	sdelay $0x4  }
0xeb: {  	v57 =	vand.u32 $0xFFFF, v0  }
0xec: {  	v0 =	vshrl.u32 v0, $0x10;
	[tilespmem:$0x2810] =	vst v57  }
0xed: {  	[tilespmem:$0x2910] =	vst v0  }
0xee: {  	v0 =	vld [tilespmem:s26+$0xFFFFFFB0];
	_ =	sdelay $0x4  }
0xef: {  	v58 =	vand.u32 $0xFFFF, v0  }
0xf0: {  	v0 =	vshrl.u32 v0, $0x10;
	[tilespmem:$0x2820] =	vst v58  }
0xf1: {  	[tilespmem:$0x2920] =	vst v0  }
0xf2: {  	v0 =	vld [tilespmem:s26+$0xFFFFFFC0];
	_ =	sdelay $0x4  }
0xf3: {  	v59 =	vand.u32 $0xFFFF, v0  }
0xf4: {  	v0 =	vshrl.u32 v0, $0x10;
	[tilespmem:$0x2830] =	vst v59  }
0xf5: {  	[tilespmem:$0x2930] =	vst v0  }
0xf6: {  	v0 =	vld [tilespmem:s26+$0xFFFFFFD0];
	_ =	sdelay $0x4  }
0xf7: {  	v60 =	vand.u32 $0xFFFF, v0  }
0xf8: {  	v0 =	vshrl.u32 v0, $0x10;
	[tilespmem:$0x2840] =	vst v60  }
0xf9: {  	[tilespmem:$0x2940] =	vst v0  }
0xfa: {  	v0 =	vld [tilespmem:s26+$0xFFFFFFE0];
	_ =	sdelay $0x4  }
0xfb: {  	v61 =	vand.u32 $0xFFFF, v0  }
0xfc: {  	v0 =	vshrl.u32 v0, $0x10;
	[tilespmem:$0x2850] =	vst v61  }
0xfd: {  	[tilespmem:$0x2950] =	vst v0  }
0xfe: {  	v0 =	vld [tilespmem:s26+$0xFFFFFFF0];
	_ =	sdelay $0x4  }
0xff: {  	v62 =	vand.u32 $0xFFFF, v0  }
0x100: {  	v0 =	vshrl.u32 v0, $0x10;
	[tilespmem:$0x2860] =	vst v62  }
0x101: {  	[tilespmem:$0x2960] =	vst v0  }
0x102: {  	v0 =	vld [tilespmem:s26+$0x0];
	_ =	sdelay $0x3  }
.Ltmp6:
0x103: {  	_ = 	snop;
	(pc) =	sbr.rel .LBB2_7-.Ltmp6, $4  }
0x104: {  	v63 =	vand.u32 $0xFFFF, v0  }
0x105: {  	v0 =	vshrl.u32 v0, $0x10;
	[tilespmem:$0x2870] =	vst v63  }
0x106: {  	s25 =	sadd.s32 $0x400, s25;
	[tilespmem:$0x2970] =	vst v0  }
0x107: {  	[tilespmem:s19], [sflag:$0x2] =	stream.indirect.gather [hbm4b:s5+s15], $0x40, s18, s15, $0xb8;
	[tilespmem:$0x10980] =	vst v63  }
.LBB2_4:
.Ltmp7:
0x108: {  	(pc) =	sbr.rel .LBB2_9-.Ltmp7, $2  }
0x109: {  	_ =	sdelay $0x2  }
0x10a: {  	s25 =	smov.u32 s7  }
.LBB2_10:
0x10b: {  	_ =	sfence.sel $0x180000  }
0x10c: {  	[bflag:$0x0] =	sbarrier.arrive $0xFFFF  }
0x10d: {  	p0 =	sne.s32 s2, $0x0;
	_ =	strace $0x9000004A  }
0x10e: {  	s0 =	sadd.s32 @!p0 $0x100000, s1;
	[bflag:$0x2] =	sbarrier.arrive $0xFFFF  }
0x10f: {  	[sflag:s0] =	ssyncadd.tile.s32 @!p0 $0x1;
	_ =	shalt  }
.Lfunc_end2:
_tile_overlayer_lowered:
.L_overlay_start_2:
0x110: {  	(tag) =	ssettag $0x2  }
0x111: {  	s0 =	rddreg [dreg:$0x0];
	s2 =	stileid.u32  }
0x112: {  	s1 =	rddreg [dreg:$0x1];
	p0 =	sne.s32 s2, $0x0  }
0x113: {  	s3 =	rddreg [dreg:$0x2];
	[bflag:$0x3] =	sbarrier.arrive $0xFFFF;
	s2 =	simm.s32 @!p0 $0x1C03  }
0x114: {  	[timem:s3], [sflag:s2] =	dma.local @!p0 [hbm:s0], s1  }
0x115: {  	s0 =	simm.s32 @!p0 $0x3  }
0x116: {  	_ =	swait.ge @!p0 [sflag:s0], s1  }
0x117: {  	s1 =	ssub.s32 @!p0 $0x0, s1;
	[sflag:s0] =	ssyncset.done @!p0 $0x0  }
0x118: {  	[sflag:s0] =	ssyncadd.s32 @!p0 s1  }
0x119: {  	[bflag:$0x3] =	sbarrier.arrive $0xFFFF  }
0x11a: {  	_ =	shalt  }

// kernel: kernel.7.cloned.1.call-start
scs
__scs_entry_jumppad:
0x0: {  	(pc) =	sbr.rel $0x88, $3  }
0x1: {  	(tag) =	ssettag $0x0;
	lr =	simm.s32 $0x1  }
0x2: {  	[smem:$0x3F95] =	sst lr;
	_ =	strace $0xD0000000  }
0x3: {  	_ = 	snop  }
0x4: {  	_ = 	snop  }
0x5: {  	_ = 	snop  }
0x6: {  	_ = 	snop  }
0x7: {  	_ = 	snop  }
__scs_overlays_trampoline_lowered:
0x8: {  	[smem:$0x3FA4] =	sst s0  }
0x9: {  	[smem:$0x3FA5] =	sst s1  }
0xa: {  	[smem:$0x3FA6] =	sst s2  }
0xb: {  	[smem:$0x3FA7] =	sst s3  }
0xc: {  	[smem:$0x3FA8] =	sst s4  }
0xd: {  	[smem:$0x3FA9] =	sst s5  }
0xe: {  	[smem:$0x3FAA] =	sst s6  }
0xf: {  	[smem:$0x3FAB] =	sst s7  }
0x10: {  	[smem:$0x3FAC] =	sst s8  }
0x11: {  	[smem:$0x3FAD] =	sst s9;
	s0 =	simm.s32 @!p0 $0x0  }
0x12: {  	s1 =	sld [smem:$0x3F93];
	s0 =	simm.s32 @p0 $0x1  }
0x13: {  	[smem:$0x3FAE] =	sst s0;
	s0 =	simm.s32 @!p1 $0x0  }
0x14: {  	s2 =	sld [smem:$0x3F92];
	s0 =	simm.s32 @p1 $0x1  }
0x15: {  	[smem:$0x3FAF] =	sst s0;
	s0 =	simm.s32 @!p2 $0x0  }
0x16: {  	s3 =	sld [smem:$0x3FDB];
	s0 =	simm.s32 @p2 $0x1  }
0x17: {  	s4 =	simm.s32 $0x1BF5;
	[smem:$0x3FB1] =	sst s0  }
0x18: {  	s0 =	sld [smem:$0x3F94];
	_ =	swait.ge [sflag:s4], $0x0  }
0x19: {  	s7 =	sld [smem:$0x3F95]  }
0x1a: {  	s8 =	sadd.s32 $0xFFFFE003, lr  }
0x1b: {  	s9 =	sadd.s32 $0xFFFFFEF7, lr;
	s5 =	simm.s32 $0xFFFFFFFF;
	p2 =	slt.u32 s8, $0xFFFFF086  }
0x1c: {  	p1 =	slt.u32 s9, $0xF7A;
	s5 =	simm.s32 @!p2 $0x0  }
0x1d: {  	s5 =	simm.s32 @p1 $0x1;
	p0 =	seq.s32 s7, s2  }
0x1e: {  	s7 =	smul.u32 @!p0 $0xF7A, s2;
	p2 =	seq.s32 @!p0 s5, $0x0  }
0x1f: {  	s9 =	smul.u32 $0xF7A, s1;
	s8 =	simm.s32 @!p0 $0x1BF5;
	p2 =	por !p2, p0  }
0x20: {  	[sflag:s8] =	ssyncset.s32 @!p0 $0xFFFFF086;
	s6 =	sadd.s32 @!p0 s3, s7;
	s7 =	simm.s32 @!p0 $0x108  }
0x21: {  	s3 =	sadd.s32 s3, s9;
	s6 =	sadd.s32 @!p0 $0x88, s6;
	s7 =	simm.s32 @p2 $0x1082  }
0x22: {  	[simem:s7], [sflag:s8] =	dma.local @!p0 [hbm:s6], $0xF7A  }
0x23: {  	s9 =	sor.u32 $0xD0000000, s2;
	s6 =	simm.s32 $0x108;
	_ =	swait.ge @!p0 [sflag:s8], $0x0  }
0x24: {  	s3 =	sadd.s32 $0x88, s3;
	s6 =	simm.s32 @!p1 $0x1082;
	[sflag:s4] =	ssyncset.s32 $0xFFFFF086  }
0x25: {  	[simem:s6], [sflag:s4] =	dma.local [hbm:s3], $0xF7A  }
0x26: {  	[smem:$0x3F95] =	sst s1;
	(tag) =	ssettag s2;
	_ =	strace s9  }
0x27: {  	s1 =	sld [smem:$0x3FA5]  }
0x28: {  	s2 =	sld [smem:$0x3FA6]  }
0x29: {  	s4 =	sld [smem:$0x3FA8]  }
0x2a: {  	p0 =	seq.s32 s5, $0x0;
	s5 =	sld [smem:$0x3FA9]  }
0x2b: {  	s6 =	sld [smem:$0x3FAA]  }
0x2c: {  	s7 =	sld [smem:$0x3FAB]  }
0x2d: {  	s3 =	simm.s32 $0x108;
	s8 =	sld [smem:$0x3FAC]  }
0x2e: {  	s3 =	simm.s32 @!p0 $0x1082;
	s9 =	sld [smem:$0x3FAD]  }
0x2f: {  	lr =	sadd.s32 s0, s3;
	s0 =	sld [smem:$0x3FA4]  }
0x30: {  	s3 =	sld [smem:$0x3FA7]  }
0x31: {  	[smem:$0x3FB0] =	sst s10  }
0x32: {  	s10 =	sld [smem:$0x3FAE];
	_ =	sdelay $0x3  }
0x33: {  	p0 =	seq.s32 s10, $0x1;
	s10 =	sld [smem:$0x3FB0];
	_ =	sdelay $0x3  }
0x34: {  	[smem:$0x3FB0] =	sst s10  }
0x35: {  	s10 =	sld [smem:$0x3FAF];
	_ =	sdelay $0x3  }
0x36: {  	p1 =	seq.s32 s10, $0x1;
	s10 =	sld [smem:$0x3FB0];
	_ =	sdelay $0x3  }
0x37: {  	[smem:$0x3FB0] =	sst s10  }
0x38: {  	s10 =	sld [smem:$0x3FB1]  }
0x39: {  	_ = 	snop;
	(pc) =	sbr.ind lr, $3  }
0x3a: {  	_ = 	snop  }
0x3b: {  	_ = 	snop  }
0x3c: {  	p2 =	seq.s32 s10, $0x1;
	s10 =	sld [smem:$0x3FB0]  }
0x3d: {  	_ =	shalt  }
0x3e: {  	_ =	shalt  }
0x3f: {  	_ =	shalt  }
0x40: {  	_ =	shalt  }
0x41: {  	_ =	shalt  }
0x42: {  	_ =	shalt  }
0x43: {  	_ =	shalt  }
0x44: {  	_ =	shalt  }
0x45: {  	_ =	shalt  }
0x46: {  	_ =	shalt  }
0x47: {  	_ =	shalt  }
0x48: {  	_ =	shalt  }
0x49: {  	_ =	shalt  }
0x4a: {  	_ =	shalt  }
0x4b: {  	_ =	shalt  }
0x4c: {  	_ =	shalt  }
0x4d: {  	_ =	shalt  }
0x4e: {  	_ =	shalt  }
0x4f: {  	_ =	shalt  }
0x50: {  	_ =	shalt  }
0x51: {  	_ =	shalt  }
0x52: {  	_ =	shalt  }
0x53: {  	_ =	shalt  }
0x54: {  	_ =	shalt  }
0x55: {  	_ =	shalt  }
0x56: {  	_ =	shalt  }
0x57: {  	_ =	shalt  }
0x58: {  	_ =	shalt  }
0x59: {  	_ =	shalt  }
0x5a: {  	_ =	shalt  }
0x5b: {  	_ =	shalt  }
0x5c: {  	_ =	shalt  }
0x5d: {  	_ =	shalt  }
0x5e: {  	_ =	shalt  }
0x5f: {  	_ =	shalt  }
0x60: {  	_ =	shalt  }
0x61: {  	_ =	shalt  }
0x62: {  	_ =	shalt  }
0x63: {  	_ =	shalt  }
0x64: {  	_ =	shalt  }
0x65: {  	_ =	shalt  }
0x66: {  	_ =	shalt  }
0x67: {  	_ =	shalt  }
0x68: {  	_ =	shalt  }
0x69: {  	_ =	shalt  }
0x6a: {  	_ =	shalt  }
0x6b: {  	_ =	shalt  }
0x6c: {  	_ =	shalt  }
0x6d: {  	_ =	shalt  }
0x6e: {  	_ =	shalt  }
0x6f: {  	_ =	shalt  }
0x70: {  	_ =	shalt  }
0x71: {  	_ =	shalt  }
0x72: {  	_ =	shalt  }
0x73: {  	_ =	shalt  }
0x74: {  	_ =	shalt  }
0x75: {  	_ =	shalt  }
0x76: {  	_ =	shalt  }
0x77: {  	_ =	shalt  }
0x78: {  	_ =	shalt  }
0x79: {  	_ =	shalt  }
0x7a: {  	_ =	shalt  }
0x7b: {  	_ =	shalt  }
0x7c: {  	_ =	shalt  }
0x7d: {  	_ =	shalt  }
0x7e: {  	_ =	shalt  }
0x7f: {  	_ =	shalt  }
0x80: {  	_ =	shalt  }
0x81: {  	_ =	shalt  }
0x82: {  	_ =	shalt  }
0x83: {  	_ =	shalt  }
0x84: {  	_ =	shalt  }
0x85: {  	_ =	shalt  }
0x86: {  	_ =	shalt  }
0x87: {  	_ =	shalt  }
.Lfunc_end0:
.L_simem_size_0:
called_computation_lowered:
.L_overlay_start_0:
0x88: {  	s2 =	sld [smem:$0x3FD9]  }
0x89: {  	s3 =	sld [smem:$0x3FFE];
	_ =	sdelay $0x1  }
0x8a: {  	s1 =	srdreg.scid  }
0x8b: {  	s0 =	sand.u32 $0x1, s1  }
0x8c: {  	s17 =	sshll.u32 s0, $0xA;
	s2 =	sadd.s32 s3, s2  }
0x8d: {  	s2 =	sadd.s32 s2, s17  }
0x8e: {  	[smem:$0x3FBC] =	sst s2  }
0x8f: {  	_ = 	snop  }
0x90: {  	s2 =	sld [smem:$0x3FD0];
	(tm) =	ssettm $0x1  }
0x91: {  	s18 =	sld [smem:$0x3FFB];
	_ =	sdelay $0x3  }
0x92: {  	_ =	strace s18  }
0x93: {  	s3 =	sld [smem:$0x3FFC];
	_ =	sdelay $0x3  }
0x94: {  	_ =	strace s3  }
0x95: {  	s3 =	sld [smem:$0x3FFD];
	_ =	sdelay $0x3  }
0x96: {  	_ =	strace s3  }
0x97: {  	_ =	strace $0x8FFFFFFF  }
0x98: {  	s19 =	sld [smem:$0x3FDB];
	_ =	sdelay $0x1  }
0x99: {  	s4 =	simm.s32 $_scs_section_size  }
0x9a: {  	s5 =	simm.s32 $_size__tile_overlayer_lowered;
	s6 =	simm.s32 $_tile_overlayer_lowered  }
0x9b: {  	s22 =	simm.s32 $0x1BFF;
	s21 =	sshll.u32 s6, $0x1;
	s3 =	sadd.s32 s4, s19  }
0x9c: {  	s7 =	simm.s32 $0x0;
	s20 =	sshll.u32 s5, $0x1;
	s5 =	sadd.s32 s21, s3  }
0x9d: {  	[timem:s7], [sflag:s22] =	dma.local [hbm:s5], s20  }
0x9e: {  	_ =	swait.ge [sflag:s22], s20  }
0x9f: {  	s4 =	ssub.s32 $0x0, s20;
	[sflag:s22] =	ssyncset.done $0x0  }
0xa0: {  	[sflag:s22] =	ssyncadd.s32 s4;
	_ =	sdelay $0x1  }
0xa1: {  	s23 =	simm.s32 $0x1B8B  }
0xa2: {  	_ =	swait.ge [sflag:s23], $0x1  }
0xa3: {  	[sflag:s23] =	ssyncset.done $0x0  }
0xa4: {  	s25 =	simm.s32 $0x1B8E;
	s24 =	sld [smem:$0x3FFE];
	[sflag:s23] =	ssyncadd.s32 $0xFFFFFFFF  }
0xa5: {  	s26 =	simm.s32 $execute0_lowered;
	[smem:$0x3FD2] =	sst s25  }
0xa6: {  	s5 =	sshll.u32 s26, $0x1;
	_ =	strace $0x80000046;
	[dreg:$0x1] =	wrdreg $0xFFFFFFFF  }
0xa7: {  	s28 =	simm.s32 $_size_execute0_lowered;
	s3 =	sadd.s32 s3, s5;
	[dreg:$0x0] =	wrdreg $0x0  }
0xa8: {  	s5 =	sshll.u32 s28, $0x1;
	[dreg:$0x2] =	wrdreg s3  }
0xa9: {  	[dreg:$0x3] =	wrdreg s5  }
0xaa: {  	[dreg:$0x4] =	wrdreg $0xC0  }
0xab: {  	_ =	task [dreg:s7], $0x5FFFF  }
0xac: {  	[dreg:$0x1] =	wrdreg $0xFFFFFFFF  }
0xad: {  	[dreg:$0x0] =	wrdreg $0x60  }
0xae: {  	[dreg:$0x2] =	wrdreg s24  }
0xaf: {  	[dreg:$0x3] =	wrdreg s2  }
0xb0: {  	[dreg:$0x4] =	wrdreg $0xAA000  }
0xb1: {  	[dreg:$0x5] =	wrdreg $0x1EA800  }
0xb2: {  	[dreg:$0x6] =	wrdreg $0x9  }
0xb3: {  	_ =	task.clear_ibuf [dreg:s7], $0x7FFFF;
	_ =	strace $0x90000046  }
0xb4: {  	s29 =	simm.s32 $0x9;
	_ =	strace $0x80000048  }
0xb5: {  	_ =	swait.ge [sflag:s29], $0x1  }
0xb6: {  	[sflag:s29] =	ssyncadd.s32 $0xFFFFFFFF  }
0xb7: {  	_ =	strace $0x90000048  }
0xb8: {  	_ =	sfence  }
0xb9: {  	s30 =	sld [smem:$0x0];
	_ =	sdelay $0x2  }
0xba: {  	s31 =	sshll.u32 s1, $0xD;
	s1 =	sshrl.u32 s1, $0x2  }
0xbb: {  	s3 =	sand.u32 $0x4000, s31;
	s1 =	sadd.s32 s1, s30  }
0xbc: {  	s0 =	sor.u32 s3, s0;
	s1 =	sshll.u32 s1, $0x11  }
0xbd: {  	s0 =	sor.u32 s1, s0  }
0xbe: {  	s0 =	sadd.s32 $0x8F2B, s0  }
0xbf: {  	[sflag:s0] =	ssyncadd.remote.s32 $0x1  }
0xc0: {  	_ =	sfence.sel $0xFFFF  }
0xc1: {  	[dreg:$0x0] =	wrdreg $0xFFFFFFFF;
	(pc) =	sbr.abs _section_cstart, $3  }
0xc2: {  	[dreg:$0x1] =	wrdreg $0xFFFFFFFF  }
0xc3: {  	_ =	task.clear_ibuf [dreg:s7], $0x2FFFF;
	_ =	strace $0x9FFFFFFF  }
0xc4: {  	(tm) =	ssettm $0x7FFFFFFF  }
0xc5: {  	_ =	shalt  }
tec
execute0_lowered:
.L_overlay_start_1:
0x0: {  	(tag) =	ssettag $0x1  }
0x1: {  	s0 =	rddreg [dreg:$0x0]  }
0x2: {  	s11 =	rddreg [dreg:$0x1]  }
0x3: {  	s1 =	rddreg [dreg:$0x2]  }
0x4: {  	s2 =	rddreg [dreg:$0x3];
	s3 =	simm.s32 $0x0  }
0x5: {  	s7 =	srdreg.scid;
	s4 =	stileid.u32;
	s20 =	simm.s32 $0x2900  }
0x6: {  	s21 =	simm.s32 $0x2A00;
	s22 =	simm.s32 $0x2980;
	s23 =	simm.s32 $0x6A00  }
0x7: {  	s24 =	simm.s32 $0x1;
	s25 =	simm.s32 $0x2800;
	s28 =	simm.s32 $0x2  }
0x8: {  	s29 =	simm.s32 $0x2880;
	s30 =	simm.s32 $0x0;
	[smem:$0x7FF] =	sst s3  }
0x9: {  	s5 =	sadd.s32 $0x4600, s0;
	s6 =	sadd.s32 $0x2B800, s0;
	s15 =	sand.u32 $0x1, s7  }
0xa: {  	s12 =	smul.u32 $0x280, s4;
	s7 =	sadd.s32 $0x79C00, s0;
	s8 =	sadd.s32 $0x7C400, s0  }
0xb: {  	s9 =	sadd.s32 $0x7D000, s0;
	s10 =	sadd.s32 $0xA5000, s0;
	s16 =	smul.u32 $0x50000, s4  }
0xc: {  	s31 =	sshll.u32 s4, $0x6;
	_ =	strace $0x80000047;
	s13 =	smul.u32 $0x2800, s15  }
0xd: {  	s14 =	sshll.u32 s15, $0x4;
	s17 =	ssub.s32 $0x2, s15;
	p0 =	sne.s32 s15, $0x0  }
0xe: {  	s15 =	simm.s32 $0x3;
	s14 =	sor.u32 s4, s14;
	s26 =	sshrl.u32 s17, $0x1  }
0xf: {  	s16 =	sshrl.u32 s16, $0x2;
	s19 =	sadd.s32 s12, s2;
	s14 =	smul.u32 $0x500, s14  }
.Ltmp0:
0x10: {  	s13 =	sadd.s32 s12, s13;
	s17 =	ssub.s32 s17, s26;
	(pc) =	sbr.rel .LBB2_1-.Ltmp0, $4  }
0x11: {  	s18 =	sadd.s32 s16, s1;
	s12 =	smul.u32 $0x2800, s4;
	s13 =	sshrl.u32 s13, $0x3  }
0x12: {  	s16 =	sor.u32 $0x1C03, s31;
	s26 =	simm.s32 $0x1EA00;
	s0 =	sadd.s32 s13, s0  }
0x13: {  	s11 =	sadd.s32 s11, s14;
	s14 =	smax.u32 s17, $0x1;
	s17 =	sshrl.u32 s18, $0x3  }
0x14: {  	v0 =	vimm.f32 $1.000000000e+00;
	s18 =	sshrl.u32 s19, $0x3;
	s19 =	simm.s32 $0x80;
	s13 =	sadd.s32 $0x7C600, s0  }
.LBB2_8:
0x15: {  	s0 =	smov.u32 s10  }
.LBB2_9:
0x16: {  	_ =	swait.ge [sflag:s24], $0x4000  }
0x17: {  	[sflag:s24] =	ssyncset.done $0x0  }
0x18: {  	[sflag:s24] =	ssyncadd.s32 $0xFFFFC000  }
0x19: {  	[spmem:s1] =	stream.indirect.scatter.add.f32 [tilespmem:s21], [sflag:$0x3], $0x80, s25, s19, $0xb8;
	[tilespmem:$0x1ED00] =	vst v63  }
0x1a: {  	_ =	swait.ge [sflag:s15], $0x4000  }
0x1b: {  	[sflag:s15] =	ssyncset.done $0x0  }
0x1c: {  	[sflag:s15] =	ssyncadd.s32 $0xFFFFC000  }
0x1d: {  	[spmem:s2] =	stream.indirect.scatter.add.f32 [tilespmem:s26], [sflag:$0x3], $0x1, s25, s19, $0xb8;
	[tilespmem:$0x1ED00] =	vst v63  }
0x1e: {  	_ =	swait.ge [sflag:s15], $0x80  }
0x1f: {  	[sflag:s15] =	ssyncset.done $0x0  }
0x20: {  	[sflag:s15] =	ssyncadd.s32 $0xFFFFFF80  }
0x21: {  	s0 =	sadd.s32 s0, s12;
	[bflag:$0x0] =	sbarrier.arrive $0xFFFF  }
0x22: {  	[hbm:s0], [sflag:s16] =	dma.local [spmem:s17], $0x2800  }
0x23: {  	s30 =	sadd.s32 $0x1, s30;
	_ =	swait.ge [sflag:s15], $0x2800  }
0x24: {  	p1 =	sne.s32 s30, s14;
	[sflag:s15] =	ssyncset.done $0x0  }
.Ltmp1:
0x25: {  	[sflag:s15] =	ssyncadd.s32 $0xFFFFD800;
	(pc) =	sbr.rel @!p1 .LBB2_10-.Ltmp1, $4  }
0x26: {  	[hbm:s13], [sflag:s16] =	dma.local [spmem:s18], $0x50  }
0x27: {  	_ =	swait.ge [sflag:s15], $0x50  }
0x28: {  	[sflag:s15] =	ssyncset.done $0x0  }
0x29: {  	[sflag:s15] =	ssyncadd.s32 $0xFFFFFFB0  }
.LBB2_1:
0x2a: {  	[tilespmem:s3], [sflag:$0x3] =	stream.linear.gather [hbm4b:s11+s3], $0x2780, $0x38;
	[tilespmem:$0x1ED00] =	vst v63  }
0x2b: {  	_ =	swait.ge [sflag:s15], $0x2780  }
0x2c: {  	[sflag:s15] =	ssyncset.done $0x0  }
0x2d: {  	[sflag:s15] =	ssyncadd.s32 $0xFFFFD880  }
0x2e: {  	[spmem:s17], [sflag:s16] =	dma.local [hbm:s7], $0x2800  }
0x2f: {  	_ =	swait.ge [sflag:s15], $0x2800  }
0x30: {  	[sflag:s15] =	ssyncset.done $0x0  }
0x31: {  	[sflag:s15] =	ssyncadd.s32 $0xFFFFD800  }
0x32: {  	[spmem:s18], [sflag:s16] =	dma.local [hbm:s8], $0x50  }
0x33: {  	_ =	swait.ge [sflag:s15], $0x50  }
0x34: {  	[sflag:s15] =	ssyncset.done $0x0  }
0x35: {  	[sflag:s15] =	ssyncadd.s32 $0xFFFFFFB0  }
0x36: {  	[tilespmem:$0x1EA00] =	vst v0  }
0x37: {  	[tilespmem:$0x1EA10] =	vst v0  }
0x38: {  	[tilespmem:$0x1EA20] =	vst v0  }
0x39: {  	[tilespmem:$0x1EA30] =	vst v0  }
0x3a: {  	[tilespmem:$0x1EA40] =	vst v0  }
0x3b: {  	[tilespmem:$0x1EA50] =	vst v0  }
0x3c: {  	[tilespmem:$0x1EA60] =	vst v0  }
0x3d: {  	[tilespmem:$0x1EA70] =	vst v0  }
0x3e: {  	[bflag:$0x0] =	sbarrier.arrive $0xFFFF  }
0x3f: {  	v1 =	vld [tilespmem:$0x0];
	_ =	sdelay $0x1  }
0x40: {  	v2 =	vld [tilespmem:$0x10];
	_ =	sdelay $0x1  }
0x41: {  	v3 =	vld [tilespmem:$0x20]  }
0x42: {  	v4 =	vand.u32 $0xFFFF, v1  }
0x43: {  	v62 =	vld [tilespmem:$0x30];
	v1 =	vshrl.u32 v1, $0x10;
	[tilespmem:$0x2800] =	vst v4  }
0x44: {  	[tilespmem:$0x2900] =	vst v1;
	v1 =	vand.u32 $0xFFFF, v2  }
0x45: {  	[tilespmem:$0x2810] =	vst v1;
	v1 =	vshrl.u32 v2, $0x10;
	v2 =	vld [tilespmem:$0x40]  }
0x46: {  	[tilespmem:$0x2910] =	vst v1;
	v1 =	vand.u32 $0xFFFF, v3  }
0x47: {  	[tilespmem:$0x2820] =	vst v1;
	v1 =	vshrl.u32 v3, $0x10;
	v3 =	vld [tilespmem:$0x50]  }
0x48: {  	[tilespmem:$0x2920] =	vst v1;
	v1 =	vand.u32 $0xFFFF, v62  }
0x49: {  	v63 =	vld [tilespmem:$0x60];
	[tilespmem:$0x2830] =	vst v1;
	v1 =	vshrl.u32 v62, $0x10  }
0x4a: {  	[tilespmem:$0x2930] =	vst v1;
	v1 =	vand.u32 $0xFFFF, v2  }
0x4b: {  	[tilespmem:$0x2840] =	vst v1;
	v1 =	vshrl.u32 v2, $0x10;
	v2 =	vld [tilespmem:$0x70]  }
0x4c: {  	[tilespmem:$0x2940] =	vst v1;
	v1 =	vand.u32 $0xFFFF, v3  }
0x4d: {  	[tilespmem:$0x2850] =	vst v1;
	v1 =	vshrl.u32 v3, $0x10  }
.Ltmp2:
0x4e: {  	[tilespmem:$0x2950] =	vst v1;
	v1 =	vand.u32 $0xFFFF, v63;
	(pc) =	sbr.rel @p0 .LBB2_6-.Ltmp2, $4  }
0x4f: {  	[tilespmem:$0x2860] =	vst v1;
	v1 =	vshrl.u32 v63, $0x10  }
0x50: {  	[tilespmem:$0x2960] =	vst v1;
	v1 =	vand.u32 $0xFFFF, v2  }
0x51: {  	[tilespmem:$0x2870] =	vst v1;
	v1 =	vshrl.u32 v2, $0x10  }
0x52: {  	[tilespmem:$0x2970] =	vst v1  }
0x53: {  	[tilespmem:s21], [sflag:$0x1] =	stream.indirect.gather [hbm4b:s5+s19], $0x80, s20, s19, $0xb8;
	[tilespmem:$0x1ED00] =	vst v63  }
0x54: {  	v1 =	vld [tilespmem:$0x80];
	_ =	sdelay $0x1  }
0x55: {  	v2 =	vld [tilespmem:$0x90];
	_ =	sdelay $0x1  }
0x56: {  	v3 =	vld [tilespmem:$0xA0]  }
0x57: {  	v4 =	vand.u32 $0xFFFF, v1  }
0x58: {  	v62 =	vld [tilespmem:$0xB0];
	v1 =	vshrl.u32 v1, $0x10;
	[tilespmem:$0x2880] =	vst v4  }
0x59: {  	[tilespmem:$0x2980] =	vst v1;
	v1 =	vand.u32 $0xFFFF, v2  }
0x5a: {  	[tilespmem:$0x2890] =	vst v1;
	v1 =	vshrl.u32 v2, $0x10;
	v2 =	vld [tilespmem:$0xC0]  }
0x5b: {  	[tilespmem:$0x2990] =	vst v1;
	v1 =	vand.u32 $0xFFFF, v3  }
0x5c: {  	[tilespmem:$0x28A0] =	vst v1;
	v1 =	vshrl.u32 v3, $0x10;
	v3 =	vld [tilespmem:$0xD0]  }
0x5d: {  	[tilespmem:$0x29A0] =	vst v1;
	v1 =	vand.u32 $0xFFFF, v62  }
0x5e: {  	v63 =	vld [tilespmem:$0xE0];
	[tilespmem:$0x28B0] =	vst v1;
	v1 =	vshrl.u32 v62, $0x10  }
0x5f: {  	[tilespmem:$0x29B0] =	vst v1;
	v1 =	vand.u32 $0xFFFF, v2  }
0x60: {  	[tilespmem:$0x28C0] =	vst v1;
	v1 =	vshrl.u32 v2, $0x10;
	v2 =	vld [tilespmem:$0xF0]  }
0x61: {  	[tilespmem:$0x29C0] =	vst v1;
	v1 =	vand.u32 $0xFFFF, v3  }
0x62: {  	[tilespmem:$0x28D0] =	vst v1;
	v1 =	vshrl.u32 v3, $0x10  }
0x63: {  	[tilespmem:$0x29D0] =	vst v1;
	v1 =	vand.u32 $0xFFFF, v63  }
0x64: {  	[tilespmem:$0x28E0] =	vst v1;
	v1 =	vshrl.u32 v63, $0x10  }
0x65: {  	[tilespmem:$0x29E0] =	vst v1;
	v1 =	vand.u32 $0xFFFF, v2  }
0x66: {  	[tilespmem:$0x28F0] =	vst v1;
	v1 =	vshrl.u32 v2, $0x10  }
0x67: {  	s31 =	simm.s32 $0x7C0;
	[tilespmem:$0x29F0] =	vst v1  }
0x68: {  	[tilespmem:s23], [sflag:$0x2] =	stream.indirect.gather [hbm4b:s5+s19], $0x80, s22, s19, $0xb8;
	[tilespmem:$0x1ED00] =	vst v63  }
.LBB2_3:
0x69: {  	_ =	swait.ge [sflag:s24], $0x4000  }
0x6a: {  	[sflag:s24] =	ssyncset.done $0x0  }
0x6b: {  	[sflag:s24] =	ssyncadd.s32 $0xFFFFC000  }
0x6c: {  	[spmem:s1] =	stream.indirect.scatter.add.f32 [tilespmem:s21], [sflag:$0x3], $0x80, s25, s19, $0xb8;
	[tilespmem:$0x1ED00] =	vst v63  }
0x6d: {  	_ =	swait.ge [sflag:s15], $0x4000  }
0x6e: {  	[sflag:s15] =	ssyncset.done $0x0  }
0x6f: {  	[sflag:s15] =	ssyncadd.s32 $0xFFFFC000  }
0x70: {  	[spmem:s2] =	stream.indirect.scatter.add.f32 [tilespmem:s26], [sflag:$0x3], $0x1, s25, s19, $0xb8;
	[tilespmem:$0x1ED00] =	vst v63  }
0x71: {  	_ =	swait.ge [sflag:s15], $0x80  }
0x72: {  	[sflag:s15] =	ssyncset.done $0x0  }
0x73: {  	s0 =	sshra.s32 s31, $0x2;
	[sflag:s15] =	ssyncadd.s32 $0xFFFFFF80  }
0x74: {  	v1 =	vld [tilespmem:s0+$0xFFFFFF10];
	_ =	sdelay $0x4  }
0x75: {  	v2 =	vand.u32 $0xFFFF, v1  }
0x76: {  	v1 =	vshrl.u32 v1, $0x10;
	[tilespmem:$0x2800] =	vst v2  }
0x77: {  	[tilespmem:$0x2900] =	vst v1  }
0x78: {  	v1 =	vld [tilespmem:s0+$0xFFFFFF20];
	_ =	sdelay $0x4  }
0x79: {  	v2 =	vand.u32 $0xFFFF, v1  }
0x7a: {  	v1 =	vshrl.u32 v1, $0x10;
	[tilespmem:$0x2810] =	vst v2  }
0x7b: {  	[tilespmem:$0x2910] =	vst v1  }
0x7c: {  	v1 =	vld [tilespmem:s0+$0xFFFFFF30];
	_ =	sdelay $0x4  }
0x7d: {  	v2 =	vand.u32 $0xFFFF, v1  }
0x7e: {  	v1 =	vshrl.u32 v1, $0x10;
	[tilespmem:$0x2820] =	vst v2  }
0x7f: {  	[tilespmem:$0x2920] =	vst v1  }
0x80: {  	v1 =	vld [tilespmem:s0+$0xFFFFFF40];
	_ =	sdelay $0x4  }
0x81: {  	v2 =	vand.u32 $0xFFFF, v1  }
0x82: {  	v1 =	vshrl.u32 v1, $0x10;
	[tilespmem:$0x2830] =	vst v2  }
0x83: {  	[tilespmem:$0x2930] =	vst v1  }
0x84: {  	v1 =	vld [tilespmem:s0+$0xFFFFFF50];
	_ =	sdelay $0x4  }
0x85: {  	v2 =	vand.u32 $0xFFFF, v1  }
0x86: {  	v1 =	vshrl.u32 v1, $0x10;
	[tilespmem:$0x2840] =	vst v2  }
0x87: {  	[tilespmem:$0x2940] =	vst v1  }
0x88: {  	v1 =	vld [tilespmem:s0+$0xFFFFFF60];
	_ =	sdelay $0x4  }
0x89: {  	v2 =	vand.u32 $0xFFFF, v1  }
0x8a: {  	v1 =	vshrl.u32 v1, $0x10;
	[tilespmem:$0x2850] =	vst v2  }
0x8b: {  	[tilespmem:$0x2950] =	vst v1  }
0x8c: {  	v1 =	vld [tilespmem:s0+$0xFFFFFF70];
	_ =	sdelay $0x4  }
0x8d: {  	v2 =	vand.u32 $0xFFFF, v1  }
0x8e: {  	v1 =	vshrl.u32 v1, $0x10;
	[tilespmem:$0x2860] =	vst v2  }
0x8f: {  	[tilespmem:$0x2960] =	vst v1  }
0x90: {  	v1 =	vld [tilespmem:s0+$0xFFFFFF80];
	_ =	sdelay $0x4  }
0x91: {  	v2 =	vand.u32 $0xFFFF, v1  }
0x92: {  	v1 =	vshrl.u32 v1, $0x10;
	[tilespmem:$0x2870] =	vst v2  }
0x93: {  	[tilespmem:$0x2970] =	vst v1  }
0x94: {  	[tilespmem:s21], [sflag:$0x1] =	stream.indirect.gather [hbm4b:s5+s19], $0x80, s20, s19, $0xb8;
	[tilespmem:$0x1ED00] =	vst v63  }
0x95: {  	_ =	swait.ge [sflag:s28], $0x4000  }
0x96: {  	[sflag:s28] =	ssyncset.done $0x0  }
0x97: {  	[sflag:s28] =	ssyncadd.s32 $0xFFFFC000  }
0x98: {  	[spmem:s1] =	stream.indirect.scatter.add.f32 [tilespmem:s23], [sflag:$0x3], $0x80, s29, s19, $0xb8;
	[tilespmem:$0x1ED00] =	vst v63  }
0x99: {  	_ =	swait.ge [sflag:s15], $0x4000  }
0x9a: {  	p1 =	seq.s32 s31, $0x9FC0;
	[sflag:s15] =	ssyncset.done $0x0  }
.Ltmp3:
0x9b: {  	[sflag:s15] =	ssyncadd.s32 $0xFFFFC000;
	(pc) =	sbr.rel @p1 .LBB2_4-.Ltmp3, $4  }
0x9c: {  	[spmem:s2] =	stream.indirect.scatter.add.f32 [tilespmem:s26], [sflag:$0x3], $0x1, s29, s19, $0xb8;
	[tilespmem:$0x1ED00] =	vst v63  }
0x9d: {  	_ =	swait.ge [sflag:s15], $0x80  }
0x9e: {  	[sflag:s15] =	ssyncset.done $0x0  }
0x9f: {  	[sflag:s15] =	ssyncadd.s32 $0xFFFFFF80  }
0xa0: {  	v1 =	vld [tilespmem:s0+$0xFFFFFF90];
	_ =	sdelay $0x4  }
0xa1: {  	v2 =	vand.u32 $0xFFFF, v1  }
0xa2: {  	v1 =	vshrl.u32 v1, $0x10;
	[tilespmem:$0x2880] =	vst v2  }
0xa3: {  	[tilespmem:$0x2980] =	vst v1  }
0xa4: {  	v1 =	vld [tilespmem:s0+$0xFFFFFFA0];
	_ =	sdelay $0x4  }
0xa5: {  	v2 =	vand.u32 $0xFFFF, v1  }
0xa6: {  	v1 =	vshrl.u32 v1, $0x10;
	[tilespmem:$0x2890] =	vst v2  }
0xa7: {  	[tilespmem:$0x2990] =	vst v1  }
0xa8: {  	v1 =	vld [tilespmem:s0+$0xFFFFFFB0];
	_ =	sdelay $0x4  }
0xa9: {  	v2 =	vand.u32 $0xFFFF, v1  }
0xaa: {  	v1 =	vshrl.u32 v1, $0x10;
	[tilespmem:$0x28A0] =	vst v2  }
0xab: {  	[tilespmem:$0x29A0] =	vst v1  }
0xac: {  	v1 =	vld [tilespmem:s0+$0xFFFFFFC0];
	_ =	sdelay $0x4  }
0xad: {  	v2 =	vand.u32 $0xFFFF, v1  }
0xae: {  	v1 =	vshrl.u32 v1, $0x10;
	[tilespmem:$0x28B0] =	vst v2  }
0xaf: {  	[tilespmem:$0x29B0] =	vst v1  }
0xb0: {  	v1 =	vld [tilespmem:s0+$0xFFFFFFD0];
	_ =	sdelay $0x4  }
0xb1: {  	v2 =	vand.u32 $0xFFFF, v1  }
0xb2: {  	v1 =	vshrl.u32 v1, $0x10;
	[tilespmem:$0x28C0] =	vst v2  }
0xb3: {  	[tilespmem:$0x29C0] =	vst v1  }
0xb4: {  	v1 =	vld [tilespmem:s0+$0xFFFFFFE0];
	_ =	sdelay $0x4  }
0xb5: {  	v2 =	vand.u32 $0xFFFF, v1  }
0xb6: {  	v1 =	vshrl.u32 v1, $0x10;
	[tilespmem:$0x28D0] =	vst v2  }
0xb7: {  	[tilespmem:$0x29D0] =	vst v1  }
0xb8: {  	v1 =	vld [tilespmem:s0+$0xFFFFFFF0];
	_ =	sdelay $0x4  }
0xb9: {  	v2 =	vand.u32 $0xFFFF, v1  }
0xba: {  	v1 =	vshrl.u32 v1, $0x10;
	[tilespmem:$0x28E0] =	vst v2  }
0xbb: {  	[tilespmem:$0x29E0] =	vst v1  }
0xbc: {  	v1 =	vld [tilespmem:s0+$0x0];
	_ =	sdelay $0x3  }
.Ltmp4:
0xbd: {  	_ = 	snop;
	(pc) =	sbr.rel .LBB2_3-.Ltmp4, $4  }
0xbe: {  	v2 =	vand.u32 $0xFFFF, v1  }
0xbf: {  	v1 =	vshrl.u32 v1, $0x10;
	[tilespmem:$0x28F0] =	vst v2  }
0xc0: {  	s31 =	sadd.s32 $0x400, s31;
	[tilespmem:$0x29F0] =	vst v1  }
0xc1: {  	[tilespmem:s23], [sflag:$0x2] =	stream.indirect.gather [hbm4b:s5+s19], $0x80, s22, s19, $0xb8;
	[tilespmem:$0x1ED00] =	vst v63  }
.LBB2_6:
0xc2: {  	[tilespmem:s21], [sflag:$0x1] =	stream.indirect.gather [hbm4b:s6+s19], $0x80, s20, s19, $0xb8;
	[tilespmem:$0x1ED00] =	vst v63  }
0xc3: {  	v1 =	vld [tilespmem:$0x80];
	_ =	sdelay $0x1  }
0xc4: {  	v2 =	vld [tilespmem:$0x90];
	_ =	sdelay $0x1  }
0xc5: {  	v3 =	vld [tilespmem:$0xA0]  }
0xc6: {  	v4 =	vand.u32 $0xFFFF, v1  }
0xc7: {  	v62 =	vld [tilespmem:$0xB0];
	v1 =	vshrl.u32 v1, $0x10;
	[tilespmem:$0x2880] =	vst v4  }
0xc8: {  	[tilespmem:$0x2980] =	vst v1;
	v1 =	vand.u32 $0xFFFF, v2  }
0xc9: {  	[tilespmem:$0x2890] =	vst v1;
	v1 =	vshrl.u32 v2, $0x10;
	v2 =	vld [tilespmem:$0xC0]  }
0xca: {  	[tilespmem:$0x2990] =	vst v1;
	v1 =	vand.u32 $0xFFFF, v3  }
0xcb: {  	[tilespmem:$0x28A0] =	vst v1;
	v1 =	vshrl.u32 v3, $0x10;
	v3 =	vld [tilespmem:$0xD0]  }
0xcc: {  	[tilespmem:$0x29A0] =	vst v1;
	v1 =	vand.u32 $0xFFFF, v62  }
0xcd: {  	v63 =	vld [tilespmem:$0xE0];
	[tilespmem:$0x28B0] =	vst v1;
	v1 =	vshrl.u32 v62, $0x10  }
0xce: {  	[tilespmem:$0x29B0] =	vst v1;
	v1 =	vand.u32 $0xFFFF, v2  }
0xcf: {  	[tilespmem:$0x28C0] =	vst v1;
	v1 =	vshrl.u32 v2, $0x10;
	v2 =	vld [tilespmem:$0xF0]  }
0xd0: {  	[tilespmem:$0x29C0] =	vst v1;
	v1 =	vand.u32 $0xFFFF, v3  }
0xd1: {  	[tilespmem:$0x28D0] =	vst v1;
	v1 =	vshrl.u32 v3, $0x10  }
0xd2: {  	[tilespmem:$0x29D0] =	vst v1;
	v1 =	vand.u32 $0xFFFF, v63  }
0xd3: {  	[tilespmem:$0x28E0] =	vst v1;
	v1 =	vshrl.u32 v63, $0x10  }
0xd4: {  	[tilespmem:$0x29E0] =	vst v1;
	v1 =	vand.u32 $0xFFFF, v2  }
0xd5: {  	[tilespmem:$0x28F0] =	vst v1;
	v1 =	vshrl.u32 v2, $0x10  }
0xd6: {  	s31 =	simm.s32 $0x7C0;
	[tilespmem:$0x29F0] =	vst v1  }
0xd7: {  	[tilespmem:s23], [sflag:$0x2] =	stream.indirect.gather [hbm4b:s6+s19], $0x80, s22, s19, $0xb8;
	[tilespmem:$0x1ED00] =	vst v63  }
.LBB2_7:
0xd8: {  	_ =	swait.ge [sflag:s24], $0x4000  }
0xd9: {  	[sflag:s24] =	ssyncset.done $0x0  }
0xda: {  	[sflag:s24] =	ssyncadd.s32 $0xFFFFC000  }
0xdb: {  	[spmem:s1] =	stream.indirect.scatter.add.f32 [tilespmem:s21], [sflag:$0x3], $0x80, s25, s19, $0xb8;
	[tilespmem:$0x1ED00] =	vst v63  }
0xdc: {  	_ =	swait.ge [sflag:s15], $0x4000  }
0xdd: {  	[sflag:s15] =	ssyncset.done $0x0  }
0xde: {  	[sflag:s15] =	ssyncadd.s32 $0xFFFFC000  }
0xdf: {  	[spmem:s2] =	stream.indirect.scatter.add.f32 [tilespmem:s26], [sflag:$0x3], $0x1, s25, s19, $0xb8;
	[tilespmem:$0x1ED00] =	vst v63  }
0xe0: {  	_ =	swait.ge [sflag:s15], $0x80  }
0xe1: {  	[sflag:s15] =	ssyncset.done $0x0  }
0xe2: {  	s0 =	sshra.s32 s31, $0x2;
	[sflag:s15] =	ssyncadd.s32 $0xFFFFFF80  }
0xe3: {  	v1 =	vld [tilespmem:s0+$0xFFFFFF10];
	_ =	sdelay $0x4  }
0xe4: {  	v2 =	vand.u32 $0xFFFF, v1  }
0xe5: {  	v1 =	vshrl.u32 v1, $0x10;
	[tilespmem:$0x2800] =	vst v2  }
0xe6: {  	[tilespmem:$0x2900] =	vst v1  }
0xe7: {  	v1 =	vld [tilespmem:s0+$0xFFFFFF20];
	_ =	sdelay $0x4  }
0xe8: {  	v2 =	vand.u32 $0xFFFF, v1  }
0xe9: {  	v1 =	vshrl.u32 v1, $0x10;
	[tilespmem:$0x2810] =	vst v2  }
0xea: {  	[tilespmem:$0x2910] =	vst v1  }
0xeb: {  	v1 =	vld [tilespmem:s0+$0xFFFFFF30];
	_ =	sdelay $0x4  }
0xec: {  	v2 =	vand.u32 $0xFFFF, v1  }
0xed: {  	v1 =	vshrl.u32 v1, $0x10;
	[tilespmem:$0x2820] =	vst v2  }
0xee: {  	[tilespmem:$0x2920] =	vst v1  }
0xef: {  	v1 =	vld [tilespmem:s0+$0xFFFFFF40];
	_ =	sdelay $0x4  }
0xf0: {  	v2 =	vand.u32 $0xFFFF, v1  }
0xf1: {  	v1 =	vshrl.u32 v1, $0x10;
	[tilespmem:$0x2830] =	vst v2  }
0xf2: {  	[tilespmem:$0x2930] =	vst v1  }
0xf3: {  	v1 =	vld [tilespmem:s0+$0xFFFFFF50];
	_ =	sdelay $0x4  }
0xf4: {  	v2 =	vand.u32 $0xFFFF, v1  }
0xf5: {  	v1 =	vshrl.u32 v1, $0x10;
	[tilespmem:$0x2840] =	vst v2  }
0xf6: {  	[tilespmem:$0x2940] =	vst v1  }
0xf7: {  	v1 =	vld [tilespmem:s0+$0xFFFFFF60];
	_ =	sdelay $0x4  }
0xf8: {  	v2 =	vand.u32 $0xFFFF, v1  }
0xf9: {  	v1 =	vshrl.u32 v1, $0x10;
	[tilespmem:$0x2850] =	vst v2  }
0xfa: {  	[tilespmem:$0x2950] =	vst v1  }
0xfb: {  	v1 =	vld [tilespmem:s0+$0xFFFFFF70];
	_ =	sdelay $0x4  }
0xfc: {  	v2 =	vand.u32 $0xFFFF, v1  }
0xfd: {  	v1 =	vshrl.u32 v1, $0x10;
	[tilespmem:$0x2860] =	vst v2  }
0xfe: {  	[tilespmem:$0x2960] =	vst v1  }
0xff: {  	v1 =	vld [tilespmem:s0+$0xFFFFFF80];
	_ =	sdelay $0x4  }
0x100: {  	v2 =	vand.u32 $0xFFFF, v1  }
0x101: {  	v1 =	vshrl.u32 v1, $0x10;
	[tilespmem:$0x2870] =	vst v2  }
0x102: {  	[tilespmem:$0x2970] =	vst v1  }
0x103: {  	[tilespmem:s21], [sflag:$0x1] =	stream.indirect.gather [hbm4b:s6+s19], $0x80, s20, s19, $0xb8;
	[tilespmem:$0x1ED00] =	vst v63  }
0x104: {  	_ =	swait.ge [sflag:s28], $0x4000  }
0x105: {  	[sflag:s28] =	ssyncset.done $0x0  }
0x106: {  	[sflag:s28] =	ssyncadd.s32 $0xFFFFC000  }
0x107: {  	[spmem:s1] =	stream.indirect.scatter.add.f32 [tilespmem:s23], [sflag:$0x3], $0x80, s29, s19, $0xb8;
	[tilespmem:$0x1ED00] =	vst v63  }
0x108: {  	_ =	swait.ge [sflag:s15], $0x4000  }
0x109: {  	p1 =	seq.s32 s31, $0x9FC0;
	[sflag:s15] =	ssyncset.done $0x0  }
.Ltmp5:
0x10a: {  	[sflag:s15] =	ssyncadd.s32 $0xFFFFC000;
	(pc) =	sbr.rel @p1 .LBB2_8-.Ltmp5, $4  }
0x10b: {  	[spmem:s2] =	stream.indirect.scatter.add.f32 [tilespmem:s26], [sflag:$0x3], $0x1, s29, s19, $0xb8;
	[tilespmem:$0x1ED00] =	vst v63  }
0x10c: {  	_ =	swait.ge [sflag:s15], $0x80  }
0x10d: {  	[sflag:s15] =	ssyncset.done $0x0  }
0x10e: {  	[sflag:s15] =	ssyncadd.s32 $0xFFFFFF80  }
0x10f: {  	v1 =	vld [tilespmem:s0+$0xFFFFFF90];
	_ =	sdelay $0x4  }
0x110: {  	v2 =	vand.u32 $0xFFFF, v1  }
0x111: {  	v1 =	vshrl.u32 v1, $0x10;
	[tilespmem:$0x2880] =	vst v2  }
0x112: {  	[tilespmem:$0x2980] =	vst v1  }
0x113: {  	v1 =	vld [tilespmem:s0+$0xFFFFFFA0];
	_ =	sdelay $0x4  }
0x114: {  	v2 =	vand.u32 $0xFFFF, v1  }
0x115: {  	v1 =	vshrl.u32 v1, $0x10;
	[tilespmem:$0x2890] =	vst v2  }
0x116: {  	[tilespmem:$0x2990] =	vst v1  }
0x117: {  	v1 =	vld [tilespmem:s0+$0xFFFFFFB0];
	_ =	sdelay $0x4  }
0x118: {  	v2 =	vand.u32 $0xFFFF, v1  }
0x119: {  	v1 =	vshrl.u32 v1, $0x10;
	[tilespmem:$0x28A0] =	vst v2  }
0x11a: {  	[tilespmem:$0x29A0] =	vst v1  }
0x11b: {  	v1 =	vld [tilespmem:s0+$0xFFFFFFC0];
	_ =	sdelay $0x4  }
0x11c: {  	v2 =	vand.u32 $0xFFFF, v1  }
0x11d: {  	v1 =	vshrl.u32 v1, $0x10;
	[tilespmem:$0x28B0] =	vst v2  }
0x11e: {  	[tilespmem:$0x29B0] =	vst v1  }
0x11f: {  	v1 =	vld [tilespmem:s0+$0xFFFFFFD0];
	_ =	sdelay $0x4  }
0x120: {  	v2 =	vand.u32 $0xFFFF, v1  }
0x121: {  	v1 =	vshrl.u32 v1, $0x10;
	[tilespmem:$0x28C0] =	vst v2  }
0x122: {  	[tilespmem:$0x29C0] =	vst v1  }
0x123: {  	v1 =	vld [tilespmem:s0+$0xFFFFFFE0];
	_ =	sdelay $0x4  }
0x124: {  	v2 =	vand.u32 $0xFFFF, v1  }
0x125: {  	v1 =	vshrl.u32 v1, $0x10;
	[tilespmem:$0x28D0] =	vst v2  }
0x126: {  	[tilespmem:$0x29D0] =	vst v1  }
0x127: {  	v1 =	vld [tilespmem:s0+$0xFFFFFFF0];
	_ =	sdelay $0x4  }
0x128: {  	v2 =	vand.u32 $0xFFFF, v1  }
0x129: {  	v1 =	vshrl.u32 v1, $0x10;
	[tilespmem:$0x28E0] =	vst v2  }
0x12a: {  	[tilespmem:$0x29E0] =	vst v1  }
0x12b: {  	v1 =	vld [tilespmem:s0+$0x0];
	_ =	sdelay $0x3  }
.Ltmp6:
0x12c: {  	_ = 	snop;
	(pc) =	sbr.rel .LBB2_7-.Ltmp6, $4  }
0x12d: {  	v2 =	vand.u32 $0xFFFF, v1  }
0x12e: {  	v1 =	vshrl.u32 v1, $0x10;
	[tilespmem:$0x28F0] =	vst v2  }
0x12f: {  	s31 =	sadd.s32 $0x400, s31;
	[tilespmem:$0x29F0] =	vst v1  }
0x130: {  	[tilespmem:s23], [sflag:$0x2] =	stream.indirect.gather [hbm4b:s6+s19], $0x80, s22, s19, $0xb8;
	[tilespmem:$0x1ED00] =	vst v63  }
.LBB2_4:
.Ltmp7:
0x131: {  	(pc) =	sbr.rel .LBB2_9-.Ltmp7, $2  }
0x132: {  	_ =	sdelay $0x2  }
0x133: {  	s0 =	smov.u32 s9  }
.LBB2_10:
0x134: {  	_ =	sfence.sel $0x180000  }
0x135: {  	[bflag:$0x0] =	sbarrier.arrive $0xFFFF  }
0x136: {  	_ =	strace $0x90000047  }
0x137: {  	[bflag:$0x2] =	sbarrier.arrive $0xFFFF  }
0x138: {  	p0 =	sne.s32 s4, $0x0;
	s0 =	rddreg [dreg:$0x4]  }
0x139: {  	s0 =	sadd.s32 @!p0 $0x100000, s0  }
0x13a: {  	[sflag:s0] =	ssyncadd.tile.s32 @!p0 $0x1;
	_ =	shalt  }
.Lfunc_end2:
_tile_overlayer_lowered:
.L_overlay_start_2:
0x13b: {  	(tag) =	ssettag $0x2  }
0x13c: {  	s0 =	rddreg [dreg:$0x0];
	s2 =	stileid.u32  }
0x13d: {  	s1 =	rddreg [dreg:$0x1];
	p0 =	sne.s32 s2, $0x0  }
0x13e: {  	s3 =	rddreg [dreg:$0x2];
	[bflag:$0x3] =	sbarrier.arrive $0xFFFF;
	s2 =	simm.s32 @!p0 $0x1C03  }
0x13f: {  	[timem:s3], [sflag:s2] =	dma.local @!p0 [hbm:s0], s1  }
0x140: {  	s0 =	simm.s32 @!p0 $0x3  }
0x141: {  	_ =	swait.ge @!p0 [sflag:s0], s1  }
0x142: {  	s1 =	ssub.s32 @!p0 $0x0, s1;
	[sflag:s0] =	ssyncset.done @!p0 $0x0  }
0x143: {  	[sflag:s0] =	ssyncadd.s32 @!p0 s1  }
0x144: {  	[bflag:$0x3] =	sbarrier.arrive $0xFFFF  }
0x145: {  	_ =	shalt  }

</sc_bundles>
